<compile_context>
chip_gen: v7x
topology: tpu7x:2x2x1
jax: 0.10.2.dev20260603
libtpu: 0.0.44.dev20260713+nightly
codegen_flags: <defaults>
</compile_context>

<pallas_src>
import functools

import jax
import jax.numpy as jnp
from jax import lax
from jax.experimental import pallas as pl
from jax.experimental.pallas import tpu as pltpu
from jax.experimental.pallas import tpu_sc as plsc

N = 10000
C = 128
K = 27
P = 12000

NPAD = 10240
NW = 32
TILE_ROWS = NPAD // 16
DUMMY_ROW = N
CH = 128

KA = 12
KB = K - KA
STEPS_A = 36
STEPS_B = 44

_MM_BM = 1024



def _mm1_body(nk, x_ref, w_ref, o_ref):
    for t in range(nk):
        o_ref[t] = jnp.dot(x_ref[...], w_ref[:, t * C:(t + 1) * C],
                           preferred_element_type=jnp.float32)


def _mm1(x, w, nk):
    return pl.pallas_call(
        functools.partial(_mm1_body, nk),
        grid=(NPAD // _MM_BM,),
        in_specs=[
            pl.BlockSpec((_MM_BM, C), lambda i: (i, 0)),
            pl.BlockSpec((C, nk * C), lambda i: (0, 0)),
        ],
        out_specs=pl.BlockSpec((nk, _MM_BM, C), lambda i: (0, i, 0)),
        out_shape=jax.ShapeDtypeStruct((nk, NPAD, C), jnp.float32),
    )(x, w)


def _mm2_body(nk, pa_ref, pb_ref, b_ref, w_ref, o_ref):
    h = jnp.maximum(pa_ref[0] + pa_ref[1] + pb_ref[0] + pb_ref[1]
                    + b_ref[...], 0.0)
    for t in range(nk):
        o_ref[t] = jnp.dot(h, w_ref[:, t * C:(t + 1) * C],
                           preferred_element_type=jnp.float32)


def _mm2(pa, pb, b, w, nk):
    pblk = pl.BlockSpec((2, _MM_BM, C), lambda i: (0, i, 0))
    return pl.pallas_call(
        functools.partial(_mm2_body, nk),
        grid=(NPAD // _MM_BM,),
        in_specs=[
            pblk, pblk,
            pl.BlockSpec((1, C), lambda i: (0, 0)),
            pl.BlockSpec((C, nk * C), lambda i: (0, 0)),
        ],
        out_specs=pl.BlockSpec((nk, _MM_BM, C), lambda i: (0, i, 0)),
        out_shape=jax.ShapeDtypeStruct((nk, NPAD, C), jnp.float32),
    )(pa, pb, b, w)


def _final_body(pa_ref, pb_ref, b_ref, f_ref, o_ref):
    o_ref[...] = jnp.maximum(
        pa_ref[0] + pa_ref[1] + pb_ref[0] + pb_ref[1]
        + b_ref[...] + f_ref[...], 0.0)


def _final(pa, pb, b, f):
    blk = pl.BlockSpec((1000, C), lambda i: (i, 0))
    pblk = pl.BlockSpec((2, 1000, C), lambda i: (0, i, 0))
    return pl.pallas_call(
        _final_body,
        grid=(N // 1000,),
        in_specs=[pblk, pblk,
                  pl.BlockSpec((1, C), lambda i: (0, 0)), blk],
        out_specs=blk,
        out_shape=jax.ShapeDtypeStruct((N, C), jnp.float32),
    )(pa, pb, b, f)



def _make_sc(steps):

    @functools.partial(
        pl.kernel,
        out_type=jax.ShapeDtypeStruct((2, NPAD, C), jnp.float32),
        mesh=plsc.VectorSubcoreMesh(core_axis_name="c",
                                    subcore_axis_name="s"),
        scratch_types=[
            pltpu.VMEM((3, 2, CH), jnp.int32),
            pltpu.VMEM((2, CH, C), jnp.float32),
            pltpu.VMEM_SHARED((NPAD, C), jnp.float32),
            pltpu.SemaphoreType.DMA,
            pltpu.SemaphoreType.DMA,
            pltpu.SemaphoreType.DMA,
            pltpu.SemaphoreType.DMA,
            pltpu.SemaphoreType.DMA,
        ],
    )
    def _sc_gather_scatter(y_hbm, idx_hbm, zeros_hbm, out_hbm,
                           iio, rows, accum, isem, g0, g1, s0, s1):
        gsems = (g0, g1)
        ssems = (s0, s1)
        cid = lax.axis_index("c")
        sid = lax.axis_index("s")
        wid = sid * 2 + cid

        base = wid * steps

        def drain(sem_b):
            pltpu.make_async_copy(y_hbm.at[pl.ds(0, CH)], rows.at[0],
                                  sem_b).wait()

        def drain_idx():
            pltpu.make_async_copy(idx_hbm.at[pl.ds(0, 1)],
                                  iio.at[pl.ds(0, 1)], isem).wait()

        def issue_gather(sl, p):
            pltpu.async_copy(y_hbm.at[iio.at[sl, 0]], rows.at[p], gsems[p])

        def issue_idx(next_blk, next_sl):
            pltpu.async_copy(idx_hbm.at[base + next_blk], iio.at[next_sl],
                             isem)

        def issue_scatter(sl, p):
            pltpu.async_copy(rows.at[p], accum.at[iio.at[sl, 1]],
                             ssems[p], add=True)

        pltpu.sync_copy(idx_hbm.at[base], iio.at[0])
        issue_gather(0, 0)
        issue_idx(1, 1)
        pltpu.sync_copy(zeros_hbm.at[pl.ds(sid * TILE_ROWS, TILE_ROWS)],
                        accum.at[pl.ds(sid * TILE_ROWS, TILE_ROWS)])
        plsc.subcore_barrier()
        drain_idx()
        issue_gather(1, 1)
        issue_idx(2, 2)
        drain(g0)
        issue_scatter(0, 0)

        def superblock(sb, carry):
            for p in range(2):
                blk = 2 * sb + p
                sl = lax.rem(blk, 3)
                slp = lax.rem(blk - 1, 3)
                q = 1 - p
                drain(ssems[p])
                drain_idx()
                issue_gather(sl, p)
                issue_idx(blk + 1, lax.rem(blk + 1, 3))
                drain(gsems[q])
                issue_scatter(slp, q)
            return carry

        lax.fori_loop(1, steps // 2, superblock, 0)

        drain(g1)
        issue_scatter((steps - 1) % 3, 1)
        drain(s0)
        drain(s1)
        drain_idx()

        plsc.subcore_barrier()
        pltpu.sync_copy(accum.at[pl.ds(sid * TILE_ROWS, TILE_ROWS)],
                        out_hbm.at[cid, pl.ds(sid * TILE_ROWS, TILE_ROWS)])

    return _sc_gather_scatter


_SC_A = _make_sc(STEPS_A)
_SC_B = _make_sc(STEPS_B)



def _slice_idx(p_in, p_out, k0, nk, steps):
    cap = NW * steps * CH
    kp = nk * P
    npad_pairs = cap - kp
    pad_ramp = jnp.arange(npad_pairs, dtype=jnp.int32)
    iin = (p_in[k0:k0 + nk]
           + (jnp.arange(nk, dtype=jnp.int32) * NPAD)[:, None]).reshape(-1)
    iin = jnp.concatenate([iin, (pad_ramp * 4099) % (nk * NPAD)])
    iout = jnp.concatenate([p_out[k0:k0 + nk].reshape(-1),
                            DUMMY_ROW + pad_ramp % (NPAD - N)])
    idx = jnp.stack([iin.reshape(NW * steps, CH),
                     iout.reshape(NW * steps, CH)], axis=1)
    return jnp.pad(idx, ((0, 2), (0, 0), (0, 0)))


def kernel(feats, pairs_in, pairs_out, W1, g1, b1, m1, v1,
           W2, g2, b2, m2, v2):
    eps = 1e-5
    s1 = g1 * lax.rsqrt(v1 + eps)
    s2 = g2 * lax.rsqrt(v2 + eps)
    w1c = (W1 * s1[None, None, :]).transpose(1, 0, 2).reshape(C, K * C)
    w2c = (W2 * s2[None, None, :]).transpose(1, 0, 2).reshape(C, K * C)
    b1e = (b1 - m1 * s1).reshape(1, C)
    b2e = (b2 - m2 * s2).reshape(1, C)

    featsp = jnp.pad(feats, ((0, NPAD - N), (0, 0)))
    idx_a = _slice_idx(pairs_in, pairs_out, 0, KA, STEPS_A)
    idx_b = _slice_idx(pairs_in, pairs_out, KA, KB, STEPS_B)
    zeros = jnp.zeros((NPAD, C), dtype=jnp.float32)

    y1a = _mm1(featsp, w1c[:, :KA * C], KA).reshape(KA * NPAD, C)
    p1a = _SC_A(y1a, idx_a, zeros)
    y1b = _mm1(featsp, w1c[:, KA * C:], KB).reshape(KB * NPAD, C)
    p1b = _SC_B(y1b, idx_b, zeros)

    y2a = _mm2(p1a, p1b, b1e, w2c[:, :KA * C], KA).reshape(KA * NPAD, C)
    p2a = _SC_A(y2a, idx_a, zeros)
    y2b = _mm2(p1a, p1b, b1e, w2c[:, KA * C:], KB).reshape(KB * NPAD, C)
    p2b = _SC_B(y2b, idx_b, zeros)

    return _final(p2a, p2b, b2e, featsp)

# --- scband reference (transcript-rebuilt; emitter-appended) ---
"""Pipeline reference for scband-res-block-12979391169046 (READ-ONLY COPY).

The authoritative reference and input builder live on the scoring server;
editing this copy changes nothing except your own understanding.
"""

import jax, jax.numpy as jnp
import numpy as np

N = 10000
C = 128
K = 27
P = 12000


def setup_inputs(seed: int = 0) -> dict:
    key = jax.random.key(seed)
    ks = jax.random.split(key, 12)
    feats = jax.random.normal(ks[0], (N, C), dtype=jnp.float32)
    pairs_in = jax.random.randint(ks[1], (K, P), 0, N, dtype=jnp.int32)
    pairs_out = jax.random.randint(ks[2], (K, P), 0, N, dtype=jnp.int32)
    scale = 1.0 / np.sqrt(C * K)
    W1 = jax.random.normal(ks[3], (K, C, C), dtype=jnp.float32) * scale
    W2 = jax.random.normal(ks[4], (K, C, C), dtype=jnp.float32) * scale
    g1 = jnp.ones((C,), dtype=jnp.float32)
    b1 = jnp.zeros((C,), dtype=jnp.float32)
    m1 = jax.random.normal(ks[5], (C,), dtype=jnp.float32) * 0.1
    v1 = jax.random.uniform(ks[6], (C,), minval=0.5, maxval=1.5, dtype=jnp.float32)
    g2 = jnp.ones((C,), dtype=jnp.float32)
    b2 = jnp.zeros((C,), dtype=jnp.float32)
    m2 = jax.random.normal(ks[7], (C,), dtype=jnp.float32) * 0.1
    v2 = jax.random.uniform(ks[8], (C,), minval=0.5, maxval=1.5, dtype=jnp.float32)
    return {
        'feats': feats, 'pairs_in': pairs_in, 'pairs_out': pairs_out,
        'W1': W1, 'g1': g1, 'b1': b1, 'm1': m1, 'v1': v1,
        'W2': W2, 'g2': g2, 'b2': b2, 'm2': m2, 'v2': v2,
    }


def _subm_conv(feats, pairs_in, pairs_out, W):
    # Submanifold sparse 3D conv via rulebook gather -> matmul -> scatter-add,
    # one group of index pairs per kernel offset (27 offsets for 3x3x3).
    out = jnp.zeros_like(feats)
    for k in range(K):
        h = jnp.take(feats, pairs_in[k], axis=0) @ W[k]
        out = out.at[pairs_out[k]].add(h)
    return out


def _bn(x, g, b, m, v, eps=1e-5):
    return (x - m) * jax.lax.rsqrt(v + eps) * g + b


def reference(feats, pairs_in, pairs_out, W1, g1, b1, m1, v1, W2, g2, b2, m2, v2):
    h = _subm_conv(feats, pairs_in, pairs_out, W1)
    h = jax.nn.relu(_bn(h, g1, b1, m1, v1))
    h = _subm_conv(h, pairs_in, pairs_out, W2)
    h = _bn(h, g2, b2, m2, v2)
    return jax.nn.relu(h + feats)

if __name__ == "__main__":
    import jax
    _d = setup_inputs()
    print(jax.jit(kernel)(*tuple(_d.values())))

</pallas_src>

<mosaic_0001>
#map = affine_map<(d0, d1) -> (0, 0)>
#map1 = affine_map<(d0, d1) -> (0, 0, 0)>
module attributes {stable_mosaic.version = 14 : i64} {
  func.func @_sc_gather_scatter(%arg0: i32, %arg1: i32, %arg2: memref<122880x128xf32, #tpu.memory_space<hbm>>, %arg3: memref<1154x2x128xi32, #tpu.memory_space<hbm>>, %arg4: memref<10240x128xf32, #tpu.memory_space<hbm>>, %arg5: memref<2x10240x128xf32, #tpu.memory_space<hbm>>, %arg6: memref<3x2x128xi32, #tpu.memory_space<vmem>>, %arg7: memref<2x128x128xf32, #tpu.memory_space<vmem>>, %arg8: memref<10240x128xf32, #tpu.memory_space<vmem_shared>>, %arg9: memref<!tpu.dma_semaphore, #tpu.memory_space<semaphore_mem>>, %arg10: memref<!tpu.dma_semaphore, #tpu.memory_space<semaphore_mem>>, %arg11: memref<!tpu.dma_semaphore, #tpu.memory_space<semaphore_mem>>, %arg12: memref<!tpu.dma_semaphore, #tpu.memory_space<semaphore_mem>>, %arg13: memref<!tpu.dma_semaphore, #tpu.memory_space<semaphore_mem>>) attributes {dimension_semantics = [#tpu.dimension_semantics<core_parallel>, #tpu.dimension_semantics<subcore_parallel>], iteration_bounds = array<i64: 2, 16>, scalar_prefetch = 0 : i64, scratch_operands = 8 : i64, tpu.core_type = #tpu.core_type<sc_vector_subcore>, window_params = [{transform_indices = #map}, {transform_indices = #map1}, {transform_indices = #map}, {transform_indices = #map1}]} {
    %mul3A = arith.constant 2 : i32
    %mul3A_0 = arith.muli %arg1, %mul3A : i32
    %add3A = arith.addi %mul3A_0, %arg0 : i32
    %mul3A_1 = arith.constant 36 : i32
    %mul3A_2 = arith.muli %add3A, %mul3A_1 : i32
    %run_scoped3A = arith.constant 0 : i32
    "tpu.region"() ({
      %run_scoped3A_197 = tpu.sem_alloc : memref<!tpu.dma_semaphore, #tpu.memory_space<semaphore_mem>>
      %dma_start3A_198 = arith.constant 0 : i32
      %dma_start3A_199 = arith.constant 0 : i32
      %dma_start3A_200 = tpu.memref_slice %arg6[%run_scoped3A, %dma_start3A_198, %dma_start3A_199] : memref<3x2x128xi32, #tpu.memory_space<vmem>> -> memref<1x2x128xi32, #tpu.memory_space<vmem>>
      %dma_start3A_201 = tpu.memref_squeeze %dma_start3A_200 : memref<1x2x128xi32, #tpu.memory_space<vmem>> -> memref<2x128xi32, #tpu.memory_space<vmem>>
      %dma_start3A_202 = arith.constant 0 : i32
      %dma_start3A_203 = arith.constant 0 : i32
      %dma_start3A_204 = tpu.memref_slice %arg3[%mul3A_2, %dma_start3A_202, %dma_start3A_203] : memref<1154x2x128xi32, #tpu.memory_space<hbm>> -> memref<1x2x128xi32, #tpu.memory_space<hbm>>
      %dma_start3A_205 = tpu.memref_squeeze %dma_start3A_204 : memref<1x2x128xi32, #tpu.memory_space<hbm>> -> memref<2x128xi32, #tpu.memory_space<hbm>>
      %dma_start3A_206 = arith.constant 0 : i32
      %dma_start3A_207 = arith.constant 0 : i32
      %dma_start3A_208 = tpu.memref_slice %arg6[%run_scoped3A, %dma_start3A_206, %dma_start3A_207] : memref<3x2x128xi32, #tpu.memory_space<vmem>> -> memref<1x2x128xi32, #tpu.memory_space<vmem>>
      %dma_start3A_209 = tpu.memref_squeeze %dma_start3A_208 : memref<1x2x128xi32, #tpu.memory_space<vmem>> -> memref<2x128xi32, #tpu.memory_space<vmem>>
      %dma_start3A_210 = arith.constant 0 : i32
      %dma_start3A_211 = arith.constant 0 : i32
      %dma_start3A_212 = tpu.memref_slice %arg3[%mul3A_2, %dma_start3A_210, %dma_start3A_211] : memref<1154x2x128xi32, #tpu.memory_space<hbm>> -> memref<1x2x128xi32, #tpu.memory_space<hbm>>
      %dma_start3A_213 = tpu.memref_squeeze %dma_start3A_212 : memref<1x2x128xi32, #tpu.memory_space<hbm>> -> memref<2x128xi32, #tpu.memory_space<hbm>>
      tpu.enqueue_dma source(%dma_start3A_213 : memref<2x128xi32, #tpu.memory_space<hbm>>) target(%dma_start3A_209 : memref<2x128xi32, #tpu.memory_space<vmem>>) target_semaphore(%run_scoped3A_197 : memref<!tpu.dma_semaphore, #tpu.memory_space<semaphore_mem>>)
      %dma_wait3A_214 = arith.constant 0 : i32
      %dma_wait3A_215 = arith.constant 0 : i32
      %dma_wait3A_216 = tpu.memref_slice %arg6[%run_scoped3A, %dma_wait3A_214, %dma_wait3A_215] : memref<3x2x128xi32, #tpu.memory_space<vmem>> -> memref<1x2x128xi32, #tpu.memory_space<vmem>>
      %dma_wait3A_217 = tpu.memref_squeeze %dma_wait3A_216 : memref<1x2x128xi32, #tpu.memory_space<vmem>> -> memref<2x128xi32, #tpu.memory_space<vmem>>
      %dma_wait3A_218 = arith.constant 0 : i32
      %dma_wait3A_219 = arith.constant 0 : i32
      %dma_wait3A_220 = tpu.memref_slice %arg3[%mul3A_2, %dma_wait3A_218, %dma_wait3A_219] : memref<1154x2x128xi32, #tpu.memory_space<hbm>> -> memref<1x2x128xi32, #tpu.memory_space<hbm>>
      %dma_wait3A_221 = tpu.memref_squeeze %dma_wait3A_220 : memref<1x2x128xi32, #tpu.memory_space<hbm>> -> memref<2x128xi32, #tpu.memory_space<hbm>>
      %dma_wait3A_222 = arith.constant 0 : i32
      %dma_wait3A_223 = arith.constant 0 : i32
      %dma_wait3A_224 = tpu.memref_slice %arg6[%run_scoped3A, %dma_wait3A_222, %dma_wait3A_223] : memref<3x2x128xi32, #tpu.memory_space<vmem>> -> memref<1x2x128xi32, #tpu.memory_space<vmem>>
      %dma_wait3A_225 = tpu.memref_squeeze %dma_wait3A_224 : memref<1x2x128xi32, #tpu.memory_space<vmem>> -> memref<2x128xi32, #tpu.memory_space<vmem>>
      %dma_wait3A_226 = arith.constant 0 : i32
      %dma_wait3A_227 = arith.constant 0 : i32
      %dma_wait3A_228 = tpu.memref_slice %arg3[%mul3A_2, %dma_wait3A_226, %dma_wait3A_227] : memref<1154x2x128xi32, #tpu.memory_space<hbm>> -> memref<1x2x128xi32, #tpu.memory_space<hbm>>
      %dma_wait3A_229 = tpu.memref_squeeze %dma_wait3A_228 : memref<1x2x128xi32, #tpu.memory_space<hbm>> -> memref<2x128xi32, #tpu.memory_space<hbm>>
      tpu.wait_dma2 semaphore(%run_scoped3A_197 : memref<!tpu.dma_semaphore, #tpu.memory_space<semaphore_mem>>) src(%dma_wait3A_229 : memref<2x128xi32, #tpu.memory_space<hbm>>) dst(%dma_wait3A_225 : memref<2x128xi32, #tpu.memory_space<vmem>>)
      tpu.yield
    }) : () -> ()
    %dma_start3A = arith.constant 0 : i32
    %dma_start3A_3 = arith.constant 0 : i32
    %dma_start3A_4 = arith.constant 0 : i32
    %dma_start3A_5 = arith.constant 0 : i32
    %dma_start3A_6 = arith.constant 0 : i32
    %dma_start3A_7 = tpu.memref_slice %arg7[%dma_start3A_4, %dma_start3A_5, %dma_start3A_6] : memref<2x128x128xf32, #tpu.memory_space<vmem>> -> memref<1x128x128xf32, #tpu.memory_space<vmem>>
    %dma_start3A_8 = tpu.memref_squeeze %dma_start3A_7 : memref<1x128x128xf32, #tpu.memory_space<vmem>> -> memref<128x128xf32, #tpu.memory_space<vmem>>
    %dma_start3A_9 = arith.constant 0 : i32
    %dma_start3A_10 = tpu.memref_slice %arg6[%dma_start3A, %dma_start3A_3, %dma_start3A_9] : memref<3x2x128xi32, #tpu.memory_space<vmem>> -> memref<1x1x128xi32, #tpu.memory_space<vmem>>
    %dma_start3A_11 = tpu.memref_squeeze %dma_start3A_10 : memref<1x1x128xi32, #tpu.memory_space<vmem>> -> memref<128xi32, #tpu.memory_space<vmem>>
    %dma_start3A_12 = arith.constant 0 : i32
    %dma_start3A_13 = arith.constant 0 : i32
    %dma_start3A_14 = tpu.memref_slice %arg2[%dma_start3A_12, %dma_start3A_13] : memref<122880x128xf32, #tpu.memory_space<hbm>> -> memref<122880x128xf32, #tpu.memory_space<hbm>>
    tpu.enqueue_indirect_dma source(%dma_start3A_14 : memref<122880x128xf32, #tpu.memory_space<hbm>>) target(%dma_start3A_8 : memref<128x128xf32, #tpu.memory_space<vmem>>) offsets(%dma_start3A_11 : memref<128xi32, #tpu.memory_space<vmem>>) semaphore(%arg10 : memref<!tpu.dma_semaphore, #tpu.memory_space<semaphore_mem>>)
    %add3A_15 = arith.constant 1 : i32
    %add3A_16 = arith.addi %mul3A_2, %add3A_15 : i32
    %dma_start3A_17 = arith.constant 1 : i32
    %dma_start3A_18 = arith.constant 0 : i32
    %dma_start3A_19 = arith.constant 0 : i32
    %dma_start3A_20 = tpu.memref_slice %arg6[%dma_start3A_17, %dma_start3A_18, %dma_start3A_19] : memref<3x2x128xi32, #tpu.memory_space<vmem>> -> memref<1x2x128xi32, #tpu.memory_space<vmem>>
    %dma_start3A_21 = tpu.memref_squeeze %dma_start3A_20 : memref<1x2x128xi32, #tpu.memory_space<vmem>> -> memref<2x128xi32, #tpu.memory_space<vmem>>
    %dma_start3A_22 = arith.constant 0 : i32
    %dma_start3A_23 = arith.constant 0 : i32
    %dma_start3A_24 = tpu.memref_slice %arg3[%add3A_16, %dma_start3A_22, %dma_start3A_23] : memref<1154x2x128xi32, #tpu.memory_space<hbm>> -> memref<1x2x128xi32, #tpu.memory_space<hbm>>
    %dma_start3A_25 = tpu.memref_squeeze %dma_start3A_24 : memref<1x2x128xi32, #tpu.memory_space<hbm>> -> memref<2x128xi32, #tpu.memory_space<hbm>>
    %dma_start3A_26 = arith.constant 0 : i32
    %dma_start3A_27 = arith.constant 0 : i32
    %dma_start3A_28 = tpu.memref_slice %arg6[%dma_start3A_17, %dma_start3A_26, %dma_start3A_27] : memref<3x2x128xi32, #tpu.memory_space<vmem>> -> memref<1x2x128xi32, #tpu.memory_space<vmem>>
    %dma_start3A_29 = tpu.memref_squeeze %dma_start3A_28 : memref<1x2x128xi32, #tpu.memory_space<vmem>> -> memref<2x128xi32, #tpu.memory_space<vmem>>
    %dma_start3A_30 = arith.constant 0 : i32
    %dma_start3A_31 = arith.constant 0 : i32
    %dma_start3A_32 = tpu.memref_slice %arg3[%add3A_16, %dma_start3A_30, %dma_start3A_31] : memref<1154x2x128xi32, #tpu.memory_space<hbm>> -> memref<1x2x128xi32, #tpu.memory_space<hbm>>
    %dma_start3A_33 = tpu.memref_squeeze %dma_start3A_32 : memref<1x2x128xi32, #tpu.memory_space<hbm>> -> memref<2x128xi32, #tpu.memory_space<hbm>>
    tpu.enqueue_dma source(%dma_start3A_33 : memref<2x128xi32, #tpu.memory_space<hbm>>) target(%dma_start3A_29 : memref<2x128xi32, #tpu.memory_space<vmem>>) target_semaphore(%arg9 : memref<!tpu.dma_semaphore, #tpu.memory_space<semaphore_mem>>)
    %mul3A_34 = arith.constant 640 : i32
    %mul3A_35 = arith.muli %arg1, %mul3A_34 : i32
    %mul3A_36 = arith.constant 640 : i32
    %mul3A_37 = arith.muli %arg1, %mul3A_36 : i32
    "tpu.region"() ({
      %run_scoped3A_197 = tpu.sem_alloc : memref<!tpu.dma_semaphore, #tpu.memory_space<semaphore_mem>>
      %dma_start3A_198 = arith.constant 0 : i32
      %dma_start3A_199 = tpu.memref_slice %arg8[%mul3A_37, %dma_start3A_198] : memref<10240x128xf32, #tpu.memory_space<vmem_shared>> -> memref<640x128xf32, #tpu.memory_space<vmem_shared>>
      %dma_start3A_200 = arith.constant 0 : i32
      %dma_start3A_201 = tpu.memref_slice %arg4[%mul3A_35, %dma_start3A_200] : memref<10240x128xf32, #tpu.memory_space<hbm>> -> memref<640x128xf32, #tpu.memory_space<hbm>>
      tpu.enqueue_dma source(%dma_start3A_201 : memref<640x128xf32, #tpu.memory_space<hbm>>) target(%dma_start3A_199 : memref<640x128xf32, #tpu.memory_space<vmem_shared>>) target_semaphore(%run_scoped3A_197 : memref<!tpu.dma_semaphore, #tpu.memory_space<semaphore_mem>>)
      %dma_wait3A_202 = arith.constant 0 : i32
      %dma_wait3A_203 = tpu.memref_slice %arg8[%mul3A_37, %dma_wait3A_202] : memref<10240x128xf32, #tpu.memory_space<vmem_shared>> -> memref<640x128xf32, #tpu.memory_space<vmem_shared>>
      %dma_wait3A_204 = arith.constant 0 : i32
      %dma_wait3A_205 = tpu.memref_slice %arg4[%mul3A_35, %dma_wait3A_204] : memref<10240x128xf32, #tpu.memory_space<hbm>> -> memref<640x128xf32, #tpu.memory_space<hbm>>
      tpu.wait_dma2 semaphore(%run_scoped3A_197 : memref<!tpu.dma_semaphore, #tpu.memory_space<semaphore_mem>>) src(%dma_wait3A_205 : memref<640x128xf32, #tpu.memory_space<hbm>>) dst(%dma_wait3A_203 : memref<640x128xf32, #tpu.memory_space<vmem_shared>>)
      tpu.yield
    }) : () -> ()
    %barrier3A = arith.constant 0 : index
    tpu.barrier barrier_id(%barrier3A)
    %dma_wait3A = arith.constant 0 : i32
    %dma_wait3A_38 = arith.constant 0 : i32
    %dma_wait3A_39 = arith.constant 0 : i32
    %dma_wait3A_40 = tpu.memref_slice %arg6[%dma_wait3A, %dma_wait3A_38, %dma_wait3A_39] : memref<3x2x128xi32, #tpu.memory_space<vmem>> -> memref<1x2x128xi32, #tpu.memory_space<vmem>>
    %dma_wait3A_41 = arith.constant 0 : i32
    %dma_wait3A_42 = arith.constant 0 : i32
    %dma_wait3A_43 = arith.constant 0 : i32
    %dma_wait3A_44 = tpu.memref_slice %arg3[%dma_wait3A_41, %dma_wait3A_42, %dma_wait3A_43] : memref<1154x2x128xi32, #tpu.memory_space<hbm>> -> memref<1x2x128xi32, #tpu.memory_space<hbm>>
    %dma_wait3A_45 = arith.constant 0 : i32
    %dma_wait3A_46 = arith.constant 0 : i32
    %dma_wait3A_47 = arith.constant 0 : i32
    %dma_wait3A_48 = tpu.memref_slice %arg6[%dma_wait3A_45, %dma_wait3A_46, %dma_wait3A_47] : memref<3x2x128xi32, #tpu.memory_space<vmem>> -> memref<1x2x128xi32, #tpu.memory_space<vmem>>
    %dma_wait3A_49 = arith.constant 0 : i32
    %dma_wait3A_50 = arith.constant 0 : i32
    %dma_wait3A_51 = arith.constant 0 : i32
    %dma_wait3A_52 = tpu.memref_slice %arg3[%dma_wait3A_49, %dma_wait3A_50, %dma_wait3A_51] : memref<1154x2x128xi32, #tpu.memory_space<hbm>> -> memref<1x2x128xi32, #tpu.memory_space<hbm>>
    tpu.wait_dma2 semaphore(%arg9 : memref<!tpu.dma_semaphore, #tpu.memory_space<semaphore_mem>>) src(%dma_wait3A_52 : memref<1x2x128xi32, #tpu.memory_space<hbm>>) dst(%dma_wait3A_48 : memref<1x2x128xi32, #tpu.memory_space<vmem>>)
    %dma_start3A_53 = arith.constant 1 : i32
    %dma_start3A_54 = arith.constant 0 : i32
    %dma_start3A_55 = arith.constant 1 : i32
    %dma_start3A_56 = arith.constant 0 : i32
    %dma_start3A_57 = arith.constant 0 : i32
    %dma_start3A_58 = tpu.memref_slice %arg7[%dma_start3A_55, %dma_start3A_56, %dma_start3A_57] : memref<2x128x128xf32, #tpu.memory_space<vmem>> -> memref<1x128x128xf32, #tpu.memory_space<vmem>>
    %dma_start3A_59 = tpu.memref_squeeze %dma_start3A_58 : memref<1x128x128xf32, #tpu.memory_space<vmem>> -> memref<128x128xf32, #tpu.memory_space<vmem>>
    %dma_start3A_60 = arith.constant 0 : i32
    %dma_start3A_61 = tpu.memref_slice %arg6[%dma_start3A_53, %dma_start3A_54, %dma_start3A_60] : memref<3x2x128xi32, #tpu.memory_space<vmem>> -> memref<1x1x128xi32, #tpu.memory_space<vmem>>
    %dma_start3A_62 = tpu.memref_squeeze %dma_start3A_61 : memref<1x1x128xi32, #tpu.memory_space<vmem>> -> memref<128xi32, #tpu.memory_space<vmem>>
    %dma_start3A_63 = arith.constant 0 : i32
    %dma_start3A_64 = arith.constant 0 : i32
    %dma_start3A_65 = tpu.memref_slice %arg2[%dma_start3A_63, %dma_start3A_64] : memref<122880x128xf32, #tpu.memory_space<hbm>> -> memref<122880x128xf32, #tpu.memory_space<hbm>>
    tpu.enqueue_indirect_dma source(%dma_start3A_65 : memref<122880x128xf32, #tpu.memory_space<hbm>>) target(%dma_start3A_59 : memref<128x128xf32, #tpu.memory_space<vmem>>) offsets(%dma_start3A_62 : memref<128xi32, #tpu.memory_space<vmem>>) semaphore(%arg11 : memref<!tpu.dma_semaphore, #tpu.memory_space<semaphore_mem>>)
    %add3A_66 = arith.constant 2 : i32
    %add3A_67 = arith.addi %mul3A_2, %add3A_66 : i32
    %dma_start3A_68 = arith.constant 2 : i32
    %dma_start3A_69 = arith.constant 0 : i32
    %dma_start3A_70 = arith.constant 0 : i32
    %dma_start3A_71 = tpu.memref_slice %arg6[%dma_start3A_68, %dma_start3A_69, %dma_start3A_70] : memref<3x2x128xi32, #tpu.memory_space<vmem>> -> memref<1x2x128xi32, #tpu.memory_space<vmem>>
    %dma_start3A_72 = tpu.memref_squeeze %dma_start3A_71 : memref<1x2x128xi32, #tpu.memory_space<vmem>> -> memref<2x128xi32, #tpu.memory_space<vmem>>
    %dma_start3A_73 = arith.constant 0 : i32
    %dma_start3A_74 = arith.constant 0 : i32
    %dma_start3A_75 = tpu.memref_slice %arg3[%add3A_67, %dma_start3A_73, %dma_start3A_74] : memref<1154x2x128xi32, #tpu.memory_space<hbm>> -> memref<1x2x128xi32, #tpu.memory_space<hbm>>
    %dma_start3A_76 = tpu.memref_squeeze %dma_start3A_75 : memref<1x2x128xi32, #tpu.memory_space<hbm>> -> memref<2x128xi32, #tpu.memory_space<hbm>>
    %dma_start3A_77 = arith.constant 0 : i32
    %dma_start3A_78 = arith.constant 0 : i32
    %dma_start3A_79 = tpu.memref_slice %arg6[%dma_start3A_68, %dma_start3A_77, %dma_start3A_78] : memref<3x2x128xi32, #tpu.memory_space<vmem>> -> memref<1x2x128xi32, #tpu.memory_space<vmem>>
    %dma_start3A_80 = tpu.memref_squeeze %dma_start3A_79 : memref<1x2x128xi32, #tpu.memory_space<vmem>> -> memref<2x128xi32, #tpu.memory_space<vmem>>
    %dma_start3A_81 = arith.constant 0 : i32
    %dma_start3A_82 = arith.constant 0 : i32
    %dma_start3A_83 = tpu.memref_slice %arg3[%add3A_67, %dma_start3A_81, %dma_start3A_82] : memref<1154x2x128xi32, #tpu.memory_space<hbm>> -> memref<1x2x128xi32, #tpu.memory_space<hbm>>
    %dma_start3A_84 = tpu.memref_squeeze %dma_start3A_83 : memref<1x2x128xi32, #tpu.memory_space<hbm>> -> memref<2x128xi32, #tpu.memory_space<hbm>>
    tpu.enqueue_dma source(%dma_start3A_84 : memref<2x128xi32, #tpu.memory_space<hbm>>) target(%dma_start3A_80 : memref<2x128xi32, #tpu.memory_space<vmem>>) target_semaphore(%arg9 : memref<!tpu.dma_semaphore, #tpu.memory_space<semaphore_mem>>)
    %dma_wait3A_85 = arith.constant 0 : i32
    %dma_wait3A_86 = arith.constant 0 : i32
    %dma_wait3A_87 = arith.constant 0 : i32
    %dma_wait3A_88 = tpu.memref_slice %arg7[%dma_wait3A_85, %dma_wait3A_86, %dma_wait3A_87] : memref<2x128x128xf32, #tpu.memory_space<vmem>> -> memref<1x128x128xf32, #tpu.memory_space<vmem>>
    %dma_wait3A_89 = tpu.memref_squeeze %dma_wait3A_88 : memref<1x128x128xf32, #tpu.memory_space<vmem>> -> memref<128x128xf32, #tpu.memory_space<vmem>>
    %dma_wait3A_90 = arith.constant 0 : i32
    %dma_wait3A_91 = arith.constant 0 : i32
    %dma_wait3A_92 = tpu.memref_slice %arg2[%dma_wait3A_90, %dma_wait3A_91] : memref<122880x128xf32, #tpu.memory_space<hbm>> -> memref<128x128xf32, #tpu.memory_space<hbm>>
    %dma_wait3A_93 = arith.constant 0 : i32
    %dma_wait3A_94 = arith.constant 0 : i32
    %dma_wait3A_95 = tpu.memref_slice %arg7[%dma_wait3A_85, %dma_wait3A_93, %dma_wait3A_94] : memref<2x128x128xf32, #tpu.memory_space<vmem>> -> memref<1x128x128xf32, #tpu.memory_space<vmem>>
    %dma_wait3A_96 = tpu.memref_squeeze %dma_wait3A_95 : memref<1x128x128xf32, #tpu.memory_space<vmem>> -> memref<128x128xf32, #tpu.memory_space<vmem>>
    %dma_wait3A_97 = arith.constant 0 : i32
    %dma_wait3A_98 = arith.constant 0 : i32
    %dma_wait3A_99 = tpu.memref_slice %arg2[%dma_wait3A_97, %dma_wait3A_98] : memref<122880x128xf32, #tpu.memory_space<hbm>> -> memref<128x128xf32, #tpu.memory_space<hbm>>
    tpu.wait_dma2 semaphore(%arg10 : memref<!tpu.dma_semaphore, #tpu.memory_space<semaphore_mem>>) src(%dma_wait3A_99 : memref<128x128xf32, #tpu.memory_space<hbm>>) dst(%dma_wait3A_96 : memref<128x128xf32, #tpu.memory_space<vmem>>)
    %dma_start3A_100 = arith.constant 0 : i32
    %dma_start3A_101 = arith.constant 0 : i32
    %dma_start3A_102 = arith.constant 1 : i32
    %dma_start3A_103 = arith.constant 0 : i32
    %dma_start3A_104 = arith.constant 0 : i32
    %dma_start3A_105 = tpu.memref_slice %arg7[%dma_start3A_100, %dma_start3A_103, %dma_start3A_104] : memref<2x128x128xf32, #tpu.memory_space<vmem>> -> memref<1x128x128xf32, #tpu.memory_space<vmem>>
    %dma_start3A_106 = tpu.memref_squeeze %dma_start3A_105 : memref<1x128x128xf32, #tpu.memory_space<vmem>> -> memref<128x128xf32, #tpu.memory_space<vmem>>
    %dma_start3A_107 = arith.constant 0 : i32
    %dma_start3A_108 = tpu.memref_slice %arg6[%dma_start3A_101, %dma_start3A_102, %dma_start3A_107] : memref<3x2x128xi32, #tpu.memory_space<vmem>> -> memref<1x1x128xi32, #tpu.memory_space<vmem>>
    %dma_start3A_109 = tpu.memref_squeeze %dma_start3A_108 : memref<1x1x128xi32, #tpu.memory_space<vmem>> -> memref<128xi32, #tpu.memory_space<vmem>>
    %dma_start3A_110 = arith.constant 0 : i32
    %dma_start3A_111 = arith.constant 0 : i32
    %dma_start3A_112 = tpu.memref_slice %arg8[%dma_start3A_110, %dma_start3A_111] : memref<10240x128xf32, #tpu.memory_space<vmem_shared>> -> memref<10240x128xf32, #tpu.memory_space<vmem_shared>>
    tpu.enqueue_indirect_dma source(%dma_start3A_106 : memref<128x128xf32, #tpu.memory_space<vmem>>) target(%dma_start3A_112 : memref<10240x128xf32, #tpu.memory_space<vmem_shared>>) offsets(%dma_start3A_109 : memref<128xi32, #tpu.memory_space<vmem>>) semaphore(%arg12 : memref<!tpu.dma_semaphore, #tpu.memory_space<semaphore_mem>>) {add = true}
    %scan3A = arith.constant 0 : i32
    %scan3A_113 = arith.constant 1 : i32
    %scan3A_114 = arith.constant 17 : i32
    %scan3A_115 = arith.addi %scan3A_113, %scan3A_114 : i32
    %scan3A_116 = arith.constant 1 : i32
    scf.for %scan3A_197 = %scan3A_113 to %scan3A_115 step %scan3A_116  : i32 {
      %mul3A_198 = arith.constant 2 : i32
      %mul3A_199 = arith.muli %mul3A_198, %scan3A_197 : i32
      %add3A_200 = arith.constant 0 : i32
      %add3A_201 = arith.addi %mul3A_199, %add3A_200 : i32
      %rem3A = arith.constant 3 : i32
      %rem3A_202 = arith.remsi %add3A_201, %rem3A : i32
      %sub3A = arith.constant 1 : i32
      %sub3A_203 = arith.subi %add3A_201, %sub3A : i32
      %rem3A_204 = arith.constant 3 : i32
      %rem3A_205 = arith.remsi %sub3A_203, %rem3A_204 : i32
      %dma_wait3A_206 = arith.constant 0 : i32
      %dma_wait3A_207 = arith.constant 0 : i32
      %dma_wait3A_208 = arith.constant 0 : i32
      %dma_wait3A_209 = tpu.memref_slice %arg7[%dma_wait3A_206, %dma_wait3A_207, %dma_wait3A_208] : memref<2x128x128xf32, #tpu.memory_space<vmem>> -> memref<1x128x128xf32, #tpu.memory_space<vmem>>
      %dma_wait3A_210 = tpu.memref_squeeze %dma_wait3A_209 : memref<1x128x128xf32, #tpu.memory_space<vmem>> -> memref<128x128xf32, #tpu.memory_space<vmem>>
      %dma_wait3A_211 = arith.constant 0 : i32
      %dma_wait3A_212 = arith.constant 0 : i32
      %dma_wait3A_213 = tpu.memref_slice %arg2[%dma_wait3A_211, %dma_wait3A_212] : memref<122880x128xf32, #tpu.memory_space<hbm>> -> memref<128x128xf32, #tpu.memory_space<hbm>>
      %dma_wait3A_214 = arith.constant 0 : i32
      %dma_wait3A_215 = arith.constant 0 : i32
      %dma_wait3A_216 = tpu.memref_slice %arg7[%dma_wait3A_206, %dma_wait3A_214, %dma_wait3A_215] : memref<2x128x128xf32, #tpu.memory_space<vmem>> -> memref<1x128x128xf32, #tpu.memory_space<vmem>>
      %dma_wait3A_217 = tpu.memref_squeeze %dma_wait3A_216 : memref<1x128x128xf32, #tpu.memory_space<vmem>> -> memref<128x128xf32, #tpu.memory_space<vmem>>
      %dma_wait3A_218 = arith.constant 0 : i32
      %dma_wait3A_219 = arith.constant 0 : i32
      %dma_wait3A_220 = tpu.memref_slice %arg2[%dma_wait3A_218, %dma_wait3A_219] : memref<122880x128xf32, #tpu.memory_space<hbm>> -> memref<128x128xf32, #tpu.memory_space<hbm>>
      tpu.wait_dma2 semaphore(%arg12 : memref<!tpu.dma_semaphore, #tpu.memory_space<semaphore_mem>>) src(%dma_wait3A_220 : memref<128x128xf32, #tpu.memory_space<hbm>>) dst(%dma_wait3A_217 : memref<128x128xf32, #tpu.memory_space<vmem>>)
      %dma_wait3A_221 = arith.constant 0 : i32
      %dma_wait3A_222 = arith.constant 0 : i32
      %dma_wait3A_223 = arith.constant 0 : i32
      %dma_wait3A_224 = tpu.memref_slice %arg6[%dma_wait3A_221, %dma_wait3A_222, %dma_wait3A_223] : memref<3x2x128xi32, #tpu.memory_space<vmem>> -> memref<1x2x128xi32, #tpu.memory_space<vmem>>
      %dma_wait3A_225 = arith.constant 0 : i32
      %dma_wait3A_226 = arith.constant 0 : i32
      %dma_wait3A_227 = arith.constant 0 : i32
      %dma_wait3A_228 = tpu.memref_slice %arg3[%dma_wait3A_225, %dma_wait3A_226, %dma_wait3A_227] : memref<1154x2x128xi32, #tpu.memory_space<hbm>> -> memref<1x2x128xi32, #tpu.memory_space<hbm>>
      %dma_wait3A_229 = arith.constant 0 : i32
      %dma_wait3A_230 = arith.constant 0 : i32
      %dma_wait3A_231 = arith.constant 0 : i32
      %dma_wait3A_232 = tpu.memref_slice %arg6[%dma_wait3A_229, %dma_wait3A_230, %dma_wait3A_231] : memref<3x2x128xi32, #tpu.memory_space<vmem>> -> memref<1x2x128xi32, #tpu.memory_space<vmem>>
      %dma_wait3A_233 = arith.constant 0 : i32
      %dma_wait3A_234 = arith.constant 0 : i32
      %dma_wait3A_235 = arith.constant 0 : i32
      %dma_wait3A_236 = tpu.memref_slice %arg3[%dma_wait3A_233, %dma_wait3A_234, %dma_wait3A_235] : memref<1154x2x128xi32, #tpu.memory_space<hbm>> -> memref<1x2x128xi32, #tpu.memory_space<hbm>>
      tpu.wait_dma2 semaphore(%arg9 : memref<!tpu.dma_semaphore, #tpu.memory_space<semaphore_mem>>) src(%dma_wait3A_236 : memref<1x2x128xi32, #tpu.memory_space<hbm>>) dst(%dma_wait3A_232 : memref<1x2x128xi32, #tpu.memory_space<vmem>>)
      %dma_start3A_237 = arith.constant 0 : i32
      %dma_start3A_238 = arith.constant 0 : i32
      %dma_start3A_239 = arith.constant 0 : i32
      %dma_start3A_240 = arith.constant 0 : i32
      %dma_start3A_241 = tpu.memref_slice %arg7[%dma_start3A_238, %dma_start3A_239, %dma_start3A_240] : memref<2x128x128xf32, #tpu.memory_space<vmem>> -> memref<1x128x128xf32, #tpu.memory_space<vmem>>
      %dma_start3A_242 = tpu.memref_squeeze %dma_start3A_241 : memref<1x128x128xf32, #tpu.memory_space<vmem>> -> memref<128x128xf32, #tpu.memory_space<vmem>>
      %dma_start3A_243 = arith.constant 0 : i32
      %dma_start3A_244 = tpu.memref_slice %arg6[%rem3A_202, %dma_start3A_237, %dma_start3A_243] : memref<3x2x128xi32, #tpu.memory_space<vmem>> -> memref<1x1x128xi32, #tpu.memory_space<vmem>>
      %dma_start3A_245 = tpu.memref_squeeze %dma_start3A_244 : memref<1x1x128xi32, #tpu.memory_space<vmem>> -> memref<128xi32, #tpu.memory_space<vmem>>
      %dma_start3A_246 = arith.constant 0 : i32
      %dma_start3A_247 = arith.constant 0 : i32
      %dma_start3A_248 = tpu.memref_slice %arg2[%dma_start3A_246, %dma_start3A_247] : memref<122880x128xf32, #tpu.memory_space<hbm>> -> memref<122880x128xf32, #tpu.memory_space<hbm>>
      tpu.enqueue_indirect_dma source(%dma_start3A_248 : memref<122880x128xf32, #tpu.memory_space<hbm>>) target(%dma_start3A_242 : memref<128x128xf32, #tpu.memory_space<vmem>>) offsets(%dma_start3A_245 : memref<128xi32, #tpu.memory_space<vmem>>) semaphore(%arg10 : memref<!tpu.dma_semaphore, #tpu.memory_space<semaphore_mem>>)
      %add3A_249 = arith.constant 1 : i32
      %add3A_250 = arith.addi %add3A_201, %add3A_249 : i32
      %add3A_251 = arith.constant 1 : i32
      %add3A_252 = arith.addi %add3A_201, %add3A_251 : i32
      %rem3A_253 = arith.constant 3 : i32
      %rem3A_254 = arith.remsi %add3A_252, %rem3A_253 : i32
      %add3A_255 = arith.addi %mul3A_2, %add3A_250 : i32
      %dma_start3A_256 = arith.constant 0 : i32
      %dma_start3A_257 = arith.constant 0 : i32
      %dma_start3A_258 = tpu.memref_slice %arg6[%rem3A_254, %dma_start3A_256, %dma_start3A_257] : memref<3x2x128xi32, #tpu.memory_space<vmem>> -> memref<1x2x128xi32, #tpu.memory_space<vmem>>
      %dma_start3A_259 = tpu.memref_squeeze %dma_start3A_258 : memref<1x2x128xi32, #tpu.memory_space<vmem>> -> memref<2x128xi32, #tpu.memory_space<vmem>>
      %dma_start3A_260 = arith.constant 0 : i32
      %dma_start3A_261 = arith.constant 0 : i32
      %dma_start3A_262 = tpu.memref_slice %arg3[%add3A_255, %dma_start3A_260, %dma_start3A_261] : memref<1154x2x128xi32, #tpu.memory_space<hbm>> -> memref<1x2x128xi32, #tpu.memory_space<hbm>>
      %dma_start3A_263 = tpu.memref_squeeze %dma_start3A_262 : memref<1x2x128xi32, #tpu.memory_space<hbm>> -> memref<2x128xi32, #tpu.memory_space<hbm>>
      %dma_start3A_264 = arith.constant 0 : i32
      %dma_start3A_265 = arith.constant 0 : i32
      %dma_start3A_266 = tpu.memref_slice %arg6[%rem3A_254, %dma_start3A_264, %dma_start3A_265] : memref<3x2x128xi32, #tpu.memory_space<vmem>> -> memref<1x2x128xi32, #tpu.memory_space<vmem>>
      %dma_start3A_267 = tpu.memref_squeeze %dma_start3A_266 : memref<1x2x128xi32, #tpu.memory_space<vmem>> -> memref<2x128xi32, #tpu.memory_space<vmem>>
      %dma_start3A_268 = arith.constant 0 : i32
      %dma_start3A_269 = arith.constant 0 : i32
      %dma_start3A_270 = tpu.memref_slice %arg3[%add3A_255, %dma_start3A_268, %dma_start3A_269] : memref<1154x2x128xi32, #tpu.memory_space<hbm>> -> memref<1x2x128xi32, #tpu.memory_space<hbm>>
      %dma_start3A_271 = tpu.memref_squeeze %dma_start3A_270 : memref<1x2x128xi32, #tpu.memory_space<hbm>> -> memref<2x128xi32, #tpu.memory_space<hbm>>
      tpu.enqueue_dma source(%dma_start3A_271 : memref<2x128xi32, #tpu.memory_space<hbm>>) target(%dma_start3A_267 : memref<2x128xi32, #tpu.memory_space<vmem>>) target_semaphore(%arg9 : memref<!tpu.dma_semaphore, #tpu.memory_space<semaphore_mem>>)
      %dma_wait3A_272 = arith.constant 0 : i32
      %dma_wait3A_273 = arith.constant 0 : i32
      %dma_wait3A_274 = arith.constant 0 : i32
      %dma_wait3A_275 = tpu.memref_slice %arg7[%dma_wait3A_272, %dma_wait3A_273, %dma_wait3A_274] : memref<2x128x128xf32, #tpu.memory_space<vmem>> -> memref<1x128x128xf32, #tpu.memory_space<vmem>>
      %dma_wait3A_276 = tpu.memref_squeeze %dma_wait3A_275 : memref<1x128x128xf32, #tpu.memory_space<vmem>> -> memref<128x128xf32, #tpu.memory_space<vmem>>
      %dma_wait3A_277 = arith.constant 0 : i32
      %dma_wait3A_278 = arith.constant 0 : i32
      %dma_wait3A_279 = tpu.memref_slice %arg2[%dma_wait3A_277, %dma_wait3A_278] : memref<122880x128xf32, #tpu.memory_space<hbm>> -> memref<128x128xf32, #tpu.memory_space<hbm>>
      %dma_wait3A_280 = arith.constant 0 : i32
      %dma_wait3A_281 = arith.constant 0 : i32
      %dma_wait3A_282 = tpu.memref_slice %arg7[%dma_wait3A_272, %dma_wait3A_280, %dma_wait3A_281] : memref<2x128x128xf32, #tpu.memory_space<vmem>> -> memref<1x128x128xf32, #tpu.memory_space<vmem>>
      %dma_wait3A_283 = tpu.memref_squeeze %dma_wait3A_282 : memref<1x128x128xf32, #tpu.memory_space<vmem>> -> memref<128x128xf32, #tpu.memory_space<vmem>>
      %dma_wait3A_284 = arith.constant 0 : i32
      %dma_wait3A_285 = arith.constant 0 : i32
      %dma_wait3A_286 = tpu.memref_slice %arg2[%dma_wait3A_284, %dma_wait3A_285] : memref<122880x128xf32, #tpu.memory_space<hbm>> -> memref<128x128xf32, #tpu.memory_space<hbm>>
      tpu.wait_dma2 semaphore(%arg11 : memref<!tpu.dma_semaphore, #tpu.memory_space<semaphore_mem>>) src(%dma_wait3A_286 : memref<128x128xf32, #tpu.memory_space<hbm>>) dst(%dma_wait3A_283 : memref<128x128xf32, #tpu.memory_space<vmem>>)
      %dma_start3A_287 = arith.constant 1 : i32
      %dma_start3A_288 = arith.constant 1 : i32
      %dma_start3A_289 = arith.constant 0 : i32
      %dma_start3A_290 = arith.constant 0 : i32
      %dma_start3A_291 = tpu.memref_slice %arg7[%dma_start3A_287, %dma_start3A_289, %dma_start3A_290] : memref<2x128x128xf32, #tpu.memory_space<vmem>> -> memref<1x128x128xf32, #tpu.memory_space<vmem>>
      %dma_start3A_292 = tpu.memref_squeeze %dma_start3A_291 : memref<1x128x128xf32, #tpu.memory_space<vmem>> -> memref<128x128xf32, #tpu.memory_space<vmem>>
      %dma_start3A_293 = arith.constant 0 : i32
      %dma_start3A_294 = tpu.memref_slice %arg6[%rem3A_205, %dma_start3A_288, %dma_start3A_293] : memref<3x2x128xi32, #tpu.memory_space<vmem>> -> memref<1x1x128xi32, #tpu.memory_space<vmem>>
      %dma_start3A_295 = tpu.memref_squeeze %dma_start3A_294 : memref<1x1x128xi32, #tpu.memory_space<vmem>> -> memref<128xi32, #tpu.memory_space<vmem>>
      %dma_start3A_296 = arith.constant 0 : i32
      %dma_start3A_297 = arith.constant 0 : i32
      %dma_start3A_298 = tpu.memref_slice %arg8[%dma_start3A_296, %dma_start3A_297] : memref<10240x128xf32, #tpu.memory_space<vmem_shared>> -> memref<10240x128xf32, #tpu.memory_space<vmem_shared>>
      tpu.enqueue_indirect_dma source(%dma_start3A_292 : memref<128x128xf32, #tpu.memory_space<vmem>>) target(%dma_start3A_298 : memref<10240x128xf32, #tpu.memory_space<vmem_shared>>) offsets(%dma_start3A_295 : memref<128xi32, #tpu.memory_space<vmem>>) semaphore(%arg13 : memref<!tpu.dma_semaphore, #tpu.memory_space<semaphore_mem>>) {add = true}
      %mul3A_299 = arith.constant 2 : i32
      %mul3A_300 = arith.muli %mul3A_299, %scan3A_197 : i32
      %add3A_301 = arith.constant 1 : i32
      %add3A_302 = arith.addi %mul3A_300, %add3A_301 : i32
      %rem3A_303 = arith.constant 3 : i32
      %rem3A_304 = arith.remsi %add3A_302, %rem3A_303 : i32
      %sub3A_305 = arith.constant 1 : i32
      %sub3A_306 = arith.subi %add3A_302, %sub3A_305 : i32
      %rem3A_307 = arith.constant 3 : i32
      %rem3A_308 = arith.remsi %sub3A_306, %rem3A_307 : i32
      %dma_wait3A_309 = arith.constant 0 : i32
      %dma_wait3A_310 = arith.constant 0 : i32
      %dma_wait3A_311 = arith.constant 0 : i32
      %dma_wait3A_312 = tpu.memref_slice %arg7[%dma_wait3A_309, %dma_wait3A_310, %dma_wait3A_311] : memref<2x128x128xf32, #tpu.memory_space<vmem>> -> memref<1x128x128xf32, #tpu.memory_space<vmem>>
      %dma_wait3A_313 = tpu.memref_squeeze %dma_wait3A_312 : memref<1x128x128xf32, #tpu.memory_space<vmem>> -> memref<128x128xf32, #tpu.memory_space<vmem>>
      %dma_wait3A_314 = arith.constant 0 : i32
      %dma_wait3A_315 = arith.constant 0 : i32
      %dma_wait3A_316 = tpu.memref_slice %arg2[%dma_wait3A_314, %dma_wait3A_315] : memref<122880x128xf32, #tpu.memory_space<hbm>> -> memref<128x128xf32, #tpu.memory_space<hbm>>
      %dma_wait3A_317 = arith.constant 0 : i32
      %dma_wait3A_318 = arith.constant 0 : i32
      %dma_wait3A_319 = tpu.memref_slice %arg7[%dma_wait3A_309, %dma_wait3A_317, %dma_wait3A_318] : memref<2x128x128xf32, #tpu.memory_space<vmem>> -> memref<1x128x128xf32, #tpu.memory_space<vmem>>
      %dma_wait3A_320 = tpu.memref_squeeze %dma_wait3A_319 : memref<1x128x128xf32, #tpu.memory_space<vmem>> -> memref<128x128xf32, #tpu.memory_space<vmem>>
      %dma_wait3A_321 = arith.constant 0 : i32
      %dma_wait3A_322 = arith.constant 0 : i32
      %dma_wait3A_323 = tpu.memref_slice %arg2[%dma_wait3A_321, %dma_wait3A_322] : memref<122880x128xf32, #tpu.memory_space<hbm>> -> memref<128x128xf32, #tpu.memory_space<hbm>>
      tpu.wait_dma2 semaphore(%arg13 : memref<!tpu.dma_semaphore, #tpu.memory_space<semaphore_mem>>) src(%dma_wait3A_323 : memref<128x128xf32, #tpu.memory_space<hbm>>) dst(%dma_wait3A_320 : memref<128x128xf32, #tpu.memory_space<vmem>>)
      %dma_wait3A_324 = arith.constant 0 : i32
      %dma_wait3A_325 = arith.constant 0 : i32
      %dma_wait3A_326 = arith.constant 0 : i32
      %dma_wait3A_327 = tpu.memref_slice %arg6[%dma_wait3A_324, %dma_wait3A_325, %dma_wait3A_326] : memref<3x2x128xi32, #tpu.memory_space<vmem>> -> memref<1x2x128xi32, #tpu.memory_space<vmem>>
      %dma_wait3A_328 = arith.constant 0 : i32
      %dma_wait3A_329 = arith.constant 0 : i32
      %dma_wait3A_330 = arith.constant 0 : i32
      %dma_wait3A_331 = tpu.memref_slice %arg3[%dma_wait3A_328, %dma_wait3A_329, %dma_wait3A_330] : memref<1154x2x128xi32, #tpu.memory_space<hbm>> -> memref<1x2x128xi32, #tpu.memory_space<hbm>>
      %dma_wait3A_332 = arith.constant 0 : i32
      %dma_wait3A_333 = arith.constant 0 : i32
      %dma_wait3A_334 = arith.constant 0 : i32
      %dma_wait3A_335 = tpu.memref_slice %arg6[%dma_wait3A_332, %dma_wait3A_333, %dma_wait3A_334] : memref<3x2x128xi32, #tpu.memory_space<vmem>> -> memref<1x2x128xi32, #tpu.memory_space<vmem>>
      %dma_wait3A_336 = arith.constant 0 : i32
      %dma_wait3A_337 = arith.constant 0 : i32
      %dma_wait3A_338 = arith.constant 0 : i32
      %dma_wait3A_339 = tpu.memref_slice %arg3[%dma_wait3A_336, %dma_wait3A_337, %dma_wait3A_338] : memref<1154x2x128xi32, #tpu.memory_space<hbm>> -> memref<1x2x128xi32, #tpu.memory_space<hbm>>
      tpu.wait_dma2 semaphore(%arg9 : memref<!tpu.dma_semaphore, #tpu.memory_space<semaphore_mem>>) src(%dma_wait3A_339 : memref<1x2x128xi32, #tpu.memory_space<hbm>>) dst(%dma_wait3A_335 : memref<1x2x128xi32, #tpu.memory_space<vmem>>)
      %dma_start3A_340 = arith.constant 0 : i32
      %dma_start3A_341 = arith.constant 1 : i32
      %dma_start3A_342 = arith.constant 0 : i32
      %dma_start3A_343 = arith.constant 0 : i32
      %dma_start3A_344 = tpu.memref_slice %arg7[%dma_start3A_341, %dma_start3A_342, %dma_start3A_343] : memref<2x128x128xf32, #tpu.memory_space<vmem>> -> memref<1x128x128xf32, #tpu.memory_space<vmem>>
      %dma_start3A_345 = tpu.memref_squeeze %dma_start3A_344 : memref<1x128x128xf32, #tpu.memory_space<vmem>> -> memref<128x128xf32, #tpu.memory_space<vmem>>
      %dma_start3A_346 = arith.constant 0 : i32
      %dma_start3A_347 = tpu.memref_slice %arg6[%rem3A_304, %dma_start3A_340, %dma_start3A_346] : memref<3x2x128xi32, #tpu.memory_space<vmem>> -> memref<1x1x128xi32, #tpu.memory_space<vmem>>
      %dma_start3A_348 = tpu.memref_squeeze %dma_start3A_347 : memref<1x1x128xi32, #tpu.memory_space<vmem>> -> memref<128xi32, #tpu.memory_space<vmem>>
      %dma_start3A_349 = arith.constant 0 : i32
      %dma_start3A_350 = arith.constant 0 : i32
      %dma_start3A_351 = tpu.memref_slice %arg2[%dma_start3A_349, %dma_start3A_350] : memref<122880x128xf32, #tpu.memory_space<hbm>> -> memref<122880x128xf32, #tpu.memory_space<hbm>>
      tpu.enqueue_indirect_dma source(%dma_start3A_351 : memref<122880x128xf32, #tpu.memory_space<hbm>>) target(%dma_start3A_345 : memref<128x128xf32, #tpu.memory_space<vmem>>) offsets(%dma_start3A_348 : memref<128xi32, #tpu.memory_space<vmem>>) semaphore(%arg11 : memref<!tpu.dma_semaphore, #tpu.memory_space<semaphore_mem>>)
      %add3A_352 = arith.constant 1 : i32
      %add3A_353 = arith.addi %add3A_302, %add3A_352 : i32
      %add3A_354 = arith.constant 1 : i32
      %add3A_355 = arith.addi %add3A_302, %add3A_354 : i32
      %rem3A_356 = arith.constant 3 : i32
      %rem3A_357 = arith.remsi %add3A_355, %rem3A_356 : i32
      %add3A_358 = arith.addi %mul3A_2, %add3A_353 : i32
      %dma_start3A_359 = arith.constant 0 : i32
      %dma_start3A_360 = arith.constant 0 : i32
      %dma_start3A_361 = tpu.memref_slice %arg6[%rem3A_357, %dma_start3A_359, %dma_start3A_360] : memref<3x2x128xi32, #tpu.memory_space<vmem>> -> memref<1x2x128xi32, #tpu.memory_space<vmem>>
      %dma_start3A_362 = tpu.memref_squeeze %dma_start3A_361 : memref<1x2x128xi32, #tpu.memory_space<vmem>> -> memref<2x128xi32, #tpu.memory_space<vmem>>
      %dma_start3A_363 = arith.constant 0 : i32
      %dma_start3A_364 = arith.constant 0 : i32
      %dma_start3A_365 = tpu.memref_slice %arg3[%add3A_358, %dma_start3A_363, %dma_start3A_364] : memref<1154x2x128xi32, #tpu.memory_space<hbm>> -> memref<1x2x128xi32, #tpu.memory_space<hbm>>
      %dma_start3A_366 = tpu.memref_squeeze %dma_start3A_365 : memref<1x2x128xi32, #tpu.memory_space<hbm>> -> memref<2x128xi32, #tpu.memory_space<hbm>>
      %dma_start3A_367 = arith.constant 0 : i32
      %dma_start3A_368 = arith.constant 0 : i32
      %dma_start3A_369 = tpu.memref_slice %arg6[%rem3A_357, %dma_start3A_367, %dma_start3A_368] : memref<3x2x128xi32, #tpu.memory_space<vmem>> -> memref<1x2x128xi32, #tpu.memory_space<vmem>>
      %dma_start3A_370 = tpu.memref_squeeze %dma_start3A_369 : memref<1x2x128xi32, #tpu.memory_space<vmem>> -> memref<2x128xi32, #tpu.memory_space<vmem>>
      %dma_start3A_371 = arith.constant 0 : i32
      %dma_start3A_372 = arith.constant 0 : i32
      %dma_start3A_373 = tpu.memref_slice %arg3[%add3A_358, %dma_start3A_371, %dma_start3A_372] : memref<1154x2x128xi32, #tpu.memory_space<hbm>> -> memref<1x2x128xi32, #tpu.memory_space<hbm>>
      %dma_start3A_374 = tpu.memref_squeeze %dma_start3A_373 : memref<1x2x128xi32, #tpu.memory_space<hbm>> -> memref<2x128xi32, #tpu.memory_space<hbm>>
      tpu.enqueue_dma source(%dma_start3A_374 : memref<2x128xi32, #tpu.memory_space<hbm>>) target(%dma_start3A_370 : memref<2x128xi32, #tpu.memory_space<vmem>>) target_semaphore(%arg9 : memref<!tpu.dma_semaphore, #tpu.memory_space<semaphore_mem>>)
      %dma_wait3A_375 = arith.constant 0 : i32
      %dma_wait3A_376 = arith.constant 0 : i32
      %dma_wait3A_377 = arith.constant 0 : i32
      %dma_wait3A_378 = tpu.memref_slice %arg7[%dma_wait3A_375, %dma_wait3A_376, %dma_wait3A_377] : memref<2x128x128xf32, #tpu.memory_space<vmem>> -> memref<1x128x128xf32, #tpu.memory_space<vmem>>
      %dma_wait3A_379 = tpu.memref_squeeze %dma_wait3A_378 : memref<1x128x128xf32, #tpu.memory_space<vmem>> -> memref<128x128xf32, #tpu.memory_space<vmem>>
      %dma_wait3A_380 = arith.constant 0 : i32
      %dma_wait3A_381 = arith.constant 0 : i32
      %dma_wait3A_382 = tpu.memref_slice %arg2[%dma_wait3A_380, %dma_wait3A_381] : memref<122880x128xf32, #tpu.memory_space<hbm>> -> memref<128x128xf32, #tpu.memory_space<hbm>>
      %dma_wait3A_383 = arith.constant 0 : i32
      %dma_wait3A_384 = arith.constant 0 : i32
      %dma_wait3A_385 = tpu.memref_slice %arg7[%dma_wait3A_375, %dma_wait3A_383, %dma_wait3A_384] : memref<2x128x128xf32, #tpu.memory_space<vmem>> -> memref<1x128x128xf32, #tpu.memory_space<vmem>>
      %dma_wait3A_386 = tpu.memref_squeeze %dma_wait3A_385 : memref<1x128x128xf32, #tpu.memory_space<vmem>> -> memref<128x128xf32, #tpu.memory_space<vmem>>
      %dma_wait3A_387 = arith.constant 0 : i32
      %dma_wait3A_388 = arith.constant 0 : i32
      %dma_wait3A_389 = tpu.memref_slice %arg2[%dma_wait3A_387, %dma_wait3A_388] : memref<122880x128xf32, #tpu.memory_space<hbm>> -> memref<128x128xf32, #tpu.memory_space<hbm>>
      tpu.wait_dma2 semaphore(%arg10 : memref<!tpu.dma_semaphore, #tpu.memory_space<semaphore_mem>>) src(%dma_wait3A_389 : memref<128x128xf32, #tpu.memory_space<hbm>>) dst(%dma_wait3A_386 : memref<128x128xf32, #tpu.memory_space<vmem>>)
      %dma_start3A_390 = arith.constant 0 : i32
      %dma_start3A_391 = arith.constant 1 : i32
      %dma_start3A_392 = arith.constant 0 : i32
      %dma_start3A_393 = arith.constant 0 : i32
      %dma_start3A_394 = tpu.memref_slice %arg7[%dma_start3A_390, %dma_start3A_392, %dma_start3A_393] : memref<2x128x128xf32, #tpu.memory_space<vmem>> -> memref<1x128x128xf32, #tpu.memory_space<vmem>>
      %dma_start3A_395 = tpu.memref_squeeze %dma_start3A_394 : memref<1x128x128xf32, #tpu.memory_space<vmem>> -> memref<128x128xf32, #tpu.memory_space<vmem>>
      %dma_start3A_396 = arith.constant 0 : i32
      %dma_start3A_397 = tpu.memref_slice %arg6[%rem3A_308, %dma_start3A_391, %dma_start3A_396] : memref<3x2x128xi32, #tpu.memory_space<vmem>> -> memref<1x1x128xi32, #tpu.memory_space<vmem>>
      %dma_start3A_398 = tpu.memref_squeeze %dma_start3A_397 : memref<1x1x128xi32, #tpu.memory_space<vmem>> -> memref<128xi32, #tpu.memory_space<vmem>>
      %dma_start3A_399 = arith.constant 0 : i32
      %dma_start3A_400 = arith.constant 0 : i32
      %dma_start3A_401 = tpu.memref_slice %arg8[%dma_start3A_399, %dma_start3A_400] : memref<10240x128xf32, #tpu.memory_space<vmem_shared>> -> memref<10240x128xf32, #tpu.memory_space<vmem_shared>>
      tpu.enqueue_indirect_dma source(%dma_start3A_395 : memref<128x128xf32, #tpu.memory_space<vmem>>) target(%dma_start3A_401 : memref<10240x128xf32, #tpu.memory_space<vmem_shared>>) offsets(%dma_start3A_398 : memref<128xi32, #tpu.memory_space<vmem>>) semaphore(%arg12 : memref<!tpu.dma_semaphore, #tpu.memory_space<semaphore_mem>>) {add = true}
    }
    %scan3A_117 = arith.constant 17 : i32
    %dma_wait3A_118 = arith.constant 0 : i32
    %dma_wait3A_119 = arith.constant 0 : i32
    %dma_wait3A_120 = arith.constant 0 : i32
    %dma_wait3A_121 = tpu.memref_slice %arg7[%dma_wait3A_118, %dma_wait3A_119, %dma_wait3A_120] : memref<2x128x128xf32, #tpu.memory_space<vmem>> -> memref<1x128x128xf32, #tpu.memory_space<vmem>>
    %dma_wait3A_122 = tpu.memref_squeeze %dma_wait3A_121 : memref<1x128x128xf32, #tpu.memory_space<vmem>> -> memref<128x128xf32, #tpu.memory_space<vmem>>
    %dma_wait3A_123 = arith.constant 0 : i32
    %dma_wait3A_124 = arith.constant 0 : i32
    %dma_wait3A_125 = tpu.memref_slice %arg2[%dma_wait3A_123, %dma_wait3A_124] : memref<122880x128xf32, #tpu.memory_space<hbm>> -> memref<128x128xf32, #tpu.memory_space<hbm>>
    %dma_wait3A_126 = arith.constant 0 : i32
    %dma_wait3A_127 = arith.constant 0 : i32
    %dma_wait3A_128 = tpu.memref_slice %arg7[%dma_wait3A_118, %dma_wait3A_126, %dma_wait3A_127] : memref<2x128x128xf32, #tpu.memory_space<vmem>> -> memref<1x128x128xf32, #tpu.memory_space<vmem>>
    %dma_wait3A_129 = tpu.memref_squeeze %dma_wait3A_128 : memref<1x128x128xf32, #tpu.memory_space<vmem>> -> memref<128x128xf32, #tpu.memory_space<vmem>>
    %dma_wait3A_130 = arith.constant 0 : i32
    %dma_wait3A_131 = arith.constant 0 : i32
    %dma_wait3A_132 = tpu.memref_slice %arg2[%dma_wait3A_130, %dma_wait3A_131] : memref<122880x128xf32, #tpu.memory_space<hbm>> -> memref<128x128xf32, #tpu.memory_space<hbm>>
    tpu.wait_dma2 semaphore(%arg11 : memref<!tpu.dma_semaphore, #tpu.memory_space<semaphore_mem>>) src(%dma_wait3A_132 : memref<128x128xf32, #tpu.memory_space<hbm>>) dst(%dma_wait3A_129 : memref<128x128xf32, #tpu.memory_space<vmem>>)
    %dma_start3A_133 = arith.constant 1 : i32
    %dma_start3A_134 = arith.constant 2 : i32
    %dma_start3A_135 = arith.constant 1 : i32
    %dma_start3A_136 = arith.constant 0 : i32
    %dma_start3A_137 = arith.constant 0 : i32
    %dma_start3A_138 = tpu.memref_slice %arg7[%dma_start3A_133, %dma_start3A_136, %dma_start3A_137] : memref<2x128x128xf32, #tpu.memory_space<vmem>> -> memref<1x128x128xf32, #tpu.memory_space<vmem>>
    %dma_start3A_139 = tpu.memref_squeeze %dma_start3A_138 : memref<1x128x128xf32, #tpu.memory_space<vmem>> -> memref<128x128xf32, #tpu.memory_space<vmem>>
    %dma_start3A_140 = arith.constant 0 : i32
    %dma_start3A_141 = tpu.memref_slice %arg6[%dma_start3A_134, %dma_start3A_135, %dma_start3A_140] : memref<3x2x128xi32, #tpu.memory_space<vmem>> -> memref<1x1x128xi32, #tpu.memory_space<vmem>>
    %dma_start3A_142 = tpu.memref_squeeze %dma_start3A_141 : memref<1x1x128xi32, #tpu.memory_space<vmem>> -> memref<128xi32, #tpu.memory_space<vmem>>
    %dma_start3A_143 = arith.constant 0 : i32
    %dma_start3A_144 = arith.constant 0 : i32
    %dma_start3A_145 = tpu.memref_slice %arg8[%dma_start3A_143, %dma_start3A_144] : memref<10240x128xf32, #tpu.memory_space<vmem_shared>> -> memref<10240x128xf32, #tpu.memory_space<vmem_shared>>
    tpu.enqueue_indirect_dma source(%dma_start3A_139 : memref<128x128xf32, #tpu.memory_space<vmem>>) target(%dma_start3A_145 : memref<10240x128xf32, #tpu.memory_space<vmem_shared>>) offsets(%dma_start3A_142 : memref<128xi32, #tpu.memory_space<vmem>>) semaphore(%arg13 : memref<!tpu.dma_semaphore, #tpu.memory_space<semaphore_mem>>) {add = true}
    %dma_wait3A_146 = arith.constant 0 : i32
    %dma_wait3A_147 = arith.constant 0 : i32
    %dma_wait3A_148 = arith.constant 0 : i32
    %dma_wait3A_149 = tpu.memref_slice %arg7[%dma_wait3A_146, %dma_wait3A_147, %dma_wait3A_148] : memref<2x128x128xf32, #tpu.memory_space<vmem>> -> memref<1x128x128xf32, #tpu.memory_space<vmem>>
    %dma_wait3A_150 = tpu.memref_squeeze %dma_wait3A_149 : memref<1x128x128xf32, #tpu.memory_space<vmem>> -> memref<128x128xf32, #tpu.memory_space<vmem>>
    %dma_wait3A_151 = arith.constant 0 : i32
    %dma_wait3A_152 = arith.constant 0 : i32
    %dma_wait3A_153 = tpu.memref_slice %arg2[%dma_wait3A_151, %dma_wait3A_152] : memref<122880x128xf32, #tpu.memory_space<hbm>> -> memref<128x128xf32, #tpu.memory_space<hbm>>
    %dma_wait3A_154 = arith.constant 0 : i32
    %dma_wait3A_155 = arith.constant 0 : i32
    %dma_wait3A_156 = tpu.memref_slice %arg7[%dma_wait3A_146, %dma_wait3A_154, %dma_wait3A_155] : memref<2x128x128xf32, #tpu.memory_space<vmem>> -> memref<1x128x128xf32, #tpu.memory_space<vmem>>
    %dma_wait3A_157 = tpu.memref_squeeze %dma_wait3A_156 : memref<1x128x128xf32, #tpu.memory_space<vmem>> -> memref<128x128xf32, #tpu.memory_space<vmem>>
    %dma_wait3A_158 = arith.constant 0 : i32
    %dma_wait3A_159 = arith.constant 0 : i32
    %dma_wait3A_160 = tpu.memref_slice %arg2[%dma_wait3A_158, %dma_wait3A_159] : memref<122880x128xf32, #tpu.memory_space<hbm>> -> memref<128x128xf32, #tpu.memory_space<hbm>>
    tpu.wait_dma2 semaphore(%arg12 : memref<!tpu.dma_semaphore, #tpu.memory_space<semaphore_mem>>) src(%dma_wait3A_160 : memref<128x128xf32, #tpu.memory_space<hbm>>) dst(%dma_wait3A_157 : memref<128x128xf32, #tpu.memory_space<vmem>>)
    %dma_wait3A_161 = arith.constant 0 : i32
    %dma_wait3A_162 = arith.constant 0 : i32
    %dma_wait3A_163 = arith.constant 0 : i32
    %dma_wait3A_164 = tpu.memref_slice %arg7[%dma_wait3A_161, %dma_wait3A_162, %dma_wait3A_163] : memref<2x128x128xf32, #tpu.memory_space<vmem>> -> memref<1x128x128xf32, #tpu.memory_space<vmem>>
    %dma_wait3A_165 = tpu.memref_squeeze %dma_wait3A_164 : memref<1x128x128xf32, #tpu.memory_space<vmem>> -> memref<128x128xf32, #tpu.memory_space<vmem>>
    %dma_wait3A_166 = arith.constant 0 : i32
    %dma_wait3A_167 = arith.constant 0 : i32
    %dma_wait3A_168 = tpu.memref_slice %arg2[%dma_wait3A_166, %dma_wait3A_167] : memref<122880x128xf32, #tpu.memory_space<hbm>> -> memref<128x128xf32, #tpu.memory_space<hbm>>
    %dma_wait3A_169 = arith.constant 0 : i32
    %dma_wait3A_170 = arith.constant 0 : i32
    %dma_wait3A_171 = tpu.memref_slice %arg7[%dma_wait3A_161, %dma_wait3A_169, %dma_wait3A_170] : memref<2x128x128xf32, #tpu.memory_space<vmem>> -> memref<1x128x128xf32, #tpu.memory_space<vmem>>
    %dma_wait3A_172 = tpu.memref_squeeze %dma_wait3A_171 : memref<1x128x128xf32, #tpu.memory_space<vmem>> -> memref<128x128xf32, #tpu.memory_space<vmem>>
    %dma_wait3A_173 = arith.constant 0 : i32
    %dma_wait3A_174 = arith.constant 0 : i32
    %dma_wait3A_175 = tpu.memref_slice %arg2[%dma_wait3A_173, %dma_wait3A_174] : memref<122880x128xf32, #tpu.memory_space<hbm>> -> memref<128x128xf32, #tpu.memory_space<hbm>>
    tpu.wait_dma2 semaphore(%arg13 : memref<!tpu.dma_semaphore, #tpu.memory_space<semaphore_mem>>) src(%dma_wait3A_175 : memref<128x128xf32, #tpu.memory_space<hbm>>) dst(%dma_wait3A_172 : memref<128x128xf32, #tpu.memory_space<vmem>>)
    %dma_wait3A_176 = arith.constant 0 : i32
    %dma_wait3A_177 = arith.constant 0 : i32
    %dma_wait3A_178 = arith.constant 0 : i32
    %dma_wait3A_179 = tpu.memref_slice %arg6[%dma_wait3A_176, %dma_wait3A_177, %dma_wait3A_178] : memref<3x2x128xi32, #tpu.memory_space<vmem>> -> memref<1x2x128xi32, #tpu.memory_space<vmem>>
    %dma_wait3A_180 = arith.constant 0 : i32
    %dma_wait3A_181 = arith.constant 0 : i32
    %dma_wait3A_182 = arith.constant 0 : i32
    %dma_wait3A_183 = tpu.memref_slice %arg3[%dma_wait3A_180, %dma_wait3A_181, %dma_wait3A_182] : memref<1154x2x128xi32, #tpu.memory_space<hbm>> -> memref<1x2x128xi32, #tpu.memory_space<hbm>>
    %dma_wait3A_184 = arith.constant 0 : i32
    %dma_wait3A_185 = arith.constant 0 : i32
    %dma_wait3A_186 = arith.constant 0 : i32
    %dma_wait3A_187 = tpu.memref_slice %arg6[%dma_wait3A_184, %dma_wait3A_185, %dma_wait3A_186] : memref<3x2x128xi32, #tpu.memory_space<vmem>> -> memref<1x2x128xi32, #tpu.memory_space<vmem>>
    %dma_wait3A_188 = arith.constant 0 : i32
    %dma_wait3A_189 = arith.constant 0 : i32
    %dma_wait3A_190 = arith.constant 0 : i32
    %dma_wait3A_191 = tpu.memref_slice %arg3[%dma_wait3A_188, %dma_wait3A_189, %dma_wait3A_190] : memref<1154x2x128xi32, #tpu.memory_space<hbm>> -> memref<1x2x128xi32, #tpu.memory_space<hbm>>
    tpu.wait_dma2 semaphore(%arg9 : memref<!tpu.dma_semaphore, #tpu.memory_space<semaphore_mem>>) src(%dma_wait3A_191 : memref<1x2x128xi32, #tpu.memory_space<hbm>>) dst(%dma_wait3A_187 : memref<1x2x128xi32, #tpu.memory_space<vmem>>)
    %barrier3A_192 = arith.constant 0 : index
    tpu.barrier barrier_id(%barrier3A_192)
    %mul3A_193 = arith.constant 640 : i32
    %mul3A_194 = arith.muli %arg1, %mul3A_193 : i32
    %mul3A_195 = arith.constant 640 : i32
    %mul3A_196 = arith.muli %arg1, %mul3A_195 : i32
    "tpu.region"() ({
      %run_scoped3A_197 = tpu.sem_alloc : memref<!tpu.dma_semaphore, #tpu.memory_space<semaphore_mem>>
      %dma_start3A_198 = arith.constant 0 : i32
      %dma_start3A_199 = tpu.memref_slice %arg5[%arg0, %mul3A_196, %dma_start3A_198] : memref<2x10240x128xf32, #tpu.memory_space<hbm>> -> memref<1x640x128xf32, #tpu.memory_space<hbm>>
      %dma_start3A_200 = tpu.memref_squeeze %dma_start3A_199 : memref<1x640x128xf32, #tpu.memory_space<hbm>> -> memref<640x128xf32, #tpu.memory_space<hbm>>
      %dma_start3A_201 = arith.constant 0 : i32
      %dma_start3A_202 = tpu.memref_slice %arg8[%mul3A_194, %dma_start3A_201] : memref<10240x128xf32, #tpu.memory_space<vmem_shared>> -> memref<640x128xf32, #tpu.memory_space<vmem_shared>>
      tpu.enqueue_dma source(%dma_start3A_202 : memref<640x128xf32, #tpu.memory_space<vmem_shared>>) target(%dma_start3A_200 : memref<640x128xf32, #tpu.memory_space<hbm>>) target_semaphore(%run_scoped3A_197 : memref<!tpu.dma_semaphore, #tpu.memory_space<semaphore_mem>>)
      %dma_wait3A_203 = arith.constant 0 : i32
      %dma_wait3A_204 = tpu.memref_slice %arg5[%arg0, %mul3A_196, %dma_wait3A_203] : memref<2x10240x128xf32, #tpu.memory_space<hbm>> -> memref<1x640x128xf32, #tpu.memory_space<hbm>>
      %dma_wait3A_205 = tpu.memref_squeeze %dma_wait3A_204 : memref<1x640x128xf32, #tpu.memory_space<hbm>> -> memref<640x128xf32, #tpu.memory_space<hbm>>
      %dma_wait3A_206 = arith.constant 0 : i32
      %dma_wait3A_207 = tpu.memref_slice %arg8[%mul3A_194, %dma_wait3A_206] : memref<10240x128xf32, #tpu.memory_space<vmem_shared>> -> memref<640x128xf32, #tpu.memory_space<vmem_shared>>
      tpu.wait_dma2 semaphore(%run_scoped3A_197 : memref<!tpu.dma_semaphore, #tpu.memory_space<semaphore_mem>>) src(%dma_wait3A_207 : memref<640x128xf32, #tpu.memory_space<vmem_shared>>) dst(%dma_wait3A_205 : memref<640x128xf32, #tpu.memory_space<hbm>>)
      tpu.yield
    }) : () -> ()
    return
  }
}

#map = affine_map<(d0, d1) -> (0, 0)>
#map1 = affine_map<(d0, d1) -> (0, 0, 0)>
module attributes {stable_mosaic.version = 14 : i64} {
  func.func @_sc_gather_scatter(%arg0: i32, %arg1: i32, %arg2: memref<153600x128xf32, #tpu.memory_space<hbm>>, %arg3: memref<1410x2x128xi32, #tpu.memory_space<hbm>>, %arg4: memref<10240x128xf32, #tpu.memory_space<hbm>>, %arg5: memref<2x10240x128xf32, #tpu.memory_space<hbm>>, %arg6: memref<3x2x128xi32, #tpu.memory_space<vmem>>, %arg7: memref<2x128x128xf32, #tpu.memory_space<vmem>>, %arg8: memref<10240x128xf32, #tpu.memory_space<vmem_shared>>, %arg9: memref<!tpu.dma_semaphore, #tpu.memory_space<semaphore_mem>>, %arg10: memref<!tpu.dma_semaphore, #tpu.memory_space<semaphore_mem>>, %arg11: memref<!tpu.dma_semaphore, #tpu.memory_space<semaphore_mem>>, %arg12: memref<!tpu.dma_semaphore, #tpu.memory_space<semaphore_mem>>, %arg13: memref<!tpu.dma_semaphore, #tpu.memory_space<semaphore_mem>>) attributes {dimension_semantics = [#tpu.dimension_semantics<core_parallel>, #tpu.dimension_semantics<subcore_parallel>], iteration_bounds = array<i64: 2, 16>, scalar_prefetch = 0 : i64, scratch_operands = 8 : i64, tpu.core_type = #tpu.core_type<sc_vector_subcore>, window_params = [{transform_indices = #map}, {transform_indices = #map1}, {transform_indices = #map}, {transform_indices = #map1}]} {
    %mul3A = arith.constant 2 : i32
    %mul3A_0 = arith.muli %arg1, %mul3A : i32
    %add3A = arith.addi %mul3A_0, %arg0 : i32
    %mul3A_1 = arith.constant 44 : i32
    %mul3A_2 = arith.muli %add3A, %mul3A_1 : i32
    %run_scoped3A = arith.constant 0 : i32
    "tpu.region"() ({
      %run_scoped3A_197 = tpu.sem_alloc : memref<!tpu.dma_semaphore, #tpu.memory_space<semaphore_mem>>
      %dma_start3A_198 = arith.constant 0 : i32
      %dma_start3A_199 = arith.constant 0 : i32
      %dma_start3A_200 = tpu.memref_slice %arg6[%run_scoped3A, %dma_start3A_198, %dma_start3A_199] : memref<3x2x128xi32, #tpu.memory_space<vmem>> -> memref<1x2x128xi32, #tpu.memory_space<vmem>>
      %dma_start3A_201 = tpu.memref_squeeze %dma_start3A_200 : memref<1x2x128xi32, #tpu.memory_space<vmem>> -> memref<2x128xi32, #tpu.memory_space<vmem>>
      %dma_start3A_202 = arith.constant 0 : i32
      %dma_start3A_203 = arith.constant 0 : i32
      %dma_start3A_204 = tpu.memref_slice %arg3[%mul3A_2, %dma_start3A_202, %dma_start3A_203] : memref<1410x2x128xi32, #tpu.memory_space<hbm>> -> memref<1x2x128xi32, #tpu.memory_space<hbm>>
      %dma_start3A_205 = tpu.memref_squeeze %dma_start3A_204 : memref<1x2x128xi32, #tpu.memory_space<hbm>> -> memref<2x128xi32, #tpu.memory_space<hbm>>
      %dma_start3A_206 = arith.constant 0 : i32
      %dma_start3A_207 = arith.constant 0 : i32
      %dma_start3A_208 = tpu.memref_slice %arg6[%run_scoped3A, %dma_start3A_206, %dma_start3A_207] : memref<3x2x128xi32, #tpu.memory_space<vmem>> -> memref<1x2x128xi32, #tpu.memory_space<vmem>>
      %dma_start3A_209 = tpu.memref_squeeze %dma_start3A_208 : memref<1x2x128xi32, #tpu.memory_space<vmem>> -> memref<2x128xi32, #tpu.memory_space<vmem>>
      %dma_start3A_210 = arith.constant 0 : i32
      %dma_start3A_211 = arith.constant 0 : i32
      %dma_start3A_212 = tpu.memref_slice %arg3[%mul3A_2, %dma_start3A_210, %dma_start3A_211] : memref<1410x2x128xi32, #tpu.memory_space<hbm>> -> memref<1x2x128xi32, #tpu.memory_space<hbm>>
      %dma_start3A_213 = tpu.memref_squeeze %dma_start3A_212 : memref<1x2x128xi32, #tpu.memory_space<hbm>> -> memref<2x128xi32, #tpu.memory_space<hbm>>
      tpu.enqueue_dma source(%dma_start3A_213 : memref<2x128xi32, #tpu.memory_space<hbm>>) target(%dma_start3A_209 : memref<2x128xi32, #tpu.memory_space<vmem>>) target_semaphore(%run_scoped3A_197 : memref<!tpu.dma_semaphore, #tpu.memory_space<semaphore_mem>>)
      %dma_wait3A_214 = arith.constant 0 : i32
      %dma_wait3A_215 = arith.constant 0 : i32
      %dma_wait3A_216 = tpu.memref_slice %arg6[%run_scoped3A, %dma_wait3A_214, %dma_wait3A_215] : memref<3x2x128xi32, #tpu.memory_space<vmem>> -> memref<1x2x128xi32, #tpu.memory_space<vmem>>
      %dma_wait3A_217 = tpu.memref_squeeze %dma_wait3A_216 : memref<1x2x128xi32, #tpu.memory_space<vmem>> -> memref<2x128xi32, #tpu.memory_space<vmem>>
      %dma_wait3A_218 = arith.constant 0 : i32
      %dma_wait3A_219 = arith.constant 0 : i32
      %dma_wait3A_220 = tpu.memref_slice %arg3[%mul3A_2, %dma_wait3A_218, %dma_wait3A_219] : memref<1410x2x128xi32, #tpu.memory_space<hbm>> -> memref<1x2x128xi32, #tpu.memory_space<hbm>>
      %dma_wait3A_221 = tpu.memref_squeeze %dma_wait3A_220 : memref<1x2x128xi32, #tpu.memory_space<hbm>> -> memref<2x128xi32, #tpu.memory_space<hbm>>
      %dma_wait3A_222 = arith.constant 0 : i32
      %dma_wait3A_223 = arith.constant 0 : i32
      %dma_wait3A_224 = tpu.memref_slice %arg6[%run_scoped3A, %dma_wait3A_222, %dma_wait3A_223] : memref<3x2x128xi32, #tpu.memory_space<vmem>> -> memref<1x2x128xi32, #tpu.memory_space<vmem>>
      %dma_wait3A_225 = tpu.memref_squeeze %dma_wait3A_224 : memref<1x2x128xi32, #tpu.memory_space<vmem>> -> memref<2x128xi32, #tpu.memory_space<vmem>>
      %dma_wait3A_226 = arith.constant 0 : i32
      %dma_wait3A_227 = arith.constant 0 : i32
      %dma_wait3A_228 = tpu.memref_slice %arg3[%mul3A_2, %dma_wait3A_226, %dma_wait3A_227] : memref<1410x2x128xi32, #tpu.memory_space<hbm>> -> memref<1x2x128xi32, #tpu.memory_space<hbm>>
      %dma_wait3A_229 = tpu.memref_squeeze %dma_wait3A_228 : memref<1x2x128xi32, #tpu.memory_space<hbm>> -> memref<2x128xi32, #tpu.memory_space<hbm>>
      tpu.wait_dma2 semaphore(%run_scoped3A_197 : memref<!tpu.dma_semaphore, #tpu.memory_space<semaphore_mem>>) src(%dma_wait3A_229 : memref<2x128xi32, #tpu.memory_space<hbm>>) dst(%dma_wait3A_225 : memref<2x128xi32, #tpu.memory_space<vmem>>)
      tpu.yield
    }) : () -> ()
    %dma_start3A = arith.constant 0 : i32
    %dma_start3A_3 = arith.constant 0 : i32
    %dma_start3A_4 = arith.constant 0 : i32
    %dma_start3A_5 = arith.constant 0 : i32
    %dma_start3A_6 = arith.constant 0 : i32
    %dma_start3A_7 = tpu.memref_slice %arg7[%dma_start3A_4, %dma_start3A_5, %dma_start3A_6] : memref<2x128x128xf32, #tpu.memory_space<vmem>> -> memref<1x128x128xf32, #tpu.memory_space<vmem>>
    %dma_start3A_8 = tpu.memref_squeeze %dma_start3A_7 : memref<1x128x128xf32, #tpu.memory_space<vmem>> -> memref<128x128xf32, #tpu.memory_space<vmem>>
    %dma_start3A_9 = arith.constant 0 : i32
    %dma_start3A_10 = tpu.memref_slice %arg6[%dma_start3A, %dma_start3A_3, %dma_start3A_9] : memref<3x2x128xi32, #tpu.memory_space<vmem>> -> memref<1x1x128xi32, #tpu.memory_space<vmem>>
    %dma_start3A_11 = tpu.memref_squeeze %dma_start3A_10 : memref<1x1x128xi32, #tpu.memory_space<vmem>> -> memref<128xi32, #tpu.memory_space<vmem>>
    %dma_start3A_12 = arith.constant 0 : i32
    %dma_start3A_13 = arith.constant 0 : i32
    %dma_start3A_14 = tpu.memref_slice %arg2[%dma_start3A_12, %dma_start3A_13] : memref<153600x128xf32, #tpu.memory_space<hbm>> -> memref<153600x128xf32, #tpu.memory_space<hbm>>
    tpu.enqueue_indirect_dma source(%dma_start3A_14 : memref<153600x128xf32, #tpu.memory_space<hbm>>) target(%dma_start3A_8 : memref<128x128xf32, #tpu.memory_space<vmem>>) offsets(%dma_start3A_11 : memref<128xi32, #tpu.memory_space<vmem>>) semaphore(%arg10 : memref<!tpu.dma_semaphore, #tpu.memory_space<semaphore_mem>>)
    %add3A_15 = arith.constant 1 : i32
    %add3A_16 = arith.addi %mul3A_2, %add3A_15 : i32
    %dma_start3A_17 = arith.constant 1 : i32
    %dma_start3A_18 = arith.constant 0 : i32
    %dma_start3A_19 = arith.constant 0 : i32
    %dma_start3A_20 = tpu.memref_slice %arg6[%dma_start3A_17, %dma_start3A_18, %dma_start3A_19] : memref<3x2x128xi32, #tpu.memory_space<vmem>> -> memref<1x2x128xi32, #tpu.memory_space<vmem>>
    %dma_start3A_21 = tpu.memref_squeeze %dma_start3A_20 : memref<1x2x128xi32, #tpu.memory_space<vmem>> -> memref<2x128xi32, #tpu.memory_space<vmem>>
    %dma_start3A_22 = arith.constant 0 : i32
    %dma_start3A_23 = arith.constant 0 : i32
    %dma_start3A_24 = tpu.memref_slice %arg3[%add3A_16, %dma_start3A_22, %dma_start3A_23] : memref<1410x2x128xi32, #tpu.memory_space<hbm>> -> memref<1x2x128xi32, #tpu.memory_space<hbm>>
    %dma_start3A_25 = tpu.memref_squeeze %dma_start3A_24 : memref<1x2x128xi32, #tpu.memory_space<hbm>> -> memref<2x128xi32, #tpu.memory_space<hbm>>
    %dma_start3A_26 = arith.constant 0 : i32
    %dma_start3A_27 = arith.constant 0 : i32
    %dma_start3A_28 = tpu.memref_slice %arg6[%dma_start3A_17, %dma_start3A_26, %dma_start3A_27] : memref<3x2x128xi32, #tpu.memory_space<vmem>> -> memref<1x2x128xi32, #tpu.memory_space<vmem>>
    %dma_start3A_29 = tpu.memref_squeeze %dma_start3A_28 : memref<1x2x128xi32, #tpu.memory_space<vmem>> -> memref<2x128xi32, #tpu.memory_space<vmem>>
    %dma_start3A_30 = arith.constant 0 : i32
    %dma_start3A_31 = arith.constant 0 : i32
    %dma_start3A_32 = tpu.memref_slice %arg3[%add3A_16, %dma_start3A_30, %dma_start3A_31] : memref<1410x2x128xi32, #tpu.memory_space<hbm>> -> memref<1x2x128xi32, #tpu.memory_space<hbm>>
    %dma_start3A_33 = tpu.memref_squeeze %dma_start3A_32 : memref<1x2x128xi32, #tpu.memory_space<hbm>> -> memref<2x128xi32, #tpu.memory_space<hbm>>
    tpu.enqueue_dma source(%dma_start3A_33 : memref<2x128xi32, #tpu.memory_space<hbm>>) target(%dma_start3A_29 : memref<2x128xi32, #tpu.memory_space<vmem>>) target_semaphore(%arg9 : memref<!tpu.dma_semaphore, #tpu.memory_space<semaphore_mem>>)
    %mul3A_34 = arith.constant 640 : i32
    %mul3A_35 = arith.muli %arg1, %mul3A_34 : i32
    %mul3A_36 = arith.constant 640 : i32
    %mul3A_37 = arith.muli %arg1, %mul3A_36 : i32
    "tpu.region"() ({
      %run_scoped3A_197 = tpu.sem_alloc : memref<!tpu.dma_semaphore, #tpu.memory_space<semaphore_mem>>
      %dma_start3A_198 = arith.constant 0 : i32
      %dma_start3A_199 = tpu.memref_slice %arg8[%mul3A_37, %dma_start3A_198] : memref<10240x128xf32, #tpu.memory_space<vmem_shared>> -> memref<640x128xf32, #tpu.memory_space<vmem_shared>>
      %dma_start3A_200 = arith.constant 0 : i32
      %dma_start3A_201 = tpu.memref_slice %arg4[%mul3A_35, %dma_start3A_200] : memref<10240x128xf32, #tpu.memory_space<hbm>> -> memref<640x128xf32, #tpu.memory_space<hbm>>
      tpu.enqueue_dma source(%dma_start3A_201 : memref<640x128xf32, #tpu.memory_space<hbm>>) target(%dma_start3A_199 : memref<640x128xf32, #tpu.memory_space<vmem_shared>>) target_semaphore(%run_scoped3A_197 : memref<!tpu.dma_semaphore, #tpu.memory_space<semaphore_mem>>)
      %dma_wait3A_202 = arith.constant 0 : i32
      %dma_wait3A_203 = tpu.memref_slice %arg8[%mul3A_37, %dma_wait3A_202] : memref<10240x128xf32, #tpu.memory_space<vmem_shared>> -> memref<640x128xf32, #tpu.memory_space<vmem_shared>>
      %dma_wait3A_204 = arith.constant 0 : i32
      %dma_wait3A_205 = tpu.memref_slice %arg4[%mul3A_35, %dma_wait3A_204] : memref<10240x128xf32, #tpu.memory_space<hbm>> -> memref<640x128xf32, #tpu.memory_space<hbm>>
      tpu.wait_dma2 semaphore(%run_scoped3A_197 : memref<!tpu.dma_semaphore, #tpu.memory_space<semaphore_mem>>) src(%dma_wait3A_205 : memref<640x128xf32, #tpu.memory_space<hbm>>) dst(%dma_wait3A_203 : memref<640x128xf32, #tpu.memory_space<vmem_shared>>)
      tpu.yield
    }) : () -> ()
    %barrier3A = arith.constant 0 : index
    tpu.barrier barrier_id(%barrier3A)
    %dma_wait3A = arith.constant 0 : i32
    %dma_wait3A_38 = arith.constant 0 : i32
    %dma_wait3A_39 = arith.constant 0 : i32
    %dma_wait3A_40 = tpu.memref_slice %arg6[%dma_wait3A, %dma_wait3A_38, %dma_wait3A_39] : memref<3x2x128xi32, #tpu.memory_space<vmem>> -> memref<1x2x128xi32, #tpu.memory_space<vmem>>
    %dma_wait3A_41 = arith.constant 0 : i32
    %dma_wait3A_42 = arith.constant 0 : i32
    %dma_wait3A_43 = arith.constant 0 : i32
    %dma_wait3A_44 = tpu.memref_slice %arg3[%dma_wait3A_41, %dma_wait3A_42, %dma_wait3A_43] : memref<1410x2x128xi32, #tpu.memory_space<hbm>> -> memref<1x2x128xi32, #tpu.memory_space<hbm>>
    %dma_wait3A_45 = arith.constant 0 : i32
    %dma_wait3A_46 = arith.constant 0 : i32
    %dma_wait3A_47 = arith.constant 0 : i32
    %dma_wait3A_48 = tpu.memref_slice %arg6[%dma_wait3A_45, %dma_wait3A_46, %dma_wait3A_47] : memref<3x2x128xi32, #tpu.memory_space<vmem>> -> memref<1x2x128xi32, #tpu.memory_space<vmem>>
    %dma_wait3A_49 = arith.constant 0 : i32
    %dma_wait3A_50 = arith.constant 0 : i32
    %dma_wait3A_51 = arith.constant 0 : i32
    %dma_wait3A_52 = tpu.memref_slice %arg3[%dma_wait3A_49, %dma_wait3A_50, %dma_wait3A_51] : memref<1410x2x128xi32, #tpu.memory_space<hbm>> -> memref<1x2x128xi32, #tpu.memory_space<hbm>>
    tpu.wait_dma2 semaphore(%arg9 : memref<!tpu.dma_semaphore, #tpu.memory_space<semaphore_mem>>) src(%dma_wait3A_52 : memref<1x2x128xi32, #tpu.memory_space<hbm>>) dst(%dma_wait3A_48 : memref<1x2x128xi32, #tpu.memory_space<vmem>>)
    %dma_start3A_53 = arith.constant 1 : i32
    %dma_start3A_54 = arith.constant 0 : i32
    %dma_start3A_55 = arith.constant 1 : i32
    %dma_start3A_56 = arith.constant 0 : i32
    %dma_start3A_57 = arith.constant 0 : i32
    %dma_start3A_58 = tpu.memref_slice %arg7[%dma_start3A_55, %dma_start3A_56, %dma_start3A_57] : memref<2x128x128xf32, #tpu.memory_space<vmem>> -> memref<1x128x128xf32, #tpu.memory_space<vmem>>
    %dma_start3A_59 = tpu.memref_squeeze %dma_start3A_58 : memref<1x128x128xf32, #tpu.memory_space<vmem>> -> memref<128x128xf32, #tpu.memory_space<vmem>>
    %dma_start3A_60 = arith.constant 0 : i32
    %dma_start3A_61 = tpu.memref_slice %arg6[%dma_start3A_53, %dma_start3A_54, %dma_start3A_60] : memref<3x2x128xi32, #tpu.memory_space<vmem>> -> memref<1x1x128xi32, #tpu.memory_space<vmem>>
    %dma_start3A_62 = tpu.memref_squeeze %dma_start3A_61 : memref<1x1x128xi32, #tpu.memory_space<vmem>> -> memref<128xi32, #tpu.memory_space<vmem>>
    %dma_start3A_63 = arith.constant 0 : i32
    %dma_start3A_64 = arith.constant 0 : i32
    %dma_start3A_65 = tpu.memref_slice %arg2[%dma_start3A_63, %dma_start3A_64] : memref<153600x128xf32, #tpu.memory_space<hbm>> -> memref<153600x128xf32, #tpu.memory_space<hbm>>
    tpu.enqueue_indirect_dma source(%dma_start3A_65 : memref<153600x128xf32, #tpu.memory_space<hbm>>) target(%dma_start3A_59 : memref<128x128xf32, #tpu.memory_space<vmem>>) offsets(%dma_start3A_62 : memref<128xi32, #tpu.memory_space<vmem>>) semaphore(%arg11 : memref<!tpu.dma_semaphore, #tpu.memory_space<semaphore_mem>>)
    %add3A_66 = arith.constant 2 : i32
    %add3A_67 = arith.addi %mul3A_2, %add3A_66 : i32
    %dma_start3A_68 = arith.constant 2 : i32
    %dma_start3A_69 = arith.constant 0 : i32
    %dma_start3A_70 = arith.constant 0 : i32
    %dma_start3A_71 = tpu.memref_slice %arg6[%dma_start3A_68, %dma_start3A_69, %dma_start3A_70] : memref<3x2x128xi32, #tpu.memory_space<vmem>> -> memref<1x2x128xi32, #tpu.memory_space<vmem>>
    %dma_start3A_72 = tpu.memref_squeeze %dma_start3A_71 : memref<1x2x128xi32, #tpu.memory_space<vmem>> -> memref<2x128xi32, #tpu.memory_space<vmem>>
    %dma_start3A_73 = arith.constant 0 : i32
    %dma_start3A_74 = arith.constant 0 : i32
    %dma_start3A_75 = tpu.memref_slice %arg3[%add3A_67, %dma_start3A_73, %dma_start3A_74] : memref<1410x2x128xi32, #tpu.memory_space<hbm>> -> memref<1x2x128xi32, #tpu.memory_space<hbm>>
    %dma_start3A_76 = tpu.memref_squeeze %dma_start3A_75 : memref<1x2x128xi32, #tpu.memory_space<hbm>> -> memref<2x128xi32, #tpu.memory_space<hbm>>
    %dma_start3A_77 = arith.constant 0 : i32
    %dma_start3A_78 = arith.constant 0 : i32
    %dma_start3A_79 = tpu.memref_slice %arg6[%dma_start3A_68, %dma_start3A_77, %dma_start3A_78] : memref<3x2x128xi32, #tpu.memory_space<vmem>> -> memref<1x2x128xi32, #tpu.memory_space<vmem>>
    %dma_start3A_80 = tpu.memref_squeeze %dma_start3A_79 : memref<1x2x128xi32, #tpu.memory_space<vmem>> -> memref<2x128xi32, #tpu.memory_space<vmem>>
    %dma_start3A_81 = arith.constant 0 : i32
    %dma_start3A_82 = arith.constant 0 : i32
    %dma_start3A_83 = tpu.memref_slice %arg3[%add3A_67, %dma_start3A_81, %dma_start3A_82] : memref<1410x2x128xi32, #tpu.memory_space<hbm>> -> memref<1x2x128xi32, #tpu.memory_space<hbm>>
    %dma_start3A_84 = tpu.memref_squeeze %dma_start3A_83 : memref<1x2x128xi32, #tpu.memory_space<hbm>> -> memref<2x128xi32, #tpu.memory_space<hbm>>
    tpu.enqueue_dma source(%dma_start3A_84 : memref<2x128xi32, #tpu.memory_space<hbm>>) target(%dma_start3A_80 : memref<2x128xi32, #tpu.memory_space<vmem>>) target_semaphore(%arg9 : memref<!tpu.dma_semaphore, #tpu.memory_space<semaphore_mem>>)
    %dma_wait3A_85 = arith.constant 0 : i32
    %dma_wait3A_86 = arith.constant 0 : i32
    %dma_wait3A_87 = arith.constant 0 : i32
    %dma_wait3A_88 = tpu.memref_slice %arg7[%dma_wait3A_85, %dma_wait3A_86, %dma_wait3A_87] : memref<2x128x128xf32, #tpu.memory_space<vmem>> -> memref<1x128x128xf32, #tpu.memory_space<vmem>>
    %dma_wait3A_89 = tpu.memref_squeeze %dma_wait3A_88 : memref<1x128x128xf32, #tpu.memory_space<vmem>> -> memref<128x128xf32, #tpu.memory_space<vmem>>
    %dma_wait3A_90 = arith.constant 0 : i32
    %dma_wait3A_91 = arith.constant 0 : i32
    %dma_wait3A_92 = tpu.memref_slice %arg2[%dma_wait3A_90, %dma_wait3A_91] : memref<153600x128xf32, #tpu.memory_space<hbm>> -> memref<128x128xf32, #tpu.memory_space<hbm>>
    %dma_wait3A_93 = arith.constant 0 : i32
    %dma_wait3A_94 = arith.constant 0 : i32
    %dma_wait3A_95 = tpu.memref_slice %arg7[%dma_wait3A_85, %dma_wait3A_93, %dma_wait3A_94] : memref<2x128x128xf32, #tpu.memory_space<vmem>> -> memref<1x128x128xf32, #tpu.memory_space<vmem>>
    %dma_wait3A_96 = tpu.memref_squeeze %dma_wait3A_95 : memref<1x128x128xf32, #tpu.memory_space<vmem>> -> memref<128x128xf32, #tpu.memory_space<vmem>>
    %dma_wait3A_97 = arith.constant 0 : i32
    %dma_wait3A_98 = arith.constant 0 : i32
    %dma_wait3A_99 = tpu.memref_slice %arg2[%dma_wait3A_97, %dma_wait3A_98] : memref<153600x128xf32, #tpu.memory_space<hbm>> -> memref<128x128xf32, #tpu.memory_space<hbm>>
    tpu.wait_dma2 semaphore(%arg10 : memref<!tpu.dma_semaphore, #tpu.memory_space<semaphore_mem>>) src(%dma_wait3A_99 : memref<128x128xf32, #tpu.memory_space<hbm>>) dst(%dma_wait3A_96 : memref<128x128xf32, #tpu.memory_space<vmem>>)
    %dma_start3A_100 = arith.constant 0 : i32
    %dma_start3A_101 = arith.constant 0 : i32
    %dma_start3A_102 = arith.constant 1 : i32
    %dma_start3A_103 = arith.constant 0 : i32
    %dma_start3A_104 = arith.constant 0 : i32
    %dma_start3A_105 = tpu.memref_slice %arg7[%dma_start3A_100, %dma_start3A_103, %dma_start3A_104] : memref<2x128x128xf32, #tpu.memory_space<vmem>> -> memref<1x128x128xf32, #tpu.memory_space<vmem>>
    %dma_start3A_106 = tpu.memref_squeeze %dma_start3A_105 : memref<1x128x128xf32, #tpu.memory_space<vmem>> -> memref<128x128xf32, #tpu.memory_space<vmem>>
    %dma_start3A_107 = arith.constant 0 : i32
    %dma_start3A_108 = tpu.memref_slice %arg6[%dma_start3A_101, %dma_start3A_102, %dma_start3A_107] : memref<3x2x128xi32, #tpu.memory_space<vmem>> -> memref<1x1x128xi32, #tpu.memory_space<vmem>>
    %dma_start3A_109 = tpu.memref_squeeze %dma_start3A_108 : memref<1x1x128xi32, #tpu.memory_space<vmem>> -> memref<128xi32, #tpu.memory_space<vmem>>
    %dma_start3A_110 = arith.constant 0 : i32
    %dma_start3A_111 = arith.constant 0 : i32
    %dma_start3A_112 = tpu.memref_slice %arg8[%dma_start3A_110, %dma_start3A_111] : memref<10240x128xf32, #tpu.memory_space<vmem_shared>> -> memref<10240x128xf32, #tpu.memory_space<vmem_shared>>
    tpu.enqueue_indirect_dma source(%dma_start3A_106 : memref<128x128xf32, #tpu.memory_space<vmem>>) target(%dma_start3A_112 : memref<10240x128xf32, #tpu.memory_space<vmem_shared>>) offsets(%dma_start3A_109 : memref<128xi32, #tpu.memory_space<vmem>>) semaphore(%arg12 : memref<!tpu.dma_semaphore, #tpu.memory_space<semaphore_mem>>) {add = true}
    %scan3A = arith.constant 0 : i32
    %scan3A_113 = arith.constant 1 : i32
    %scan3A_114 = arith.constant 21 : i32
    %scan3A_115 = arith.addi %scan3A_113, %scan3A_114 : i32
    %scan3A_116 = arith.constant 1 : i32
    scf.for %scan3A_197 = %scan3A_113 to %scan3A_115 step %scan3A_116  : i32 {
      %mul3A_198 = arith.constant 2 : i32
      %mul3A_199 = arith.muli %mul3A_198, %scan3A_197 : i32
      %add3A_200 = arith.constant 0 : i32
      %add3A_201 = arith.addi %mul3A_199, %add3A_200 : i32
      %rem3A = arith.constant 3 : i32
      %rem3A_202 = arith.remsi %add3A_201, %rem3A : i32
      %sub3A = arith.constant 1 : i32
      %sub3A_203 = arith.subi %add3A_201, %sub3A : i32
      %rem3A_204 = arith.constant 3 : i32
      %rem3A_205 = arith.remsi %sub3A_203, %rem3A_204 : i32
      %dma_wait3A_206 = arith.constant 0 : i32
      %dma_wait3A_207 = arith.constant 0 : i32
      %dma_wait3A_208 = arith.constant 0 : i32
      %dma_wait3A_209 = tpu.memref_slice %arg7[%dma_wait3A_206, %dma_wait3A_207, %dma_wait3A_208] : memref<2x128x128xf32, #tpu.memory_space<vmem>> -> memref<1x128x128xf32, #tpu.memory_space<vmem>>
      %dma_wait3A_210 = tpu.memref_squeeze %dma_wait3A_209 : memref<1x128x128xf32, #tpu.memory_space<vmem>> -> memref<128x128xf32, #tpu.memory_space<vmem>>
      %dma_wait3A_211 = arith.constant 0 : i32
      %dma_wait3A_212 = arith.constant 0 : i32
      %dma_wait3A_213 = tpu.memref_slice %arg2[%dma_wait3A_211, %dma_wait3A_212] : memref<153600x128xf32, #tpu.memory_space<hbm>> -> memref<128x128xf32, #tpu.memory_space<hbm>>
      %dma_wait3A_214 = arith.constant 0 : i32
      %dma_wait3A_215 = arith.constant 0 : i32
      %dma_wait3A_216 = tpu.memref_slice %arg7[%dma_wait3A_206, %dma_wait3A_214, %dma_wait3A_215] : memref<2x128x128xf32, #tpu.memory_space<vmem>> -> memref<1x128x128xf32, #tpu.memory_space<vmem>>
      %dma_wait3A_217 = tpu.memref_squeeze %dma_wait3A_216 : memref<1x128x128xf32, #tpu.memory_space<vmem>> -> memref<128x128xf32, #tpu.memory_space<vmem>>
      %dma_wait3A_218 = arith.constant 0 : i32
      %dma_wait3A_219 = arith.constant 0 : i32
      %dma_wait3A_220 = tpu.memref_slice %arg2[%dma_wait3A_218, %dma_wait3A_219] : memref<153600x128xf32, #tpu.memory_space<hbm>> -> memref<128x128xf32, #tpu.memory_space<hbm>>
      tpu.wait_dma2 semaphore(%arg12 : memref<!tpu.dma_semaphore, #tpu.memory_space<semaphore_mem>>) src(%dma_wait3A_220 : memref<128x128xf32, #tpu.memory_space<hbm>>) dst(%dma_wait3A_217 : memref<128x128xf32, #tpu.memory_space<vmem>>)
      %dma_wait3A_221 = arith.constant 0 : i32
      %dma_wait3A_222 = arith.constant 0 : i32
      %dma_wait3A_223 = arith.constant 0 : i32
      %dma_wait3A_224 = tpu.memref_slice %arg6[%dma_wait3A_221, %dma_wait3A_222, %dma_wait3A_223] : memref<3x2x128xi32, #tpu.memory_space<vmem>> -> memref<1x2x128xi32, #tpu.memory_space<vmem>>
      %dma_wait3A_225 = arith.constant 0 : i32
      %dma_wait3A_226 = arith.constant 0 : i32
      %dma_wait3A_227 = arith.constant 0 : i32
      %dma_wait3A_228 = tpu.memref_slice %arg3[%dma_wait3A_225, %dma_wait3A_226, %dma_wait3A_227] : memref<1410x2x128xi32, #tpu.memory_space<hbm>> -> memref<1x2x128xi32, #tpu.memory_space<hbm>>
      %dma_wait3A_229 = arith.constant 0 : i32
      %dma_wait3A_230 = arith.constant 0 : i32
      %dma_wait3A_231 = arith.constant 0 : i32
      %dma_wait3A_232 = tpu.memref_slice %arg6[%dma_wait3A_229, %dma_wait3A_230, %dma_wait3A_231] : memref<3x2x128xi32, #tpu.memory_space<vmem>> -> memref<1x2x128xi32, #tpu.memory_space<vmem>>
      %dma_wait3A_233 = arith.constant 0 : i32
      %dma_wait3A_234 = arith.constant 0 : i32
      %dma_wait3A_235 = arith.constant 0 : i32
      %dma_wait3A_236 = tpu.memref_slice %arg3[%dma_wait3A_233, %dma_wait3A_234, %dma_wait3A_235] : memref<1410x2x128xi32, #tpu.memory_space<hbm>> -> memref<1x2x128xi32, #tpu.memory_space<hbm>>
      tpu.wait_dma2 semaphore(%arg9 : memref<!tpu.dma_semaphore, #tpu.memory_space<semaphore_mem>>) src(%dma_wait3A_236 : memref<1x2x128xi32, #tpu.memory_space<hbm>>) dst(%dma_wait3A_232 : memref<1x2x128xi32, #tpu.memory_space<vmem>>)
      %dma_start3A_237 = arith.constant 0 : i32
      %dma_start3A_238 = arith.constant 0 : i32
      %dma_start3A_239 = arith.constant 0 : i32
      %dma_start3A_240 = arith.constant 0 : i32
      %dma_start3A_241 = tpu.memref_slice %arg7[%dma_start3A_238, %dma_start3A_239, %dma_start3A_240] : memref<2x128x128xf32, #tpu.memory_space<vmem>> -> memref<1x128x128xf32, #tpu.memory_space<vmem>>
      %dma_start3A_242 = tpu.memref_squeeze %dma_start3A_241 : memref<1x128x128xf32, #tpu.memory_space<vmem>> -> memref<128x128xf32, #tpu.memory_space<vmem>>
      %dma_start3A_243 = arith.constant 0 : i32
      %dma_start3A_244 = tpu.memref_slice %arg6[%rem3A_202, %dma_start3A_237, %dma_start3A_243] : memref<3x2x128xi32, #tpu.memory_space<vmem>> -> memref<1x1x128xi32, #tpu.memory_space<vmem>>
      %dma_start3A_245 = tpu.memref_squeeze %dma_start3A_244 : memref<1x1x128xi32, #tpu.memory_space<vmem>> -> memref<128xi32, #tpu.memory_space<vmem>>
      %dma_start3A_246 = arith.constant 0 : i32
      %dma_start3A_247 = arith.constant 0 : i32
      %dma_start3A_248 = tpu.memref_slice %arg2[%dma_start3A_246, %dma_start3A_247] : memref<153600x128xf32, #tpu.memory_space<hbm>> -> memref<153600x128xf32, #tpu.memory_space<hbm>>
      tpu.enqueue_indirect_dma source(%dma_start3A_248 : memref<153600x128xf32, #tpu.memory_space<hbm>>) target(%dma_start3A_242 : memref<128x128xf32, #tpu.memory_space<vmem>>) offsets(%dma_start3A_245 : memref<128xi32, #tpu.memory_space<vmem>>) semaphore(%arg10 : memref<!tpu.dma_semaphore, #tpu.memory_space<semaphore_mem>>)
      %add3A_249 = arith.constant 1 : i32
      %add3A_250 = arith.addi %add3A_201, %add3A_249 : i32
      %add3A_251 = arith.constant 1 : i32
      %add3A_252 = arith.addi %add3A_201, %add3A_251 : i32
      %rem3A_253 = arith.constant 3 : i32
      %rem3A_254 = arith.remsi %add3A_252, %rem3A_253 : i32
      %add3A_255 = arith.addi %mul3A_2, %add3A_250 : i32
      %dma_start3A_256 = arith.constant 0 : i32
      %dma_start3A_257 = arith.constant 0 : i32
      %dma_start3A_258 = tpu.memref_slice %arg6[%rem3A_254, %dma_start3A_256, %dma_start3A_257] : memref<3x2x128xi32, #tpu.memory_space<vmem>> -> memref<1x2x128xi32, #tpu.memory_space<vmem>>
      %dma_start3A_259 = tpu.memref_squeeze %dma_start3A_258 : memref<1x2x128xi32, #tpu.memory_space<vmem>> -> memref<2x128xi32, #tpu.memory_space<vmem>>
      %dma_start3A_260 = arith.constant 0 : i32
      %dma_start3A_261 = arith.constant 0 : i32
      %dma_start3A_262 = tpu.memref_slice %arg3[%add3A_255, %dma_start3A_260, %dma_start3A_261] : memref<1410x2x128xi32, #tpu.memory_space<hbm>> -> memref<1x2x128xi32, #tpu.memory_space<hbm>>
      %dma_start3A_263 = tpu.memref_squeeze %dma_start3A_262 : memref<1x2x128xi32, #tpu.memory_space<hbm>> -> memref<2x128xi32, #tpu.memory_space<hbm>>
      %dma_start3A_264 = arith.constant 0 : i32
      %dma_start3A_265 = arith.constant 0 : i32
      %dma_start3A_266 = tpu.memref_slice %arg6[%rem3A_254, %dma_start3A_264, %dma_start3A_265] : memref<3x2x128xi32, #tpu.memory_space<vmem>> -> memref<1x2x128xi32, #tpu.memory_space<vmem>>
      %dma_start3A_267 = tpu.memref_squeeze %dma_start3A_266 : memref<1x2x128xi32, #tpu.memory_space<vmem>> -> memref<2x128xi32, #tpu.memory_space<vmem>>
      %dma_start3A_268 = arith.constant 0 : i32
      %dma_start3A_269 = arith.constant 0 : i32
      %dma_start3A_270 = tpu.memref_slice %arg3[%add3A_255, %dma_start3A_268, %dma_start3A_269] : memref<1410x2x128xi32, #tpu.memory_space<hbm>> -> memref<1x2x128xi32, #tpu.memory_space<hbm>>
      %dma_start3A_271 = tpu.memref_squeeze %dma_start3A_270 : memref<1x2x128xi32, #tpu.memory_space<hbm>> -> memref<2x128xi32, #tpu.memory_space<hbm>>
      tpu.enqueue_dma source(%dma_start3A_271 : memref<2x128xi32, #tpu.memory_space<hbm>>) target(%dma_start3A_267 : memref<2x128xi32, #tpu.memory_space<vmem>>) target_semaphore(%arg9 : memref<!tpu.dma_semaphore, #tpu.memory_space<semaphore_mem>>)
      %dma_wait3A_272 = arith.constant 0 : i32
      %dma_wait3A_273 = arith.constant 0 : i32
      %dma_wait3A_274 = arith.constant 0 : i32
      %dma_wait3A_275 = tpu.memref_slice %arg7[%dma_wait3A_272, %dma_wait3A_273, %dma_wait3A_274] : memref<2x128x128xf32, #tpu.memory_space<vmem>> -> memref<1x128x128xf32, #tpu.memory_space<vmem>>
      %dma_wait3A_276 = tpu.memref_squeeze %dma_wait3A_275 : memref<1x128x128xf32, #tpu.memory_space<vmem>> -> memref<128x128xf32, #tpu.memory_space<vmem>>
      %dma_wait3A_277 = arith.constant 0 : i32
      %dma_wait3A_278 = arith.constant 0 : i32
      %dma_wait3A_279 = tpu.memref_slice %arg2[%dma_wait3A_277, %dma_wait3A_278] : memref<153600x128xf32, #tpu.memory_space<hbm>> -> memref<128x128xf32, #tpu.memory_space<hbm>>
      %dma_wait3A_280 = arith.constant 0 : i32
      %dma_wait3A_281 = arith.constant 0 : i32
      %dma_wait3A_282 = tpu.memref_slice %arg7[%dma_wait3A_272, %dma_wait3A_280, %dma_wait3A_281] : memref<2x128x128xf32, #tpu.memory_space<vmem>> -> memref<1x128x128xf32, #tpu.memory_space<vmem>>
      %dma_wait3A_283 = tpu.memref_squeeze %dma_wait3A_282 : memref<1x128x128xf32, #tpu.memory_space<vmem>> -> memref<128x128xf32, #tpu.memory_space<vmem>>
      %dma_wait3A_284 = arith.constant 0 : i32
      %dma_wait3A_285 = arith.constant 0 : i32
      %dma_wait3A_286 = tpu.memref_slice %arg2[%dma_wait3A_284, %dma_wait3A_285] : memref<153600x128xf32, #tpu.memory_space<hbm>> -> memref<128x128xf32, #tpu.memory_space<hbm>>
      tpu.wait_dma2 semaphore(%arg11 : memref<!tpu.dma_semaphore, #tpu.memory_space<semaphore_mem>>) src(%dma_wait3A_286 : memref<128x128xf32, #tpu.memory_space<hbm>>) dst(%dma_wait3A_283 : memref<128x128xf32, #tpu.memory_space<vmem>>)
      %dma_start3A_287 = arith.constant 1 : i32
      %dma_start3A_288 = arith.constant 1 : i32
      %dma_start3A_289 = arith.constant 0 : i32
      %dma_start3A_290 = arith.constant 0 : i32
      %dma_start3A_291 = tpu.memref_slice %arg7[%dma_start3A_287, %dma_start3A_289, %dma_start3A_290] : memref<2x128x128xf32, #tpu.memory_space<vmem>> -> memref<1x128x128xf32, #tpu.memory_space<vmem>>
      %dma_start3A_292 = tpu.memref_squeeze %dma_start3A_291 : memref<1x128x128xf32, #tpu.memory_space<vmem>> -> memref<128x128xf32, #tpu.memory_space<vmem>>
      %dma_start3A_293 = arith.constant 0 : i32
      %dma_start3A_294 = tpu.memref_slice %arg6[%rem3A_205, %dma_start3A_288, %dma_start3A_293] : memref<3x2x128xi32, #tpu.memory_space<vmem>> -> memref<1x1x128xi32, #tpu.memory_space<vmem>>
      %dma_start3A_295 = tpu.memref_squeeze %dma_start3A_294 : memref<1x1x128xi32, #tpu.memory_space<vmem>> -> memref<128xi32, #tpu.memory_space<vmem>>
      %dma_start3A_296 = arith.constant 0 : i32
      %dma_start3A_297 = arith.constant 0 : i32
      %dma_start3A_298 = tpu.memref_slice %arg8[%dma_start3A_296, %dma_start3A_297] : memref<10240x128xf32, #tpu.memory_space<vmem_shared>> -> memref<10240x128xf32, #tpu.memory_space<vmem_shared>>
      tpu.enqueue_indirect_dma source(%dma_start3A_292 : memref<128x128xf32, #tpu.memory_space<vmem>>) target(%dma_start3A_298 : memref<10240x128xf32, #tpu.memory_space<vmem_shared>>) offsets(%dma_start3A_295 : memref<128xi32, #tpu.memory_space<vmem>>) semaphore(%arg13 : memref<!tpu.dma_semaphore, #tpu.memory_space<semaphore_mem>>) {add = true}
      %mul3A_299 = arith.constant 2 : i32
      %mul3A_300 = arith.muli %mul3A_299, %scan3A_197 : i32
      %add3A_301 = arith.constant 1 : i32
      %add3A_302 = arith.addi %mul3A_300, %add3A_301 : i32
      %rem3A_303 = arith.constant 3 : i32
      %rem3A_304 = arith.remsi %add3A_302, %rem3A_303 : i32
      %sub3A_305 = arith.constant 1 : i32
      %sub3A_306 = arith.subi %add3A_302, %sub3A_305 : i32
      %rem3A_307 = arith.constant 3 : i32
      %rem3A_308 = arith.remsi %sub3A_306, %rem3A_307 : i32
      %dma_wait3A_309 = arith.constant 0 : i32
      %dma_wait3A_310 = arith.constant 0 : i32
      %dma_wait3A_311 = arith.constant 0 : i32
      %dma_wait3A_312 = tpu.memref_slice %arg7[%dma_wait3A_309, %dma_wait3A_310, %dma_wait3A_311] : memref<2x128x128xf32, #tpu.memory_space<vmem>> -> memref<1x128x128xf32, #tpu.memory_space<vmem>>
      %dma_wait3A_313 = tpu.memref_squeeze %dma_wait3A_312 : memref<1x128x128xf32, #tpu.memory_space<vmem>> -> memref<128x128xf32, #tpu.memory_space<vmem>>
      %dma_wait3A_314 = arith.constant 0 : i32
      %dma_wait3A_315 = arith.constant 0 : i32
      %dma_wait3A_316 = tpu.memref_slice %arg2[%dma_wait3A_314, %dma_wait3A_315] : memref<153600x128xf32, #tpu.memory_space<hbm>> -> memref<128x128xf32, #tpu.memory_space<hbm>>
      %dma_wait3A_317 = arith.constant 0 : i32
      %dma_wait3A_318 = arith.constant 0 : i32
      %dma_wait3A_319 = tpu.memref_slice %arg7[%dma_wait3A_309, %dma_wait3A_317, %dma_wait3A_318] : memref<2x128x128xf32, #tpu.memory_space<vmem>> -> memref<1x128x128xf32, #tpu.memory_space<vmem>>
      %dma_wait3A_320 = tpu.memref_squeeze %dma_wait3A_319 : memref<1x128x128xf32, #tpu.memory_space<vmem>> -> memref<128x128xf32, #tpu.memory_space<vmem>>
      %dma_wait3A_321 = arith.constant 0 : i32
      %dma_wait3A_322 = arith.constant 0 : i32
      %dma_wait3A_323 = tpu.memref_slice %arg2[%dma_wait3A_321, %dma_wait3A_322] : memref<153600x128xf32, #tpu.memory_space<hbm>> -> memref<128x128xf32, #tpu.memory_space<hbm>>
      tpu.wait_dma2 semaphore(%arg13 : memref<!tpu.dma_semaphore, #tpu.memory_space<semaphore_mem>>) src(%dma_wait3A_323 : memref<128x128xf32, #tpu.memory_space<hbm>>) dst(%dma_wait3A_320 : memref<128x128xf32, #tpu.memory_space<vmem>>)
      %dma_wait3A_324 = arith.constant 0 : i32
      %dma_wait3A_325 = arith.constant 0 : i32
      %dma_wait3A_326 = arith.constant 0 : i32
      %dma_wait3A_327 = tpu.memref_slice %arg6[%dma_wait3A_324, %dma_wait3A_325, %dma_wait3A_326] : memref<3x2x128xi32, #tpu.memory_space<vmem>> -> memref<1x2x128xi32, #tpu.memory_space<vmem>>
      %dma_wait3A_328 = arith.constant 0 : i32
      %dma_wait3A_329 = arith.constant 0 : i32
      %dma_wait3A_330 = arith.constant 0 : i32
      %dma_wait3A_331 = tpu.memref_slice %arg3[%dma_wait3A_328, %dma_wait3A_329, %dma_wait3A_330] : memref<1410x2x128xi32, #tpu.memory_space<hbm>> -> memref<1x2x128xi32, #tpu.memory_space<hbm>>
      %dma_wait3A_332 = arith.constant 0 : i32
      %dma_wait3A_333 = arith.constant 0 : i32
      %dma_wait3A_334 = arith.constant 0 : i32
      %dma_wait3A_335 = tpu.memref_slice %arg6[%dma_wait3A_332, %dma_wait3A_333, %dma_wait3A_334] : memref<3x2x128xi32, #tpu.memory_space<vmem>> -> memref<1x2x128xi32, #tpu.memory_space<vmem>>
      %dma_wait3A_336 = arith.constant 0 : i32
      %dma_wait3A_337 = arith.constant 0 : i32
      %dma_wait3A_338 = arith.constant 0 : i32
      %dma_wait3A_339 = tpu.memref_slice %arg3[%dma_wait3A_336, %dma_wait3A_337, %dma_wait3A_338] : memref<1410x2x128xi32, #tpu.memory_space<hbm>> -> memref<1x2x128xi32, #tpu.memory_space<hbm>>
      tpu.wait_dma2 semaphore(%arg9 : memref<!tpu.dma_semaphore, #tpu.memory_space<semaphore_mem>>) src(%dma_wait3A_339 : memref<1x2x128xi32, #tpu.memory_space<hbm>>) dst(%dma_wait3A_335 : memref<1x2x128xi32, #tpu.memory_space<vmem>>)
      %dma_start3A_340 = arith.constant 0 : i32
      %dma_start3A_341 = arith.constant 1 : i32
      %dma_start3A_342 = arith.constant 0 : i32
      %dma_start3A_343 = arith.constant 0 : i32
      %dma_start3A_344 = tpu.memref_slice %arg7[%dma_start3A_341, %dma_start3A_342, %dma_start3A_343] : memref<2x128x128xf32, #tpu.memory_space<vmem>> -> memref<1x128x128xf32, #tpu.memory_space<vmem>>
      %dma_start3A_345 = tpu.memref_squeeze %dma_start3A_344 : memref<1x128x128xf32, #tpu.memory_space<vmem>> -> memref<128x128xf32, #tpu.memory_space<vmem>>
      %dma_start3A_346 = arith.constant 0 : i32
      %dma_start3A_347 = tpu.memref_slice %arg6[%rem3A_304, %dma_start3A_340, %dma_start3A_346] : memref<3x2x128xi32, #tpu.memory_space<vmem>> -> memref<1x1x128xi32, #tpu.memory_space<vmem>>
      %dma_start3A_348 = tpu.memref_squeeze %dma_start3A_347 : memref<1x1x128xi32, #tpu.memory_space<vmem>> -> memref<128xi32, #tpu.memory_space<vmem>>
      %dma_start3A_349 = arith.constant 0 : i32
      %dma_start3A_350 = arith.constant 0 : i32
      %dma_start3A_351 = tpu.memref_slice %arg2[%dma_start3A_349, %dma_start3A_350] : memref<153600x128xf32, #tpu.memory_space<hbm>> -> memref<153600x128xf32, #tpu.memory_space<hbm>>
      tpu.enqueue_indirect_dma source(%dma_start3A_351 : memref<153600x128xf32, #tpu.memory_space<hbm>>) target(%dma_start3A_345 : memref<128x128xf32, #tpu.memory_space<vmem>>) offsets(%dma_start3A_348 : memref<128xi32, #tpu.memory_space<vmem>>) semaphore(%arg11 : memref<!tpu.dma_semaphore, #tpu.memory_space<semaphore_mem>>)
      %add3A_352 = arith.constant 1 : i32
      %add3A_353 = arith.addi %add3A_302, %add3A_352 : i32
      %add3A_354 = arith.constant 1 : i32
      %add3A_355 = arith.addi %add3A_302, %add3A_354 : i32
      %rem3A_356 = arith.constant 3 : i32
      %rem3A_357 = arith.remsi %add3A_355, %rem3A_356 : i32
      %add3A_358 = arith.addi %mul3A_2, %add3A_353 : i32
      %dma_start3A_359 = arith.constant 0 : i32
      %dma_start3A_360 = arith.constant 0 : i32
      %dma_start3A_361 = tpu.memref_slice %arg6[%rem3A_357, %dma_start3A_359, %dma_start3A_360] : memref<3x2x128xi32, #tpu.memory_space<vmem>> -> memref<1x2x128xi32, #tpu.memory_space<vmem>>
      %dma_start3A_362 = tpu.memref_squeeze %dma_start3A_361 : memref<1x2x128xi32, #tpu.memory_space<vmem>> -> memref<2x128xi32, #tpu.memory_space<vmem>>
      %dma_start3A_363 = arith.constant 0 : i32
      %dma_start3A_364 = arith.constant 0 : i32
      %dma_start3A_365 = tpu.memref_slice %arg3[%add3A_358, %dma_start3A_363, %dma_start3A_364] : memref<1410x2x128xi32, #tpu.memory_space<hbm>> -> memref<1x2x128xi32, #tpu.memory_space<hbm>>
      %dma_start3A_366 = tpu.memref_squeeze %dma_start3A_365 : memref<1x2x128xi32, #tpu.memory_space<hbm>> -> memref<2x128xi32, #tpu.memory_space<hbm>>
      %dma_start3A_367 = arith.constant 0 : i32
      %dma_start3A_368 = arith.constant 0 : i32
      %dma_start3A_369 = tpu.memref_slice %arg6[%rem3A_357, %dma_start3A_367, %dma_start3A_368] : memref<3x2x128xi32, #tpu.memory_space<vmem>> -> memref<1x2x128xi32, #tpu.memory_space<vmem>>
      %dma_start3A_370 = tpu.memref_squeeze %dma_start3A_369 : memref<1x2x128xi32, #tpu.memory_space<vmem>> -> memref<2x128xi32, #tpu.memory_space<vmem>>
      %dma_start3A_371 = arith.constant 0 : i32
      %dma_start3A_372 = arith.constant 0 : i32
      %dma_start3A_373 = tpu.memref_slice %arg3[%add3A_358, %dma_start3A_371, %dma_start3A_372] : memref<1410x2x128xi32, #tpu.memory_space<hbm>> -> memref<1x2x128xi32, #tpu.memory_space<hbm>>
      %dma_start3A_374 = tpu.memref_squeeze %dma_start3A_373 : memref<1x2x128xi32, #tpu.memory_space<hbm>> -> memref<2x128xi32, #tpu.memory_space<hbm>>
      tpu.enqueue_dma source(%dma_start3A_374 : memref<2x128xi32, #tpu.memory_space<hbm>>) target(%dma_start3A_370 : memref<2x128xi32, #tpu.memory_space<vmem>>) target_semaphore(%arg9 : memref<!tpu.dma_semaphore, #tpu.memory_space<semaphore_mem>>)
      %dma_wait3A_375 = arith.constant 0 : i32
      %dma_wait3A_376 = arith.constant 0 : i32
      %dma_wait3A_377 = arith.constant 0 : i32
      %dma_wait3A_378 = tpu.memref_slice %arg7[%dma_wait3A_375, %dma_wait3A_376, %dma_wait3A_377] : memref<2x128x128xf32, #tpu.memory_space<vmem>> -> memref<1x128x128xf32, #tpu.memory_space<vmem>>
      %dma_wait3A_379 = tpu.memref_squeeze %dma_wait3A_378 : memref<1x128x128xf32, #tpu.memory_space<vmem>> -> memref<128x128xf32, #tpu.memory_space<vmem>>
      %dma_wait3A_380 = arith.constant 0 : i32
      %dma_wait3A_381 = arith.constant 0 : i32
      %dma_wait3A_382 = tpu.memref_slice %arg2[%dma_wait3A_380, %dma_wait3A_381] : memref<153600x128xf32, #tpu.memory_space<hbm>> -> memref<128x128xf32, #tpu.memory_space<hbm>>
      %dma_wait3A_383 = arith.constant 0 : i32
      %dma_wait3A_384 = arith.constant 0 : i32
      %dma_wait3A_385 = tpu.memref_slice %arg7[%dma_wait3A_375, %dma_wait3A_383, %dma_wait3A_384] : memref<2x128x128xf32, #tpu.memory_space<vmem>> -> memref<1x128x128xf32, #tpu.memory_space<vmem>>
      %dma_wait3A_386 = tpu.memref_squeeze %dma_wait3A_385 : memref<1x128x128xf32, #tpu.memory_space<vmem>> -> memref<128x128xf32, #tpu.memory_space<vmem>>
      %dma_wait3A_387 = arith.constant 0 : i32
      %dma_wait3A_388 = arith.constant 0 : i32
      %dma_wait3A_389 = tpu.memref_slice %arg2[%dma_wait3A_387, %dma_wait3A_388] : memref<153600x128xf32, #tpu.memory_space<hbm>> -> memref<128x128xf32, #tpu.memory_space<hbm>>
      tpu.wait_dma2 semaphore(%arg10 : memref<!tpu.dma_semaphore, #tpu.memory_space<semaphore_mem>>) src(%dma_wait3A_389 : memref<128x128xf32, #tpu.memory_space<hbm>>) dst(%dma_wait3A_386 : memref<128x128xf32, #tpu.memory_space<vmem>>)
      %dma_start3A_390 = arith.constant 0 : i32
      %dma_start3A_391 = arith.constant 1 : i32
      %dma_start3A_392 = arith.constant 0 : i32
      %dma_start3A_393 = arith.constant 0 : i32
      %dma_start3A_394 = tpu.memref_slice %arg7[%dma_start3A_390, %dma_start3A_392, %dma_start3A_393] : memref<2x128x128xf32, #tpu.memory_space<vmem>> -> memref<1x128x128xf32, #tpu.memory_space<vmem>>
      %dma_start3A_395 = tpu.memref_squeeze %dma_start3A_394 : memref<1x128x128xf32, #tpu.memory_space<vmem>> -> memref<128x128xf32, #tpu.memory_space<vmem>>
      %dma_start3A_396 = arith.constant 0 : i32
      %dma_start3A_397 = tpu.memref_slice %arg6[%rem3A_308, %dma_start3A_391, %dma_start3A_396] : memref<3x2x128xi32, #tpu.memory_space<vmem>> -> memref<1x1x128xi32, #tpu.memory_space<vmem>>
      %dma_start3A_398 = tpu.memref_squeeze %dma_start3A_397 : memref<1x1x128xi32, #tpu.memory_space<vmem>> -> memref<128xi32, #tpu.memory_space<vmem>>
      %dma_start3A_399 = arith.constant 0 : i32
      %dma_start3A_400 = arith.constant 0 : i32
      %dma_start3A_401 = tpu.memref_slice %arg8[%dma_start3A_399, %dma_start3A_400] : memref<10240x128xf32, #tpu.memory_space<vmem_shared>> -> memref<10240x128xf32, #tpu.memory_space<vmem_shared>>
      tpu.enqueue_indirect_dma source(%dma_start3A_395 : memref<128x128xf32, #tpu.memory_space<vmem>>) target(%dma_start3A_401 : memref<10240x128xf32, #tpu.memory_space<vmem_shared>>) offsets(%dma_start3A_398 : memref<128xi32, #tpu.memory_space<vmem>>) semaphore(%arg12 : memref<!tpu.dma_semaphore, #tpu.memory_space<semaphore_mem>>) {add = true}
    }
    %scan3A_117 = arith.constant 21 : i32
    %dma_wait3A_118 = arith.constant 0 : i32
    %dma_wait3A_119 = arith.constant 0 : i32
    %dma_wait3A_120 = arith.constant 0 : i32
    %dma_wait3A_121 = tpu.memref_slice %arg7[%dma_wait3A_118, %dma_wait3A_119, %dma_wait3A_120] : memref<2x128x128xf32, #tpu.memory_space<vmem>> -> memref<1x128x128xf32, #tpu.memory_space<vmem>>
    %dma_wait3A_122 = tpu.memref_squeeze %dma_wait3A_121 : memref<1x128x128xf32, #tpu.memory_space<vmem>> -> memref<128x128xf32, #tpu.memory_space<vmem>>
    %dma_wait3A_123 = arith.constant 0 : i32
    %dma_wait3A_124 = arith.constant 0 : i32
    %dma_wait3A_125 = tpu.memref_slice %arg2[%dma_wait3A_123, %dma_wait3A_124] : memref<153600x128xf32, #tpu.memory_space<hbm>> -> memref<128x128xf32, #tpu.memory_space<hbm>>
    %dma_wait3A_126 = arith.constant 0 : i32
    %dma_wait3A_127 = arith.constant 0 : i32
    %dma_wait3A_128 = tpu.memref_slice %arg7[%dma_wait3A_118, %dma_wait3A_126, %dma_wait3A_127] : memref<2x128x128xf32, #tpu.memory_space<vmem>> -> memref<1x128x128xf32, #tpu.memory_space<vmem>>
    %dma_wait3A_129 = tpu.memref_squeeze %dma_wait3A_128 : memref<1x128x128xf32, #tpu.memory_space<vmem>> -> memref<128x128xf32, #tpu.memory_space<vmem>>
    %dma_wait3A_130 = arith.constant 0 : i32
    %dma_wait3A_131 = arith.constant 0 : i32
    %dma_wait3A_132 = tpu.memref_slice %arg2[%dma_wait3A_130, %dma_wait3A_131] : memref<153600x128xf32, #tpu.memory_space<hbm>> -> memref<128x128xf32, #tpu.memory_space<hbm>>
    tpu.wait_dma2 semaphore(%arg11 : memref<!tpu.dma_semaphore, #tpu.memory_space<semaphore_mem>>) src(%dma_wait3A_132 : memref<128x128xf32, #tpu.memory_space<hbm>>) dst(%dma_wait3A_129 : memref<128x128xf32, #tpu.memory_space<vmem>>)
    %dma_start3A_133 = arith.constant 1 : i32
    %dma_start3A_134 = arith.constant 1 : i32
    %dma_start3A_135 = arith.constant 1 : i32
    %dma_start3A_136 = arith.constant 0 : i32
    %dma_start3A_137 = arith.constant 0 : i32
    %dma_start3A_138 = tpu.memref_slice %arg7[%dma_start3A_133, %dma_start3A_136, %dma_start3A_137] : memref<2x128x128xf32, #tpu.memory_space<vmem>> -> memref<1x128x128xf32, #tpu.memory_space<vmem>>
    %dma_start3A_139 = tpu.memref_squeeze %dma_start3A_138 : memref<1x128x128xf32, #tpu.memory_space<vmem>> -> memref<128x128xf32, #tpu.memory_space<vmem>>
    %dma_start3A_140 = arith.constant 0 : i32
    %dma_start3A_141 = tpu.memref_slice %arg6[%dma_start3A_134, %dma_start3A_135, %dma_start3A_140] : memref<3x2x128xi32, #tpu.memory_space<vmem>> -> memref<1x1x128xi32, #tpu.memory_space<vmem>>
    %dma_start3A_142 = tpu.memref_squeeze %dma_start3A_141 : memref<1x1x128xi32, #tpu.memory_space<vmem>> -> memref<128xi32, #tpu.memory_space<vmem>>
    %dma_start3A_143 = arith.constant 0 : i32
    %dma_start3A_144 = arith.constant 0 : i32
    %dma_start3A_145 = tpu.memref_slice %arg8[%dma_start3A_143, %dma_start3A_144] : memref<10240x128xf32, #tpu.memory_space<vmem_shared>> -> memref<10240x128xf32, #tpu.memory_space<vmem_shared>>
    tpu.enqueue_indirect_dma source(%dma_start3A_139 : memref<128x128xf32, #tpu.memory_space<vmem>>) target(%dma_start3A_145 : memref<10240x128xf32, #tpu.memory_space<vmem_shared>>) offsets(%dma_start3A_142 : memref<128xi32, #tpu.memory_space<vmem>>) semaphore(%arg13 : memref<!tpu.dma_semaphore, #tpu.memory_space<semaphore_mem>>) {add = true}
    %dma_wait3A_146 = arith.constant 0 : i32
    %dma_wait3A_147 = arith.constant 0 : i32
    %dma_wait3A_148 = arith.constant 0 : i32
    %dma_wait3A_149 = tpu.memref_slice %arg7[%dma_wait3A_146, %dma_wait3A_147, %dma_wait3A_148] : memref<2x128x128xf32, #tpu.memory_space<vmem>> -> memref<1x128x128xf32, #tpu.memory_space<vmem>>
    %dma_wait3A_150 = tpu.memref_squeeze %dma_wait3A_149 : memref<1x128x128xf32, #tpu.memory_space<vmem>> -> memref<128x128xf32, #tpu.memory_space<vmem>>
    %dma_wait3A_151 = arith.constant 0 : i32
    %dma_wait3A_152 = arith.constant 0 : i32
    %dma_wait3A_153 = tpu.memref_slice %arg2[%dma_wait3A_151, %dma_wait3A_152] : memref<153600x128xf32, #tpu.memory_space<hbm>> -> memref<128x128xf32, #tpu.memory_space<hbm>>
    %dma_wait3A_154 = arith.constant 0 : i32
    %dma_wait3A_155 = arith.constant 0 : i32
    %dma_wait3A_156 = tpu.memref_slice %arg7[%dma_wait3A_146, %dma_wait3A_154, %dma_wait3A_155] : memref<2x128x128xf32, #tpu.memory_space<vmem>> -> memref<1x128x128xf32, #tpu.memory_space<vmem>>
    %dma_wait3A_157 = tpu.memref_squeeze %dma_wait3A_156 : memref<1x128x128xf32, #tpu.memory_space<vmem>> -> memref<128x128xf32, #tpu.memory_space<vmem>>
    %dma_wait3A_158 = arith.constant 0 : i32
    %dma_wait3A_159 = arith.constant 0 : i32
    %dma_wait3A_160 = tpu.memref_slice %arg2[%dma_wait3A_158, %dma_wait3A_159] : memref<153600x128xf32, #tpu.memory_space<hbm>> -> memref<128x128xf32, #tpu.memory_space<hbm>>
    tpu.wait_dma2 semaphore(%arg12 : memref<!tpu.dma_semaphore, #tpu.memory_space<semaphore_mem>>) src(%dma_wait3A_160 : memref<128x128xf32, #tpu.memory_space<hbm>>) dst(%dma_wait3A_157 : memref<128x128xf32, #tpu.memory_space<vmem>>)
    %dma_wait3A_161 = arith.constant 0 : i32
    %dma_wait3A_162 = arith.constant 0 : i32
    %dma_wait3A_163 = arith.constant 0 : i32
    %dma_wait3A_164 = tpu.memref_slice %arg7[%dma_wait3A_161, %dma_wait3A_162, %dma_wait3A_163] : memref<2x128x128xf32, #tpu.memory_space<vmem>> -> memref<1x128x128xf32, #tpu.memory_space<vmem>>
    %dma_wait3A_165 = tpu.memref_squeeze %dma_wait3A_164 : memref<1x128x128xf32, #tpu.memory_space<vmem>> -> memref<128x128xf32, #tpu.memory_space<vmem>>
    %dma_wait3A_166 = arith.constant 0 : i32
    %dma_wait3A_167 = arith.constant 0 : i32
    %dma_wait3A_168 = tpu.memref_slice %arg2[%dma_wait3A_166, %dma_wait3A_167] : memref<153600x128xf32, #tpu.memory_space<hbm>> -> memref<128x128xf32, #tpu.memory_space<hbm>>
    %dma_wait3A_169 = arith.constant 0 : i32
    %dma_wait3A_170 = arith.constant 0 : i32
    %dma_wait3A_171 = tpu.memref_slice %arg7[%dma_wait3A_161, %dma_wait3A_169, %dma_wait3A_170] : memref<2x128x128xf32, #tpu.memory_space<vmem>> -> memref<1x128x128xf32, #tpu.memory_space<vmem>>
    %dma_wait3A_172 = tpu.memref_squeeze %dma_wait3A_171 : memref<1x128x128xf32, #tpu.memory_space<vmem>> -> memref<128x128xf32, #tpu.memory_space<vmem>>
    %dma_wait3A_173 = arith.constant 0 : i32
    %dma_wait3A_174 = arith.constant 0 : i32
    %dma_wait3A_175 = tpu.memref_slice %arg2[%dma_wait3A_173, %dma_wait3A_174] : memref<153600x128xf32, #tpu.memory_space<hbm>> -> memref<128x128xf32, #tpu.memory_space<hbm>>
    tpu.wait_dma2 semaphore(%arg13 : memref<!tpu.dma_semaphore, #tpu.memory_space<semaphore_mem>>) src(%dma_wait3A_175 : memref<128x128xf32, #tpu.memory_space<hbm>>) dst(%dma_wait3A_172 : memref<128x128xf32, #tpu.memory_space<vmem>>)
    %dma_wait3A_176 = arith.constant 0 : i32
    %dma_wait3A_177 = arith.constant 0 : i32
    %dma_wait3A_178 = arith.constant 0 : i32
    %dma_wait3A_179 = tpu.memref_slice %arg6[%dma_wait3A_176, %dma_wait3A_177, %dma_wait3A_178] : memref<3x2x128xi32, #tpu.memory_space<vmem>> -> memref<1x2x128xi32, #tpu.memory_space<vmem>>
    %dma_wait3A_180 = arith.constant 0 : i32
    %dma_wait3A_181 = arith.constant 0 : i32
    %dma_wait3A_182 = arith.constant 0 : i32
    %dma_wait3A_183 = tpu.memref_slice %arg3[%dma_wait3A_180, %dma_wait3A_181, %dma_wait3A_182] : memref<1410x2x128xi32, #tpu.memory_space<hbm>> -> memref<1x2x128xi32, #tpu.memory_space<hbm>>
    %dma_wait3A_184 = arith.constant 0 : i32
    %dma_wait3A_185 = arith.constant 0 : i32
    %dma_wait3A_186 = arith.constant 0 : i32
    %dma_wait3A_187 = tpu.memref_slice %arg6[%dma_wait3A_184, %dma_wait3A_185, %dma_wait3A_186] : memref<3x2x128xi32, #tpu.memory_space<vmem>> -> memref<1x2x128xi32, #tpu.memory_space<vmem>>
    %dma_wait3A_188 = arith.constant 0 : i32
    %dma_wait3A_189 = arith.constant 0 : i32
    %dma_wait3A_190 = arith.constant 0 : i32
    %dma_wait3A_191 = tpu.memref_slice %arg3[%dma_wait3A_188, %dma_wait3A_189, %dma_wait3A_190] : memref<1410x2x128xi32, #tpu.memory_space<hbm>> -> memref<1x2x128xi32, #tpu.memory_space<hbm>>
    tpu.wait_dma2 semaphore(%arg9 : memref<!tpu.dma_semaphore, #tpu.memory_space<semaphore_mem>>) src(%dma_wait3A_191 : memref<1x2x128xi32, #tpu.memory_space<hbm>>) dst(%dma_wait3A_187 : memref<1x2x128xi32, #tpu.memory_space<vmem>>)
    %barrier3A_192 = arith.constant 0 : index
    tpu.barrier barrier_id(%barrier3A_192)
    %mul3A_193 = arith.constant 640 : i32
    %mul3A_194 = arith.muli %arg1, %mul3A_193 : i32
    %mul3A_195 = arith.constant 640 : i32
    %mul3A_196 = arith.muli %arg1, %mul3A_195 : i32
    "tpu.region"() ({
      %run_scoped3A_197 = tpu.sem_alloc : memref<!tpu.dma_semaphore, #tpu.memory_space<semaphore_mem>>
      %dma_start3A_198 = arith.constant 0 : i32
      %dma_start3A_199 = tpu.memref_slice %arg5[%arg0, %mul3A_196, %dma_start3A_198] : memref<2x10240x128xf32, #tpu.memory_space<hbm>> -> memref<1x640x128xf32, #tpu.memory_space<hbm>>
      %dma_start3A_200 = tpu.memref_squeeze %dma_start3A_199 : memref<1x640x128xf32, #tpu.memory_space<hbm>> -> memref<640x128xf32, #tpu.memory_space<hbm>>
      %dma_start3A_201 = arith.constant 0 : i32
      %dma_start3A_202 = tpu.memref_slice %arg8[%mul3A_194, %dma_start3A_201] : memref<10240x128xf32, #tpu.memory_space<vmem_shared>> -> memref<640x128xf32, #tpu.memory_space<vmem_shared>>
      tpu.enqueue_dma source(%dma_start3A_202 : memref<640x128xf32, #tpu.memory_space<vmem_shared>>) target(%dma_start3A_200 : memref<640x128xf32, #tpu.memory_space<hbm>>) target_semaphore(%run_scoped3A_197 : memref<!tpu.dma_semaphore, #tpu.memory_space<semaphore_mem>>)
      %dma_wait3A_203 = arith.constant 0 : i32
      %dma_wait3A_204 = tpu.memref_slice %arg5[%arg0, %mul3A_196, %dma_wait3A_203] : memref<2x10240x128xf32, #tpu.memory_space<hbm>> -> memref<1x640x128xf32, #tpu.memory_space<hbm>>
      %dma_wait3A_205 = tpu.memref_squeeze %dma_wait3A_204 : memref<1x640x128xf32, #tpu.memory_space<hbm>> -> memref<640x128xf32, #tpu.memory_space<hbm>>
      %dma_wait3A_206 = arith.constant 0 : i32
      %dma_wait3A_207 = tpu.memref_slice %arg8[%mul3A_194, %dma_wait3A_206] : memref<10240x128xf32, #tpu.memory_space<vmem_shared>> -> memref<640x128xf32, #tpu.memory_space<vmem_shared>>
      tpu.wait_dma2 semaphore(%run_scoped3A_197 : memref<!tpu.dma_semaphore, #tpu.memory_space<semaphore_mem>>) src(%dma_wait3A_207 : memref<640x128xf32, #tpu.memory_space<vmem_shared>>) dst(%dma_wait3A_205 : memref<640x128xf32, #tpu.memory_space<hbm>>)
      tpu.yield
    }) : () -> ()
    return
  }
}

#map = affine_map<(d0, d1) -> (0, 0)>
#map1 = affine_map<(d0, d1) -> (0, 0, 0)>
module attributes {stable_mosaic.version = 14 : i64} {
  func.func @_sc_gather_scatter(%arg0: i32, %arg1: i32, %arg2: memref<153600x128xf32, #tpu.memory_space<hbm>>, %arg3: memref<1410x2x128xi32, #tpu.memory_space<hbm>>, %arg4: memref<10240x128xf32, #tpu.memory_space<hbm>>, %arg5: memref<2x10240x128xf32, #tpu.memory_space<hbm>>, %arg6: memref<3x2x128xi32, #tpu.memory_space<vmem>>, %arg7: memref<2x128x128xf32, #tpu.memory_space<vmem>>, %arg8: memref<10240x128xf32, #tpu.memory_space<vmem_shared>>, %arg9: memref<!tpu.dma_semaphore, #tpu.memory_space<semaphore_mem>>, %arg10: memref<!tpu.dma_semaphore, #tpu.memory_space<semaphore_mem>>, %arg11: memref<!tpu.dma_semaphore, #tpu.memory_space<semaphore_mem>>, %arg12: memref<!tpu.dma_semaphore, #tpu.memory_space<semaphore_mem>>, %arg13: memref<!tpu.dma_semaphore, #tpu.memory_space<semaphore_mem>>) attributes {dimension_semantics = [#tpu.dimension_semantics<core_parallel>, #tpu.dimension_semantics<subcore_parallel>], iteration_bounds = array<i64: 2, 16>, scalar_prefetch = 0 : i64, scratch_operands = 8 : i64, tpu.core_type = #tpu.core_type<sc_vector_subcore>, window_params = [{transform_indices = #map}, {transform_indices = #map1}, {transform_indices = #map}, {transform_indices = #map1}]} {
    %mul3A = arith.constant 2 : i32
    %mul3A_0 = arith.muli %arg1, %mul3A : i32
    %add3A = arith.addi %mul3A_0, %arg0 : i32
    %mul3A_1 = arith.constant 44 : i32
    %mul3A_2 = arith.muli %add3A, %mul3A_1 : i32
    %run_scoped3A = arith.constant 0 : i32
    "tpu.region"() ({
      %run_scoped3A_197 = tpu.sem_alloc : memref<!tpu.dma_semaphore, #tpu.memory_space<semaphore_mem>>
      %dma_start3A_198 = arith.constant 0 : i32
      %dma_start3A_199 = arith.constant 0 : i32
      %dma_start3A_200 = tpu.memref_slice %arg6[%run_scoped3A, %dma_start3A_198, %dma_start3A_199] : memref<3x2x128xi32, #tpu.memory_space<vmem>> -> memref<1x2x128xi32, #tpu.memory_space<vmem>>
      %dma_start3A_201 = tpu.memref_squeeze %dma_start3A_200 : memref<1x2x128xi32, #tpu.memory_space<vmem>> -> memref<2x128xi32, #tpu.memory_space<vmem>>
      %dma_start3A_202 = arith.constant 0 : i32
      %dma_start3A_203 = arith.constant 0 : i32
      %dma_start3A_204 = tpu.memref_slice %arg3[%mul3A_2, %dma_start3A_202, %dma_start3A_203] : memref<1410x2x128xi32, #tpu.memory_space<hbm>> -> memref<1x2x128xi32, #tpu.memory_space<hbm>>
      %dma_start3A_205 = tpu.memref_squeeze %dma_start3A_204 : memref<1x2x128xi32, #tpu.memory_space<hbm>> -> memref<2x128xi32, #tpu.memory_space<hbm>>
      %dma_start3A_206 = arith.constant 0 : i32
      %dma_start3A_207 = arith.constant 0 : i32
      %dma_start3A_208 = tpu.memref_slice %arg6[%run_scoped3A, %dma_start3A_206, %dma_start3A_207] : memref<3x2x128xi32, #tpu.memory_space<vmem>> -> memref<1x2x128xi32, #tpu.memory_space<vmem>>
      %dma_start3A_209 = tpu.memref_squeeze %dma_start3A_208 : memref<1x2x128xi32, #tpu.memory_space<vmem>> -> memref<2x128xi32, #tpu.memory_space<vmem>>
      %dma_start3A_210 = arith.constant 0 : i32
      %dma_start3A_211 = arith.constant 0 : i32
      %dma_start3A_212 = tpu.memref_slice %arg3[%mul3A_2, %dma_start3A_210, %dma_start3A_211] : memref<1410x2x128xi32, #tpu.memory_space<hbm>> -> memref<1x2x128xi32, #tpu.memory_space<hbm>>
      %dma_start3A_213 = tpu.memref_squeeze %dma_start3A_212 : memref<1x2x128xi32, #tpu.memory_space<hbm>> -> memref<2x128xi32, #tpu.memory_space<hbm>>
      tpu.enqueue_dma source(%dma_start3A_213 : memref<2x128xi32, #tpu.memory_space<hbm>>) target(%dma_start3A_209 : memref<2x128xi32, #tpu.memory_space<vmem>>) target_semaphore(%run_scoped3A_197 : memref<!tpu.dma_semaphore, #tpu.memory_space<semaphore_mem>>)
      %dma_wait3A_214 = arith.constant 0 : i32
      %dma_wait3A_215 = arith.constant 0 : i32
      %dma_wait3A_216 = tpu.memref_slice %arg6[%run_scoped3A, %dma_wait3A_214, %dma_wait3A_215] : memref<3x2x128xi32, #tpu.memory_space<vmem>> -> memref<1x2x128xi32, #tpu.memory_space<vmem>>
      %dma_wait3A_217 = tpu.memref_squeeze %dma_wait3A_216 : memref<1x2x128xi32, #tpu.memory_space<vmem>> -> memref<2x128xi32, #tpu.memory_space<vmem>>
      %dma_wait3A_218 = arith.constant 0 : i32
      %dma_wait3A_219 = arith.constant 0 : i32
      %dma_wait3A_220 = tpu.memref_slice %arg3[%mul3A_2, %dma_wait3A_218, %dma_wait3A_219] : memref<1410x2x128xi32, #tpu.memory_space<hbm>> -> memref<1x2x128xi32, #tpu.memory_space<hbm>>
      %dma_wait3A_221 = tpu.memref_squeeze %dma_wait3A_220 : memref<1x2x128xi32, #tpu.memory_space<hbm>> -> memref<2x128xi32, #tpu.memory_space<hbm>>
      %dma_wait3A_222 = arith.constant 0 : i32
      %dma_wait3A_223 = arith.constant 0 : i32
      %dma_wait3A_224 = tpu.memref_slice %arg6[%run_scoped3A, %dma_wait3A_222, %dma_wait3A_223] : memref<3x2x128xi32, #tpu.memory_space<vmem>> -> memref<1x2x128xi32, #tpu.memory_space<vmem>>
      %dma_wait3A_225 = tpu.memref_squeeze %dma_wait3A_224 : memref<1x2x128xi32, #tpu.memory_space<vmem>> -> memref<2x128xi32, #tpu.memory_space<vmem>>
      %dma_wait3A_226 = arith.constant 0 : i32
      %dma_wait3A_227 = arith.constant 0 : i32
      %dma_wait3A_228 = tpu.memref_slice %arg3[%mul3A_2, %dma_wait3A_226, %dma_wait3A_227] : memref<1410x2x128xi32, #tpu.memory_space<hbm>> -> memref<1x2x128xi32, #tpu.memory_space<hbm>>
      %dma_wait3A_229 = tpu.memref_squeeze %dma_wait3A_228 : memref<1x2x128xi32, #tpu.memory_space<hbm>> -> memref<2x128xi32, #tpu.memory_space<hbm>>
      tpu.wait_dma2 semaphore(%run_scoped3A_197 : memref<!tpu.dma_semaphore, #tpu.memory_space<semaphore_mem>>) src(%dma_wait3A_229 : memref<2x128xi32, #tpu.memory_space<hbm>>) dst(%dma_wait3A_225 : memref<2x128xi32, #tpu.memory_space<vmem>>)
      tpu.yield
    }) : () -> ()
    %dma_start3A = arith.constant 0 : i32
    %dma_start3A_3 = arith.constant 0 : i32
    %dma_start3A_4 = arith.constant 0 : i32
    %dma_start3A_5 = arith.constant 0 : i32
    %dma_start3A_6 = arith.constant 0 : i32
    %dma_start3A_7 = tpu.memref_slice %arg7[%dma_start3A_4, %dma_start3A_5, %dma_start3A_6] : memref<2x128x128xf32, #tpu.memory_space<vmem>> -> memref<1x128x128xf32, #tpu.memory_space<vmem>>
    %dma_start3A_8 = tpu.memref_squeeze %dma_start3A_7 : memref<1x128x128xf32, #tpu.memory_space<vmem>> -> memref<128x128xf32, #tpu.memory_space<vmem>>
    %dma_start3A_9 = arith.constant 0 : i32
    %dma_start3A_10 = tpu.memref_slice %arg6[%dma_start3A, %dma_start3A_3, %dma_start3A_9] : memref<3x2x128xi32, #tpu.memory_space<vmem>> -> memref<1x1x128xi32, #tpu.memory_space<vmem>>
    %dma_start3A_11 = tpu.memref_squeeze %dma_start3A_10 : memref<1x1x128xi32, #tpu.memory_space<vmem>> -> memref<128xi32, #tpu.memory_space<vmem>>
    %dma_start3A_12 = arith.constant 0 : i32
    %dma_start3A_13 = arith.constant 0 : i32
    %dma_start3A_14 = tpu.memref_slice %arg2[%dma_start3A_12, %dma_start3A_13] : memref<153600x128xf32, #tpu.memory_space<hbm>> -> memref<153600x128xf32, #tpu.memory_space<hbm>>
    tpu.enqueue_indirect_dma source(%dma_start3A_14 : memref<153600x128xf32, #tpu.memory_space<hbm>>) target(%dma_start3A_8 : memref<128x128xf32, #tpu.memory_space<vmem>>) offsets(%dma_start3A_11 : memref<128xi32, #tpu.memory_space<vmem>>) semaphore(%arg10 : memref<!tpu.dma_semaphore, #tpu.memory_space<semaphore_mem>>)
    %add3A_15 = arith.constant 1 : i32
    %add3A_16 = arith.addi %mul3A_2, %add3A_15 : i32
    %dma_start3A_17 = arith.constant 1 : i32
    %dma_start3A_18 = arith.constant 0 : i32
    %dma_start3A_19 = arith.constant 0 : i32
    %dma_start3A_20 = tpu.memref_slice %arg6[%dma_start3A_17, %dma_start3A_18, %dma_start3A_19] : memref<3x2x128xi32, #tpu.memory_space<vmem>> -> memref<1x2x128xi32, #tpu.memory_space<vmem>>
    %dma_start3A_21 = tpu.memref_squeeze %dma_start3A_20 : memref<1x2x128xi32, #tpu.memory_space<vmem>> -> memref<2x128xi32, #tpu.memory_space<vmem>>
    %dma_start3A_22 = arith.constant 0 : i32
    %dma_start3A_23 = arith.constant 0 : i32
    %dma_start3A_24 = tpu.memref_slice %arg3[%add3A_16, %dma_start3A_22, %dma_start3A_23] : memref<1410x2x128xi32, #tpu.memory_space<hbm>> -> memref<1x2x128xi32, #tpu.memory_space<hbm>>
    %dma_start3A_25 = tpu.memref_squeeze %dma_start3A_24 : memref<1x2x128xi32, #tpu.memory_space<hbm>> -> memref<2x128xi32, #tpu.memory_space<hbm>>
    %dma_start3A_26 = arith.constant 0 : i32
    %dma_start3A_27 = arith.constant 0 : i32
    %dma_start3A_28 = tpu.memref_slice %arg6[%dma_start3A_17, %dma_start3A_26, %dma_start3A_27] : memref<3x2x128xi32, #tpu.memory_space<vmem>> -> memref<1x2x128xi32, #tpu.memory_space<vmem>>
    %dma_start3A_29 = tpu.memref_squeeze %dma_start3A_28 : memref<1x2x128xi32, #tpu.memory_space<vmem>> -> memref<2x128xi32, #tpu.memory_space<vmem>>
    %dma_start3A_30 = arith.constant 0 : i32
    %dma_start3A_31 = arith.constant 0 : i32
    %dma_start3A_32 = tpu.memref_slice %arg3[%add3A_16, %dma_start3A_30, %dma_start3A_31] : memref<1410x2x128xi32, #tpu.memory_space<hbm>> -> memref<1x2x128xi32, #tpu.memory_space<hbm>>
    %dma_start3A_33 = tpu.memref_squeeze %dma_start3A_32 : memref<1x2x128xi32, #tpu.memory_space<hbm>> -> memref<2x128xi32, #tpu.memory_space<hbm>>
    tpu.enqueue_dma source(%dma_start3A_33 : memref<2x128xi32, #tpu.memory_space<hbm>>) target(%dma_start3A_29 : memref<2x128xi32, #tpu.memory_space<vmem>>) target_semaphore(%arg9 : memref<!tpu.dma_semaphore, #tpu.memory_space<semaphore_mem>>)
    %mul3A_34 = arith.constant 640 : i32
    %mul3A_35 = arith.muli %arg1, %mul3A_34 : i32
    %mul3A_36 = arith.constant 640 : i32
    %mul3A_37 = arith.muli %arg1, %mul3A_36 : i32
    "tpu.region"() ({
      %run_scoped3A_197 = tpu.sem_alloc : memref<!tpu.dma_semaphore, #tpu.memory_space<semaphore_mem>>
      %dma_start3A_198 = arith.constant 0 : i32
      %dma_start3A_199 = tpu.memref_slice %arg8[%mul3A_37, %dma_start3A_198] : memref<10240x128xf32, #tpu.memory_space<vmem_shared>> -> memref<640x128xf32, #tpu.memory_space<vmem_shared>>
      %dma_start3A_200 = arith.constant 0 : i32
      %dma_start3A_201 = tpu.memref_slice %arg4[%mul3A_35, %dma_start3A_200] : memref<10240x128xf32, #tpu.memory_space<hbm>> -> memref<640x128xf32, #tpu.memory_space<hbm>>
      tpu.enqueue_dma source(%dma_start3A_201 : memref<640x128xf32, #tpu.memory_space<hbm>>) target(%dma_start3A_199 : memref<640x128xf32, #tpu.memory_space<vmem_shared>>) target_semaphore(%run_scoped3A_197 : memref<!tpu.dma_semaphore, #tpu.memory_space<semaphore_mem>>)
      %dma_wait3A_202 = arith.constant 0 : i32
      %dma_wait3A_203 = tpu.memref_slice %arg8[%mul3A_37, %dma_wait3A_202] : memref<10240x128xf32, #tpu.memory_space<vmem_shared>> -> memref<640x128xf32, #tpu.memory_space<vmem_shared>>
      %dma_wait3A_204 = arith.constant 0 : i32
      %dma_wait3A_205 = tpu.memref_slice %arg4[%mul3A_35, %dma_wait3A_204] : memref<10240x128xf32, #tpu.memory_space<hbm>> -> memref<640x128xf32, #tpu.memory_space<hbm>>
      tpu.wait_dma2 semaphore(%run_scoped3A_197 : memref<!tpu.dma_semaphore, #tpu.memory_space<semaphore_mem>>) src(%dma_wait3A_205 : memref<640x128xf32, #tpu.memory_space<hbm>>) dst(%dma_wait3A_203 : memref<640x128xf32, #tpu.memory_space<vmem_shared>>)
      tpu.yield
    }) : () -> ()
    %barrier3A = arith.constant 0 : index
    tpu.barrier barrier_id(%barrier3A)
    %dma_wait3A = arith.constant 0 : i32
    %dma_wait3A_38 = arith.constant 0 : i32
    %dma_wait3A_39 = arith.constant 0 : i32
    %dma_wait3A_40 = tpu.memref_slice %arg6[%dma_wait3A, %dma_wait3A_38, %dma_wait3A_39] : memref<3x2x128xi32, #tpu.memory_space<vmem>> -> memref<1x2x128xi32, #tpu.memory_space<vmem>>
    %dma_wait3A_41 = arith.constant 0 : i32
    %dma_wait3A_42 = arith.constant 0 : i32
    %dma_wait3A_43 = arith.constant 0 : i32
    %dma_wait3A_44 = tpu.memref_slice %arg3[%dma_wait3A_41, %dma_wait3A_42, %dma_wait3A_43] : memref<1410x2x128xi32, #tpu.memory_space<hbm>> -> memref<1x2x128xi32, #tpu.memory_space<hbm>>
    %dma_wait3A_45 = arith.constant 0 : i32
    %dma_wait3A_46 = arith.constant 0 : i32
    %dma_wait3A_47 = arith.constant 0 : i32
    %dma_wait3A_48 = tpu.memref_slice %arg6[%dma_wait3A_45, %dma_wait3A_46, %dma_wait3A_47] : memref<3x2x128xi32, #tpu.memory_space<vmem>> -> memref<1x2x128xi32, #tpu.memory_space<vmem>>
    %dma_wait3A_49 = arith.constant 0 : i32
    %dma_wait3A_50 = arith.constant 0 : i32
    %dma_wait3A_51 = arith.constant 0 : i32
    %dma_wait3A_52 = tpu.memref_slice %arg3[%dma_wait3A_49, %dma_wait3A_50, %dma_wait3A_51] : memref<1410x2x128xi32, #tpu.memory_space<hbm>> -> memref<1x2x128xi32, #tpu.memory_space<hbm>>
    tpu.wait_dma2 semaphore(%arg9 : memref<!tpu.dma_semaphore, #tpu.memory_space<semaphore_mem>>) src(%dma_wait3A_52 : memref<1x2x128xi32, #tpu.memory_space<hbm>>) dst(%dma_wait3A_48 : memref<1x2x128xi32, #tpu.memory_space<vmem>>)
    %dma_start3A_53 = arith.constant 1 : i32
    %dma_start3A_54 = arith.constant 0 : i32
    %dma_start3A_55 = arith.constant 1 : i32
    %dma_start3A_56 = arith.constant 0 : i32
    %dma_start3A_57 = arith.constant 0 : i32
    %dma_start3A_58 = tpu.memref_slice %arg7[%dma_start3A_55, %dma_start3A_56, %dma_start3A_57] : memref<2x128x128xf32, #tpu.memory_space<vmem>> -> memref<1x128x128xf32, #tpu.memory_space<vmem>>
    %dma_start3A_59 = tpu.memref_squeeze %dma_start3A_58 : memref<1x128x128xf32, #tpu.memory_space<vmem>> -> memref<128x128xf32, #tpu.memory_space<vmem>>
    %dma_start3A_60 = arith.constant 0 : i32
    %dma_start3A_61 = tpu.memref_slice %arg6[%dma_start3A_53, %dma_start3A_54, %dma_start3A_60] : memref<3x2x128xi32, #tpu.memory_space<vmem>> -> memref<1x1x128xi32, #tpu.memory_space<vmem>>
    %dma_start3A_62 = tpu.memref_squeeze %dma_start3A_61 : memref<1x1x128xi32, #tpu.memory_space<vmem>> -> memref<128xi32, #tpu.memory_space<vmem>>
    %dma_start3A_63 = arith.constant 0 : i32
    %dma_start3A_64 = arith.constant 0 : i32
    %dma_start3A_65 = tpu.memref_slice %arg2[%dma_start3A_63, %dma_start3A_64] : memref<153600x128xf32, #tpu.memory_space<hbm>> -> memref<153600x128xf32, #tpu.memory_space<hbm>>
    tpu.enqueue_indirect_dma source(%dma_start3A_65 : memref<153600x128xf32, #tpu.memory_space<hbm>>) target(%dma_start3A_59 : memref<128x128xf32, #tpu.memory_space<vmem>>) offsets(%dma_start3A_62 : memref<128xi32, #tpu.memory_space<vmem>>) semaphore(%arg11 : memref<!tpu.dma_semaphore, #tpu.memory_space<semaphore_mem>>)
    %add3A_66 = arith.constant 2 : i32
    %add3A_67 = arith.addi %mul3A_2, %add3A_66 : i32
    %dma_start3A_68 = arith.constant 2 : i32
    %dma_start3A_69 = arith.constant 0 : i32
    %dma_start3A_70 = arith.constant 0 : i32
    %dma_start3A_71 = tpu.memref_slice %arg6[%dma_start3A_68, %dma_start3A_69, %dma_start3A_70] : memref<3x2x128xi32, #tpu.memory_space<vmem>> -> memref<1x2x128xi32, #tpu.memory_space<vmem>>
    %dma_start3A_72 = tpu.memref_squeeze %dma_start3A_71 : memref<1x2x128xi32, #tpu.memory_space<vmem>> -> memref<2x128xi32, #tpu.memory_space<vmem>>
    %dma_start3A_73 = arith.constant 0 : i32
    %dma_start3A_74 = arith.constant 0 : i32
    %dma_start3A_75 = tpu.memref_slice %arg3[%add3A_67, %dma_start3A_73, %dma_start3A_74] : memref<1410x2x128xi32, #tpu.memory_space<hbm>> -> memref<1x2x128xi32, #tpu.memory_space<hbm>>
    %dma_start3A_76 = tpu.memref_squeeze %dma_start3A_75 : memref<1x2x128xi32, #tpu.memory_space<hbm>> -> memref<2x128xi32, #tpu.memory_space<hbm>>
    %dma_start3A_77 = arith.constant 0 : i32
    %dma_start3A_78 = arith.constant 0 : i32
    %dma_start3A_79 = tpu.memref_slice %arg6[%dma_start3A_68, %dma_start3A_77, %dma_start3A_78] : memref<3x2x128xi32, #tpu.memory_space<vmem>> -> memref<1x2x128xi32, #tpu.memory_space<vmem>>
    %dma_start3A_80 = tpu.memref_squeeze %dma_start3A_79 : memref<1x2x128xi32, #tpu.memory_space<vmem>> -> memref<2x128xi32, #tpu.memory_space<vmem>>
    %dma_start3A_81 = arith.constant 0 : i32
    %dma_start3A_82 = arith.constant 0 : i32
    %dma_start3A_83 = tpu.memref_slice %arg3[%add3A_67, %dma_start3A_81, %dma_start3A_82] : memref<1410x2x128xi32, #tpu.memory_space<hbm>> -> memref<1x2x128xi32, #tpu.memory_space<hbm>>
    %dma_start3A_84 = tpu.memref_squeeze %dma_start3A_83 : memref<1x2x128xi32, #tpu.memory_space<hbm>> -> memref<2x128xi32, #tpu.memory_space<hbm>>
    tpu.enqueue_dma source(%dma_start3A_84 : memref<2x128xi32, #tpu.memory_space<hbm>>) target(%dma_start3A_80 : memref<2x128xi32, #tpu.memory_space<vmem>>) target_semaphore(%arg9 : memref<!tpu.dma_semaphore, #tpu.memory_space<semaphore_mem>>)
    %dma_wait3A_85 = arith.constant 0 : i32
    %dma_wait3A_86 = arith.constant 0 : i32
    %dma_wait3A_87 = arith.constant 0 : i32
    %dma_wait3A_88 = tpu.memref_slice %arg7[%dma_wait3A_85, %dma_wait3A_86, %dma_wait3A_87] : memref<2x128x128xf32, #tpu.memory_space<vmem>> -> memref<1x128x128xf32, #tpu.memory_space<vmem>>
    %dma_wait3A_89 = tpu.memref_squeeze %dma_wait3A_88 : memref<1x128x128xf32, #tpu.memory_space<vmem>> -> memref<128x128xf32, #tpu.memory_space<vmem>>
    %dma_wait3A_90 = arith.constant 0 : i32
    %dma_wait3A_91 = arith.constant 0 : i32
    %dma_wait3A_92 = tpu.memref_slice %arg2[%dma_wait3A_90, %dma_wait3A_91] : memref<153600x128xf32, #tpu.memory_space<hbm>> -> memref<128x128xf32, #tpu.memory_space<hbm>>
    %dma_wait3A_93 = arith.constant 0 : i32
    %dma_wait3A_94 = arith.constant 0 : i32
    %dma_wait3A_95 = tpu.memref_slice %arg7[%dma_wait3A_85, %dma_wait3A_93, %dma_wait3A_94] : memref<2x128x128xf32, #tpu.memory_space<vmem>> -> memref<1x128x128xf32, #tpu.memory_space<vmem>>
    %dma_wait3A_96 = tpu.memref_squeeze %dma_wait3A_95 : memref<1x128x128xf32, #tpu.memory_space<vmem>> -> memref<128x128xf32, #tpu.memory_space<vmem>>
    %dma_wait3A_97 = arith.constant 0 : i32
    %dma_wait3A_98 = arith.constant 0 : i32
    %dma_wait3A_99 = tpu.memref_slice %arg2[%dma_wait3A_97, %dma_wait3A_98] : memref<153600x128xf32, #tpu.memory_space<hbm>> -> memref<128x128xf32, #tpu.memory_space<hbm>>
    tpu.wait_dma2 semaphore(%arg10 : memref<!tpu.dma_semaphore, #tpu.memory_space<semaphore_mem>>) src(%dma_wait3A_99 : memref<128x128xf32, #tpu.memory_space<hbm>>) dst(%dma_wait3A_96 : memref<128x128xf32, #tpu.memory_space<vmem>>)
    %dma_start3A_100 = arith.constant 0 : i32
    %dma_start3A_101 = arith.constant 0 : i32
    %dma_start3A_102 = arith.constant 1 : i32
    %dma_start3A_103 = arith.constant 0 : i32
    %dma_start3A_104 = arith.constant 0 : i32
    %dma_start3A_105 = tpu.memref_slice %arg7[%dma_start3A_100, %dma_start3A_103, %dma_start3A_104] : memref<2x128x128xf32, #tpu.memory_space<vmem>> -> memref<1x128x128xf32, #tpu.memory_space<vmem>>
    %dma_start3A_106 = tpu.memref_squeeze %dma_start3A_105 : memref<1x128x128xf32, #tpu.memory_space<vmem>> -> memref<128x128xf32, #tpu.memory_space<vmem>>
    %dma_start3A_107 = arith.constant 0 : i32
    %dma_start3A_108 = tpu.memref_slice %arg6[%dma_start3A_101, %dma_start3A_102, %dma_start3A_107] : memref<3x2x128xi32, #tpu.memory_space<vmem>> -> memref<1x1x128xi32, #tpu.memory_space<vmem>>
    %dma_start3A_109 = tpu.memref_squeeze %dma_start3A_108 : memref<1x1x128xi32, #tpu.memory_space<vmem>> -> memref<128xi32, #tpu.memory_space<vmem>>
    %dma_start3A_110 = arith.constant 0 : i32
    %dma_start3A_111 = arith.constant 0 : i32
    %dma_start3A_112 = tpu.memref_slice %arg8[%dma_start3A_110, %dma_start3A_111] : memref<10240x128xf32, #tpu.memory_space<vmem_shared>> -> memref<10240x128xf32, #tpu.memory_space<vmem_shared>>
    tpu.enqueue_indirect_dma source(%dma_start3A_106 : memref<128x128xf32, #tpu.memory_space<vmem>>) target(%dma_start3A_112 : memref<10240x128xf32, #tpu.memory_space<vmem_shared>>) offsets(%dma_start3A_109 : memref<128xi32, #tpu.memory_space<vmem>>) semaphore(%arg12 : memref<!tpu.dma_semaphore, #tpu.memory_space<semaphore_mem>>) {add = true}
    %scan3A = arith.constant 0 : i32
    %scan3A_113 = arith.constant 1 : i32
    %scan3A_114 = arith.constant 21 : i32
    %scan3A_115 = arith.addi %scan3A_113, %scan3A_114 : i32
    %scan3A_116 = arith.constant 1 : i32
    scf.for %scan3A_197 = %scan3A_113 to %scan3A_115 step %scan3A_116  : i32 {
      %mul3A_198 = arith.constant 2 : i32
      %mul3A_199 = arith.muli %mul3A_198, %scan3A_197 : i32
      %add3A_200 = arith.constant 0 : i32
      %add3A_201 = arith.addi %mul3A_199, %add3A_200 : i32
      %rem3A = arith.constant 3 : i32
      %rem3A_202 = arith.remsi %add3A_201, %rem3A : i32
      %sub3A = arith.constant 1 : i32
      %sub3A_203 = arith.subi %add3A_201, %sub3A : i32
      %rem3A_204 = arith.constant 3 : i32
      %rem3A_205 = arith.remsi %sub3A_203, %rem3A_204 : i32
      %dma_wait3A_206 = arith.constant 0 : i32
      %dma_wait3A_207 = arith.constant 0 : i32
      %dma_wait3A_208 = arith.constant 0 : i32
      %dma_wait3A_209 = tpu.memref_slice %arg7[%dma_wait3A_206, %dma_wait3A_207, %dma_wait3A_208] : memref<2x128x128xf32, #tpu.memory_space<vmem>> -> memref<1x128x128xf32, #tpu.memory_space<vmem>>
      %dma_wait3A_210 = tpu.memref_squeeze %dma_wait3A_209 : memref<1x128x128xf32, #tpu.memory_space<vmem>> -> memref<128x128xf32, #tpu.memory_space<vmem>>
      %dma_wait3A_211 = arith.constant 0 : i32
      %dma_wait3A_212 = arith.constant 0 : i32
      %dma_wait3A_213 = tpu.memref_slice %arg2[%dma_wait3A_211, %dma_wait3A_212] : memref<153600x128xf32, #tpu.memory_space<hbm>> -> memref<128x128xf32, #tpu.memory_space<hbm>>
      %dma_wait3A_214 = arith.constant 0 : i32
      %dma_wait3A_215 = arith.constant 0 : i32
      %dma_wait3A_216 = tpu.memref_slice %arg7[%dma_wait3A_206, %dma_wait3A_214, %dma_wait3A_215] : memref<2x128x128xf32, #tpu.memory_space<vmem>> -> memref<1x128x128xf32, #tpu.memory_space<vmem>>
      %dma_wait3A_217 = tpu.memref_squeeze %dma_wait3A_216 : memref<1x128x128xf32, #tpu.memory_space<vmem>> -> memref<128x128xf32, #tpu.memory_space<vmem>>
      %dma_wait3A_218 = arith.constant 0 : i32
      %dma_wait3A_219 = arith.constant 0 : i32
      %dma_wait3A_220 = tpu.memref_slice %arg2[%dma_wait3A_218, %dma_wait3A_219] : memref<153600x128xf32, #tpu.memory_space<hbm>> -> memref<128x128xf32, #tpu.memory_space<hbm>>
      tpu.wait_dma2 semaphore(%arg12 : memref<!tpu.dma_semaphore, #tpu.memory_space<semaphore_mem>>) src(%dma_wait3A_220 : memref<128x128xf32, #tpu.memory_space<hbm>>) dst(%dma_wait3A_217 : memref<128x128xf32, #tpu.memory_space<vmem>>)
      %dma_wait3A_221 = arith.constant 0 : i32
      %dma_wait3A_222 = arith.constant 0 : i32
      %dma_wait3A_223 = arith.constant 0 : i32
      %dma_wait3A_224 = tpu.memref_slice %arg6[%dma_wait3A_221, %dma_wait3A_222, %dma_wait3A_223] : memref<3x2x128xi32, #tpu.memory_space<vmem>> -> memref<1x2x128xi32, #tpu.memory_space<vmem>>
      %dma_wait3A_225 = arith.constant 0 : i32
      %dma_wait3A_226 = arith.constant 0 : i32
      %dma_wait3A_227 = arith.constant 0 : i32
      %dma_wait3A_228 = tpu.memref_slice %arg3[%dma_wait3A_225, %dma_wait3A_226, %dma_wait3A_227] : memref<1410x2x128xi32, #tpu.memory_space<hbm>> -> memref<1x2x128xi32, #tpu.memory_space<hbm>>
      %dma_wait3A_229 = arith.constant 0 : i32
      %dma_wait3A_230 = arith.constant 0 : i32
      %dma_wait3A_231 = arith.constant 0 : i32
      %dma_wait3A_232 = tpu.memref_slice %arg6[%dma_wait3A_229, %dma_wait3A_230, %dma_wait3A_231] : memref<3x2x128xi32, #tpu.memory_space<vmem>> -> memref<1x2x128xi32, #tpu.memory_space<vmem>>
      %dma_wait3A_233 = arith.constant 0 : i32
      %dma_wait3A_234 = arith.constant 0 : i32
      %dma_wait3A_235 = arith.constant 0 : i32
      %dma_wait3A_236 = tpu.memref_slice %arg3[%dma_wait3A_233, %dma_wait3A_234, %dma_wait3A_235] : memref<1410x2x128xi32, #tpu.memory_space<hbm>> -> memref<1x2x128xi32, #tpu.memory_space<hbm>>
      tpu.wait_dma2 semaphore(%arg9 : memref<!tpu.dma_semaphore, #tpu.memory_space<semaphore_mem>>) src(%dma_wait3A_236 : memref<1x2x128xi32, #tpu.memory_space<hbm>>) dst(%dma_wait3A_232 : memref<1x2x128xi32, #tpu.memory_space<vmem>>)
      %dma_start3A_237 = arith.constant 0 : i32
      %dma_start3A_238 = arith.constant 0 : i32
      %dma_start3A_239 = arith.constant 0 : i32
      %dma_start3A_240 = arith.constant 0 : i32
      %dma_start3A_241 = tpu.memref_slice %arg7[%dma_start3A_238, %dma_start3A_239, %dma_start3A_240] : memref<2x128x128xf32, #tpu.memory_space<vmem>> -> memref<1x128x128xf32, #tpu.memory_space<vmem>>
      %dma_start3A_242 = tpu.memref_squeeze %dma_start3A_241 : memref<1x128x128xf32, #tpu.memory_space<vmem>> -> memref<128x128xf32, #tpu.memory_space<vmem>>
      %dma_start3A_243 = arith.constant 0 : i32
      %dma_start3A_244 = tpu.memref_slice %arg6[%rem3A_202, %dma_start3A_237, %dma_start3A_243] : memref<3x2x128xi32, #tpu.memory_space<vmem>> -> memref<1x1x128xi32, #tpu.memory_space<vmem>>
      %dma_start3A_245 = tpu.memref_squeeze %dma_start3A_244 : memref<1x1x128xi32, #tpu.memory_space<vmem>> -> memref<128xi32, #tpu.memory_space<vmem>>
      %dma_start3A_246 = arith.constant 0 : i32
      %dma_start3A_247 = arith.constant 0 : i32
      %dma_start3A_248 = tpu.memref_slice %arg2[%dma_start3A_246, %dma_start3A_247] : memref<153600x128xf32, #tpu.memory_space<hbm>> -> memref<153600x128xf32, #tpu.memory_space<hbm>>
      tpu.enqueue_indirect_dma source(%dma_start3A_248 : memref<153600x128xf32, #tpu.memory_space<hbm>>) target(%dma_start3A_242 : memref<128x128xf32, #tpu.memory_space<vmem>>) offsets(%dma_start3A_245 : memref<128xi32, #tpu.memory_space<vmem>>) semaphore(%arg10 : memref<!tpu.dma_semaphore, #tpu.memory_space<semaphore_mem>>)
      %add3A_249 = arith.constant 1 : i32
      %add3A_250 = arith.addi %add3A_201, %add3A_249 : i32
      %add3A_251 = arith.constant 1 : i32
      %add3A_252 = arith.addi %add3A_201, %add3A_251 : i32
      %rem3A_253 = arith.constant 3 : i32
      %rem3A_254 = arith.remsi %add3A_252, %rem3A_253 : i32
      %add3A_255 = arith.addi %mul3A_2, %add3A_250 : i32
      %dma_start3A_256 = arith.constant 0 : i32
      %dma_start3A_257 = arith.constant 0 : i32
      %dma_start3A_258 = tpu.memref_slice %arg6[%rem3A_254, %dma_start3A_256, %dma_start3A_257] : memref<3x2x128xi32, #tpu.memory_space<vmem>> -> memref<1x2x128xi32, #tpu.memory_space<vmem>>
      %dma_start3A_259 = tpu.memref_squeeze %dma_start3A_258 : memref<1x2x128xi32, #tpu.memory_space<vmem>> -> memref<2x128xi32, #tpu.memory_space<vmem>>
      %dma_start3A_260 = arith.constant 0 : i32
      %dma_start3A_261 = arith.constant 0 : i32
      %dma_start3A_262 = tpu.memref_slice %arg3[%add3A_255, %dma_start3A_260, %dma_start3A_261] : memref<1410x2x128xi32, #tpu.memory_space<hbm>> -> memref<1x2x128xi32, #tpu.memory_space<hbm>>
      %dma_start3A_263 = tpu.memref_squeeze %dma_start3A_262 : memref<1x2x128xi32, #tpu.memory_space<hbm>> -> memref<2x128xi32, #tpu.memory_space<hbm>>
      %dma_start3A_264 = arith.constant 0 : i32
      %dma_start3A_265 = arith.constant 0 : i32
      %dma_start3A_266 = tpu.memref_slice %arg6[%rem3A_254, %dma_start3A_264, %dma_start3A_265] : memref<3x2x128xi32, #tpu.memory_space<vmem>> -> memref<1x2x128xi32, #tpu.memory_space<vmem>>
      %dma_start3A_267 = tpu.memref_squeeze %dma_start3A_266 : memref<1x2x128xi32, #tpu.memory_space<vmem>> -> memref<2x128xi32, #tpu.memory_space<vmem>>
      %dma_start3A_268 = arith.constant 0 : i32
      %dma_start3A_269 = arith.constant 0 : i32
      %dma_start3A_270 = tpu.memref_slice %arg3[%add3A_255, %dma_start3A_268, %dma_start3A_269] : memref<1410x2x128xi32, #tpu.memory_space<hbm>> -> memref<1x2x128xi32, #tpu.memory_space<hbm>>
      %dma_start3A_271 = tpu.memref_squeeze %dma_start3A_270 : memref<1x2x128xi32, #tpu.memory_space<hbm>> -> memref<2x128xi32, #tpu.memory_space<hbm>>
      tpu.enqueue_dma source(%dma_start3A_271 : memref<2x128xi32, #tpu.memory_space<hbm>>) target(%dma_start3A_267 : memref<2x128xi32, #tpu.memory_space<vmem>>) target_semaphore(%arg9 : memref<!tpu.dma_semaphore, #tpu.memory_space<semaphore_mem>>)
      %dma_wait3A_272 = arith.constant 0 : i32
      %dma_wait3A_273 = arith.constant 0 : i32
      %dma_wait3A_274 = arith.constant 0 : i32
      %dma_wait3A_275 = tpu.memref_slice %arg7[%dma_wait3A_272, %dma_wait3A_273, %dma_wait3A_274] : memref<2x128x128xf32, #tpu.memory_space<vmem>> -> memref<1x128x128xf32, #tpu.memory_space<vmem>>
      %dma_wait3A_276 = tpu.memref_squeeze %dma_wait3A_275 : memref<1x128x128xf32, #tpu.memory_space<vmem>> -> memref<128x128xf32, #tpu.memory_space<vmem>>
      %dma_wait3A_277 = arith.constant 0 : i32
      %dma_wait3A_278 = arith.constant 0 : i32
      %dma_wait3A_279 = tpu.memref_slice %arg2[%dma_wait3A_277, %dma_wait3A_278] : memref<153600x128xf32, #tpu.memory_space<hbm>> -> memref<128x128xf32, #tpu.memory_space<hbm>>
      %dma_wait3A_280 = arith.constant 0 : i32
      %dma_wait3A_281 = arith.constant 0 : i32
      %dma_wait3A_282 = tpu.memref_slice %arg7[%dma_wait3A_272, %dma_wait3A_280, %dma_wait3A_281] : memref<2x128x128xf32, #tpu.memory_space<vmem>> -> memref<1x128x128xf32, #tpu.memory_space<vmem>>
      %dma_wait3A_283 = tpu.memref_squeeze %dma_wait3A_282 : memref<1x128x128xf32, #tpu.memory_space<vmem>> -> memref<128x128xf32, #tpu.memory_space<vmem>>
      %dma_wait3A_284 = arith.constant 0 : i32
      %dma_wait3A_285 = arith.constant 0 : i32
      %dma_wait3A_286 = tpu.memref_slice %arg2[%dma_wait3A_284, %dma_wait3A_285] : memref<153600x128xf32, #tpu.memory_space<hbm>> -> memref<128x128xf32, #tpu.memory_space<hbm>>
      tpu.wait_dma2 semaphore(%arg11 : memref<!tpu.dma_semaphore, #tpu.memory_space<semaphore_mem>>) src(%dma_wait3A_286 : memref<128x128xf32, #tpu.memory_space<hbm>>) dst(%dma_wait3A_283 : memref<128x128xf32, #tpu.memory_space<vmem>>)
      %dma_start3A_287 = arith.constant 1 : i32
      %dma_start3A_288 = arith.constant 1 : i32
      %dma_start3A_289 = arith.constant 0 : i32
      %dma_start3A_290 = arith.constant 0 : i32
      %dma_start3A_291 = tpu.memref_slice %arg7[%dma_start3A_287, %dma_start3A_289, %dma_start3A_290] : memref<2x128x128xf32, #tpu.memory_space<vmem>> -> memref<1x128x128xf32, #tpu.memory_space<vmem>>
      %dma_start3A_292 = tpu.memref_squeeze %dma_start3A_291 : memref<1x128x128xf32, #tpu.memory_space<vmem>> -> memref<128x128xf32, #tpu.memory_space<vmem>>
      %dma_start3A_293 = arith.constant 0 : i32
      %dma_start3A_294 = tpu.memref_slice %arg6[%rem3A_205, %dma_start3A_288, %dma_start3A_293] : memref<3x2x128xi32, #tpu.memory_space<vmem>> -> memref<1x1x128xi32, #tpu.memory_space<vmem>>
      %dma_start3A_295 = tpu.memref_squeeze %dma_start3A_294 : memref<1x1x128xi32, #tpu.memory_space<vmem>> -> memref<128xi32, #tpu.memory_space<vmem>>
      %dma_start3A_296 = arith.constant 0 : i32
      %dma_start3A_297 = arith.constant 0 : i32
      %dma_start3A_298 = tpu.memref_slice %arg8[%dma_start3A_296, %dma_start3A_297] : memref<10240x128xf32, #tpu.memory_space<vmem_shared>> -> memref<10240x128xf32, #tpu.memory_space<vmem_shared>>
      tpu.enqueue_indirect_dma source(%dma_start3A_292 : memref<128x128xf32, #tpu.memory_space<vmem>>) target(%dma_start3A_298 : memref<10240x128xf32, #tpu.memory_space<vmem_shared>>) offsets(%dma_start3A_295 : memref<128xi32, #tpu.memory_space<vmem>>) semaphore(%arg13 : memref<!tpu.dma_semaphore, #tpu.memory_space<semaphore_mem>>) {add = true}
      %mul3A_299 = arith.constant 2 : i32
      %mul3A_300 = arith.muli %mul3A_299, %scan3A_197 : i32
      %add3A_301 = arith.constant 1 : i32
      %add3A_302 = arith.addi %mul3A_300, %add3A_301 : i32
      %rem3A_303 = arith.constant 3 : i32
      %rem3A_304 = arith.remsi %add3A_302, %rem3A_303 : i32
      %sub3A_305 = arith.constant 1 : i32
      %sub3A_306 = arith.subi %add3A_302, %sub3A_305 : i32
      %rem3A_307 = arith.constant 3 : i32
      %rem3A_308 = arith.remsi %sub3A_306, %rem3A_307 : i32
      %dma_wait3A_309 = arith.constant 0 : i32
      %dma_wait3A_310 = arith.constant 0 : i32
      %dma_wait3A_311 = arith.constant 0 : i32
      %dma_wait3A_312 = tpu.memref_slice %arg7[%dma_wait3A_309, %dma_wait3A_310, %dma_wait3A_311] : memref<2x128x128xf32, #tpu.memory_space<vmem>> -> memref<1x128x128xf32, #tpu.memory_space<vmem>>
      %dma_wait3A_313 = tpu.memref_squeeze %dma_wait3A_312 : memref<1x128x128xf32, #tpu.memory_space<vmem>> -> memref<128x128xf32, #tpu.memory_space<vmem>>
      %dma_wait3A_314 = arith.constant 0 : i32
      %dma_wait3A_315 = arith.constant 0 : i32
      %dma_wait3A_316 = tpu.memref_slice %arg2[%dma_wait3A_314, %dma_wait3A_315] : memref<153600x128xf32, #tpu.memory_space<hbm>> -> memref<128x128xf32, #tpu.memory_space<hbm>>
      %dma_wait3A_317 = arith.constant 0 : i32
      %dma_wait3A_318 = arith.constant 0 : i32
      %dma_wait3A_319 = tpu.memref_slice %arg7[%dma_wait3A_309, %dma_wait3A_317, %dma_wait3A_318] : memref<2x128x128xf32, #tpu.memory_space<vmem>> -> memref<1x128x128xf32, #tpu.memory_space<vmem>>
      %dma_wait3A_320 = tpu.memref_squeeze %dma_wait3A_319 : memref<1x128x128xf32, #tpu.memory_space<vmem>> -> memref<128x128xf32, #tpu.memory_space<vmem>>
      %dma_wait3A_321 = arith.constant 0 : i32
      %dma_wait3A_322 = arith.constant 0 : i32
      %dma_wait3A_323 = tpu.memref_slice %arg2[%dma_wait3A_321, %dma_wait3A_322] : memref<153600x128xf32, #tpu.memory_space<hbm>> -> memref<128x128xf32, #tpu.memory_space<hbm>>
      tpu.wait_dma2 semaphore(%arg13 : memref<!tpu.dma_semaphore, #tpu.memory_space<semaphore_mem>>) src(%dma_wait3A_323 : memref<128x128xf32, #tpu.memory_space<hbm>>) dst(%dma_wait3A_320 : memref<128x128xf32, #tpu.memory_space<vmem>>)
      %dma_wait3A_324 = arith.constant 0 : i32
      %dma_wait3A_325 = arith.constant 0 : i32
      %dma_wait3A_326 = arith.constant 0 : i32
      %dma_wait3A_327 = tpu.memref_slice %arg6[%dma_wait3A_324, %dma_wait3A_325, %dma_wait3A_326] : memref<3x2x128xi32, #tpu.memory_space<vmem>> -> memref<1x2x128xi32, #tpu.memory_space<vmem>>
      %dma_wait3A_328 = arith.constant 0 : i32
      %dma_wait3A_329 = arith.constant 0 : i32
      %dma_wait3A_330 = arith.constant 0 : i32
      %dma_wait3A_331 = tpu.memref_slice %arg3[%dma_wait3A_328, %dma_wait3A_329, %dma_wait3A_330] : memref<1410x2x128xi32, #tpu.memory_space<hbm>> -> memref<1x2x128xi32, #tpu.memory_space<hbm>>
      %dma_wait3A_332 = arith.constant 0 : i32
      %dma_wait3A_333 = arith.constant 0 : i32
      %dma_wait3A_334 = arith.constant 0 : i32
      %dma_wait3A_335 = tpu.memref_slice %arg6[%dma_wait3A_332, %dma_wait3A_333, %dma_wait3A_334] : memref<3x2x128xi32, #tpu.memory_space<vmem>> -> memref<1x2x128xi32, #tpu.memory_space<vmem>>
      %dma_wait3A_336 = arith.constant 0 : i32
      %dma_wait3A_337 = arith.constant 0 : i32
      %dma_wait3A_338 = arith.constant 0 : i32
      %dma_wait3A_339 = tpu.memref_slice %arg3[%dma_wait3A_336, %dma_wait3A_337, %dma_wait3A_338] : memref<1410x2x128xi32, #tpu.memory_space<hbm>> -> memref<1x2x128xi32, #tpu.memory_space<hbm>>
      tpu.wait_dma2 semaphore(%arg9 : memref<!tpu.dma_semaphore, #tpu.memory_space<semaphore_mem>>) src(%dma_wait3A_339 : memref<1x2x128xi32, #tpu.memory_space<hbm>>) dst(%dma_wait3A_335 : memref<1x2x128xi32, #tpu.memory_space<vmem>>)
      %dma_start3A_340 = arith.constant 0 : i32
      %dma_start3A_341 = arith.constant 1 : i32
      %dma_start3A_342 = arith.constant 0 : i32
      %dma_start3A_343 = arith.constant 0 : i32
      %dma_start3A_344 = tpu.memref_slice %arg7[%dma_start3A_341, %dma_start3A_342, %dma_start3A_343] : memref<2x128x128xf32, #tpu.memory_space<vmem>> -> memref<1x128x128xf32, #tpu.memory_space<vmem>>
      %dma_start3A_345 = tpu.memref_squeeze %dma_start3A_344 : memref<1x128x128xf32, #tpu.memory_space<vmem>> -> memref<128x128xf32, #tpu.memory_space<vmem>>
      %dma_start3A_346 = arith.constant 0 : i32
      %dma_start3A_347 = tpu.memref_slice %arg6[%rem3A_304, %dma_start3A_340, %dma_start3A_346] : memref<3x2x128xi32, #tpu.memory_space<vmem>> -> memref<1x1x128xi32, #tpu.memory_space<vmem>>
      %dma_start3A_348 = tpu.memref_squeeze %dma_start3A_347 : memref<1x1x128xi32, #tpu.memory_space<vmem>> -> memref<128xi32, #tpu.memory_space<vmem>>
      %dma_start3A_349 = arith.constant 0 : i32
      %dma_start3A_350 = arith.constant 0 : i32
      %dma_start3A_351 = tpu.memref_slice %arg2[%dma_start3A_349, %dma_start3A_350] : memref<153600x128xf32, #tpu.memory_space<hbm>> -> memref<153600x128xf32, #tpu.memory_space<hbm>>
      tpu.enqueue_indirect_dma source(%dma_start3A_351 : memref<153600x128xf32, #tpu.memory_space<hbm>>) target(%dma_start3A_345 : memref<128x128xf32, #tpu.memory_space<vmem>>) offsets(%dma_start3A_348 : memref<128xi32, #tpu.memory_space<vmem>>) semaphore(%arg11 : memref<!tpu.dma_semaphore, #tpu.memory_space<semaphore_mem>>)
      %add3A_352 = arith.constant 1 : i32
      %add3A_353 = arith.addi %add3A_302, %add3A_352 : i32
      %add3A_354 = arith.constant 1 : i32
      %add3A_355 = arith.addi %add3A_302, %add3A_354 : i32
      %rem3A_356 = arith.constant 3 : i32
      %rem3A_357 = arith.remsi %add3A_355, %rem3A_356 : i32
      %add3A_358 = arith.addi %mul3A_2, %add3A_353 : i32
      %dma_start3A_359 = arith.constant 0 : i32
      %dma_start3A_360 = arith.constant 0 : i32
      %dma_start3A_361 = tpu.memref_slice %arg6[%rem3A_357, %dma_start3A_359, %dma_start3A_360] : memref<3x2x128xi32, #tpu.memory_space<vmem>> -> memref<1x2x128xi32, #tpu.memory_space<vmem>>
      %dma_start3A_362 = tpu.memref_squeeze %dma_start3A_361 : memref<1x2x128xi32, #tpu.memory_space<vmem>> -> memref<2x128xi32, #tpu.memory_space<vmem>>
      %dma_start3A_363 = arith.constant 0 : i32
      %dma_start3A_364 = arith.constant 0 : i32
      %dma_start3A_365 = tpu.memref_slice %arg3[%add3A_358, %dma_start3A_363, %dma_start3A_364] : memref<1410x2x128xi32, #tpu.memory_space<hbm>> -> memref<1x2x128xi32, #tpu.memory_space<hbm>>
      %dma_start3A_366 = tpu.memref_squeeze %dma_start3A_365 : memref<1x2x128xi32, #tpu.memory_space<hbm>> -> memref<2x128xi32, #tpu.memory_space<hbm>>
      %dma_start3A_367 = arith.constant 0 : i32
      %dma_start3A_368 = arith.constant 0 : i32
      %dma_start3A_369 = tpu.memref_slice %arg6[%rem3A_357, %dma_start3A_367, %dma_start3A_368] : memref<3x2x128xi32, #tpu.memory_space<vmem>> -> memref<1x2x128xi32, #tpu.memory_space<vmem>>
      %dma_start3A_370 = tpu.memref_squeeze %dma_start3A_369 : memref<1x2x128xi32, #tpu.memory_space<vmem>> -> memref<2x128xi32, #tpu.memory_space<vmem>>
      %dma_start3A_371 = arith.constant 0 : i32
      %dma_start3A_372 = arith.constant 0 : i32
      %dma_start3A_373 = tpu.memref_slice %arg3[%add3A_358, %dma_start3A_371, %dma_start3A_372] : memref<1410x2x128xi32, #tpu.memory_space<hbm>> -> memref<1x2x128xi32, #tpu.memory_space<hbm>>
      %dma_start3A_374 = tpu.memref_squeeze %dma_start3A_373 : memref<1x2x128xi32, #tpu.memory_space<hbm>> -> memref<2x128xi32, #tpu.memory_space<hbm>>
      tpu.enqueue_dma source(%dma_start3A_374 : memref<2x128xi32, #tpu.memory_space<hbm>>) target(%dma_start3A_370 : memref<2x128xi32, #tpu.memory_space<vmem>>) target_semaphore(%arg9 : memref<!tpu.dma_semaphore, #tpu.memory_space<semaphore_mem>>)
      %dma_wait3A_375 = arith.constant 0 : i32
      %dma_wait3A_376 = arith.constant 0 : i32
      %dma_wait3A_377 = arith.constant 0 : i32
      %dma_wait3A_378 = tpu.memref_slice %arg7[%dma_wait3A_375, %dma_wait3A_376, %dma_wait3A_377] : memref<2x128x128xf32, #tpu.memory_space<vmem>> -> memref<1x128x128xf32, #tpu.memory_space<vmem>>
      %dma_wait3A_379 = tpu.memref_squeeze %dma_wait3A_378 : memref<1x128x128xf32, #tpu.memory_space<vmem>> -> memref<128x128xf32, #tpu.memory_space<vmem>>
      %dma_wait3A_380 = arith.constant 0 : i32
      %dma_wait3A_381 = arith.constant 0 : i32
      %dma_wait3A_382 = tpu.memref_slice %arg2[%dma_wait3A_380, %dma_wait3A_381] : memref<153600x128xf32, #tpu.memory_space<hbm>> -> memref<128x128xf32, #tpu.memory_space<hbm>>
      %dma_wait3A_383 = arith.constant 0 : i32
      %dma_wait3A_384 = arith.constant 0 : i32
      %dma_wait3A_385 = tpu.memref_slice %arg7[%dma_wait3A_375, %dma_wait3A_383, %dma_wait3A_384] : memref<2x128x128xf32, #tpu.memory_space<vmem>> -> memref<1x128x128xf32, #tpu.memory_space<vmem>>
      %dma_wait3A_386 = tpu.memref_squeeze %dma_wait3A_385 : memref<1x128x128xf32, #tpu.memory_space<vmem>> -> memref<128x128xf32, #tpu.memory_space<vmem>>
      %dma_wait3A_387 = arith.constant 0 : i32
      %dma_wait3A_388 = arith.constant 0 : i32
      %dma_wait3A_389 = tpu.memref_slice %arg2[%dma_wait3A_387, %dma_wait3A_388] : memref<153600x128xf32, #tpu.memory_space<hbm>> -> memref<128x128xf32, #tpu.memory_space<hbm>>
      tpu.wait_dma2 semaphore(%arg10 : memref<!tpu.dma_semaphore, #tpu.memory_space<semaphore_mem>>) src(%dma_wait3A_389 : memref<128x128xf32, #tpu.memory_space<hbm>>) dst(%dma_wait3A_386 : memref<128x128xf32, #tpu.memory_space<vmem>>)
      %dma_start3A_390 = arith.constant 0 : i32
      %dma_start3A_391 = arith.constant 1 : i32
      %dma_start3A_392 = arith.constant 0 : i32
      %dma_start3A_393 = arith.constant 0 : i32
      %dma_start3A_394 = tpu.memref_slice %arg7[%dma_start3A_390, %dma_start3A_392, %dma_start3A_393] : memref<2x128x128xf32, #tpu.memory_space<vmem>> -> memref<1x128x128xf32, #tpu.memory_space<vmem>>
      %dma_start3A_395 = tpu.memref_squeeze %dma_start3A_394 : memref<1x128x128xf32, #tpu.memory_space<vmem>> -> memref<128x128xf32, #tpu.memory_space<vmem>>
      %dma_start3A_396 = arith.constant 0 : i32
      %dma_start3A_397 = tpu.memref_slice %arg6[%rem3A_308, %dma_start3A_391, %dma_start3A_396] : memref<3x2x128xi32, #tpu.memory_space<vmem>> -> memref<1x1x128xi32, #tpu.memory_space<vmem>>
      %dma_start3A_398 = tpu.memref_squeeze %dma_start3A_397 : memref<1x1x128xi32, #tpu.memory_space<vmem>> -> memref<128xi32, #tpu.memory_space<vmem>>
      %dma_start3A_399 = arith.constant 0 : i32
      %dma_start3A_400 = arith.constant 0 : i32
      %dma_start3A_401 = tpu.memref_slice %arg8[%dma_start3A_399, %dma_start3A_400] : memref<10240x128xf32, #tpu.memory_space<vmem_shared>> -> memref<10240x128xf32, #tpu.memory_space<vmem_shared>>
      tpu.enqueue_indirect_dma source(%dma_start3A_395 : memref<128x128xf32, #tpu.memory_space<vmem>>) target(%dma_start3A_401 : memref<10240x128xf32, #tpu.memory_space<vmem_shared>>) offsets(%dma_start3A_398 : memref<128xi32, #tpu.memory_space<vmem>>) semaphore(%arg12 : memref<!tpu.dma_semaphore, #tpu.memory_space<semaphore_mem>>) {add = true}
    }
    %scan3A_117 = arith.constant 21 : i32
    %dma_wait3A_118 = arith.constant 0 : i32
    %dma_wait3A_119 = arith.constant 0 : i32
    %dma_wait3A_120 = arith.constant 0 : i32
    %dma_wait3A_121 = tpu.memref_slice %arg7[%dma_wait3A_118, %dma_wait3A_119, %dma_wait3A_120] : memref<2x128x128xf32, #tpu.memory_space<vmem>> -> memref<1x128x128xf32, #tpu.memory_space<vmem>>
    %dma_wait3A_122 = tpu.memref_squeeze %dma_wait3A_121 : memref<1x128x128xf32, #tpu.memory_space<vmem>> -> memref<128x128xf32, #tpu.memory_space<vmem>>
    %dma_wait3A_123 = arith.constant 0 : i32
    %dma_wait3A_124 = arith.constant 0 : i32
    %dma_wait3A_125 = tpu.memref_slice %arg2[%dma_wait3A_123, %dma_wait3A_124] : memref<153600x128xf32, #tpu.memory_space<hbm>> -> memref<128x128xf32, #tpu.memory_space<hbm>>
    %dma_wait3A_126 = arith.constant 0 : i32
    %dma_wait3A_127 = arith.constant 0 : i32
    %dma_wait3A_128 = tpu.memref_slice %arg7[%dma_wait3A_118, %dma_wait3A_126, %dma_wait3A_127] : memref<2x128x128xf32, #tpu.memory_space<vmem>> -> memref<1x128x128xf32, #tpu.memory_space<vmem>>
    %dma_wait3A_129 = tpu.memref_squeeze %dma_wait3A_128 : memref<1x128x128xf32, #tpu.memory_space<vmem>> -> memref<128x128xf32, #tpu.memory_space<vmem>>
    %dma_wait3A_130 = arith.constant 0 : i32
    %dma_wait3A_131 = arith.constant 0 : i32
    %dma_wait3A_132 = tpu.memref_slice %arg2[%dma_wait3A_130, %dma_wait3A_131] : memref<153600x128xf32, #tpu.memory_space<hbm>> -> memref<128x128xf32, #tpu.memory_space<hbm>>
    tpu.wait_dma2 semaphore(%arg11 : memref<!tpu.dma_semaphore, #tpu.memory_space<semaphore_mem>>) src(%dma_wait3A_132 : memref<128x128xf32, #tpu.memory_space<hbm>>) dst(%dma_wait3A_129 : memref<128x128xf32, #tpu.memory_space<vmem>>)
    %dma_start3A_133 = arith.constant 1 : i32
    %dma_start3A_134 = arith.constant 1 : i32
    %dma_start3A_135 = arith.constant 1 : i32
    %dma_start3A_136 = arith.constant 0 : i32
    %dma_start3A_137 = arith.constant 0 : i32
    %dma_start3A_138 = tpu.memref_slice %arg7[%dma_start3A_133, %dma_start3A_136, %dma_start3A_137] : memref<2x128x128xf32, #tpu.memory_space<vmem>> -> memref<1x128x128xf32, #tpu.memory_space<vmem>>
    %dma_start3A_139 = tpu.memref_squeeze %dma_start3A_138 : memref<1x128x128xf32, #tpu.memory_space<vmem>> -> memref<128x128xf32, #tpu.memory_space<vmem>>
    %dma_start3A_140 = arith.constant 0 : i32
    %dma_start3A_141 = tpu.memref_slice %arg6[%dma_start3A_134, %dma_start3A_135, %dma_start3A_140] : memref<3x2x128xi32, #tpu.memory_space<vmem>> -> memref<1x1x128xi32, #tpu.memory_space<vmem>>
    %dma_start3A_142 = tpu.memref_squeeze %dma_start3A_141 : memref<1x1x128xi32, #tpu.memory_space<vmem>> -> memref<128xi32, #tpu.memory_space<vmem>>
    %dma_start3A_143 = arith.constant 0 : i32
    %dma_start3A_144 = arith.constant 0 : i32
    %dma_start3A_145 = tpu.memref_slice %arg8[%dma_start3A_143, %dma_start3A_144] : memref<10240x128xf32, #tpu.memory_space<vmem_shared>> -> memref<10240x128xf32, #tpu.memory_space<vmem_shared>>
    tpu.enqueue_indirect_dma source(%dma_start3A_139 : memref<128x128xf32, #tpu.memory_space<vmem>>) target(%dma_start3A_145 : memref<10240x128xf32, #tpu.memory_space<vmem_shared>>) offsets(%dma_start3A_142 : memref<128xi32, #tpu.memory_space<vmem>>) semaphore(%arg13 : memref<!tpu.dma_semaphore, #tpu.memory_space<semaphore_mem>>) {add = true}
    %dma_wait3A_146 = arith.constant 0 : i32
    %dma_wait3A_147 = arith.constant 0 : i32
    %dma_wait3A_148 = arith.constant 0 : i32
    %dma_wait3A_149 = tpu.memref_slice %arg7[%dma_wait3A_146, %dma_wait3A_147, %dma_wait3A_148] : memref<2x128x128xf32, #tpu.memory_space<vmem>> -> memref<1x128x128xf32, #tpu.memory_space<vmem>>
    %dma_wait3A_150 = tpu.memref_squeeze %dma_wait3A_149 : memref<1x128x128xf32, #tpu.memory_space<vmem>> -> memref<128x128xf32, #tpu.memory_space<vmem>>
    %dma_wait3A_151 = arith.constant 0 : i32
    %dma_wait3A_152 = arith.constant 0 : i32
    %dma_wait3A_153 = tpu.memref_slice %arg2[%dma_wait3A_151, %dma_wait3A_152] : memref<153600x128xf32, #tpu.memory_space<hbm>> -> memref<128x128xf32, #tpu.memory_space<hbm>>
    %dma_wait3A_154 = arith.constant 0 : i32
    %dma_wait3A_155 = arith.constant 0 : i32
    %dma_wait3A_156 = tpu.memref_slice %arg7[%dma_wait3A_146, %dma_wait3A_154, %dma_wait3A_155] : memref<2x128x128xf32, #tpu.memory_space<vmem>> -> memref<1x128x128xf32, #tpu.memory_space<vmem>>
    %dma_wait3A_157 = tpu.memref_squeeze %dma_wait3A_156 : memref<1x128x128xf32, #tpu.memory_space<vmem>> -> memref<128x128xf32, #tpu.memory_space<vmem>>
    %dma_wait3A_158 = arith.constant 0 : i32
    %dma_wait3A_159 = arith.constant 0 : i32
    %dma_wait3A_160 = tpu.memref_slice %arg2[%dma_wait3A_158, %dma_wait3A_159] : memref<153600x128xf32, #tpu.memory_space<hbm>> -> memref<128x128xf32, #tpu.memory_space<hbm>>
    tpu.wait_dma2 semaphore(%arg12 : memref<!tpu.dma_semaphore, #tpu.memory_space<semaphore_mem>>) src(%dma_wait3A_160 : memref<128x128xf32, #tpu.memory_space<hbm>>) dst(%dma_wait3A_157 : memref<128x128xf32, #tpu.memory_space<vmem>>)
    %dma_wait3A_161 = arith.constant 0 : i32
    %dma_wait3A_162 = arith.constant 0 : i32
    %dma_wait3A_163 = arith.constant 0 : i32
    %dma_wait3A_164 = tpu.memref_slice %arg7[%dma_wait3A_161, %dma_wait3A_162, %dma_wait3A_163] : memref<2x128x128xf32, #tpu.memory_space<vmem>> -> memref<1x128x128xf32, #tpu.memory_space<vmem>>
    %dma_wait3A_165 = tpu.memref_squeeze %dma_wait3A_164 : memref<1x128x128xf32, #tpu.memory_space<vmem>> -> memref<128x128xf32, #tpu.memory_space<vmem>>
    %dma_wait3A_166 = arith.constant 0 : i32
    %dma_wait3A_167 = arith.constant 0 : i32
    %dma_wait3A_168 = tpu.memref_slice %arg2[%dma_wait3A_166, %dma_wait3A_167] : memref<153600x128xf32, #tpu.memory_space<hbm>> -> memref<128x128xf32, #tpu.memory_space<hbm>>
    %dma_wait3A_169 = arith.constant 0 : i32
    %dma_wait3A_170 = arith.constant 0 : i32
    %dma_wait3A_171 = tpu.memref_slice %arg7[%dma_wait3A_161, %dma_wait3A_169, %dma_wait3A_170] : memref<2x128x128xf32, #tpu.memory_space<vmem>> -> memref<1x128x128xf32, #tpu.memory_space<vmem>>
    %dma_wait3A_172 = tpu.memref_squeeze %dma_wait3A_171 : memref<1x128x128xf32, #tpu.memory_space<vmem>> -> memref<128x128xf32, #tpu.memory_space<vmem>>
    %dma_wait3A_173 = arith.constant 0 : i32
    %dma_wait3A_174 = arith.constant 0 : i32
    %dma_wait3A_175 = tpu.memref_slice %arg2[%dma_wait3A_173, %dma_wait3A_174] : memref<153600x128xf32, #tpu.memory_space<hbm>> -> memref<128x128xf32, #tpu.memory_space<hbm>>
    tpu.wait_dma2 semaphore(%arg13 : memref<!tpu.dma_semaphore, #tpu.memory_space<semaphore_mem>>) src(%dma_wait3A_175 : memref<128x128xf32, #tpu.memory_space<hbm>>) dst(%dma_wait3A_172 : memref<128x128xf32, #tpu.memory_space<vmem>>)
    %dma_wait3A_176 = arith.constant 0 : i32
    %dma_wait3A_177 = arith.constant 0 : i32
    %dma_wait3A_178 = arith.constant 0 : i32
    %dma_wait3A_179 = tpu.memref_slice %arg6[%dma_wait3A_176, %dma_wait3A_177, %dma_wait3A_178] : memref<3x2x128xi32, #tpu.memory_space<vmem>> -> memref<1x2x128xi32, #tpu.memory_space<vmem>>
    %dma_wait3A_180 = arith.constant 0 : i32
    %dma_wait3A_181 = arith.constant 0 : i32
    %dma_wait3A_182 = arith.constant 0 : i32
    %dma_wait3A_183 = tpu.memref_slice %arg3[%dma_wait3A_180, %dma_wait3A_181, %dma_wait3A_182] : memref<1410x2x128xi32, #tpu.memory_space<hbm>> -> memref<1x2x128xi32, #tpu.memory_space<hbm>>
    %dma_wait3A_184 = arith.constant 0 : i32
    %dma_wait3A_185 = arith.constant 0 : i32
    %dma_wait3A_186 = arith.constant 0 : i32
    %dma_wait3A_187 = tpu.memref_slice %arg6[%dma_wait3A_184, %dma_wait3A_185, %dma_wait3A_186] : memref<3x2x128xi32, #tpu.memory_space<vmem>> -> memref<1x2x128xi32, #tpu.memory_space<vmem>>
    %dma_wait3A_188 = arith.constant 0 : i32
    %dma_wait3A_189 = arith.constant 0 : i32
    %dma_wait3A_190 = arith.constant 0 : i32
    %dma_wait3A_191 = tpu.memref_slice %arg3[%dma_wait3A_188, %dma_wait3A_189, %dma_wait3A_190] : memref<1410x2x128xi32, #tpu.memory_space<hbm>> -> memref<1x2x128xi32, #tpu.memory_space<hbm>>
    tpu.wait_dma2 semaphore(%arg9 : memref<!tpu.dma_semaphore, #tpu.memory_space<semaphore_mem>>) src(%dma_wait3A_191 : memref<1x2x128xi32, #tpu.memory_space<hbm>>) dst(%dma_wait3A_187 : memref<1x2x128xi32, #tpu.memory_space<vmem>>)
    %barrier3A_192 = arith.constant 0 : index
    tpu.barrier barrier_id(%barrier3A_192)
    %mul3A_193 = arith.constant 640 : i32
    %mul3A_194 = arith.muli %arg1, %mul3A_193 : i32
    %mul3A_195 = arith.constant 640 : i32
    %mul3A_196 = arith.muli %arg1, %mul3A_195 : i32
    "tpu.region"() ({
      %run_scoped3A_197 = tpu.sem_alloc : memref<!tpu.dma_semaphore, #tpu.memory_space<semaphore_mem>>
      %dma_start3A_198 = arith.constant 0 : i32
      %dma_start3A_199 = tpu.memref_slice %arg5[%arg0, %mul3A_196, %dma_start3A_198] : memref<2x10240x128xf32, #tpu.memory_space<hbm>> -> memref<1x640x128xf32, #tpu.memory_space<hbm>>
      %dma_start3A_200 = tpu.memref_squeeze %dma_start3A_199 : memref<1x640x128xf32, #tpu.memory_space<hbm>> -> memref<640x128xf32, #tpu.memory_space<hbm>>
      %dma_start3A_201 = arith.constant 0 : i32
      %dma_start3A_202 = tpu.memref_slice %arg8[%mul3A_194, %dma_start3A_201] : memref<10240x128xf32, #tpu.memory_space<vmem_shared>> -> memref<640x128xf32, #tpu.memory_space<vmem_shared>>
      tpu.enqueue_dma source(%dma_start3A_202 : memref<640x128xf32, #tpu.memory_space<vmem_shared>>) target(%dma_start3A_200 : memref<640x128xf32, #tpu.memory_space<hbm>>) target_semaphore(%run_scoped3A_197 : memref<!tpu.dma_semaphore, #tpu.memory_space<semaphore_mem>>)
      %dma_wait3A_203 = arith.constant 0 : i32
      %dma_wait3A_204 = tpu.memref_slice %arg5[%arg0, %mul3A_196, %dma_wait3A_203] : memref<2x10240x128xf32, #tpu.memory_space<hbm>> -> memref<1x640x128xf32, #tpu.memory_space<hbm>>
      %dma_wait3A_205 = tpu.memref_squeeze %dma_wait3A_204 : memref<1x640x128xf32, #tpu.memory_space<hbm>> -> memref<640x128xf32, #tpu.memory_space<hbm>>
      %dma_wait3A_206 = arith.constant 0 : i32
      %dma_wait3A_207 = tpu.memref_slice %arg8[%mul3A_194, %dma_wait3A_206] : memref<10240x128xf32, #tpu.memory_space<vmem_shared>> -> memref<640x128xf32, #tpu.memory_space<vmem_shared>>
      tpu.wait_dma2 semaphore(%run_scoped3A_197 : memref<!tpu.dma_semaphore, #tpu.memory_space<semaphore_mem>>) src(%dma_wait3A_207 : memref<640x128xf32, #tpu.memory_space<vmem_shared>>) dst(%dma_wait3A_205 : memref<640x128xf32, #tpu.memory_space<hbm>>)
      tpu.yield
    }) : () -> ()
    return
  }
}

#map = affine_map<(d0, d1) -> (0, 0)>
#map1 = affine_map<(d0, d1) -> (0, 0, 0)>
module attributes {stable_mosaic.version = 14 : i64} {
  func.func @_sc_gather_scatter(%arg0: i32, %arg1: i32, %arg2: memref<122880x128xf32, #tpu.memory_space<hbm>>, %arg3: memref<1154x2x128xi32, #tpu.memory_space<hbm>>, %arg4: memref<10240x128xf32, #tpu.memory_space<hbm>>, %arg5: memref<2x10240x128xf32, #tpu.memory_space<hbm>>, %arg6: memref<3x2x128xi32, #tpu.memory_space<vmem>>, %arg7: memref<2x128x128xf32, #tpu.memory_space<vmem>>, %arg8: memref<10240x128xf32, #tpu.memory_space<vmem_shared>>, %arg9: memref<!tpu.dma_semaphore, #tpu.memory_space<semaphore_mem>>, %arg10: memref<!tpu.dma_semaphore, #tpu.memory_space<semaphore_mem>>, %arg11: memref<!tpu.dma_semaphore, #tpu.memory_space<semaphore_mem>>, %arg12: memref<!tpu.dma_semaphore, #tpu.memory_space<semaphore_mem>>, %arg13: memref<!tpu.dma_semaphore, #tpu.memory_space<semaphore_mem>>) attributes {dimension_semantics = [#tpu.dimension_semantics<core_parallel>, #tpu.dimension_semantics<subcore_parallel>], iteration_bounds = array<i64: 2, 16>, scalar_prefetch = 0 : i64, scratch_operands = 8 : i64, tpu.core_type = #tpu.core_type<sc_vector_subcore>, window_params = [{transform_indices = #map}, {transform_indices = #map1}, {transform_indices = #map}, {transform_indices = #map1}]} {
    %mul3A = arith.constant 2 : i32
    %mul3A_0 = arith.muli %arg1, %mul3A : i32
    %add3A = arith.addi %mul3A_0, %arg0 : i32
    %mul3A_1 = arith.constant 36 : i32
    %mul3A_2 = arith.muli %add3A, %mul3A_1 : i32
    %run_scoped3A = arith.constant 0 : i32
    "tpu.region"() ({
      %run_scoped3A_197 = tpu.sem_alloc : memref<!tpu.dma_semaphore, #tpu.memory_space<semaphore_mem>>
      %dma_start3A_198 = arith.constant 0 : i32
      %dma_start3A_199 = arith.constant 0 : i32
      %dma_start3A_200 = tpu.memref_slice %arg6[%run_scoped3A, %dma_start3A_198, %dma_start3A_199] : memref<3x2x128xi32, #tpu.memory_space<vmem>> -> memref<1x2x128xi32, #tpu.memory_space<vmem>>
      %dma_start3A_201 = tpu.memref_squeeze %dma_start3A_200 : memref<1x2x128xi32, #tpu.memory_space<vmem>> -> memref<2x128xi32, #tpu.memory_space<vmem>>
      %dma_start3A_202 = arith.constant 0 : i32
      %dma_start3A_203 = arith.constant 0 : i32
      %dma_start3A_204 = tpu.memref_slice %arg3[%mul3A_2, %dma_start3A_202, %dma_start3A_203] : memref<1154x2x128xi32, #tpu.memory_space<hbm>> -> memref<1x2x128xi32, #tpu.memory_space<hbm>>
      %dma_start3A_205 = tpu.memref_squeeze %dma_start3A_204 : memref<1x2x128xi32, #tpu.memory_space<hbm>> -> memref<2x128xi32, #tpu.memory_space<hbm>>
      %dma_start3A_206 = arith.constant 0 : i32
      %dma_start3A_207 = arith.constant 0 : i32
      %dma_start3A_208 = tpu.memref_slice %arg6[%run_scoped3A, %dma_start3A_206, %dma_start3A_207] : memref<3x2x128xi32, #tpu.memory_space<vmem>> -> memref<1x2x128xi32, #tpu.memory_space<vmem>>
      %dma_start3A_209 = tpu.memref_squeeze %dma_start3A_208 : memref<1x2x128xi32, #tpu.memory_space<vmem>> -> memref<2x128xi32, #tpu.memory_space<vmem>>
      %dma_start3A_210 = arith.constant 0 : i32
      %dma_start3A_211 = arith.constant 0 : i32
      %dma_start3A_212 = tpu.memref_slice %arg3[%mul3A_2, %dma_start3A_210, %dma_start3A_211] : memref<1154x2x128xi32, #tpu.memory_space<hbm>> -> memref<1x2x128xi32, #tpu.memory_space<hbm>>
      %dma_start3A_213 = tpu.memref_squeeze %dma_start3A_212 : memref<1x2x128xi32, #tpu.memory_space<hbm>> -> memref<2x128xi32, #tpu.memory_space<hbm>>
      tpu.enqueue_dma source(%dma_start3A_213 : memref<2x128xi32, #tpu.memory_space<hbm>>) target(%dma_start3A_209 : memref<2x128xi32, #tpu.memory_space<vmem>>) target_semaphore(%run_scoped3A_197 : memref<!tpu.dma_semaphore, #tpu.memory_space<semaphore_mem>>)
      %dma_wait3A_214 = arith.constant 0 : i32
      %dma_wait3A_215 = arith.constant 0 : i32
      %dma_wait3A_216 = tpu.memref_slice %arg6[%run_scoped3A, %dma_wait3A_214, %dma_wait3A_215] : memref<3x2x128xi32, #tpu.memory_space<vmem>> -> memref<1x2x128xi32, #tpu.memory_space<vmem>>
      %dma_wait3A_217 = tpu.memref_squeeze %dma_wait3A_216 : memref<1x2x128xi32, #tpu.memory_space<vmem>> -> memref<2x128xi32, #tpu.memory_space<vmem>>
      %dma_wait3A_218 = arith.constant 0 : i32
      %dma_wait3A_219 = arith.constant 0 : i32
      %dma_wait3A_220 = tpu.memref_slice %arg3[%mul3A_2, %dma_wait3A_218, %dma_wait3A_219] : memref<1154x2x128xi32, #tpu.memory_space<hbm>> -> memref<1x2x128xi32, #tpu.memory_space<hbm>>
      %dma_wait3A_221 = tpu.memref_squeeze %dma_wait3A_220 : memref<1x2x128xi32, #tpu.memory_space<hbm>> -> memref<2x128xi32, #tpu.memory_space<hbm>>
      %dma_wait3A_222 = arith.constant 0 : i32
      %dma_wait3A_223 = arith.constant 0 : i32
      %dma_wait3A_224 = tpu.memref_slice %arg6[%run_scoped3A, %dma_wait3A_222, %dma_wait3A_223] : memref<3x2x128xi32, #tpu.memory_space<vmem>> -> memref<1x2x128xi32, #tpu.memory_space<vmem>>
      %dma_wait3A_225 = tpu.memref_squeeze %dma_wait3A_224 : memref<1x2x128xi32, #tpu.memory_space<vmem>> -> memref<2x128xi32, #tpu.memory_space<vmem>>
      %dma_wait3A_226 = arith.constant 0 : i32
      %dma_wait3A_227 = arith.constant 0 : i32
      %dma_wait3A_228 = tpu.memref_slice %arg3[%mul3A_2, %dma_wait3A_226, %dma_wait3A_227] : memref<1154x2x128xi32, #tpu.memory_space<hbm>> -> memref<1x2x128xi32, #tpu.memory_space<hbm>>
      %dma_wait3A_229 = tpu.memref_squeeze %dma_wait3A_228 : memref<1x2x128xi32, #tpu.memory_space<hbm>> -> memref<2x128xi32, #tpu.memory_space<hbm>>
      tpu.wait_dma2 semaphore(%run_scoped3A_197 : memref<!tpu.dma_semaphore, #tpu.memory_space<semaphore_mem>>) src(%dma_wait3A_229 : memref<2x128xi32, #tpu.memory_space<hbm>>) dst(%dma_wait3A_225 : memref<2x128xi32, #tpu.memory_space<vmem>>)
      tpu.yield
    }) : () -> ()
    %dma_start3A = arith.constant 0 : i32
    %dma_start3A_3 = arith.constant 0 : i32
    %dma_start3A_4 = arith.constant 0 : i32
    %dma_start3A_5 = arith.constant 0 : i32
    %dma_start3A_6 = arith.constant 0 : i32
    %dma_start3A_7 = tpu.memref_slice %arg7[%dma_start3A_4, %dma_start3A_5, %dma_start3A_6] : memref<2x128x128xf32, #tpu.memory_space<vmem>> -> memref<1x128x128xf32, #tpu.memory_space<vmem>>
    %dma_start3A_8 = tpu.memref_squeeze %dma_start3A_7 : memref<1x128x128xf32, #tpu.memory_space<vmem>> -> memref<128x128xf32, #tpu.memory_space<vmem>>
    %dma_start3A_9 = arith.constant 0 : i32
    %dma_start3A_10 = tpu.memref_slice %arg6[%dma_start3A, %dma_start3A_3, %dma_start3A_9] : memref<3x2x128xi32, #tpu.memory_space<vmem>> -> memref<1x1x128xi32, #tpu.memory_space<vmem>>
    %dma_start3A_11 = tpu.memref_squeeze %dma_start3A_10 : memref<1x1x128xi32, #tpu.memory_space<vmem>> -> memref<128xi32, #tpu.memory_space<vmem>>
    %dma_start3A_12 = arith.constant 0 : i32
    %dma_start3A_13 = arith.constant 0 : i32
    %dma_start3A_14 = tpu.memref_slice %arg2[%dma_start3A_12, %dma_start3A_13] : memref<122880x128xf32, #tpu.memory_space<hbm>> -> memref<122880x128xf32, #tpu.memory_space<hbm>>
    tpu.enqueue_indirect_dma source(%dma_start3A_14 : memref<122880x128xf32, #tpu.memory_space<hbm>>) target(%dma_start3A_8 : memref<128x128xf32, #tpu.memory_space<vmem>>) offsets(%dma_start3A_11 : memref<128xi32, #tpu.memory_space<vmem>>) semaphore(%arg10 : memref<!tpu.dma_semaphore, #tpu.memory_space<semaphore_mem>>)
    %add3A_15 = arith.constant 1 : i32
    %add3A_16 = arith.addi %mul3A_2, %add3A_15 : i32
    %dma_start3A_17 = arith.constant 1 : i32
    %dma_start3A_18 = arith.constant 0 : i32
    %dma_start3A_19 = arith.constant 0 : i32
    %dma_start3A_20 = tpu.memref_slice %arg6[%dma_start3A_17, %dma_start3A_18, %dma_start3A_19] : memref<3x2x128xi32, #tpu.memory_space<vmem>> -> memref<1x2x128xi32, #tpu.memory_space<vmem>>
    %dma_start3A_21 = tpu.memref_squeeze %dma_start3A_20 : memref<1x2x128xi32, #tpu.memory_space<vmem>> -> memref<2x128xi32, #tpu.memory_space<vmem>>
    %dma_start3A_22 = arith.constant 0 : i32
    %dma_start3A_23 = arith.constant 0 : i32
    %dma_start3A_24 = tpu.memref_slice %arg3[%add3A_16, %dma_start3A_22, %dma_start3A_23] : memref<1154x2x128xi32, #tpu.memory_space<hbm>> -> memref<1x2x128xi32, #tpu.memory_space<hbm>>
    %dma_start3A_25 = tpu.memref_squeeze %dma_start3A_24 : memref<1x2x128xi32, #tpu.memory_space<hbm>> -> memref<2x128xi32, #tpu.memory_space<hbm>>
    %dma_start3A_26 = arith.constant 0 : i32
    %dma_start3A_27 = arith.constant 0 : i32
    %dma_start3A_28 = tpu.memref_slice %arg6[%dma_start3A_17, %dma_start3A_26, %dma_start3A_27] : memref<3x2x128xi32, #tpu.memory_space<vmem>> -> memref<1x2x128xi32, #tpu.memory_space<vmem>>
    %dma_start3A_29 = tpu.memref_squeeze %dma_start3A_28 : memref<1x2x128xi32, #tpu.memory_space<vmem>> -> memref<2x128xi32, #tpu.memory_space<vmem>>
    %dma_start3A_30 = arith.constant 0 : i32
    %dma_start3A_31 = arith.constant 0 : i32
    %dma_start3A_32 = tpu.memref_slice %arg3[%add3A_16, %dma_start3A_30, %dma_start3A_31] : memref<1154x2x128xi32, #tpu.memory_space<hbm>> -> memref<1x2x128xi32, #tpu.memory_space<hbm>>
    %dma_start3A_33 = tpu.memref_squeeze %dma_start3A_32 : memref<1x2x128xi32, #tpu.memory_space<hbm>> -> memref<2x128xi32, #tpu.memory_space<hbm>>
    tpu.enqueue_dma source(%dma_start3A_33 : memref<2x128xi32, #tpu.memory_space<hbm>>) target(%dma_start3A_29 : memref<2x128xi32, #tpu.memory_space<vmem>>) target_semaphore(%arg9 : memref<!tpu.dma_semaphore, #tpu.memory_space<semaphore_mem>>)
    %mul3A_34 = arith.constant 640 : i32
    %mul3A_35 = arith.muli %arg1, %mul3A_34 : i32
    %mul3A_36 = arith.constant 640 : i32
    %mul3A_37 = arith.muli %arg1, %mul3A_36 : i32
    "tpu.region"() ({
      %run_scoped3A_197 = tpu.sem_alloc : memref<!tpu.dma_semaphore, #tpu.memory_space<semaphore_mem>>
      %dma_start3A_198 = arith.constant 0 : i32
      %dma_start3A_199 = tpu.memref_slice %arg8[%mul3A_37, %dma_start3A_198] : memref<10240x128xf32, #tpu.memory_space<vmem_shared>> -> memref<640x128xf32, #tpu.memory_space<vmem_shared>>
      %dma_start3A_200 = arith.constant 0 : i32
      %dma_start3A_201 = tpu.memref_slice %arg4[%mul3A_35, %dma_start3A_200] : memref<10240x128xf32, #tpu.memory_space<hbm>> -> memref<640x128xf32, #tpu.memory_space<hbm>>
      tpu.enqueue_dma source(%dma_start3A_201 : memref<640x128xf32, #tpu.memory_space<hbm>>) target(%dma_start3A_199 : memref<640x128xf32, #tpu.memory_space<vmem_shared>>) target_semaphore(%run_scoped3A_197 : memref<!tpu.dma_semaphore, #tpu.memory_space<semaphore_mem>>)
      %dma_wait3A_202 = arith.constant 0 : i32
      %dma_wait3A_203 = tpu.memref_slice %arg8[%mul3A_37, %dma_wait3A_202] : memref<10240x128xf32, #tpu.memory_space<vmem_shared>> -> memref<640x128xf32, #tpu.memory_space<vmem_shared>>
      %dma_wait3A_204 = arith.constant 0 : i32
      %dma_wait3A_205 = tpu.memref_slice %arg4[%mul3A_35, %dma_wait3A_204] : memref<10240x128xf32, #tpu.memory_space<hbm>> -> memref<640x128xf32, #tpu.memory_space<hbm>>
      tpu.wait_dma2 semaphore(%run_scoped3A_197 : memref<!tpu.dma_semaphore, #tpu.memory_space<semaphore_mem>>) src(%dma_wait3A_205 : memref<640x128xf32, #tpu.memory_space<hbm>>) dst(%dma_wait3A_203 : memref<640x128xf32, #tpu.memory_space<vmem_shared>>)
      tpu.yield
    }) : () -> ()
    %barrier3A = arith.constant 0 : index
    tpu.barrier barrier_id(%barrier3A)
    %dma_wait3A = arith.constant 0 : i32
    %dma_wait3A_38 = arith.constant 0 : i32
    %dma_wait3A_39 = arith.constant 0 : i32
    %dma_wait3A_40 = tpu.memref_slice %arg6[%dma_wait3A, %dma_wait3A_38, %dma_wait3A_39] : memref<3x2x128xi32, #tpu.memory_space<vmem>> -> memref<1x2x128xi32, #tpu.memory_space<vmem>>
    %dma_wait3A_41 = arith.constant 0 : i32
    %dma_wait3A_42 = arith.constant 0 : i32
    %dma_wait3A_43 = arith.constant 0 : i32
    %dma_wait3A_44 = tpu.memref_slice %arg3[%dma_wait3A_41, %dma_wait3A_42, %dma_wait3A_43] : memref<1154x2x128xi32, #tpu.memory_space<hbm>> -> memref<1x2x128xi32, #tpu.memory_space<hbm>>
    %dma_wait3A_45 = arith.constant 0 : i32
    %dma_wait3A_46 = arith.constant 0 : i32
    %dma_wait3A_47 = arith.constant 0 : i32
    %dma_wait3A_48 = tpu.memref_slice %arg6[%dma_wait3A_45, %dma_wait3A_46, %dma_wait3A_47] : memref<3x2x128xi32, #tpu.memory_space<vmem>> -> memref<1x2x128xi32, #tpu.memory_space<vmem>>
    %dma_wait3A_49 = arith.constant 0 : i32
    %dma_wait3A_50 = arith.constant 0 : i32
    %dma_wait3A_51 = arith.constant 0 : i32
    %dma_wait3A_52 = tpu.memref_slice %arg3[%dma_wait3A_49, %dma_wait3A_50, %dma_wait3A_51] : memref<1154x2x128xi32, #tpu.memory_space<hbm>> -> memref<1x2x128xi32, #tpu.memory_space<hbm>>
    tpu.wait_dma2 semaphore(%arg9 : memref<!tpu.dma_semaphore, #tpu.memory_space<semaphore_mem>>) src(%dma_wait3A_52 : memref<1x2x128xi32, #tpu.memory_space<hbm>>) dst(%dma_wait3A_48 : memref<1x2x128xi32, #tpu.memory_space<vmem>>)
    %dma_start3A_53 = arith.constant 1 : i32
    %dma_start3A_54 = arith.constant 0 : i32
    %dma_start3A_55 = arith.constant 1 : i32
    %dma_start3A_56 = arith.constant 0 : i32
    %dma_start3A_57 = arith.constant 0 : i32
    %dma_start3A_58 = tpu.memref_slice %arg7[%dma_start3A_55, %dma_start3A_56, %dma_start3A_57] : memref<2x128x128xf32, #tpu.memory_space<vmem>> -> memref<1x128x128xf32, #tpu.memory_space<vmem>>
    %dma_start3A_59 = tpu.memref_squeeze %dma_start3A_58 : memref<1x128x128xf32, #tpu.memory_space<vmem>> -> memref<128x128xf32, #tpu.memory_space<vmem>>
    %dma_start3A_60 = arith.constant 0 : i32
    %dma_start3A_61 = tpu.memref_slice %arg6[%dma_start3A_53, %dma_start3A_54, %dma_start3A_60] : memref<3x2x128xi32, #tpu.memory_space<vmem>> -> memref<1x1x128xi32, #tpu.memory_space<vmem>>
    %dma_start3A_62 = tpu.memref_squeeze %dma_start3A_61 : memref<1x1x128xi32, #tpu.memory_space<vmem>> -> memref<128xi32, #tpu.memory_space<vmem>>
    %dma_start3A_63 = arith.constant 0 : i32
    %dma_start3A_64 = arith.constant 0 : i32
    %dma_start3A_65 = tpu.memref_slice %arg2[%dma_start3A_63, %dma_start3A_64] : memref<122880x128xf32, #tpu.memory_space<hbm>> -> memref<122880x128xf32, #tpu.memory_space<hbm>>
    tpu.enqueue_indirect_dma source(%dma_start3A_65 : memref<122880x128xf32, #tpu.memory_space<hbm>>) target(%dma_start3A_59 : memref<128x128xf32, #tpu.memory_space<vmem>>) offsets(%dma_start3A_62 : memref<128xi32, #tpu.memory_space<vmem>>) semaphore(%arg11 : memref<!tpu.dma_semaphore, #tpu.memory_space<semaphore_mem>>)
    %add3A_66 = arith.constant 2 : i32
    %add3A_67 = arith.addi %mul3A_2, %add3A_66 : i32
    %dma_start3A_68 = arith.constant 2 : i32
    %dma_start3A_69 = arith.constant 0 : i32
    %dma_start3A_70 = arith.constant 0 : i32
    %dma_start3A_71 = tpu.memref_slice %arg6[%dma_start3A_68, %dma_start3A_69, %dma_start3A_70] : memref<3x2x128xi32, #tpu.memory_space<vmem>> -> memref<1x2x128xi32, #tpu.memory_space<vmem>>
    %dma_start3A_72 = tpu.memref_squeeze %dma_start3A_71 : memref<1x2x128xi32, #tpu.memory_space<vmem>> -> memref<2x128xi32, #tpu.memory_space<vmem>>
    %dma_start3A_73 = arith.constant 0 : i32
    %dma_start3A_74 = arith.constant 0 : i32
    %dma_start3A_75 = tpu.memref_slice %arg3[%add3A_67, %dma_start3A_73, %dma_start3A_74] : memref<1154x2x128xi32, #tpu.memory_space<hbm>> -> memref<1x2x128xi32, #tpu.memory_space<hbm>>
    %dma_start3A_76 = tpu.memref_squeeze %dma_start3A_75 : memref<1x2x128xi32, #tpu.memory_space<hbm>> -> memref<2x128xi32, #tpu.memory_space<hbm>>
    %dma_start3A_77 = arith.constant 0 : i32
    %dma_start3A_78 = arith.constant 0 : i32
    %dma_start3A_79 = tpu.memref_slice %arg6[%dma_start3A_68, %dma_start3A_77, %dma_start3A_78] : memref<3x2x128xi32, #tpu.memory_space<vmem>> -> memref<1x2x128xi32, #tpu.memory_space<vmem>>
    %dma_start3A_80 = tpu.memref_squeeze %dma_start3A_79 : memref<1x2x128xi32, #tpu.memory_space<vmem>> -> memref<2x128xi32, #tpu.memory_space<vmem>>
    %dma_start3A_81 = arith.constant 0 : i32
    %dma_start3A_82 = arith.constant 0 : i32
    %dma_start3A_83 = tpu.memref_slice %arg3[%add3A_67, %dma_start3A_81, %dma_start3A_82] : memref<1154x2x128xi32, #tpu.memory_space<hbm>> -> memref<1x2x128xi32, #tpu.memory_space<hbm>>
    %dma_start3A_84 = tpu.memref_squeeze %dma_start3A_83 : memref<1x2x128xi32, #tpu.memory_space<hbm>> -> memref<2x128xi32, #tpu.memory_space<hbm>>
    tpu.enqueue_dma source(%dma_start3A_84 : memref<2x128xi32, #tpu.memory_space<hbm>>) target(%dma_start3A_80 : memref<2x128xi32, #tpu.memory_space<vmem>>) target_semaphore(%arg9 : memref<!tpu.dma_semaphore, #tpu.memory_space<semaphore_mem>>)
    %dma_wait3A_85 = arith.constant 0 : i32
    %dma_wait3A_86 = arith.constant 0 : i32
    %dma_wait3A_87 = arith.constant 0 : i32
    %dma_wait3A_88 = tpu.memref_slice %arg7[%dma_wait3A_85, %dma_wait3A_86, %dma_wait3A_87] : memref<2x128x128xf32, #tpu.memory_space<vmem>> -> memref<1x128x128xf32, #tpu.memory_space<vmem>>
    %dma_wait3A_89 = tpu.memref_squeeze %dma_wait3A_88 : memref<1x128x128xf32, #tpu.memory_space<vmem>> -> memref<128x128xf32, #tpu.memory_space<vmem>>
    %dma_wait3A_90 = arith.constant 0 : i32
    %dma_wait3A_91 = arith.constant 0 : i32
    %dma_wait3A_92 = tpu.memref_slice %arg2[%dma_wait3A_90, %dma_wait3A_91] : memref<122880x128xf32, #tpu.memory_space<hbm>> -> memref<128x128xf32, #tpu.memory_space<hbm>>
    %dma_wait3A_93 = arith.constant 0 : i32
    %dma_wait3A_94 = arith.constant 0 : i32
    %dma_wait3A_95 = tpu.memref_slice %arg7[%dma_wait3A_85, %dma_wait3A_93, %dma_wait3A_94] : memref<2x128x128xf32, #tpu.memory_space<vmem>> -> memref<1x128x128xf32, #tpu.memory_space<vmem>>
    %dma_wait3A_96 = tpu.memref_squeeze %dma_wait3A_95 : memref<1x128x128xf32, #tpu.memory_space<vmem>> -> memref<128x128xf32, #tpu.memory_space<vmem>>
    %dma_wait3A_97 = arith.constant 0 : i32
    %dma_wait3A_98 = arith.constant 0 : i32
    %dma_wait3A_99 = tpu.memref_slice %arg2[%dma_wait3A_97, %dma_wait3A_98] : memref<122880x128xf32, #tpu.memory_space<hbm>> -> memref<128x128xf32, #tpu.memory_space<hbm>>
    tpu.wait_dma2 semaphore(%arg10 : memref<!tpu.dma_semaphore, #tpu.memory_space<semaphore_mem>>) src(%dma_wait3A_99 : memref<128x128xf32, #tpu.memory_space<hbm>>) dst(%dma_wait3A_96 : memref<128x128xf32, #tpu.memory_space<vmem>>)
    %dma_start3A_100 = arith.constant 0 : i32
    %dma_start3A_101 = arith.constant 0 : i32
    %dma_start3A_102 = arith.constant 1 : i32
    %dma_start3A_103 = arith.constant 0 : i32
    %dma_start3A_104 = arith.constant 0 : i32
    %dma_start3A_105 = tpu.memref_slice %arg7[%dma_start3A_100, %dma_start3A_103, %dma_start3A_104] : memref<2x128x128xf32, #tpu.memory_space<vmem>> -> memref<1x128x128xf32, #tpu.memory_space<vmem>>
    %dma_start3A_106 = tpu.memref_squeeze %dma_start3A_105 : memref<1x128x128xf32, #tpu.memory_space<vmem>> -> memref<128x128xf32, #tpu.memory_space<vmem>>
    %dma_start3A_107 = arith.constant 0 : i32
    %dma_start3A_108 = tpu.memref_slice %arg6[%dma_start3A_101, %dma_start3A_102, %dma_start3A_107] : memref<3x2x128xi32, #tpu.memory_space<vmem>> -> memref<1x1x128xi32, #tpu.memory_space<vmem>>
    %dma_start3A_109 = tpu.memref_squeeze %dma_start3A_108 : memref<1x1x128xi32, #tpu.memory_space<vmem>> -> memref<128xi32, #tpu.memory_space<vmem>>
    %dma_start3A_110 = arith.constant 0 : i32
    %dma_start3A_111 = arith.constant 0 : i32
    %dma_start3A_112 = tpu.memref_slice %arg8[%dma_start3A_110, %dma_start3A_111] : memref<10240x128xf32, #tpu.memory_space<vmem_shared>> -> memref<10240x128xf32, #tpu.memory_space<vmem_shared>>
    tpu.enqueue_indirect_dma source(%dma_start3A_106 : memref<128x128xf32, #tpu.memory_space<vmem>>) target(%dma_start3A_112 : memref<10240x128xf32, #tpu.memory_space<vmem_shared>>) offsets(%dma_start3A_109 : memref<128xi32, #tpu.memory_space<vmem>>) semaphore(%arg12 : memref<!tpu.dma_semaphore, #tpu.memory_space<semaphore_mem>>) {add = true}
    %scan3A = arith.constant 0 : i32
    %scan3A_113 = arith.constant 1 : i32
    %scan3A_114 = arith.constant 17 : i32
    %scan3A_115 = arith.addi %scan3A_113, %scan3A_114 : i32
    %scan3A_116 = arith.constant 1 : i32
    scf.for %scan3A_197 = %scan3A_113 to %scan3A_115 step %scan3A_116  : i32 {
      %mul3A_198 = arith.constant 2 : i32
      %mul3A_199 = arith.muli %mul3A_198, %scan3A_197 : i32
      %add3A_200 = arith.constant 0 : i32
      %add3A_201 = arith.addi %mul3A_199, %add3A_200 : i32
      %rem3A = arith.constant 3 : i32
      %rem3A_202 = arith.remsi %add3A_201, %rem3A : i32
      %sub3A = arith.constant 1 : i32
      %sub3A_203 = arith.subi %add3A_201, %sub3A : i32
      %rem3A_204 = arith.constant 3 : i32
      %rem3A_205 = arith.remsi %sub3A_203, %rem3A_204 : i32
      %dma_wait3A_206 = arith.constant 0 : i32
      %dma_wait3A_207 = arith.constant 0 : i32
      %dma_wait3A_208 = arith.constant 0 : i32
      %dma_wait3A_209 = tpu.memref_slice %arg7[%dma_wait3A_206, %dma_wait3A_207, %dma_wait3A_208] : memref<2x128x128xf32, #tpu.memory_space<vmem>> -> memref<1x128x128xf32, #tpu.memory_space<vmem>>
      %dma_wait3A_210 = tpu.memref_squeeze %dma_wait3A_209 : memref<1x128x128xf32, #tpu.memory_space<vmem>> -> memref<128x128xf32, #tpu.memory_space<vmem>>
      %dma_wait3A_211 = arith.constant 0 : i32
      %dma_wait3A_212 = arith.constant 0 : i32
      %dma_wait3A_213 = tpu.memref_slice %arg2[%dma_wait3A_211, %dma_wait3A_212] : memref<122880x128xf32, #tpu.memory_space<hbm>> -> memref<128x128xf32, #tpu.memory_space<hbm>>
      %dma_wait3A_214 = arith.constant 0 : i32
      %dma_wait3A_215 = arith.constant 0 : i32
      %dma_wait3A_216 = tpu.memref_slice %arg7[%dma_wait3A_206, %dma_wait3A_214, %dma_wait3A_215] : memref<2x128x128xf32, #tpu.memory_space<vmem>> -> memref<1x128x128xf32, #tpu.memory_space<vmem>>
      %dma_wait3A_217 = tpu.memref_squeeze %dma_wait3A_216 : memref<1x128x128xf32, #tpu.memory_space<vmem>> -> memref<128x128xf32, #tpu.memory_space<vmem>>
      %dma_wait3A_218 = arith.constant 0 : i32
      %dma_wait3A_219 = arith.constant 0 : i32
      %dma_wait3A_220 = tpu.memref_slice %arg2[%dma_wait3A_218, %dma_wait3A_219] : memref<122880x128xf32, #tpu.memory_space<hbm>> -> memref<128x128xf32, #tpu.memory_space<hbm>>
      tpu.wait_dma2 semaphore(%arg12 : memref<!tpu.dma_semaphore, #tpu.memory_space<semaphore_mem>>) src(%dma_wait3A_220 : memref<128x128xf32, #tpu.memory_space<hbm>>) dst(%dma_wait3A_217 : memref<128x128xf32, #tpu.memory_space<vmem>>)
      %dma_wait3A_221 = arith.constant 0 : i32
      %dma_wait3A_222 = arith.constant 0 : i32
      %dma_wait3A_223 = arith.constant 0 : i32
      %dma_wait3A_224 = tpu.memref_slice %arg6[%dma_wait3A_221, %dma_wait3A_222, %dma_wait3A_223] : memref<3x2x128xi32, #tpu.memory_space<vmem>> -> memref<1x2x128xi32, #tpu.memory_space<vmem>>
      %dma_wait3A_225 = arith.constant 0 : i32
      %dma_wait3A_226 = arith.constant 0 : i32
      %dma_wait3A_227 = arith.constant 0 : i32
      %dma_wait3A_228 = tpu.memref_slice %arg3[%dma_wait3A_225, %dma_wait3A_226, %dma_wait3A_227] : memref<1154x2x128xi32, #tpu.memory_space<hbm>> -> memref<1x2x128xi32, #tpu.memory_space<hbm>>
      %dma_wait3A_229 = arith.constant 0 : i32
      %dma_wait3A_230 = arith.constant 0 : i32
      %dma_wait3A_231 = arith.constant 0 : i32
      %dma_wait3A_232 = tpu.memref_slice %arg6[%dma_wait3A_229, %dma_wait3A_230, %dma_wait3A_231] : memref<3x2x128xi32, #tpu.memory_space<vmem>> -> memref<1x2x128xi32, #tpu.memory_space<vmem>>
      %dma_wait3A_233 = arith.constant 0 : i32
      %dma_wait3A_234 = arith.constant 0 : i32
      %dma_wait3A_235 = arith.constant 0 : i32
      %dma_wait3A_236 = tpu.memref_slice %arg3[%dma_wait3A_233, %dma_wait3A_234, %dma_wait3A_235] : memref<1154x2x128xi32, #tpu.memory_space<hbm>> -> memref<1x2x128xi32, #tpu.memory_space<hbm>>
      tpu.wait_dma2 semaphore(%arg9 : memref<!tpu.dma_semaphore, #tpu.memory_space<semaphore_mem>>) src(%dma_wait3A_236 : memref<1x2x128xi32, #tpu.memory_space<hbm>>) dst(%dma_wait3A_232 : memref<1x2x128xi32, #tpu.memory_space<vmem>>)
      %dma_start3A_237 = arith.constant 0 : i32
      %dma_start3A_238 = arith.constant 0 : i32
      %dma_start3A_239 = arith.constant 0 : i32
      %dma_start3A_240 = arith.constant 0 : i32
      %dma_start3A_241 = tpu.memref_slice %arg7[%dma_start3A_238, %dma_start3A_239, %dma_start3A_240] : memref<2x128x128xf32, #tpu.memory_space<vmem>> -> memref<1x128x128xf32, #tpu.memory_space<vmem>>
      %dma_start3A_242 = tpu.memref_squeeze %dma_start3A_241 : memref<1x128x128xf32, #tpu.memory_space<vmem>> -> memref<128x128xf32, #tpu.memory_space<vmem>>
      %dma_start3A_243 = arith.constant 0 : i32
      %dma_start3A_244 = tpu.memref_slice %arg6[%rem3A_202, %dma_start3A_237, %dma_start3A_243] : memref<3x2x128xi32, #tpu.memory_space<vmem>> -> memref<1x1x128xi32, #tpu.memory_space<vmem>>
      %dma_start3A_245 = tpu.memref_squeeze %dma_start3A_244 : memref<1x1x128xi32, #tpu.memory_space<vmem>> -> memref<128xi32, #tpu.memory_space<vmem>>
      %dma_start3A_246 = arith.constant 0 : i32
      %dma_start3A_247 = arith.constant 0 : i32
      %dma_start3A_248 = tpu.memref_slice %arg2[%dma_start3A_246, %dma_start3A_247] : memref<122880x128xf32, #tpu.memory_space<hbm>> -> memref<122880x128xf32, #tpu.memory_space<hbm>>
      tpu.enqueue_indirect_dma source(%dma_start3A_248 : memref<122880x128xf32, #tpu.memory_space<hbm>>) target(%dma_start3A_242 : memref<128x128xf32, #tpu.memory_space<vmem>>) offsets(%dma_start3A_245 : memref<128xi32, #tpu.memory_space<vmem>>) semaphore(%arg10 : memref<!tpu.dma_semaphore, #tpu.memory_space<semaphore_mem>>)
      %add3A_249 = arith.constant 1 : i32
      %add3A_250 = arith.addi %add3A_201, %add3A_249 : i32
      %add3A_251 = arith.constant 1 : i32
      %add3A_252 = arith.addi %add3A_201, %add3A_251 : i32
      %rem3A_253 = arith.constant 3 : i32
      %rem3A_254 = arith.remsi %add3A_252, %rem3A_253 : i32
      %add3A_255 = arith.addi %mul3A_2, %add3A_250 : i32
      %dma_start3A_256 = arith.constant 0 : i32
      %dma_start3A_257 = arith.constant 0 : i32
      %dma_start3A_258 = tpu.memref_slice %arg6[%rem3A_254, %dma_start3A_256, %dma_start3A_257] : memref<3x2x128xi32, #tpu.memory_space<vmem>> -> memref<1x2x128xi32, #tpu.memory_space<vmem>>
      %dma_start3A_259 = tpu.memref_squeeze %dma_start3A_258 : memref<1x2x128xi32, #tpu.memory_space<vmem>> -> memref<2x128xi32, #tpu.memory_space<vmem>>
      %dma_start3A_260 = arith.constant 0 : i32
      %dma_start3A_261 = arith.constant 0 : i32
      %dma_start3A_262 = tpu.memref_slice %arg3[%add3A_255, %dma_start3A_260, %dma_start3A_261] : memref<1154x2x128xi32, #tpu.memory_space<hbm>> -> memref<1x2x128xi32, #tpu.memory_space<hbm>>
      %dma_start3A_263 = tpu.memref_squeeze %dma_start3A_262 : memref<1x2x128xi32, #tpu.memory_space<hbm>> -> memref<2x128xi32, #tpu.memory_space<hbm>>
      %dma_start3A_264 = arith.constant 0 : i32
      %dma_start3A_265 = arith.constant 0 : i32
      %dma_start3A_266 = tpu.memref_slice %arg6[%rem3A_254, %dma_start3A_264, %dma_start3A_265] : memref<3x2x128xi32, #tpu.memory_space<vmem>> -> memref<1x2x128xi32, #tpu.memory_space<vmem>>
      %dma_start3A_267 = tpu.memref_squeeze %dma_start3A_266 : memref<1x2x128xi32, #tpu.memory_space<vmem>> -> memref<2x128xi32, #tpu.memory_space<vmem>>
      %dma_start3A_268 = arith.constant 0 : i32
      %dma_start3A_269 = arith.constant 0 : i32
      %dma_start3A_270 = tpu.memref_slice %arg3[%add3A_255, %dma_start3A_268, %dma_start3A_269] : memref<1154x2x128xi32, #tpu.memory_space<hbm>> -> memref<1x2x128xi32, #tpu.memory_space<hbm>>
      %dma_start3A_271 = tpu.memref_squeeze %dma_start3A_270 : memref<1x2x128xi32, #tpu.memory_space<hbm>> -> memref<2x128xi32, #tpu.memory_space<hbm>>
      tpu.enqueue_dma source(%dma_start3A_271 : memref<2x128xi32, #tpu.memory_space<hbm>>) target(%dma_start3A_267 : memref<2x128xi32, #tpu.memory_space<vmem>>) target_semaphore(%arg9 : memref<!tpu.dma_semaphore, #tpu.memory_space<semaphore_mem>>)
      %dma_wait3A_272 = arith.constant 0 : i32
      %dma_wait3A_273 = arith.constant 0 : i32
      %dma_wait3A_274 = arith.constant 0 : i32
      %dma_wait3A_275 = tpu.memref_slice %arg7[%dma_wait3A_272, %dma_wait3A_273, %dma_wait3A_274] : memref<2x128x128xf32, #tpu.memory_space<vmem>> -> memref<1x128x128xf32, #tpu.memory_space<vmem>>
      %dma_wait3A_276 = tpu.memref_squeeze %dma_wait3A_275 : memref<1x128x128xf32, #tpu.memory_space<vmem>> -> memref<128x128xf32, #tpu.memory_space<vmem>>
      %dma_wait3A_277 = arith.constant 0 : i32
      %dma_wait3A_278 = arith.constant 0 : i32
      %dma_wait3A_279 = tpu.memref_slice %arg2[%dma_wait3A_277, %dma_wait3A_278] : memref<122880x128xf32, #tpu.memory_space<hbm>> -> memref<128x128xf32, #tpu.memory_space<hbm>>
      %dma_wait3A_280 = arith.constant 0 : i32
      %dma_wait3A_281 = arith.constant 0 : i32
      %dma_wait3A_282 = tpu.memref_slice %arg7[%dma_wait3A_272, %dma_wait3A_280, %dma_wait3A_281] : memref<2x128x128xf32, #tpu.memory_space<vmem>> -> memref<1x128x128xf32, #tpu.memory_space<vmem>>
      %dma_wait3A_283 = tpu.memref_squeeze %dma_wait3A_282 : memref<1x128x128xf32, #tpu.memory_space<vmem>> -> memref<128x128xf32, #tpu.memory_space<vmem>>
      %dma_wait3A_284 = arith.constant 0 : i32
      %dma_wait3A_285 = arith.constant 0 : i32
      %dma_wait3A_286 = tpu.memref_slice %arg2[%dma_wait3A_284, %dma_wait3A_285] : memref<122880x128xf32, #tpu.memory_space<hbm>> -> memref<128x128xf32, #tpu.memory_space<hbm>>
      tpu.wait_dma2 semaphore(%arg11 : memref<!tpu.dma_semaphore, #tpu.memory_space<semaphore_mem>>) src(%dma_wait3A_286 : memref<128x128xf32, #tpu.memory_space<hbm>>) dst(%dma_wait3A_283 : memref<128x128xf32, #tpu.memory_space<vmem>>)
      %dma_start3A_287 = arith.constant 1 : i32
      %dma_start3A_288 = arith.constant 1 : i32
      %dma_start3A_289 = arith.constant 0 : i32
      %dma_start3A_290 = arith.constant 0 : i32
      %dma_start3A_291 = tpu.memref_slice %arg7[%dma_start3A_287, %dma_start3A_289, %dma_start3A_290] : memref<2x128x128xf32, #tpu.memory_space<vmem>> -> memref<1x128x128xf32, #tpu.memory_space<vmem>>
      %dma_start3A_292 = tpu.memref_squeeze %dma_start3A_291 : memref<1x128x128xf32, #tpu.memory_space<vmem>> -> memref<128x128xf32, #tpu.memory_space<vmem>>
      %dma_start3A_293 = arith.constant 0 : i32
      %dma_start3A_294 = tpu.memref_slice %arg6[%rem3A_205, %dma_start3A_288, %dma_start3A_293] : memref<3x2x128xi32, #tpu.memory_space<vmem>> -> memref<1x1x128xi32, #tpu.memory_space<vmem>>
      %dma_start3A_295 = tpu.memref_squeeze %dma_start3A_294 : memref<1x1x128xi32, #tpu.memory_space<vmem>> -> memref<128xi32, #tpu.memory_space<vmem>>
      %dma_start3A_296 = arith.constant 0 : i32
      %dma_start3A_297 = arith.constant 0 : i32
      %dma_start3A_298 = tpu.memref_slice %arg8[%dma_start3A_296, %dma_start3A_297] : memref<10240x128xf32, #tpu.memory_space<vmem_shared>> -> memref<10240x128xf32, #tpu.memory_space<vmem_shared>>
      tpu.enqueue_indirect_dma source(%dma_start3A_292 : memref<128x128xf32, #tpu.memory_space<vmem>>) target(%dma_start3A_298 : memref<10240x128xf32, #tpu.memory_space<vmem_shared>>) offsets(%dma_start3A_295 : memref<128xi32, #tpu.memory_space<vmem>>) semaphore(%arg13 : memref<!tpu.dma_semaphore, #tpu.memory_space<semaphore_mem>>) {add = true}
      %mul3A_299 = arith.constant 2 : i32
      %mul3A_300 = arith.muli %mul3A_299, %scan3A_197 : i32
      %add3A_301 = arith.constant 1 : i32
      %add3A_302 = arith.addi %mul3A_300, %add3A_301 : i32
      %rem3A_303 = arith.constant 3 : i32
      %rem3A_304 = arith.remsi %add3A_302, %rem3A_303 : i32
      %sub3A_305 = arith.constant 1 : i32
      %sub3A_306 = arith.subi %add3A_302, %sub3A_305 : i32
      %rem3A_307 = arith.constant 3 : i32
      %rem3A_308 = arith.remsi %sub3A_306, %rem3A_307 : i32
      %dma_wait3A_309 = arith.constant 0 : i32
      %dma_wait3A_310 = arith.constant 0 : i32
      %dma_wait3A_311 = arith.constant 0 : i32
      %dma_wait3A_312 = tpu.memref_slice %arg7[%dma_wait3A_309, %dma_wait3A_310, %dma_wait3A_311] : memref<2x128x128xf32, #tpu.memory_space<vmem>> -> memref<1x128x128xf32, #tpu.memory_space<vmem>>
      %dma_wait3A_313 = tpu.memref_squeeze %dma_wait3A_312 : memref<1x128x128xf32, #tpu.memory_space<vmem>> -> memref<128x128xf32, #tpu.memory_space<vmem>>
      %dma_wait3A_314 = arith.constant 0 : i32
      %dma_wait3A_315 = arith.constant 0 : i32
      %dma_wait3A_316 = tpu.memref_slice %arg2[%dma_wait3A_314, %dma_wait3A_315] : memref<122880x128xf32, #tpu.memory_space<hbm>> -> memref<128x128xf32, #tpu.memory_space<hbm>>
      %dma_wait3A_317 = arith.constant 0 : i32
      %dma_wait3A_318 = arith.constant 0 : i32
      %dma_wait3A_319 = tpu.memref_slice %arg7[%dma_wait3A_309, %dma_wait3A_317, %dma_wait3A_318] : memref<2x128x128xf32, #tpu.memory_space<vmem>> -> memref<1x128x128xf32, #tpu.memory_space<vmem>>
      %dma_wait3A_320 = tpu.memref_squeeze %dma_wait3A_319 : memref<1x128x128xf32, #tpu.memory_space<vmem>> -> memref<128x128xf32, #tpu.memory_space<vmem>>
      %dma_wait3A_321 = arith.constant 0 : i32
      %dma_wait3A_322 = arith.constant 0 : i32
      %dma_wait3A_323 = tpu.memref_slice %arg2[%dma_wait3A_321, %dma_wait3A_322] : memref<122880x128xf32, #tpu.memory_space<hbm>> -> memref<128x128xf32, #tpu.memory_space<hbm>>
      tpu.wait_dma2 semaphore(%arg13 : memref<!tpu.dma_semaphore, #tpu.memory_space<semaphore_mem>>) src(%dma_wait3A_323 : memref<128x128xf32, #tpu.memory_space<hbm>>) dst(%dma_wait3A_320 : memref<128x128xf32, #tpu.memory_space<vmem>>)
      %dma_wait3A_324 = arith.constant 0 : i32
      %dma_wait3A_325 = arith.constant 0 : i32
      %dma_wait3A_326 = arith.constant 0 : i32
      %dma_wait3A_327 = tpu.memref_slice %arg6[%dma_wait3A_324, %dma_wait3A_325, %dma_wait3A_326] : memref<3x2x128xi32, #tpu.memory_space<vmem>> -> memref<1x2x128xi32, #tpu.memory_space<vmem>>
      %dma_wait3A_328 = arith.constant 0 : i32
      %dma_wait3A_329 = arith.constant 0 : i32
      %dma_wait3A_330 = arith.constant 0 : i32
      %dma_wait3A_331 = tpu.memref_slice %arg3[%dma_wait3A_328, %dma_wait3A_329, %dma_wait3A_330] : memref<1154x2x128xi32, #tpu.memory_space<hbm>> -> memref<1x2x128xi32, #tpu.memory_space<hbm>>
      %dma_wait3A_332 = arith.constant 0 : i32
      %dma_wait3A_333 = arith.constant 0 : i32
      %dma_wait3A_334 = arith.constant 0 : i32
      %dma_wait3A_335 = tpu.memref_slice %arg6[%dma_wait3A_332, %dma_wait3A_333, %dma_wait3A_334] : memref<3x2x128xi32, #tpu.memory_space<vmem>> -> memref<1x2x128xi32, #tpu.memory_space<vmem>>
      %dma_wait3A_336 = arith.constant 0 : i32
      %dma_wait3A_337 = arith.constant 0 : i32
      %dma_wait3A_338 = arith.constant 0 : i32
      %dma_wait3A_339 = tpu.memref_slice %arg3[%dma_wait3A_336, %dma_wait3A_337, %dma_wait3A_338] : memref<1154x2x128xi32, #tpu.memory_space<hbm>> -> memref<1x2x128xi32, #tpu.memory_space<hbm>>
      tpu.wait_dma2 semaphore(%arg9 : memref<!tpu.dma_semaphore, #tpu.memory_space<semaphore_mem>>) src(%dma_wait3A_339 : memref<1x2x128xi32, #tpu.memory_space<hbm>>) dst(%dma_wait3A_335 : memref<1x2x128xi32, #tpu.memory_space<vmem>>)
      %dma_start3A_340 = arith.constant 0 : i32
      %dma_start3A_341 = arith.constant 1 : i32
      %dma_start3A_342 = arith.constant 0 : i32
      %dma_start3A_343 = arith.constant 0 : i32
      %dma_start3A_344 = tpu.memref_slice %arg7[%dma_start3A_341, %dma_start3A_342, %dma_start3A_343] : memref<2x128x128xf32, #tpu.memory_space<vmem>> -> memref<1x128x128xf32, #tpu.memory_space<vmem>>
      %dma_start3A_345 = tpu.memref_squeeze %dma_start3A_344 : memref<1x128x128xf32, #tpu.memory_space<vmem>> -> memref<128x128xf32, #tpu.memory_space<vmem>>
      %dma_start3A_346 = arith.constant 0 : i32
      %dma_start3A_347 = tpu.memref_slice %arg6[%rem3A_304, %dma_start3A_340, %dma_start3A_346] : memref<3x2x128xi32, #tpu.memory_space<vmem>> -> memref<1x1x128xi32, #tpu.memory_space<vmem>>
      %dma_start3A_348 = tpu.memref_squeeze %dma_start3A_347 : memref<1x1x128xi32, #tpu.memory_space<vmem>> -> memref<128xi32, #tpu.memory_space<vmem>>
      %dma_start3A_349 = arith.constant 0 : i32
      %dma_start3A_350 = arith.constant 0 : i32
      %dma_start3A_351 = tpu.memref_slice %arg2[%dma_start3A_349, %dma_start3A_350] : memref<122880x128xf32, #tpu.memory_space<hbm>> -> memref<122880x128xf32, #tpu.memory_space<hbm>>
      tpu.enqueue_indirect_dma source(%dma_start3A_351 : memref<122880x128xf32, #tpu.memory_space<hbm>>) target(%dma_start3A_345 : memref<128x128xf32, #tpu.memory_space<vmem>>) offsets(%dma_start3A_348 : memref<128xi32, #tpu.memory_space<vmem>>) semaphore(%arg11 : memref<!tpu.dma_semaphore, #tpu.memory_space<semaphore_mem>>)
      %add3A_352 = arith.constant 1 : i32
      %add3A_353 = arith.addi %add3A_302, %add3A_352 : i32
      %add3A_354 = arith.constant 1 : i32
      %add3A_355 = arith.addi %add3A_302, %add3A_354 : i32
      %rem3A_356 = arith.constant 3 : i32
      %rem3A_357 = arith.remsi %add3A_355, %rem3A_356 : i32
      %add3A_358 = arith.addi %mul3A_2, %add3A_353 : i32
      %dma_start3A_359 = arith.constant 0 : i32
      %dma_start3A_360 = arith.constant 0 : i32
      %dma_start3A_361 = tpu.memref_slice %arg6[%rem3A_357, %dma_start3A_359, %dma_start3A_360] : memref<3x2x128xi32, #tpu.memory_space<vmem>> -> memref<1x2x128xi32, #tpu.memory_space<vmem>>
      %dma_start3A_362 = tpu.memref_squeeze %dma_start3A_361 : memref<1x2x128xi32, #tpu.memory_space<vmem>> -> memref<2x128xi32, #tpu.memory_space<vmem>>
      %dma_start3A_363 = arith.constant 0 : i32
      %dma_start3A_364 = arith.constant 0 : i32
      %dma_start3A_365 = tpu.memref_slice %arg3[%add3A_358, %dma_start3A_363, %dma_start3A_364] : memref<1154x2x128xi32, #tpu.memory_space<hbm>> -> memref<1x2x128xi32, #tpu.memory_space<hbm>>
      %dma_start3A_366 = tpu.memref_squeeze %dma_start3A_365 : memref<1x2x128xi32, #tpu.memory_space<hbm>> -> memref<2x128xi32, #tpu.memory_space<hbm>>
      %dma_start3A_367 = arith.constant 0 : i32
      %dma_start3A_368 = arith.constant 0 : i32
      %dma_start3A_369 = tpu.memref_slice %arg6[%rem3A_357, %dma_start3A_367, %dma_start3A_368] : memref<3x2x128xi32, #tpu.memory_space<vmem>> -> memref<1x2x128xi32, #tpu.memory_space<vmem>>
      %dma_start3A_370 = tpu.memref_squeeze %dma_start3A_369 : memref<1x2x128xi32, #tpu.memory_space<vmem>> -> memref<2x128xi32, #tpu.memory_space<vmem>>
      %dma_start3A_371 = arith.constant 0 : i32
      %dma_start3A_372 = arith.constant 0 : i32
      %dma_start3A_373 = tpu.memref_slice %arg3[%add3A_358, %dma_start3A_371, %dma_start3A_372] : memref<1154x2x128xi32, #tpu.memory_space<hbm>> -> memref<1x2x128xi32, #tpu.memory_space<hbm>>
      %dma_start3A_374 = tpu.memref_squeeze %dma_start3A_373 : memref<1x2x128xi32, #tpu.memory_space<hbm>> -> memref<2x128xi32, #tpu.memory_space<hbm>>
      tpu.enqueue_dma source(%dma_start3A_374 : memref<2x128xi32, #tpu.memory_space<hbm>>) target(%dma_start3A_370 : memref<2x128xi32, #tpu.memory_space<vmem>>) target_semaphore(%arg9 : memref<!tpu.dma_semaphore, #tpu.memory_space<semaphore_mem>>)
      %dma_wait3A_375 = arith.constant 0 : i32
      %dma_wait3A_376 = arith.constant 0 : i32
      %dma_wait3A_377 = arith.constant 0 : i32
      %dma_wait3A_378 = tpu.memref_slice %arg7[%dma_wait3A_375, %dma_wait3A_376, %dma_wait3A_377] : memref<2x128x128xf32, #tpu.memory_space<vmem>> -> memref<1x128x128xf32, #tpu.memory_space<vmem>>
      %dma_wait3A_379 = tpu.memref_squeeze %dma_wait3A_378 : memref<1x128x128xf32, #tpu.memory_space<vmem>> -> memref<128x128xf32, #tpu.memory_space<vmem>>
      %dma_wait3A_380 = arith.constant 0 : i32
      %dma_wait3A_381 = arith.constant 0 : i32
      %dma_wait3A_382 = tpu.memref_slice %arg2[%dma_wait3A_380, %dma_wait3A_381] : memref<122880x128xf32, #tpu.memory_space<hbm>> -> memref<128x128xf32, #tpu.memory_space<hbm>>
      %dma_wait3A_383 = arith.constant 0 : i32
      %dma_wait3A_384 = arith.constant 0 : i32
      %dma_wait3A_385 = tpu.memref_slice %arg7[%dma_wait3A_375, %dma_wait3A_383, %dma_wait3A_384] : memref<2x128x128xf32, #tpu.memory_space<vmem>> -> memref<1x128x128xf32, #tpu.memory_space<vmem>>
      %dma_wait3A_386 = tpu.memref_squeeze %dma_wait3A_385 : memref<1x128x128xf32, #tpu.memory_space<vmem>> -> memref<128x128xf32, #tpu.memory_space<vmem>>
      %dma_wait3A_387 = arith.constant 0 : i32
      %dma_wait3A_388 = arith.constant 0 : i32
      %dma_wait3A_389 = tpu.memref_slice %arg2[%dma_wait3A_387, %dma_wait3A_388] : memref<122880x128xf32, #tpu.memory_space<hbm>> -> memref<128x128xf32, #tpu.memory_space<hbm>>
      tpu.wait_dma2 semaphore(%arg10 : memref<!tpu.dma_semaphore, #tpu.memory_space<semaphore_mem>>) src(%dma_wait3A_389 : memref<128x128xf32, #tpu.memory_space<hbm>>) dst(%dma_wait3A_386 : memref<128x128xf32, #tpu.memory_space<vmem>>)
      %dma_start3A_390 = arith.constant 0 : i32
      %dma_start3A_391 = arith.constant 1 : i32
      %dma_start3A_392 = arith.constant 0 : i32
      %dma_start3A_393 = arith.constant 0 : i32
      %dma_start3A_394 = tpu.memref_slice %arg7[%dma_start3A_390, %dma_start3A_392, %dma_start3A_393] : memref<2x128x128xf32, #tpu.memory_space<vmem>> -> memref<1x128x128xf32, #tpu.memory_space<vmem>>
      %dma_start3A_395 = tpu.memref_squeeze %dma_start3A_394 : memref<1x128x128xf32, #tpu.memory_space<vmem>> -> memref<128x128xf32, #tpu.memory_space<vmem>>
      %dma_start3A_396 = arith.constant 0 : i32
      %dma_start3A_397 = tpu.memref_slice %arg6[%rem3A_308, %dma_start3A_391, %dma_start3A_396] : memref<3x2x128xi32, #tpu.memory_space<vmem>> -> memref<1x1x128xi32, #tpu.memory_space<vmem>>
      %dma_start3A_398 = tpu.memref_squeeze %dma_start3A_397 : memref<1x1x128xi32, #tpu.memory_space<vmem>> -> memref<128xi32, #tpu.memory_space<vmem>>
      %dma_start3A_399 = arith.constant 0 : i32
      %dma_start3A_400 = arith.constant 0 : i32
      %dma_start3A_401 = tpu.memref_slice %arg8[%dma_start3A_399, %dma_start3A_400] : memref<10240x128xf32, #tpu.memory_space<vmem_shared>> -> memref<10240x128xf32, #tpu.memory_space<vmem_shared>>
      tpu.enqueue_indirect_dma source(%dma_start3A_395 : memref<128x128xf32, #tpu.memory_space<vmem>>) target(%dma_start3A_401 : memref<10240x128xf32, #tpu.memory_space<vmem_shared>>) offsets(%dma_start3A_398 : memref<128xi32, #tpu.memory_space<vmem>>) semaphore(%arg12 : memref<!tpu.dma_semaphore, #tpu.memory_space<semaphore_mem>>) {add = true}
    }
    %scan3A_117 = arith.constant 17 : i32
    %dma_wait3A_118 = arith.constant 0 : i32
    %dma_wait3A_119 = arith.constant 0 : i32
    %dma_wait3A_120 = arith.constant 0 : i32
    %dma_wait3A_121 = tpu.memref_slice %arg7[%dma_wait3A_118, %dma_wait3A_119, %dma_wait3A_120] : memref<2x128x128xf32, #tpu.memory_space<vmem>> -> memref<1x128x128xf32, #tpu.memory_space<vmem>>
    %dma_wait3A_122 = tpu.memref_squeeze %dma_wait3A_121 : memref<1x128x128xf32, #tpu.memory_space<vmem>> -> memref<128x128xf32, #tpu.memory_space<vmem>>
    %dma_wait3A_123 = arith.constant 0 : i32
    %dma_wait3A_124 = arith.constant 0 : i32
    %dma_wait3A_125 = tpu.memref_slice %arg2[%dma_wait3A_123, %dma_wait3A_124] : memref<122880x128xf32, #tpu.memory_space<hbm>> -> memref<128x128xf32, #tpu.memory_space<hbm>>
    %dma_wait3A_126 = arith.constant 0 : i32
    %dma_wait3A_127 = arith.constant 0 : i32
    %dma_wait3A_128 = tpu.memref_slice %arg7[%dma_wait3A_118, %dma_wait3A_126, %dma_wait3A_127] : memref<2x128x128xf32, #tpu.memory_space<vmem>> -> memref<1x128x128xf32, #tpu.memory_space<vmem>>
    %dma_wait3A_129 = tpu.memref_squeeze %dma_wait3A_128 : memref<1x128x128xf32, #tpu.memory_space<vmem>> -> memref<128x128xf32, #tpu.memory_space<vmem>>
    %dma_wait3A_130 = arith.constant 0 : i32
    %dma_wait3A_131 = arith.constant 0 : i32
    %dma_wait3A_132 = tpu.memref_slice %arg2[%dma_wait3A_130, %dma_wait3A_131] : memref<122880x128xf32, #tpu.memory_space<hbm>> -> memref<128x128xf32, #tpu.memory_space<hbm>>
    tpu.wait_dma2 semaphore(%arg11 : memref<!tpu.dma_semaphore, #tpu.memory_space<semaphore_mem>>) src(%dma_wait3A_132 : memref<128x128xf32, #tpu.memory_space<hbm>>) dst(%dma_wait3A_129 : memref<128x128xf32, #tpu.memory_space<vmem>>)
    %dma_start3A_133 = arith.constant 1 : i32
    %dma_start3A_134 = arith.constant 2 : i32
    %dma_start3A_135 = arith.constant 1 : i32
    %dma_start3A_136 = arith.constant 0 : i32
    %dma_start3A_137 = arith.constant 0 : i32
    %dma_start3A_138 = tpu.memref_slice %arg7[%dma_start3A_133, %dma_start3A_136, %dma_start3A_137] : memref<2x128x128xf32, #tpu.memory_space<vmem>> -> memref<1x128x128xf32, #tpu.memory_space<vmem>>
    %dma_start3A_139 = tpu.memref_squeeze %dma_start3A_138 : memref<1x128x128xf32, #tpu.memory_space<vmem>> -> memref<128x128xf32, #tpu.memory_space<vmem>>
    %dma_start3A_140 = arith.constant 0 : i32
    %dma_start3A_141 = tpu.memref_slice %arg6[%dma_start3A_134, %dma_start3A_135, %dma_start3A_140] : memref<3x2x128xi32, #tpu.memory_space<vmem>> -> memref<1x1x128xi32, #tpu.memory_space<vmem>>
    %dma_start3A_142 = tpu.memref_squeeze %dma_start3A_141 : memref<1x1x128xi32, #tpu.memory_space<vmem>> -> memref<128xi32, #tpu.memory_space<vmem>>
    %dma_start3A_143 = arith.constant 0 : i32
    %dma_start3A_144 = arith.constant 0 : i32
    %dma_start3A_145 = tpu.memref_slice %arg8[%dma_start3A_143, %dma_start3A_144] : memref<10240x128xf32, #tpu.memory_space<vmem_shared>> -> memref<10240x128xf32, #tpu.memory_space<vmem_shared>>
    tpu.enqueue_indirect_dma source(%dma_start3A_139 : memref<128x128xf32, #tpu.memory_space<vmem>>) target(%dma_start3A_145 : memref<10240x128xf32, #tpu.memory_space<vmem_shared>>) offsets(%dma_start3A_142 : memref<128xi32, #tpu.memory_space<vmem>>) semaphore(%arg13 : memref<!tpu.dma_semaphore, #tpu.memory_space<semaphore_mem>>) {add = true}
    %dma_wait3A_146 = arith.constant 0 : i32
    %dma_wait3A_147 = arith.constant 0 : i32
    %dma_wait3A_148 = arith.constant 0 : i32
    %dma_wait3A_149 = tpu.memref_slice %arg7[%dma_wait3A_146, %dma_wait3A_147, %dma_wait3A_148] : memref<2x128x128xf32, #tpu.memory_space<vmem>> -> memref<1x128x128xf32, #tpu.memory_space<vmem>>
    %dma_wait3A_150 = tpu.memref_squeeze %dma_wait3A_149 : memref<1x128x128xf32, #tpu.memory_space<vmem>> -> memref<128x128xf32, #tpu.memory_space<vmem>>
    %dma_wait3A_151 = arith.constant 0 : i32
    %dma_wait3A_152 = arith.constant 0 : i32
    %dma_wait3A_153 = tpu.memref_slice %arg2[%dma_wait3A_151, %dma_wait3A_152] : memref<122880x128xf32, #tpu.memory_space<hbm>> -> memref<128x128xf32, #tpu.memory_space<hbm>>
    %dma_wait3A_154 = arith.constant 0 : i32
    %dma_wait3A_155 = arith.constant 0 : i32
    %dma_wait3A_156 = tpu.memref_slice %arg7[%dma_wait3A_146, %dma_wait3A_154, %dma_wait3A_155] : memref<2x128x128xf32, #tpu.memory_space<vmem>> -> memref<1x128x128xf32, #tpu.memory_space<vmem>>
    %dma_wait3A_157 = tpu.memref_squeeze %dma_wait3A_156 : memref<1x128x128xf32, #tpu.memory_space<vmem>> -> memref<128x128xf32, #tpu.memory_space<vmem>>
    %dma_wait3A_158 = arith.constant 0 : i32
    %dma_wait3A_159 = arith.constant 0 : i32
    %dma_wait3A_160 = tpu.memref_slice %arg2[%dma_wait3A_158, %dma_wait3A_159] : memref<122880x128xf32, #tpu.memory_space<hbm>> -> memref<128x128xf32, #tpu.memory_space<hbm>>
    tpu.wait_dma2 semaphore(%arg12 : memref<!tpu.dma_semaphore, #tpu.memory_space<semaphore_mem>>) src(%dma_wait3A_160 : memref<128x128xf32, #tpu.memory_space<hbm>>) dst(%dma_wait3A_157 : memref<128x128xf32, #tpu.memory_space<vmem>>)
    %dma_wait3A_161 = arith.constant 0 : i32
    %dma_wait3A_162 = arith.constant 0 : i32
    %dma_wait3A_163 = arith.constant 0 : i32
    %dma_wait3A_164 = tpu.memref_slice %arg7[%dma_wait3A_161, %dma_wait3A_162, %dma_wait3A_163] : memref<2x128x128xf32, #tpu.memory_space<vmem>> -> memref<1x128x128xf32, #tpu.memory_space<vmem>>
    %dma_wait3A_165 = tpu.memref_squeeze %dma_wait3A_164 : memref<1x128x128xf32, #tpu.memory_space<vmem>> -> memref<128x128xf32, #tpu.memory_space<vmem>>
    %dma_wait3A_166 = arith.constant 0 : i32
    %dma_wait3A_167 = arith.constant 0 : i32
    %dma_wait3A_168 = tpu.memref_slice %arg2[%dma_wait3A_166, %dma_wait3A_167] : memref<122880x128xf32, #tpu.memory_space<hbm>> -> memref<128x128xf32, #tpu.memory_space<hbm>>
    %dma_wait3A_169 = arith.constant 0 : i32
    %dma_wait3A_170 = arith.constant 0 : i32
    %dma_wait3A_171 = tpu.memref_slice %arg7[%dma_wait3A_161, %dma_wait3A_169, %dma_wait3A_170] : memref<2x128x128xf32, #tpu.memory_space<vmem>> -> memref<1x128x128xf32, #tpu.memory_space<vmem>>
    %dma_wait3A_172 = tpu.memref_squeeze %dma_wait3A_171 : memref<1x128x128xf32, #tpu.memory_space<vmem>> -> memref<128x128xf32, #tpu.memory_space<vmem>>
    %dma_wait3A_173 = arith.constant 0 : i32
    %dma_wait3A_174 = arith.constant 0 : i32
    %dma_wait3A_175 = tpu.memref_slice %arg2[%dma_wait3A_173, %dma_wait3A_174] : memref<122880x128xf32, #tpu.memory_space<hbm>> -> memref<128x128xf32, #tpu.memory_space<hbm>>
    tpu.wait_dma2 semaphore(%arg13 : memref<!tpu.dma_semaphore, #tpu.memory_space<semaphore_mem>>) src(%dma_wait3A_175 : memref<128x128xf32, #tpu.memory_space<hbm>>) dst(%dma_wait3A_172 : memref<128x128xf32, #tpu.memory_space<vmem>>)
    %dma_wait3A_176 = arith.constant 0 : i32
    %dma_wait3A_177 = arith.constant 0 : i32
    %dma_wait3A_178 = arith.constant 0 : i32
    %dma_wait3A_179 = tpu.memref_slice %arg6[%dma_wait3A_176, %dma_wait3A_177, %dma_wait3A_178] : memref<3x2x128xi32, #tpu.memory_space<vmem>> -> memref<1x2x128xi32, #tpu.memory_space<vmem>>
    %dma_wait3A_180 = arith.constant 0 : i32
    %dma_wait3A_181 = arith.constant 0 : i32
    %dma_wait3A_182 = arith.constant 0 : i32
    %dma_wait3A_183 = tpu.memref_slice %arg3[%dma_wait3A_180, %dma_wait3A_181, %dma_wait3A_182] : memref<1154x2x128xi32, #tpu.memory_space<hbm>> -> memref<1x2x128xi32, #tpu.memory_space<hbm>>
    %dma_wait3A_184 = arith.constant 0 : i32
    %dma_wait3A_185 = arith.constant 0 : i32
    %dma_wait3A_186 = arith.constant 0 : i32
    %dma_wait3A_187 = tpu.memref_slice %arg6[%dma_wait3A_184, %dma_wait3A_185, %dma_wait3A_186] : memref<3x2x128xi32, #tpu.memory_space<vmem>> -> memref<1x2x128xi32, #tpu.memory_space<vmem>>
    %dma_wait3A_188 = arith.constant 0 : i32
    %dma_wait3A_189 = arith.constant 0 : i32
    %dma_wait3A_190 = arith.constant 0 : i32
    %dma_wait3A_191 = tpu.memref_slice %arg3[%dma_wait3A_188, %dma_wait3A_189, %dma_wait3A_190] : memref<1154x2x128xi32, #tpu.memory_space<hbm>> -> memref<1x2x128xi32, #tpu.memory_space<hbm>>
    tpu.wait_dma2 semaphore(%arg9 : memref<!tpu.dma_semaphore, #tpu.memory_space<semaphore_mem>>) src(%dma_wait3A_191 : memref<1x2x128xi32, #tpu.memory_space<hbm>>) dst(%dma_wait3A_187 : memref<1x2x128xi32, #tpu.memory_space<vmem>>)
    %barrier3A_192 = arith.constant 0 : index
    tpu.barrier barrier_id(%barrier3A_192)
    %mul3A_193 = arith.constant 640 : i32
    %mul3A_194 = arith.muli %arg1, %mul3A_193 : i32
    %mul3A_195 = arith.constant 640 : i32
    %mul3A_196 = arith.muli %arg1, %mul3A_195 : i32
    "tpu.region"() ({
      %run_scoped3A_197 = tpu.sem_alloc : memref<!tpu.dma_semaphore, #tpu.memory_space<semaphore_mem>>
      %dma_start3A_198 = arith.constant 0 : i32
      %dma_start3A_199 = tpu.memref_slice %arg5[%arg0, %mul3A_196, %dma_start3A_198] : memref<2x10240x128xf32, #tpu.memory_space<hbm>> -> memref<1x640x128xf32, #tpu.memory_space<hbm>>
      %dma_start3A_200 = tpu.memref_squeeze %dma_start3A_199 : memref<1x640x128xf32, #tpu.memory_space<hbm>> -> memref<640x128xf32, #tpu.memory_space<hbm>>
      %dma_start3A_201 = arith.constant 0 : i32
      %dma_start3A_202 = tpu.memref_slice %arg8[%mul3A_194, %dma_start3A_201] : memref<10240x128xf32, #tpu.memory_space<vmem_shared>> -> memref<640x128xf32, #tpu.memory_space<vmem_shared>>
      tpu.enqueue_dma source(%dma_start3A_202 : memref<640x128xf32, #tpu.memory_space<vmem_shared>>) target(%dma_start3A_200 : memref<640x128xf32, #tpu.memory_space<hbm>>) target_semaphore(%run_scoped3A_197 : memref<!tpu.dma_semaphore, #tpu.memory_space<semaphore_mem>>)
      %dma_wait3A_203 = arith.constant 0 : i32
      %dma_wait3A_204 = tpu.memref_slice %arg5[%arg0, %mul3A_196, %dma_wait3A_203] : memref<2x10240x128xf32, #tpu.memory_space<hbm>> -> memref<1x640x128xf32, #tpu.memory_space<hbm>>
      %dma_wait3A_205 = tpu.memref_squeeze %dma_wait3A_204 : memref<1x640x128xf32, #tpu.memory_space<hbm>> -> memref<640x128xf32, #tpu.memory_space<hbm>>
      %dma_wait3A_206 = arith.constant 0 : i32
      %dma_wait3A_207 = tpu.memref_slice %arg8[%mul3A_194, %dma_wait3A_206] : memref<10240x128xf32, #tpu.memory_space<vmem_shared>> -> memref<640x128xf32, #tpu.memory_space<vmem_shared>>
      tpu.wait_dma2 semaphore(%run_scoped3A_197 : memref<!tpu.dma_semaphore, #tpu.memory_space<semaphore_mem>>) src(%dma_wait3A_207 : memref<640x128xf32, #tpu.memory_space<vmem_shared>>) dst(%dma_wait3A_205 : memref<640x128xf32, #tpu.memory_space<hbm>>)
      tpu.yield
    }) : () -> ()
    return
  }
}

module attributes {stable_mosaic.version = 14 : i64} {
  func.func @_mm1_body(%arg0: i32, %arg1: memref<1024x128xf32, #tpu.memory_space<vmem>>, %arg2: memref<128x1536xf32, #tpu.memory_space<vmem>>, %arg3: memref<12x1024x128xf32, #tpu.memory_space<vmem>>) attributes {dimension_semantics = [#tpu.dimension_semantics<arbitrary>], iteration_bounds = array<i64: 10>, scalar_prefetch = 0 : i64, scratch_operands = 0 : i64, tpu.core_type = #tpu.core_type<tc>, window_params = [{transform_indices = @transform_0, window_bounds = array<i64: 1024, 128>}, {pipeline_mode = #tpu.pipeline_mode<synchronous>, transform_indices = @transform_1, window_bounds = array<i64: 128, 1536>}, {transform_indices = @transform_2, window_bounds = array<i64: 12, 1024, 128>}]} {
    %get3A = arith.constant 0 : index
    %get3A_0 = arith.constant 0 : index
    %get3A_1 = vector.load %arg1[%get3A, %get3A_0] : memref<1024x128xf32, #tpu.memory_space<vmem>>, vector<1024x128xf32>
    %get3A_2 = arith.constant 0 : index
    %get3A_3 = arith.constant 0 : index
    %get3A_4 = vector.load %arg2[%get3A_2, %get3A_3] : memref<128x1536xf32, #tpu.memory_space<vmem>>, vector<128x128xf32>
    %dot_general3A = arith.constant dense<0.000000e+00> : vector<1024x128xf32>
    %dot_general3A_5 = tpu.matmul %get3A_1, %get3A_4, %dot_general3A {dimension_numbers = #tpu.dot_dimension_numbers<[1], [0], [0], [1], [0, 0, 1, 1], [], []>, transpose_lhs_hint = false} : vector<1024x128xf32>, vector<128x128xf32>, vector<1024x128xf32> -> vector<1024x128xf32>
    %swap3A = arith.constant 0 : index
    %swap3A_6 = arith.constant 0 : index
    %swap3A_7 = arith.constant 0 : index
    %swap3A_8 = vector.load %arg3[%swap3A, %swap3A_6, %swap3A_7] : memref<12x1024x128xf32, #tpu.memory_space<vmem>>, vector<1x1024x128xf32>
    %swap3A_9 = vector.shape_cast %swap3A_8 : vector<1x1024x128xf32> to vector<1024x128xf32>
    %swap3A_10 = vector.shape_cast %dot_general3A_5 : vector<1024x128xf32> to vector<1x1024x128xf32>
    tpu.vector_store %arg3[%swap3A, %swap3A_6, %swap3A_7], %swap3A_10 {strides = array<i32>} : memref<12x1024x128xf32, #tpu.memory_space<vmem>>, vector<1x1024x128xf32>,
    %get3A_11 = arith.constant 0 : index
    %get3A_12 = arith.constant 0 : index
    %get3A_13 = vector.load %arg1[%get3A_11, %get3A_12] : memref<1024x128xf32, #tpu.memory_space<vmem>>, vector<1024x128xf32>
    %get3A_14 = arith.constant 0 : index
    %get3A_15 = arith.constant 128 : index
    %get3A_16 = vector.load %arg2[%get3A_14, %get3A_15] : memref<128x1536xf32, #tpu.memory_space<vmem>>, vector<128x128xf32>
    %dot_general3A_17 = arith.constant dense<0.000000e+00> : vector<1024x128xf32>
    %dot_general3A_18 = tpu.matmul %get3A_13, %get3A_16, %dot_general3A_17 {dimension_numbers = #tpu.dot_dimension_numbers<[1], [0], [0], [1], [0, 0, 1, 1], [], []>, transpose_lhs_hint = false} : vector<1024x128xf32>, vector<128x128xf32>, vector<1024x128xf32> -> vector<1024x128xf32>
    %swap3A_19 = arith.constant 1 : index
    %swap3A_20 = arith.constant 0 : index
    %swap3A_21 = arith.constant 0 : index
    %swap3A_22 = vector.load %arg3[%swap3A_19, %swap3A_20, %swap3A_21] : memref<12x1024x128xf32, #tpu.memory_space<vmem>>, vector<1x1024x128xf32>
    %swap3A_23 = vector.shape_cast %swap3A_22 : vector<1x1024x128xf32> to vector<1024x128xf32>
    %swap3A_24 = vector.shape_cast %dot_general3A_18 : vector<1024x128xf32> to vector<1x1024x128xf32>
    tpu.vector_store %arg3[%swap3A_19, %swap3A_20, %swap3A_21], %swap3A_24 {strides = array<i32>} : memref<12x1024x128xf32, #tpu.memory_space<vmem>>, vector<1x1024x128xf32>,
    %get3A_25 = arith.constant 0 : index
    %get3A_26 = arith.constant 0 : index
    %get3A_27 = vector.load %arg1[%get3A_25, %get3A_26] : memref<1024x128xf32, #tpu.memory_space<vmem>>, vector<1024x128xf32>
    %get3A_28 = arith.constant 0 : index
    %get3A_29 = arith.constant 256 : index
    %get3A_30 = vector.load %arg2[%get3A_28, %get3A_29] : memref<128x1536xf32, #tpu.memory_space<vmem>>, vector<128x128xf32>
    %dot_general3A_31 = arith.constant dense<0.000000e+00> : vector<1024x128xf32>
    %dot_general3A_32 = tpu.matmul %get3A_27, %get3A_30, %dot_general3A_31 {dimension_numbers = #tpu.dot_dimension_numbers<[1], [0], [0], [1], [0, 0, 1, 1], [], []>, transpose_lhs_hint = false} : vector<1024x128xf32>, vector<128x128xf32>, vector<1024x128xf32> -> vector<1024x128xf32>
    %swap3A_33 = arith.constant 2 : index
    %swap3A_34 = arith.constant 0 : index
    %swap3A_35 = arith.constant 0 : index
    %swap3A_36 = vector.load %arg3[%swap3A_33, %swap3A_34, %swap3A_35] : memref<12x1024x128xf32, #tpu.memory_space<vmem>>, vector<1x1024x128xf32>
    %swap3A_37 = vector.shape_cast %swap3A_36 : vector<1x1024x128xf32> to vector<1024x128xf32>
    %swap3A_38 = vector.shape_cast %dot_general3A_32 : vector<1024x128xf32> to vector<1x1024x128xf32>
    tpu.vector_store %arg3[%swap3A_33, %swap3A_34, %swap3A_35], %swap3A_38 {strides = array<i32>} : memref<12x1024x128xf32, #tpu.memory_space<vmem>>, vector<1x1024x128xf32>,
    %get3A_39 = arith.constant 0 : index
    %get3A_40 = arith.constant 0 : index
    %get3A_41 = vector.load %arg1[%get3A_39, %get3A_40] : memref<1024x128xf32, #tpu.memory_space<vmem>>, vector<1024x128xf32>
    %get3A_42 = arith.constant 0 : index
    %get3A_43 = arith.constant 384 : index
    %get3A_44 = vector.load %arg2[%get3A_42, %get3A_43] : memref<128x1536xf32, #tpu.memory_space<vmem>>, vector<128x128xf32>
    %dot_general3A_45 = arith.constant dense<0.000000e+00> : vector<1024x128xf32>
    %dot_general3A_46 = tpu.matmul %get3A_41, %get3A_44, %dot_general3A_45 {dimension_numbers = #tpu.dot_dimension_numbers<[1], [0], [0], [1], [0, 0, 1, 1], [], []>, transpose_lhs_hint = false} : vector<1024x128xf32>, vector<128x128xf32>, vector<1024x128xf32> -> vector<1024x128xf32>
    %swap3A_47 = arith.constant 3 : index
    %swap3A_48 = arith.constant 0 : index
    %swap3A_49 = arith.constant 0 : index
    %swap3A_50 = vector.load %arg3[%swap3A_47, %swap3A_48, %swap3A_49] : memref<12x1024x128xf32, #tpu.memory_space<vmem>>, vector<1x1024x128xf32>
    %swap3A_51 = vector.shape_cast %swap3A_50 : vector<1x1024x128xf32> to vector<1024x128xf32>
    %swap3A_52 = vector.shape_cast %dot_general3A_46 : vector<1024x128xf32> to vector<1x1024x128xf32>
    tpu.vector_store %arg3[%swap3A_47, %swap3A_48, %swap3A_49], %swap3A_52 {strides = array<i32>} : memref<12x1024x128xf32, #tpu.memory_space<vmem>>, vector<1x1024x128xf32>,
    %get3A_53 = arith.constant 0 : index
    %get3A_54 = arith.constant 0 : index
    %get3A_55 = vector.load %arg1[%get3A_53, %get3A_54] : memref<1024x128xf32, #tpu.memory_space<vmem>>, vector<1024x128xf32>
    %get3A_56 = arith.constant 0 : index
    %get3A_57 = arith.constant 512 : index
    %get3A_58 = vector.load %arg2[%get3A_56, %get3A_57] : memref<128x1536xf32, #tpu.memory_space<vmem>>, vector<128x128xf32>
    %dot_general3A_59 = arith.constant dense<0.000000e+00> : vector<1024x128xf32>
    %dot_general3A_60 = tpu.matmul %get3A_55, %get3A_58, %dot_general3A_59 {dimension_numbers = #tpu.dot_dimension_numbers<[1], [0], [0], [1], [0, 0, 1, 1], [], []>, transpose_lhs_hint = false} : vector<1024x128xf32>, vector<128x128xf32>, vector<1024x128xf32> -> vector<1024x128xf32>
    %swap3A_61 = arith.constant 4 : index
    %swap3A_62 = arith.constant 0 : index
    %swap3A_63 = arith.constant 0 : index
    %swap3A_64 = vector.load %arg3[%swap3A_61, %swap3A_62, %swap3A_63] : memref<12x1024x128xf32, #tpu.memory_space<vmem>>, vector<1x1024x128xf32>
    %swap3A_65 = vector.shape_cast %swap3A_64 : vector<1x1024x128xf32> to vector<1024x128xf32>
    %swap3A_66 = vector.shape_cast %dot_general3A_60 : vector<1024x128xf32> to vector<1x1024x128xf32>
    tpu.vector_store %arg3[%swap3A_61, %swap3A_62, %swap3A_63], %swap3A_66 {strides = array<i32>} : memref<12x1024x128xf32, #tpu.memory_space<vmem>>, vector<1x1024x128xf32>,
    %get3A_67 = arith.constant 0 : index
    %get3A_68 = arith.constant 0 : index
    %get3A_69 = vector.load %arg1[%get3A_67, %get3A_68] : memref<1024x128xf32, #tpu.memory_space<vmem>>, vector<1024x128xf32>
    %get3A_70 = arith.constant 0 : index
    %get3A_71 = arith.constant 640 : index
    %get3A_72 = vector.load %arg2[%get3A_70, %get3A_71] : memref<128x1536xf32, #tpu.memory_space<vmem>>, vector<128x128xf32>
    %dot_general3A_73 = arith.constant dense<0.000000e+00> : vector<1024x128xf32>
    %dot_general3A_74 = tpu.matmul %get3A_69, %get3A_72, %dot_general3A_73 {dimension_numbers = #tpu.dot_dimension_numbers<[1], [0], [0], [1], [0, 0, 1, 1], [], []>, transpose_lhs_hint = false} : vector<1024x128xf32>, vector<128x128xf32>, vector<1024x128xf32> -> vector<1024x128xf32>
    %swap3A_75 = arith.constant 5 : index
    %swap3A_76 = arith.constant 0 : index
    %swap3A_77 = arith.constant 0 : index
    %swap3A_78 = vector.load %arg3[%swap3A_75, %swap3A_76, %swap3A_77] : memref<12x1024x128xf32, #tpu.memory_space<vmem>>, vector<1x1024x128xf32>
    %swap3A_79 = vector.shape_cast %swap3A_78 : vector<1x1024x128xf32> to vector<1024x128xf32>
    %swap3A_80 = vector.shape_cast %dot_general3A_74 : vector<1024x128xf32> to vector<1x1024x128xf32>
    tpu.vector_store %arg3[%swap3A_75, %swap3A_76, %swap3A_77], %swap3A_80 {strides = array<i32>} : memref<12x1024x128xf32, #tpu.memory_space<vmem>>, vector<1x1024x128xf32>,
    %get3A_81 = arith.constant 0 : index
    %get3A_82 = arith.constant 0 : index
    %get3A_83 = vector.load %arg1[%get3A_81, %get3A_82] : memref<1024x128xf32, #tpu.memory_space<vmem>>, vector<1024x128xf32>
    %get3A_84 = arith.constant 0 : index
    %get3A_85 = arith.constant 768 : index
    %get3A_86 = vector.load %arg2[%get3A_84, %get3A_85] : memref<128x1536xf32, #tpu.memory_space<vmem>>, vector<128x128xf32>
    %dot_general3A_87 = arith.constant dense<0.000000e+00> : vector<1024x128xf32>
    %dot_general3A_88 = tpu.matmul %get3A_83, %get3A_86, %dot_general3A_87 {dimension_numbers = #tpu.dot_dimension_numbers<[1], [0], [0], [1], [0, 0, 1, 1], [], []>, transpose_lhs_hint = false} : vector<1024x128xf32>, vector<128x128xf32>, vector<1024x128xf32> -> vector<1024x128xf32>
    %swap3A_89 = arith.constant 6 : index
    %swap3A_90 = arith.constant 0 : index
    %swap3A_91 = arith.constant 0 : index
    %swap3A_92 = vector.load %arg3[%swap3A_89, %swap3A_90, %swap3A_91] : memref<12x1024x128xf32, #tpu.memory_space<vmem>>, vector<1x1024x128xf32>
    %swap3A_93 = vector.shape_cast %swap3A_92 : vector<1x1024x128xf32> to vector<1024x128xf32>
    %swap3A_94 = vector.shape_cast %dot_general3A_88 : vector<1024x128xf32> to vector<1x1024x128xf32>
    tpu.vector_store %arg3[%swap3A_89, %swap3A_90, %swap3A_91], %swap3A_94 {strides = array<i32>} : memref<12x1024x128xf32, #tpu.memory_space<vmem>>, vector<1x1024x128xf32>,
    %get3A_95 = arith.constant 0 : index
    %get3A_96 = arith.constant 0 : index
    %get3A_97 = vector.load %arg1[%get3A_95, %get3A_96] : memref<1024x128xf32, #tpu.memory_space<vmem>>, vector<1024x128xf32>
    %get3A_98 = arith.constant 0 : index
    %get3A_99 = arith.constant 896 : index
    %get3A_100 = vector.load %arg2[%get3A_98, %get3A_99] : memref<128x1536xf32, #tpu.memory_space<vmem>>, vector<128x128xf32>
    %dot_general3A_101 = arith.constant dense<0.000000e+00> : vector<1024x128xf32>
    %dot_general3A_102 = tpu.matmul %get3A_97, %get3A_100, %dot_general3A_101 {dimension_numbers = #tpu.dot_dimension_numbers<[1], [0], [0], [1], [0, 0, 1, 1], [], []>, transpose_lhs_hint = false} : vector<1024x128xf32>, vector<128x128xf32>, vector<1024x128xf32> -> vector<1024x128xf32>
    %swap3A_103 = arith.constant 7 : index
    %swap3A_104 = arith.constant 0 : index
    %swap3A_105 = arith.constant 0 : index
    %swap3A_106 = vector.load %arg3[%swap3A_103, %swap3A_104, %swap3A_105] : memref<12x1024x128xf32, #tpu.memory_space<vmem>>, vector<1x1024x128xf32>
    %swap3A_107 = vector.shape_cast %swap3A_106 : vector<1x1024x128xf32> to vector<1024x128xf32>
    %swap3A_108 = vector.shape_cast %dot_general3A_102 : vector<1024x128xf32> to vector<1x1024x128xf32>
    tpu.vector_store %arg3[%swap3A_103, %swap3A_104, %swap3A_105], %swap3A_108 {strides = array<i32>} : memref<12x1024x128xf32, #tpu.memory_space<vmem>>, vector<1x1024x128xf32>,
    %get3A_109 = arith.constant 0 : index
    %get3A_110 = arith.constant 0 : index
    %get3A_111 = vector.load %arg1[%get3A_109, %get3A_110] : memref<1024x128xf32, #tpu.memory_space<vmem>>, vector<1024x128xf32>
    %get3A_112 = arith.constant 0 : index
    %get3A_113 = arith.constant 1024 : index
    %get3A_114 = vector.load %arg2[%get3A_112, %get3A_113] : memref<128x1536xf32, #tpu.memory_space<vmem>>, vector<128x128xf32>
    %dot_general3A_115 = arith.constant dense<0.000000e+00> : vector<1024x128xf32>
    %dot_general3A_116 = tpu.matmul %get3A_111, %get3A_114, %dot_general3A_115 {dimension_numbers = #tpu.dot_dimension_numbers<[1], [0], [0], [1], [0, 0, 1, 1], [], []>, transpose_lhs_hint = false} : vector<1024x128xf32>, vector<128x128xf32>, vector<1024x128xf32> -> vector<1024x128xf32>
    %swap3A_117 = arith.constant 8 : index
    %swap3A_118 = arith.constant 0 : index
    %swap3A_119 = arith.constant 0 : index
    %swap3A_120 = vector.load %arg3[%swap3A_117, %swap3A_118, %swap3A_119] : memref<12x1024x128xf32, #tpu.memory_space<vmem>>, vector<1x1024x128xf32>
    %swap3A_121 = vector.shape_cast %swap3A_120 : vector<1x1024x128xf32> to vector<1024x128xf32>
    %swap3A_122 = vector.shape_cast %dot_general3A_116 : vector<1024x128xf32> to vector<1x1024x128xf32>
    tpu.vector_store %arg3[%swap3A_117, %swap3A_118, %swap3A_119], %swap3A_122 {strides = array<i32>} : memref<12x1024x128xf32, #tpu.memory_space<vmem>>, vector<1x1024x128xf32>,
    %get3A_123 = arith.constant 0 : index
    %get3A_124 = arith.constant 0 : index
    %get3A_125 = vector.load %arg1[%get3A_123, %get3A_124] : memref<1024x128xf32, #tpu.memory_space<vmem>>, vector<1024x128xf32>
    %get3A_126 = arith.constant 0 : index
    %get3A_127 = arith.constant 1152 : index
    %get3A_128 = vector.load %arg2[%get3A_126, %get3A_127] : memref<128x1536xf32, #tpu.memory_space<vmem>>, vector<128x128xf32>
    %dot_general3A_129 = arith.constant dense<0.000000e+00> : vector<1024x128xf32>
    %dot_general3A_130 = tpu.matmul %get3A_125, %get3A_128, %dot_general3A_129 {dimension_numbers = #tpu.dot_dimension_numbers<[1], [0], [0], [1], [0, 0, 1, 1], [], []>, transpose_lhs_hint = false} : vector<1024x128xf32>, vector<128x128xf32>, vector<1024x128xf32> -> vector<1024x128xf32>
    %swap3A_131 = arith.constant 9 : index
    %swap3A_132 = arith.constant 0 : index
    %swap3A_133 = arith.constant 0 : index
    %swap3A_134 = vector.load %arg3[%swap3A_131, %swap3A_132, %swap3A_133] : memref<12x1024x128xf32, #tpu.memory_space<vmem>>, vector<1x1024x128xf32>
    %swap3A_135 = vector.shape_cast %swap3A_134 : vector<1x1024x128xf32> to vector<1024x128xf32>
    %swap3A_136 = vector.shape_cast %dot_general3A_130 : vector<1024x128xf32> to vector<1x1024x128xf32>
    tpu.vector_store %arg3[%swap3A_131, %swap3A_132, %swap3A_133], %swap3A_136 {strides = array<i32>} : memref<12x1024x128xf32, #tpu.memory_space<vmem>>, vector<1x1024x128xf32>,
    %get3A_137 = arith.constant 0 : index
    %get3A_138 = arith.constant 0 : index
    %get3A_139 = vector.load %arg1[%get3A_137, %get3A_138] : memref<1024x128xf32, #tpu.memory_space<vmem>>, vector<1024x128xf32>
    %get3A_140 = arith.constant 0 : index
    %get3A_141 = arith.constant 1280 : index
    %get3A_142 = vector.load %arg2[%get3A_140, %get3A_141] : memref<128x1536xf32, #tpu.memory_space<vmem>>, vector<128x128xf32>
    %dot_general3A_143 = arith.constant dense<0.000000e+00> : vector<1024x128xf32>
    %dot_general3A_144 = tpu.matmul %get3A_139, %get3A_142, %dot_general3A_143 {dimension_numbers = #tpu.dot_dimension_numbers<[1], [0], [0], [1], [0, 0, 1, 1], [], []>, transpose_lhs_hint = false} : vector<1024x128xf32>, vector<128x128xf32>, vector<1024x128xf32> -> vector<1024x128xf32>
    %swap3A_145 = arith.constant 10 : index
    %swap3A_146 = arith.constant 0 : index
    %swap3A_147 = arith.constant 0 : index
    %swap3A_148 = vector.load %arg3[%swap3A_145, %swap3A_146, %swap3A_147] : memref<12x1024x128xf32, #tpu.memory_space<vmem>>, vector<1x1024x128xf32>
    %swap3A_149 = vector.shape_cast %swap3A_148 : vector<1x1024x128xf32> to vector<1024x128xf32>
    %swap3A_150 = vector.shape_cast %dot_general3A_144 : vector<1024x128xf32> to vector<1x1024x128xf32>
    tpu.vector_store %arg3[%swap3A_145, %swap3A_146, %swap3A_147], %swap3A_150 {strides = array<i32>} : memref<12x1024x128xf32, #tpu.memory_space<vmem>>, vector<1x1024x128xf32>,
    %get3A_151 = arith.constant 0 : index
    %get3A_152 = arith.constant 0 : index
    %get3A_153 = vector.load %arg1[%get3A_151, %get3A_152] : memref<1024x128xf32, #tpu.memory_space<vmem>>, vector<1024x128xf32>
    %get3A_154 = arith.constant 0 : index
    %get3A_155 = arith.constant 1408 : index
    %get3A_156 = vector.load %arg2[%get3A_154, %get3A_155] : memref<128x1536xf32, #tpu.memory_space<vmem>>, vector<128x128xf32>
    %dot_general3A_157 = arith.constant dense<0.000000e+00> : vector<1024x128xf32>
    %dot_general3A_158 = tpu.matmul %get3A_153, %get3A_156, %dot_general3A_157 {dimension_numbers = #tpu.dot_dimension_numbers<[1], [0], [0], [1], [0, 0, 1, 1], [], []>, transpose_lhs_hint = false} : vector<1024x128xf32>, vector<128x128xf32>, vector<1024x128xf32> -> vector<1024x128xf32>
    %swap3A_159 = arith.constant 11 : index
    %swap3A_160 = arith.constant 0 : index
    %swap3A_161 = arith.constant 0 : index
    %swap3A_162 = vector.load %arg3[%swap3A_159, %swap3A_160, %swap3A_161] : memref<12x1024x128xf32, #tpu.memory_space<vmem>>, vector<1x1024x128xf32>
    %swap3A_163 = vector.shape_cast %swap3A_162 : vector<1x1024x128xf32> to vector<1024x128xf32>
    %swap3A_164 = vector.shape_cast %dot_general3A_158 : vector<1024x128xf32> to vector<1x1024x128xf32>
    tpu.vector_store %arg3[%swap3A_159, %swap3A_160, %swap3A_161], %swap3A_164 {strides = array<i32>} : memref<12x1024x128xf32, #tpu.memory_space<vmem>>, vector<1x1024x128xf32>,
    return
  }
  func.func @transform_0(%arg0: i32) -> (i32, i32) {
    %c0_i32 = arith.constant 0 : i32
    %c0_i32_0 = arith.constant 0 : i32
    return %arg0, %c0_i32 : i32, i32
  }
  func.func @transform_1(%arg0: i32) -> (i32, i32) {
    %c0_i32 = arith.constant 0 : i32
    %c0_i32_0 = arith.constant 0 : i32
    %c0_i32_1 = arith.constant 0 : i32
    return %c0_i32, %c0_i32_0 : i32, i32
  }
  func.func @transform_2(%arg0: i32) -> (i32, i32, i32) {
    %c0_i32 = arith.constant 0 : i32
    %c0_i32_0 = arith.constant 0 : i32
    %c0_i32_1 = arith.constant 0 : i32
    return %c0_i32, %arg0, %c0_i32_0 : i32, i32, i32
  }
}

module attributes {stable_mosaic.version = 14 : i64} {
  func.func @_mm1_body(%arg0: i32, %arg1: memref<1024x128xf32, #tpu.memory_space<vmem>>, %arg2: memref<128x1920xf32, #tpu.memory_space<vmem>>, %arg3: memref<15x1024x128xf32, #tpu.memory_space<vmem>>) attributes {dimension_semantics = [#tpu.dimension_semantics<arbitrary>], iteration_bounds = array<i64: 10>, scalar_prefetch = 0 : i64, scratch_operands = 0 : i64, tpu.core_type = #tpu.core_type<tc>, window_params = [{transform_indices = @transform_0, window_bounds = array<i64: 1024, 128>}, {pipeline_mode = #tpu.pipeline_mode<synchronous>, transform_indices = @transform_1, window_bounds = array<i64: 128, 1920>}, {transform_indices = @transform_2, window_bounds = array<i64: 15, 1024, 128>}]} {
    %get3A = arith.constant 0 : index
    %get3A_0 = arith.constant 0 : index
    %get3A_1 = vector.load %arg1[%get3A, %get3A_0] : memref<1024x128xf32, #tpu.memory_space<vmem>>, vector<1024x128xf32>
    %get3A_2 = arith.constant 0 : index
    %get3A_3 = arith.constant 0 : index
    %get3A_4 = vector.load %arg2[%get3A_2, %get3A_3] : memref<128x1920xf32, #tpu.memory_space<vmem>>, vector<128x128xf32>
    %dot_general3A = arith.constant dense<0.000000e+00> : vector<1024x128xf32>
    %dot_general3A_5 = tpu.matmul %get3A_1, %get3A_4, %dot_general3A {dimension_numbers = #tpu.dot_dimension_numbers<[1], [0], [0], [1], [0, 0, 1, 1], [], []>, transpose_lhs_hint = false} : vector<1024x128xf32>, vector<128x128xf32>, vector<1024x128xf32> -> vector<1024x128xf32>
    %swap3A = arith.constant 0 : index
    %swap3A_6 = arith.constant 0 : index
    %swap3A_7 = arith.constant 0 : index
    %swap3A_8 = vector.load %arg3[%swap3A, %swap3A_6, %swap3A_7] : memref<15x1024x128xf32, #tpu.memory_space<vmem>>, vector<1x1024x128xf32>
    %swap3A_9 = vector.shape_cast %swap3A_8 : vector<1x1024x128xf32> to vector<1024x128xf32>
    %swap3A_10 = vector.shape_cast %dot_general3A_5 : vector<1024x128xf32> to vector<1x1024x128xf32>
    tpu.vector_store %arg3[%swap3A, %swap3A_6, %swap3A_7], %swap3A_10 {strides = array<i32>} : memref<15x1024x128xf32, #tpu.memory_space<vmem>>, vector<1x1024x128xf32>,
    %get3A_11 = arith.constant 0 : index
    %get3A_12 = arith.constant 0 : index
    %get3A_13 = vector.load %arg1[%get3A_11, %get3A_12] : memref<1024x128xf32, #tpu.memory_space<vmem>>, vector<1024x128xf32>
    %get3A_14 = arith.constant 0 : index
    %get3A_15 = arith.constant 128 : index
    %get3A_16 = vector.load %arg2[%get3A_14, %get3A_15] : memref<128x1920xf32, #tpu.memory_space<vmem>>, vector<128x128xf32>
    %dot_general3A_17 = arith.constant dense<0.000000e+00> : vector<1024x128xf32>
    %dot_general3A_18 = tpu.matmul %get3A_13, %get3A_16, %dot_general3A_17 {dimension_numbers = #tpu.dot_dimension_numbers<[1], [0], [0], [1], [0, 0, 1, 1], [], []>, transpose_lhs_hint = false} : vector<1024x128xf32>, vector<128x128xf32>, vector<1024x128xf32> -> vector<1024x128xf32>
    %swap3A_19 = arith.constant 1 : index
    %swap3A_20 = arith.constant 0 : index
    %swap3A_21 = arith.constant 0 : index
    %swap3A_22 = vector.load %arg3[%swap3A_19, %swap3A_20, %swap3A_21] : memref<15x1024x128xf32, #tpu.memory_space<vmem>>, vector<1x1024x128xf32>
    %swap3A_23 = vector.shape_cast %swap3A_22 : vector<1x1024x128xf32> to vector<1024x128xf32>
    %swap3A_24 = vector.shape_cast %dot_general3A_18 : vector<1024x128xf32> to vector<1x1024x128xf32>
    tpu.vector_store %arg3[%swap3A_19, %swap3A_20, %swap3A_21], %swap3A_24 {strides = array<i32>} : memref<15x1024x128xf32, #tpu.memory_space<vmem>>, vector<1x1024x128xf32>,
    %get3A_25 = arith.constant 0 : index
    %get3A_26 = arith.constant 0 : index
    %get3A_27 = vector.load %arg1[%get3A_25, %get3A_26] : memref<1024x128xf32, #tpu.memory_space<vmem>>, vector<1024x128xf32>
    %get3A_28 = arith.constant 0 : index
    %get3A_29 = arith.constant 256 : index
    %get3A_30 = vector.load %arg2[%get3A_28, %get3A_29] : memref<128x1920xf32, #tpu.memory_space<vmem>>, vector<128x128xf32>
    %dot_general3A_31 = arith.constant dense<0.000000e+00> : vector<1024x128xf32>
    %dot_general3A_32 = tpu.matmul %get3A_27, %get3A_30, %dot_general3A_31 {dimension_numbers = #tpu.dot_dimension_numbers<[1], [0], [0], [1], [0, 0, 1, 1], [], []>, transpose_lhs_hint = false} : vector<1024x128xf32>, vector<128x128xf32>, vector<1024x128xf32> -> vector<1024x128xf32>
    %swap3A_33 = arith.constant 2 : index
    %swap3A_34 = arith.constant 0 : index
    %swap3A_35 = arith.constant 0 : index
    %swap3A_36 = vector.load %arg3[%swap3A_33, %swap3A_34, %swap3A_35] : memref<15x1024x128xf32, #tpu.memory_space<vmem>>, vector<1x1024x128xf32>
    %swap3A_37 = vector.shape_cast %swap3A_36 : vector<1x1024x128xf32> to vector<1024x128xf32>
    %swap3A_38 = vector.shape_cast %dot_general3A_32 : vector<1024x128xf32> to vector<1x1024x128xf32>
    tpu.vector_store %arg3[%swap3A_33, %swap3A_34, %swap3A_35], %swap3A_38 {strides = array<i32>} : memref<15x1024x128xf32, #tpu.memory_space<vmem>>, vector<1x1024x128xf32>,
    %get3A_39 = arith.constant 0 : index
    %get3A_40 = arith.constant 0 : index
    %get3A_41 = vector.load %arg1[%get3A_39, %get3A_40] : memref<1024x128xf32, #tpu.memory_space<vmem>>, vector<1024x128xf32>
    %get3A_42 = arith.constant 0 : index
    %get3A_43 = arith.constant 384 : index
    %get3A_44 = vector.load %arg2[%get3A_42, %get3A_43] : memref<128x1920xf32, #tpu.memory_space<vmem>>, vector<128x128xf32>
    %dot_general3A_45 = arith.constant dense<0.000000e+00> : vector<1024x128xf32>
    %dot_general3A_46 = tpu.matmul %get3A_41, %get3A_44, %dot_general3A_45 {dimension_numbers = #tpu.dot_dimension_numbers<[1], [0], [0], [1], [0, 0, 1, 1], [], []>, transpose_lhs_hint = false} : vector<1024x128xf32>, vector<128x128xf32>, vector<1024x128xf32> -> vector<1024x128xf32>
    %swap3A_47 = arith.constant 3 : index
    %swap3A_48 = arith.constant 0 : index
    %swap3A_49 = arith.constant 0 : index
    %swap3A_50 = vector.load %arg3[%swap3A_47, %swap3A_48, %swap3A_49] : memref<15x1024x128xf32, #tpu.memory_space<vmem>>, vector<1x1024x128xf32>
    %swap3A_51 = vector.shape_cast %swap3A_50 : vector<1x1024x128xf32> to vector<1024x128xf32>
    %swap3A_52 = vector.shape_cast %dot_general3A_46 : vector<1024x128xf32> to vector<1x1024x128xf32>
    tpu.vector_store %arg3[%swap3A_47, %swap3A_48, %swap3A_49], %swap3A_52 {strides = array<i32>} : memref<15x1024x128xf32, #tpu.memory_space<vmem>>, vector<1x1024x128xf32>,
    %get3A_53 = arith.constant 0 : index
    %get3A_54 = arith.constant 0 : index
    %get3A_55 = vector.load %arg1[%get3A_53, %get3A_54] : memref<1024x128xf32, #tpu.memory_space<vmem>>, vector<1024x128xf32>
    %get3A_56 = arith.constant 0 : index
    %get3A_57 = arith.constant 512 : index
    %get3A_58 = vector.load %arg2[%get3A_56, %get3A_57] : memref<128x1920xf32, #tpu.memory_space<vmem>>, vector<128x128xf32>
    %dot_general3A_59 = arith.constant dense<0.000000e+00> : vector<1024x128xf32>
    %dot_general3A_60 = tpu.matmul %get3A_55, %get3A_58, %dot_general3A_59 {dimension_numbers = #tpu.dot_dimension_numbers<[1], [0], [0], [1], [0, 0, 1, 1], [], []>, transpose_lhs_hint = false} : vector<1024x128xf32>, vector<128x128xf32>, vector<1024x128xf32> -> vector<1024x128xf32>
    %swap3A_61 = arith.constant 4 : index
    %swap3A_62 = arith.constant 0 : index
    %swap3A_63 = arith.constant 0 : index
    %swap3A_64 = vector.load %arg3[%swap3A_61, %swap3A_62, %swap3A_63] : memref<15x1024x128xf32, #tpu.memory_space<vmem>>, vector<1x1024x128xf32>
    %swap3A_65 = vector.shape_cast %swap3A_64 : vector<1x1024x128xf32> to vector<1024x128xf32>
    %swap3A_66 = vector.shape_cast %dot_general3A_60 : vector<1024x128xf32> to vector<1x1024x128xf32>
    tpu.vector_store %arg3[%swap3A_61, %swap3A_62, %swap3A_63], %swap3A_66 {strides = array<i32>} : memref<15x1024x128xf32, #tpu.memory_space<vmem>>, vector<1x1024x128xf32>,
    %get3A_67 = arith.constant 0 : index
    %get3A_68 = arith.constant 0 : index
    %get3A_69 = vector.load %arg1[%get3A_67, %get3A_68] : memref<1024x128xf32, #tpu.memory_space<vmem>>, vector<1024x128xf32>
    %get3A_70 = arith.constant 0 : index
    %get3A_71 = arith.constant 640 : index
    %get3A_72 = vector.load %arg2[%get3A_70, %get3A_71] : memref<128x1920xf32, #tpu.memory_space<vmem>>, vector<128x128xf32>
    %dot_general3A_73 = arith.constant dense<0.000000e+00> : vector<1024x128xf32>
    %dot_general3A_74 = tpu.matmul %get3A_69, %get3A_72, %dot_general3A_73 {dimension_numbers = #tpu.dot_dimension_numbers<[1], [0], [0], [1], [0, 0, 1, 1], [], []>, transpose_lhs_hint = false} : vector<1024x128xf32>, vector<128x128xf32>, vector<1024x128xf32> -> vector<1024x128xf32>
    %swap3A_75 = arith.constant 5 : index
    %swap3A_76 = arith.constant 0 : index
    %swap3A_77 = arith.constant 0 : index
    %swap3A_78 = vector.load %arg3[%swap3A_75, %swap3A_76, %swap3A_77] : memref<15x1024x128xf32, #tpu.memory_space<vmem>>, vector<1x1024x128xf32>
    %swap3A_79 = vector.shape_cast %swap3A_78 : vector<1x1024x128xf32> to vector<1024x128xf32>
    %swap3A_80 = vector.shape_cast %dot_general3A_74 : vector<1024x128xf32> to vector<1x1024x128xf32>
    tpu.vector_store %arg3[%swap3A_75, %swap3A_76, %swap3A_77], %swap3A_80 {strides = array<i32>} : memref<15x1024x128xf32, #tpu.memory_space<vmem>>, vector<1x1024x128xf32>,
    %get3A_81 = arith.constant 0 : index
    %get3A_82 = arith.constant 0 : index
    %get3A_83 = vector.load %arg1[%get3A_81, %get3A_82] : memref<1024x128xf32, #tpu.memory_space<vmem>>, vector<1024x128xf32>
    %get3A_84 = arith.constant 0 : index
    %get3A_85 = arith.constant 768 : index
    %get3A_86 = vector.load %arg2[%get3A_84, %get3A_85] : memref<128x1920xf32, #tpu.memory_space<vmem>>, vector<128x128xf32>
    %dot_general3A_87 = arith.constant dense<0.000000e+00> : vector<1024x128xf32>
    %dot_general3A_88 = tpu.matmul %get3A_83, %get3A_86, %dot_general3A_87 {dimension_numbers = #tpu.dot_dimension_numbers<[1], [0], [0], [1], [0, 0, 1, 1], [], []>, transpose_lhs_hint = false} : vector<1024x128xf32>, vector<128x128xf32>, vector<1024x128xf32> -> vector<1024x128xf32>
    %swap3A_89 = arith.constant 6 : index
    %swap3A_90 = arith.constant 0 : index
    %swap3A_91 = arith.constant 0 : index
    %swap3A_92 = vector.load %arg3[%swap3A_89, %swap3A_90, %swap3A_91] : memref<15x1024x128xf32, #tpu.memory_space<vmem>>, vector<1x1024x128xf32>
    %swap3A_93 = vector.shape_cast %swap3A_92 : vector<1x1024x128xf32> to vector<1024x128xf32>
    %swap3A_94 = vector.shape_cast %dot_general3A_88 : vector<1024x128xf32> to vector<1x1024x128xf32>
    tpu.vector_store %arg3[%swap3A_89, %swap3A_90, %swap3A_91], %swap3A_94 {strides = array<i32>} : memref<15x1024x128xf32, #tpu.memory_space<vmem>>, vector<1x1024x128xf32>,
    %get3A_95 = arith.constant 0 : index
    %get3A_96 = arith.constant 0 : index
    %get3A_97 = vector.load %arg1[%get3A_95, %get3A_96] : memref<1024x128xf32, #tpu.memory_space<vmem>>, vector<1024x128xf32>
    %get3A_98 = arith.constant 0 : index
    %get3A_99 = arith.constant 896 : index
    %get3A_100 = vector.load %arg2[%get3A_98, %get3A_99] : memref<128x1920xf32, #tpu.memory_space<vmem>>, vector<128x128xf32>
    %dot_general3A_101 = arith.constant dense<0.000000e+00> : vector<1024x128xf32>
    %dot_general3A_102 = tpu.matmul %get3A_97, %get3A_100, %dot_general3A_101 {dimension_numbers = #tpu.dot_dimension_numbers<[1], [0], [0], [1], [0, 0, 1, 1], [], []>, transpose_lhs_hint = false} : vector<1024x128xf32>, vector<128x128xf32>, vector<1024x128xf32> -> vector<1024x128xf32>
    %swap3A_103 = arith.constant 7 : index
    %swap3A_104 = arith.constant 0 : index
    %swap3A_105 = arith.constant 0 : index
    %swap3A_106 = vector.load %arg3[%swap3A_103, %swap3A_104, %swap3A_105] : memref<15x1024x128xf32, #tpu.memory_space<vmem>>, vector<1x1024x128xf32>
    %swap3A_107 = vector.shape_cast %swap3A_106 : vector<1x1024x128xf32> to vector<1024x128xf32>
    %swap3A_108 = vector.shape_cast %dot_general3A_102 : vector<1024x128xf32> to vector<1x1024x128xf32>
    tpu.vector_store %arg3[%swap3A_103, %swap3A_104, %swap3A_105], %swap3A_108 {strides = array<i32>} : memref<15x1024x128xf32, #tpu.memory_space<vmem>>, vector<1x1024x128xf32>,
    %get3A_109 = arith.constant 0 : index
    %get3A_110 = arith.constant 0 : index
    %get3A_111 = vector.load %arg1[%get3A_109, %get3A_110] : memref<1024x128xf32, #tpu.memory_space<vmem>>, vector<1024x128xf32>
    %get3A_112 = arith.constant 0 : index
    %get3A_113 = arith.constant 1024 : index
    %get3A_114 = vector.load %arg2[%get3A_112, %get3A_113] : memref<128x1920xf32, #tpu.memory_space<vmem>>, vector<128x128xf32>
    %dot_general3A_115 = arith.constant dense<0.000000e+00> : vector<1024x128xf32>
    %dot_general3A_116 = tpu.matmul %get3A_111, %get3A_114, %dot_general3A_115 {dimension_numbers = #tpu.dot_dimension_numbers<[1], [0], [0], [1], [0, 0, 1, 1], [], []>, transpose_lhs_hint = false} : vector<1024x128xf32>, vector<128x128xf32>, vector<1024x128xf32> -> vector<1024x128xf32>
    %swap3A_117 = arith.constant 8 : index
    %swap3A_118 = arith.constant 0 : index
    %swap3A_119 = arith.constant 0 : index
    %swap3A_120 = vector.load %arg3[%swap3A_117, %swap3A_118, %swap3A_119] : memref<15x1024x128xf32, #tpu.memory_space<vmem>>, vector<1x1024x128xf32>
    %swap3A_121 = vector.shape_cast %swap3A_120 : vector<1x1024x128xf32> to vector<1024x128xf32>
    %swap3A_122 = vector.shape_cast %dot_general3A_116 : vector<1024x128xf32> to vector<1x1024x128xf32>
    tpu.vector_store %arg3[%swap3A_117, %swap3A_118, %swap3A_119], %swap3A_122 {strides = array<i32>} : memref<15x1024x128xf32, #tpu.memory_space<vmem>>, vector<1x1024x128xf32>,
    %get3A_123 = arith.constant 0 : index
    %get3A_124 = arith.constant 0 : index
    %get3A_125 = vector.load %arg1[%get3A_123, %get3A_124] : memref<1024x128xf32, #tpu.memory_space<vmem>>, vector<1024x128xf32>
    %get3A_126 = arith.constant 0 : index
    %get3A_127 = arith.constant 1152 : index
    %get3A_128 = vector.load %arg2[%get3A_126, %get3A_127] : memref<128x1920xf32, #tpu.memory_space<vmem>>, vector<128x128xf32>
    %dot_general3A_129 = arith.constant dense<0.000000e+00> : vector<1024x128xf32>
    %dot_general3A_130 = tpu.matmul %get3A_125, %get3A_128, %dot_general3A_129 {dimension_numbers = #tpu.dot_dimension_numbers<[1], [0], [0], [1], [0, 0, 1, 1], [], []>, transpose_lhs_hint = false} : vector<1024x128xf32>, vector<128x128xf32>, vector<1024x128xf32> -> vector<1024x128xf32>
    %swap3A_131 = arith.constant 9 : index
    %swap3A_132 = arith.constant 0 : index
    %swap3A_133 = arith.constant 0 : index
    %swap3A_134 = vector.load %arg3[%swap3A_131, %swap3A_132, %swap3A_133] : memref<15x1024x128xf32, #tpu.memory_space<vmem>>, vector<1x1024x128xf32>
    %swap3A_135 = vector.shape_cast %swap3A_134 : vector<1x1024x128xf32> to vector<1024x128xf32>
    %swap3A_136 = vector.shape_cast %dot_general3A_130 : vector<1024x128xf32> to vector<1x1024x128xf32>
    tpu.vector_store %arg3[%swap3A_131, %swap3A_132, %swap3A_133], %swap3A_136 {strides = array<i32>} : memref<15x1024x128xf32, #tpu.memory_space<vmem>>, vector<1x1024x128xf32>,
    %get3A_137 = arith.constant 0 : index
    %get3A_138 = arith.constant 0 : index
    %get3A_139 = vector.load %arg1[%get3A_137, %get3A_138] : memref<1024x128xf32, #tpu.memory_space<vmem>>, vector<1024x128xf32>
    %get3A_140 = arith.constant 0 : index
    %get3A_141 = arith.constant 1280 : index
    %get3A_142 = vector.load %arg2[%get3A_140, %get3A_141] : memref<128x1920xf32, #tpu.memory_space<vmem>>, vector<128x128xf32>
    %dot_general3A_143 = arith.constant dense<0.000000e+00> : vector<1024x128xf32>
    %dot_general3A_144 = tpu.matmul %get3A_139, %get3A_142, %dot_general3A_143 {dimension_numbers = #tpu.dot_dimension_numbers<[1], [0], [0], [1], [0, 0, 1, 1], [], []>, transpose_lhs_hint = false} : vector<1024x128xf32>, vector<128x128xf32>, vector<1024x128xf32> -> vector<1024x128xf32>
    %swap3A_145 = arith.constant 10 : index
    %swap3A_146 = arith.constant 0 : index
    %swap3A_147 = arith.constant 0 : index
    %swap3A_148 = vector.load %arg3[%swap3A_145, %swap3A_146, %swap3A_147] : memref<15x1024x128xf32, #tpu.memory_space<vmem>>, vector<1x1024x128xf32>
    %swap3A_149 = vector.shape_cast %swap3A_148 : vector<1x1024x128xf32> to vector<1024x128xf32>
    %swap3A_150 = vector.shape_cast %dot_general3A_144 : vector<1024x128xf32> to vector<1x1024x128xf32>
    tpu.vector_store %arg3[%swap3A_145, %swap3A_146, %swap3A_147], %swap3A_150 {strides = array<i32>} : memref<15x1024x128xf32, #tpu.memory_space<vmem>>, vector<1x1024x128xf32>,
    %get3A_151 = arith.constant 0 : index
    %get3A_152 = arith.constant 0 : index
    %get3A_153 = vector.load %arg1[%get3A_151, %get3A_152] : memref<1024x128xf32, #tpu.memory_space<vmem>>, vector<1024x128xf32>
    %get3A_154 = arith.constant 0 : index
    %get3A_155 = arith.constant 1408 : index
    %get3A_156 = vector.load %arg2[%get3A_154, %get3A_155] : memref<128x1920xf32, #tpu.memory_space<vmem>>, vector<128x128xf32>
    %dot_general3A_157 = arith.constant dense<0.000000e+00> : vector<1024x128xf32>
    %dot_general3A_158 = tpu.matmul %get3A_153, %get3A_156, %dot_general3A_157 {dimension_numbers = #tpu.dot_dimension_numbers<[1], [0], [0], [1], [0, 0, 1, 1], [], []>, transpose_lhs_hint = false} : vector<1024x128xf32>, vector<128x128xf32>, vector<1024x128xf32> -> vector<1024x128xf32>
    %swap3A_159 = arith.constant 11 : index
    %swap3A_160 = arith.constant 0 : index
    %swap3A_161 = arith.constant 0 : index
    %swap3A_162 = vector.load %arg3[%swap3A_159, %swap3A_160, %swap3A_161] : memref<15x1024x128xf32, #tpu.memory_space<vmem>>, vector<1x1024x128xf32>
    %swap3A_163 = vector.shape_cast %swap3A_162 : vector<1x1024x128xf32> to vector<1024x128xf32>
    %swap3A_164 = vector.shape_cast %dot_general3A_158 : vector<1024x128xf32> to vector<1x1024x128xf32>
    tpu.vector_store %arg3[%swap3A_159, %swap3A_160, %swap3A_161], %swap3A_164 {strides = array<i32>} : memref<15x1024x128xf32, #tpu.memory_space<vmem>>, vector<1x1024x128xf32>,
    %get3A_165 = arith.constant 0 : index
    %get3A_166 = arith.constant 0 : index
    %get3A_167 = vector.load %arg1[%get3A_165, %get3A_166] : memref<1024x128xf32, #tpu.memory_space<vmem>>, vector<1024x128xf32>
    %get3A_168 = arith.constant 0 : index
    %get3A_169 = arith.constant 1536 : index
    %get3A_170 = vector.load %arg2[%get3A_168, %get3A_169] : memref<128x1920xf32, #tpu.memory_space<vmem>>, vector<128x128xf32>
    %dot_general3A_171 = arith.constant dense<0.000000e+00> : vector<1024x128xf32>
    %dot_general3A_172 = tpu.matmul %get3A_167, %get3A_170, %dot_general3A_171 {dimension_numbers = #tpu.dot_dimension_numbers<[1], [0], [0], [1], [0, 0, 1, 1], [], []>, transpose_lhs_hint = false} : vector<1024x128xf32>, vector<128x128xf32>, vector<1024x128xf32> -> vector<1024x128xf32>
    %swap3A_173 = arith.constant 12 : index
    %swap3A_174 = arith.constant 0 : index
    %swap3A_175 = arith.constant 0 : index
    %swap3A_176 = vector.load %arg3[%swap3A_173, %swap3A_174, %swap3A_175] : memref<15x1024x128xf32, #tpu.memory_space<vmem>>, vector<1x1024x128xf32>
    %swap3A_177 = vector.shape_cast %swap3A_176 : vector<1x1024x128xf32> to vector<1024x128xf32>
    %swap3A_178 = vector.shape_cast %dot_general3A_172 : vector<1024x128xf32> to vector<1x1024x128xf32>
    tpu.vector_store %arg3[%swap3A_173, %swap3A_174, %swap3A_175], %swap3A_178 {strides = array<i32>} : memref<15x1024x128xf32, #tpu.memory_space<vmem>>, vector<1x1024x128xf32>,
    %get3A_179 = arith.constant 0 : index
    %get3A_180 = arith.constant 0 : index
    %get3A_181 = vector.load %arg1[%get3A_179, %get3A_180] : memref<1024x128xf32, #tpu.memory_space<vmem>>, vector<1024x128xf32>
    %get3A_182 = arith.constant 0 : index
    %get3A_183 = arith.constant 1664 : index
    %get3A_184 = vector.load %arg2[%get3A_182, %get3A_183] : memref<128x1920xf32, #tpu.memory_space<vmem>>, vector<128x128xf32>
    %dot_general3A_185 = arith.constant dense<0.000000e+00> : vector<1024x128xf32>
    %dot_general3A_186 = tpu.matmul %get3A_181, %get3A_184, %dot_general3A_185 {dimension_numbers = #tpu.dot_dimension_numbers<[1], [0], [0], [1], [0, 0, 1, 1], [], []>, transpose_lhs_hint = false} : vector<1024x128xf32>, vector<128x128xf32>, vector<1024x128xf32> -> vector<1024x128xf32>
    %swap3A_187 = arith.constant 13 : index
    %swap3A_188 = arith.constant 0 : index
    %swap3A_189 = arith.constant 0 : index
    %swap3A_190 = vector.load %arg3[%swap3A_187, %swap3A_188, %swap3A_189] : memref<15x1024x128xf32, #tpu.memory_space<vmem>>, vector<1x1024x128xf32>
    %swap3A_191 = vector.shape_cast %swap3A_190 : vector<1x1024x128xf32> to vector<1024x128xf32>
    %swap3A_192 = vector.shape_cast %dot_general3A_186 : vector<1024x128xf32> to vector<1x1024x128xf32>
    tpu.vector_store %arg3[%swap3A_187, %swap3A_188, %swap3A_189], %swap3A_192 {strides = array<i32>} : memref<15x1024x128xf32, #tpu.memory_space<vmem>>, vector<1x1024x128xf32>,
    %get3A_193 = arith.constant 0 : index
    %get3A_194 = arith.constant 0 : index
    %get3A_195 = vector.load %arg1[%get3A_193, %get3A_194] : memref<1024x128xf32, #tpu.memory_space<vmem>>, vector<1024x128xf32>
    %get3A_196 = arith.constant 0 : index
    %get3A_197 = arith.constant 1792 : index
    %get3A_198 = vector.load %arg2[%get3A_196, %get3A_197] : memref<128x1920xf32, #tpu.memory_space<vmem>>, vector<128x128xf32>
    %dot_general3A_199 = arith.constant dense<0.000000e+00> : vector<1024x128xf32>
    %dot_general3A_200 = tpu.matmul %get3A_195, %get3A_198, %dot_general3A_199 {dimension_numbers = #tpu.dot_dimension_numbers<[1], [0], [0], [1], [0, 0, 1, 1], [], []>, transpose_lhs_hint = false} : vector<1024x128xf32>, vector<128x128xf32>, vector<1024x128xf32> -> vector<1024x128xf32>
    %swap3A_201 = arith.constant 14 : index
    %swap3A_202 = arith.constant 0 : index
    %swap3A_203 = arith.constant 0 : index
    %swap3A_204 = vector.load %arg3[%swap3A_201, %swap3A_202, %swap3A_203] : memref<15x1024x128xf32, #tpu.memory_space<vmem>>, vector<1x1024x128xf32>
    %swap3A_205 = vector.shape_cast %swap3A_204 : vector<1x1024x128xf32> to vector<1024x128xf32>
    %swap3A_206 = vector.shape_cast %dot_general3A_200 : vector<1024x128xf32> to vector<1x1024x128xf32>
    tpu.vector_store %arg3[%swap3A_201, %swap3A_202, %swap3A_203], %swap3A_206 {strides = array<i32>} : memref<15x1024x128xf32, #tpu.memory_space<vmem>>, vector<1x1024x128xf32>,
    return
  }
  func.func @transform_0(%arg0: i32) -> (i32, i32) {
    %c0_i32 = arith.constant 0 : i32
    %c0_i32_0 = arith.constant 0 : i32
    return %arg0, %c0_i32 : i32, i32
  }
  func.func @transform_1(%arg0: i32) -> (i32, i32) {
    %c0_i32 = arith.constant 0 : i32
    %c0_i32_0 = arith.constant 0 : i32
    %c0_i32_1 = arith.constant 0 : i32
    return %c0_i32, %c0_i32_0 : i32, i32
  }
  func.func @transform_2(%arg0: i32) -> (i32, i32, i32) {
    %c0_i32 = arith.constant 0 : i32
    %c0_i32_0 = arith.constant 0 : i32
    %c0_i32_1 = arith.constant 0 : i32
    return %c0_i32, %arg0, %c0_i32_0 : i32, i32, i32
  }
}

module attributes {stable_mosaic.version = 14 : i64} {
  func.func @_mm2_body(%arg0: i32, %arg1: memref<2x1024x128xf32, #tpu.memory_space<vmem>>, %arg2: memref<2x1024x128xf32, #tpu.memory_space<vmem>>, %arg3: memref<1x128xf32, #tpu.memory_space<vmem>>, %arg4: memref<128x1536xf32, #tpu.memory_space<vmem>>, %arg5: memref<12x1024x128xf32, #tpu.memory_space<vmem>>) attributes {dimension_semantics = [#tpu.dimension_semantics<arbitrary>], iteration_bounds = array<i64: 10>, scalar_prefetch = 0 : i64, scratch_operands = 0 : i64, tpu.core_type = #tpu.core_type<tc>, window_params = [{transform_indices = @transform_0, window_bounds = array<i64: 2, 1024, 128>}, {transform_indices = @transform_1, window_bounds = array<i64: 2, 1024, 128>}, {pipeline_mode = #tpu.pipeline_mode<synchronous>, transform_indices = @transform_2, window_bounds = array<i64: 1, 128>}, {pipeline_mode = #tpu.pipeline_mode<synchronous>, transform_indices = @transform_3, window_bounds = array<i64: 128, 1536>}, {transform_indices = @transform_4, window_bounds = array<i64: 12, 1024, 128>}]} {
    %get3A = arith.constant 0 : index
    %get3A_0 = arith.constant 0 : index
    %get3A_1 = arith.constant 0 : index
    %get3A_2 = vector.load %arg1[%get3A, %get3A_0, %get3A_1] : memref<2x1024x128xf32, #tpu.memory_space<vmem>>, vector<1x1024x128xf32>
    %get3A_3 = vector.shape_cast %get3A_2 : vector<1x1024x128xf32> to vector<1024x128xf32>
    %get3A_4 = arith.constant 1 : index
    %get3A_5 = arith.constant 0 : index
    %get3A_6 = arith.constant 0 : index
    %get3A_7 = vector.load %arg1[%get3A_4, %get3A_5, %get3A_6] : memref<2x1024x128xf32, #tpu.memory_space<vmem>>, vector<1x1024x128xf32>
    %get3A_8 = vector.shape_cast %get3A_7 : vector<1x1024x128xf32> to vector<1024x128xf32>
    %add3A = arith.addf %get3A_3, %get3A_8 : vector<1024x128xf32>
    %get3A_9 = arith.constant 0 : index
    %get3A_10 = arith.constant 0 : index
    %get3A_11 = arith.constant 0 : index
    %get3A_12 = vector.load %arg2[%get3A_9, %get3A_10, %get3A_11] : memref<2x1024x128xf32, #tpu.memory_space<vmem>>, vector<1x1024x128xf32>
    %get3A_13 = vector.shape_cast %get3A_12 : vector<1x1024x128xf32> to vector<1024x128xf32>
    %add3A_14 = arith.addf %add3A, %get3A_13 : vector<1024x128xf32>
    %get3A_15 = arith.constant 1 : index
    %get3A_16 = arith.constant 0 : index
    %get3A_17 = arith.constant 0 : index
    %get3A_18 = vector.load %arg2[%get3A_15, %get3A_16, %get3A_17] : memref<2x1024x128xf32, #tpu.memory_space<vmem>>, vector<1x1024x128xf32>
    %get3A_19 = vector.shape_cast %get3A_18 : vector<1x1024x128xf32> to vector<1024x128xf32>
    %add3A_20 = arith.addf %add3A_14, %get3A_19 : vector<1024x128xf32>
    %get3A_21 = arith.constant 0 : index
    %get3A_22 = arith.constant 0 : index
    %get3A_23 = vector.load %arg3[%get3A_21, %get3A_22] : memref<1x128xf32, #tpu.memory_space<vmem>>, vector<1x128xf32>
    %add3A_24 = vector.broadcast %get3A_23 : vector<1x128xf32> to vector<1024x128xf32>
    %add3A_25 = arith.addf %add3A_20, %add3A_24 : vector<1024x128xf32>
    %max3A = arith.constant 0.000000e+00 : f32
    %max3A_26 = vector.broadcast %max3A : f32 to vector<1024x128xf32>
    %max3A_27 = arith.maximumf %add3A_25, %max3A_26 : vector<1024x128xf32>
    %get3A_28 = arith.constant 0 : index
    %get3A_29 = arith.constant 0 : index
    %get3A_30 = vector.load %arg4[%get3A_28, %get3A_29] : memref<128x1536xf32, #tpu.memory_space<vmem>>, vector<128x128xf32>
    %dot_general3A = arith.constant dense<0.000000e+00> : vector<1024x128xf32>
    %dot_general3A_31 = tpu.matmul %max3A_27, %get3A_30, %dot_general3A {dimension_numbers = #tpu.dot_dimension_numbers<[1], [0], [0], [1], [0, 0, 1, 1], [], []>, transpose_lhs_hint = false} : vector<1024x128xf32>, vector<128x128xf32>, vector<1024x128xf32> -> vector<1024x128xf32>
    %swap3A = arith.constant 0 : index
    %swap3A_32 = arith.constant 0 : index
    %swap3A_33 = arith.constant 0 : index
    %swap3A_34 = vector.load %arg5[%swap3A, %swap3A_32, %swap3A_33] : memref<12x1024x128xf32, #tpu.memory_space<vmem>>, vector<1x1024x128xf32>
    %swap3A_35 = vector.shape_cast %swap3A_34 : vector<1x1024x128xf32> to vector<1024x128xf32>
    %swap3A_36 = vector.shape_cast %dot_general3A_31 : vector<1024x128xf32> to vector<1x1024x128xf32>
    tpu.vector_store %arg5[%swap3A, %swap3A_32, %swap3A_33], %swap3A_36 {strides = array<i32>} : memref<12x1024x128xf32, #tpu.memory_space<vmem>>, vector<1x1024x128xf32>,
    %get3A_37 = arith.constant 0 : index
    %get3A_38 = arith.constant 128 : index
    %get3A_39 = vector.load %arg4[%get3A_37, %get3A_38] : memref<128x1536xf32, #tpu.memory_space<vmem>>, vector<128x128xf32>
    %dot_general3A_40 = arith.constant dense<0.000000e+00> : vector<1024x128xf32>
    %dot_general3A_41 = tpu.matmul %max3A_27, %get3A_39, %dot_general3A_40 {dimension_numbers = #tpu.dot_dimension_numbers<[1], [0], [0], [1], [0, 0, 1, 1], [], []>, transpose_lhs_hint = false} : vector<1024x128xf32>, vector<128x128xf32>, vector<1024x128xf32> -> vector<1024x128xf32>
    %swap3A_42 = arith.constant 1 : index
    %swap3A_43 = arith.constant 0 : index
    %swap3A_44 = arith.constant 0 : index
    %swap3A_45 = vector.load %arg5[%swap3A_42, %swap3A_43, %swap3A_44] : memref<12x1024x128xf32, #tpu.memory_space<vmem>>, vector<1x1024x128xf32>
    %swap3A_46 = vector.shape_cast %swap3A_45 : vector<1x1024x128xf32> to vector<1024x128xf32>
    %swap3A_47 = vector.shape_cast %dot_general3A_41 : vector<1024x128xf32> to vector<1x1024x128xf32>
    tpu.vector_store %arg5[%swap3A_42, %swap3A_43, %swap3A_44], %swap3A_47 {strides = array<i32>} : memref<12x1024x128xf32, #tpu.memory_space<vmem>>, vector<1x1024x128xf32>,
    %get3A_48 = arith.constant 0 : index
    %get3A_49 = arith.constant 256 : index
    %get3A_50 = vector.load %arg4[%get3A_48, %get3A_49] : memref<128x1536xf32, #tpu.memory_space<vmem>>, vector<128x128xf32>
    %dot_general3A_51 = arith.constant dense<0.000000e+00> : vector<1024x128xf32>
    %dot_general3A_52 = tpu.matmul %max3A_27, %get3A_50, %dot_general3A_51 {dimension_numbers = #tpu.dot_dimension_numbers<[1], [0], [0], [1], [0, 0, 1, 1], [], []>, transpose_lhs_hint = false} : vector<1024x128xf32>, vector<128x128xf32>, vector<1024x128xf32> -> vector<1024x128xf32>
    %swap3A_53 = arith.constant 2 : index
    %swap3A_54 = arith.constant 0 : index
    %swap3A_55 = arith.constant 0 : index
    %swap3A_56 = vector.load %arg5[%swap3A_53, %swap3A_54, %swap3A_55] : memref<12x1024x128xf32, #tpu.memory_space<vmem>>, vector<1x1024x128xf32>
    %swap3A_57 = vector.shape_cast %swap3A_56 : vector<1x1024x128xf32> to vector<1024x128xf32>
    %swap3A_58 = vector.shape_cast %dot_general3A_52 : vector<1024x128xf32> to vector<1x1024x128xf32>
    tpu.vector_store %arg5[%swap3A_53, %swap3A_54, %swap3A_55], %swap3A_58 {strides = array<i32>} : memref<12x1024x128xf32, #tpu.memory_space<vmem>>, vector<1x1024x128xf32>,
    %get3A_59 = arith.constant 0 : index
    %get3A_60 = arith.constant 384 : index
    %get3A_61 = vector.load %arg4[%get3A_59, %get3A_60] : memref<128x1536xf32, #tpu.memory_space<vmem>>, vector<128x128xf32>
    %dot_general3A_62 = arith.constant dense<0.000000e+00> : vector<1024x128xf32>
    %dot_general3A_63 = tpu.matmul %max3A_27, %get3A_61, %dot_general3A_62 {dimension_numbers = #tpu.dot_dimension_numbers<[1], [0], [0], [1], [0, 0, 1, 1], [], []>, transpose_lhs_hint = false} : vector<1024x128xf32>, vector<128x128xf32>, vector<1024x128xf32> -> vector<1024x128xf32>
    %swap3A_64 = arith.constant 3 : index
    %swap3A_65 = arith.constant 0 : index
    %swap3A_66 = arith.constant 0 : index
    %swap3A_67 = vector.load %arg5[%swap3A_64, %swap3A_65, %swap3A_66] : memref<12x1024x128xf32, #tpu.memory_space<vmem>>, vector<1x1024x128xf32>
    %swap3A_68 = vector.shape_cast %swap3A_67 : vector<1x1024x128xf32> to vector<1024x128xf32>
    %swap3A_69 = vector.shape_cast %dot_general3A_63 : vector<1024x128xf32> to vector<1x1024x128xf32>
    tpu.vector_store %arg5[%swap3A_64, %swap3A_65, %swap3A_66], %swap3A_69 {strides = array<i32>} : memref<12x1024x128xf32, #tpu.memory_space<vmem>>, vector<1x1024x128xf32>,
    %get3A_70 = arith.constant 0 : index
    %get3A_71 = arith.constant 512 : index
    %get3A_72 = vector.load %arg4[%get3A_70, %get3A_71] : memref<128x1536xf32, #tpu.memory_space<vmem>>, vector<128x128xf32>
    %dot_general3A_73 = arith.constant dense<0.000000e+00> : vector<1024x128xf32>
    %dot_general3A_74 = tpu.matmul %max3A_27, %get3A_72, %dot_general3A_73 {dimension_numbers = #tpu.dot_dimension_numbers<[1], [0], [0], [1], [0, 0, 1, 1], [], []>, transpose_lhs_hint = false} : vector<1024x128xf32>, vector<128x128xf32>, vector<1024x128xf32> -> vector<1024x128xf32>
    %swap3A_75 = arith.constant 4 : index
    %swap3A_76 = arith.constant 0 : index
    %swap3A_77 = arith.constant 0 : index
    %swap3A_78 = vector.load %arg5[%swap3A_75, %swap3A_76, %swap3A_77] : memref<12x1024x128xf32, #tpu.memory_space<vmem>>, vector<1x1024x128xf32>
    %swap3A_79 = vector.shape_cast %swap3A_78 : vector<1x1024x128xf32> to vector<1024x128xf32>
    %swap3A_80 = vector.shape_cast %dot_general3A_74 : vector<1024x128xf32> to vector<1x1024x128xf32>
    tpu.vector_store %arg5[%swap3A_75, %swap3A_76, %swap3A_77], %swap3A_80 {strides = array<i32>} : memref<12x1024x128xf32, #tpu.memory_space<vmem>>, vector<1x1024x128xf32>,
    %get3A_81 = arith.constant 0 : index
    %get3A_82 = arith.constant 640 : index
    %get3A_83 = vector.load %arg4[%get3A_81, %get3A_82] : memref<128x1536xf32, #tpu.memory_space<vmem>>, vector<128x128xf32>
    %dot_general3A_84 = arith.constant dense<0.000000e+00> : vector<1024x128xf32>
    %dot_general3A_85 = tpu.matmul %max3A_27, %get3A_83, %dot_general3A_84 {dimension_numbers = #tpu.dot_dimension_numbers<[1], [0], [0], [1], [0, 0, 1, 1], [], []>, transpose_lhs_hint = false} : vector<1024x128xf32>, vector<128x128xf32>, vector<1024x128xf32> -> vector<1024x128xf32>
    %swap3A_86 = arith.constant 5 : index
    %swap3A_87 = arith.constant 0 : index
    %swap3A_88 = arith.constant 0 : index
    %swap3A_89 = vector.load %arg5[%swap3A_86, %swap3A_87, %swap3A_88] : memref<12x1024x128xf32, #tpu.memory_space<vmem>>, vector<1x1024x128xf32>
    %swap3A_90 = vector.shape_cast %swap3A_89 : vector<1x1024x128xf32> to vector<1024x128xf32>
    %swap3A_91 = vector.shape_cast %dot_general3A_85 : vector<1024x128xf32> to vector<1x1024x128xf32>
    tpu.vector_store %arg5[%swap3A_86, %swap3A_87, %swap3A_88], %swap3A_91 {strides = array<i32>} : memref<12x1024x128xf32, #tpu.memory_space<vmem>>, vector<1x1024x128xf32>,
    %get3A_92 = arith.constant 0 : index
    %get3A_93 = arith.constant 768 : index
    %get3A_94 = vector.load %arg4[%get3A_92, %get3A_93] : memref<128x1536xf32, #tpu.memory_space<vmem>>, vector<128x128xf32>
    %dot_general3A_95 = arith.constant dense<0.000000e+00> : vector<1024x128xf32>
    %dot_general3A_96 = tpu.matmul %max3A_27, %get3A_94, %dot_general3A_95 {dimension_numbers = #tpu.dot_dimension_numbers<[1], [0], [0], [1], [0, 0, 1, 1], [], []>, transpose_lhs_hint = false} : vector<1024x128xf32>, vector<128x128xf32>, vector<1024x128xf32> -> vector<1024x128xf32>
    %swap3A_97 = arith.constant 6 : index
    %swap3A_98 = arith.constant 0 : index
    %swap3A_99 = arith.constant 0 : index
    %swap3A_100 = vector.load %arg5[%swap3A_97, %swap3A_98, %swap3A_99] : memref<12x1024x128xf32, #tpu.memory_space<vmem>>, vector<1x1024x128xf32>
    %swap3A_101 = vector.shape_cast %swap3A_100 : vector<1x1024x128xf32> to vector<1024x128xf32>
    %swap3A_102 = vector.shape_cast %dot_general3A_96 : vector<1024x128xf32> to vector<1x1024x128xf32>
    tpu.vector_store %arg5[%swap3A_97, %swap3A_98, %swap3A_99], %swap3A_102 {strides = array<i32>} : memref<12x1024x128xf32, #tpu.memory_space<vmem>>, vector<1x1024x128xf32>,
    %get3A_103 = arith.constant 0 : index
    %get3A_104 = arith.constant 896 : index
    %get3A_105 = vector.load %arg4[%get3A_103, %get3A_104] : memref<128x1536xf32, #tpu.memory_space<vmem>>, vector<128x128xf32>
    %dot_general3A_106 = arith.constant dense<0.000000e+00> : vector<1024x128xf32>
    %dot_general3A_107 = tpu.matmul %max3A_27, %get3A_105, %dot_general3A_106 {dimension_numbers = #tpu.dot_dimension_numbers<[1], [0], [0], [1], [0, 0, 1, 1], [], []>, transpose_lhs_hint = false} : vector<1024x128xf32>, vector<128x128xf32>, vector<1024x128xf32> -> vector<1024x128xf32>
    %swap3A_108 = arith.constant 7 : index
    %swap3A_109 = arith.constant 0 : index
    %swap3A_110 = arith.constant 0 : index
    %swap3A_111 = vector.load %arg5[%swap3A_108, %swap3A_109, %swap3A_110] : memref<12x1024x128xf32, #tpu.memory_space<vmem>>, vector<1x1024x128xf32>
    %swap3A_112 = vector.shape_cast %swap3A_111 : vector<1x1024x128xf32> to vector<1024x128xf32>
    %swap3A_113 = vector.shape_cast %dot_general3A_107 : vector<1024x128xf32> to vector<1x1024x128xf32>
    tpu.vector_store %arg5[%swap3A_108, %swap3A_109, %swap3A_110], %swap3A_113 {strides = array<i32>} : memref<12x1024x128xf32, #tpu.memory_space<vmem>>, vector<1x1024x128xf32>,
    %get3A_114 = arith.constant 0 : index
    %get3A_115 = arith.constant 1024 : index
    %get3A_116 = vector.load %arg4[%get3A_114, %get3A_115] : memref<128x1536xf32, #tpu.memory_space<vmem>>, vector<128x128xf32>
    %dot_general3A_117 = arith.constant dense<0.000000e+00> : vector<1024x128xf32>
    %dot_general3A_118 = tpu.matmul %max3A_27, %get3A_116, %dot_general3A_117 {dimension_numbers = #tpu.dot_dimension_numbers<[1], [0], [0], [1], [0, 0, 1, 1], [], []>, transpose_lhs_hint = false} : vector<1024x128xf32>, vector<128x128xf32>, vector<1024x128xf32> -> vector<1024x128xf32>
    %swap3A_119 = arith.constant 8 : index
    %swap3A_120 = arith.constant 0 : index
    %swap3A_121 = arith.constant 0 : index
    %swap3A_122 = vector.load %arg5[%swap3A_119, %swap3A_120, %swap3A_121] : memref<12x1024x128xf32, #tpu.memory_space<vmem>>, vector<1x1024x128xf32>
    %swap3A_123 = vector.shape_cast %swap3A_122 : vector<1x1024x128xf32> to vector<1024x128xf32>
    %swap3A_124 = vector.shape_cast %dot_general3A_118 : vector<1024x128xf32> to vector<1x1024x128xf32>
    tpu.vector_store %arg5[%swap3A_119, %swap3A_120, %swap3A_121], %swap3A_124 {strides = array<i32>} : memref<12x1024x128xf32, #tpu.memory_space<vmem>>, vector<1x1024x128xf32>,
    %get3A_125 = arith.constant 0 : index
    %get3A_126 = arith.constant 1152 : index
    %get3A_127 = vector.load %arg4[%get3A_125, %get3A_126] : memref<128x1536xf32, #tpu.memory_space<vmem>>, vector<128x128xf32>
    %dot_general3A_128 = arith.constant dense<0.000000e+00> : vector<1024x128xf32>
    %dot_general3A_129 = tpu.matmul %max3A_27, %get3A_127, %dot_general3A_128 {dimension_numbers = #tpu.dot_dimension_numbers<[1], [0], [0], [1], [0, 0, 1, 1], [], []>, transpose_lhs_hint = false} : vector<1024x128xf32>, vector<128x128xf32>, vector<1024x128xf32> -> vector<1024x128xf32>
    %swap3A_130 = arith.constant 9 : index
    %swap3A_131 = arith.constant 0 : index
    %swap3A_132 = arith.constant 0 : index
    %swap3A_133 = vector.load %arg5[%swap3A_130, %swap3A_131, %swap3A_132] : memref<12x1024x128xf32, #tpu.memory_space<vmem>>, vector<1x1024x128xf32>
    %swap3A_134 = vector.shape_cast %swap3A_133 : vector<1x1024x128xf32> to vector<1024x128xf32>
    %swap3A_135 = vector.shape_cast %dot_general3A_129 : vector<1024x128xf32> to vector<1x1024x128xf32>
    tpu.vector_store %arg5[%swap3A_130, %swap3A_131, %swap3A_132], %swap3A_135 {strides = array<i32>} : memref<12x1024x128xf32, #tpu.memory_space<vmem>>, vector<1x1024x128xf32>,
    %get3A_136 = arith.constant 0 : index
    %get3A_137 = arith.constant 1280 : index
    %get3A_138 = vector.load %arg4[%get3A_136, %get3A_137] : memref<128x1536xf32, #tpu.memory_space<vmem>>, vector<128x128xf32>
    %dot_general3A_139 = arith.constant dense<0.000000e+00> : vector<1024x128xf32>
    %dot_general3A_140 = tpu.matmul %max3A_27, %get3A_138, %dot_general3A_139 {dimension_numbers = #tpu.dot_dimension_numbers<[1], [0], [0], [1], [0, 0, 1, 1], [], []>, transpose_lhs_hint = false} : vector<1024x128xf32>, vector<128x128xf32>, vector<1024x128xf32> -> vector<1024x128xf32>
    %swap3A_141 = arith.constant 10 : index
    %swap3A_142 = arith.constant 0 : index
    %swap3A_143 = arith.constant 0 : index
    %swap3A_144 = vector.load %arg5[%swap3A_141, %swap3A_142, %swap3A_143] : memref<12x1024x128xf32, #tpu.memory_space<vmem>>, vector<1x1024x128xf32>
    %swap3A_145 = vector.shape_cast %swap3A_144 : vector<1x1024x128xf32> to vector<1024x128xf32>
    %swap3A_146 = vector.shape_cast %dot_general3A_140 : vector<1024x128xf32> to vector<1x1024x128xf32>
    tpu.vector_store %arg5[%swap3A_141, %swap3A_142, %swap3A_143], %swap3A_146 {strides = array<i32>} : memref<12x1024x128xf32, #tpu.memory_space<vmem>>, vector<1x1024x128xf32>,
    %get3A_147 = arith.constant 0 : index
    %get3A_148 = arith.constant 1408 : index
    %get3A_149 = vector.load %arg4[%get3A_147, %get3A_148] : memref<128x1536xf32, #tpu.memory_space<vmem>>, vector<128x128xf32>
    %dot_general3A_150 = arith.constant dense<0.000000e+00> : vector<1024x128xf32>
    %dot_general3A_151 = tpu.matmul %max3A_27, %get3A_149, %dot_general3A_150 {dimension_numbers = #tpu.dot_dimension_numbers<[1], [0], [0], [1], [0, 0, 1, 1], [], []>, transpose_lhs_hint = false} : vector<1024x128xf32>, vector<128x128xf32>, vector<1024x128xf32> -> vector<1024x128xf32>
    %swap3A_152 = arith.constant 11 : index
    %swap3A_153 = arith.constant 0 : index
    %swap3A_154 = arith.constant 0 : index
    %swap3A_155 = vector.load %arg5[%swap3A_152, %swap3A_153, %swap3A_154] : memref<12x1024x128xf32, #tpu.memory_space<vmem>>, vector<1x1024x128xf32>
    %swap3A_156 = vector.shape_cast %swap3A_155 : vector<1x1024x128xf32> to vector<1024x128xf32>
    %swap3A_157 = vector.shape_cast %dot_general3A_151 : vector<1024x128xf32> to vector<1x1024x128xf32>
    tpu.vector_store %arg5[%swap3A_152, %swap3A_153, %swap3A_154], %swap3A_157 {strides = array<i32>} : memref<12x1024x128xf32, #tpu.memory_space<vmem>>, vector<1x1024x128xf32>,
    return
  }
  func.func @transform_0(%arg0: i32) -> (i32, i32, i32) {
    %c0_i32 = arith.constant 0 : i32
    %c0_i32_0 = arith.constant 0 : i32
    %c0_i32_1 = arith.constant 0 : i32
    return %c0_i32, %arg0, %c0_i32_0 : i32, i32, i32
  }
  func.func @transform_1(%arg0: i32) -> (i32, i32, i32) {
    %c0_i32 = arith.constant 0 : i32
    %c0_i32_0 = arith.constant 0 : i32
    %c0_i32_1 = arith.constant 0 : i32
    return %c0_i32, %arg0, %c0_i32_0 : i32, i32, i32
  }
  func.func @transform_2(%arg0: i32) -> (i32, i32) {
    %c0_i32 = arith.constant 0 : i32
    %c0_i32_0 = arith.constant 0 : i32
    %c0_i32_1 = arith.constant 0 : i32
    return %c0_i32, %c0_i32_0 : i32, i32
  }
  func.func @transform_3(%arg0: i32) -> (i32, i32) {
    %c0_i32 = arith.constant 0 : i32
    %c0_i32_0 = arith.constant 0 : i32
    %c0_i32_1 = arith.constant 0 : i32
    return %c0_i32, %c0_i32_0 : i32, i32
  }
  func.func @transform_4(%arg0: i32) -> (i32, i32, i32) {
    %c0_i32 = arith.constant 0 : i32
    %c0_i32_0 = arith.constant 0 : i32
    %c0_i32_1 = arith.constant 0 : i32
    return %c0_i32, %arg0, %c0_i32_0 : i32, i32, i32
  }
}

module attributes {stable_mosaic.version = 14 : i64} {
  func.func @_mm2_body(%arg0: i32, %arg1: memref<2x1024x128xf32, #tpu.memory_space<vmem>>, %arg2: memref<2x1024x128xf32, #tpu.memory_space<vmem>>, %arg3: memref<1x128xf32, #tpu.memory_space<vmem>>, %arg4: memref<128x1920xf32, #tpu.memory_space<vmem>>, %arg5: memref<15x1024x128xf32, #tpu.memory_space<vmem>>) attributes {dimension_semantics = [#tpu.dimension_semantics<arbitrary>], iteration_bounds = array<i64: 10>, scalar_prefetch = 0 : i64, scratch_operands = 0 : i64, tpu.core_type = #tpu.core_type<tc>, window_params = [{transform_indices = @transform_0, window_bounds = array<i64: 2, 1024, 128>}, {transform_indices = @transform_1, window_bounds = array<i64: 2, 1024, 128>}, {pipeline_mode = #tpu.pipeline_mode<synchronous>, transform_indices = @transform_2, window_bounds = array<i64: 1, 128>}, {pipeline_mode = #tpu.pipeline_mode<synchronous>, transform_indices = @transform_3, window_bounds = array<i64: 128, 1920>}, {transform_indices = @transform_4, window_bounds = array<i64: 15, 1024, 128>}]} {
    %get3A = arith.constant 0 : index
    %get3A_0 = arith.constant 0 : index
    %get3A_1 = arith.constant 0 : index
    %get3A_2 = vector.load %arg1[%get3A, %get3A_0, %get3A_1] : memref<2x1024x128xf32, #tpu.memory_space<vmem>>, vector<1x1024x128xf32>
    %get3A_3 = vector.shape_cast %get3A_2 : vector<1x1024x128xf32> to vector<1024x128xf32>
    %get3A_4 = arith.constant 1 : index
    %get3A_5 = arith.constant 0 : index
    %get3A_6 = arith.constant 0 : index
    %get3A_7 = vector.load %arg1[%get3A_4, %get3A_5, %get3A_6] : memref<2x1024x128xf32, #tpu.memory_space<vmem>>, vector<1x1024x128xf32>
    %get3A_8 = vector.shape_cast %get3A_7 : vector<1x1024x128xf32> to vector<1024x128xf32>
    %add3A = arith.addf %get3A_3, %get3A_8 : vector<1024x128xf32>
    %get3A_9 = arith.constant 0 : index
    %get3A_10 = arith.constant 0 : index
    %get3A_11 = arith.constant 0 : index
    %get3A_12 = vector.load %arg2[%get3A_9, %get3A_10, %get3A_11] : memref<2x1024x128xf32, #tpu.memory_space<vmem>>, vector<1x1024x128xf32>
    %get3A_13 = vector.shape_cast %get3A_12 : vector<1x1024x128xf32> to vector<1024x128xf32>
    %add3A_14 = arith.addf %add3A, %get3A_13 : vector<1024x128xf32>
    %get3A_15 = arith.constant 1 : index
    %get3A_16 = arith.constant 0 : index
    %get3A_17 = arith.constant 0 : index
    %get3A_18 = vector.load %arg2[%get3A_15, %get3A_16, %get3A_17] : memref<2x1024x128xf32, #tpu.memory_space<vmem>>, vector<1x1024x128xf32>
    %get3A_19 = vector.shape_cast %get3A_18 : vector<1x1024x128xf32> to vector<1024x128xf32>
    %add3A_20 = arith.addf %add3A_14, %get3A_19 : vector<1024x128xf32>
    %get3A_21 = arith.constant 0 : index
    %get3A_22 = arith.constant 0 : index
    %get3A_23 = vector.load %arg3[%get3A_21, %get3A_22] : memref<1x128xf32, #tpu.memory_space<vmem>>, vector<1x128xf32>
    %add3A_24 = vector.broadcast %get3A_23 : vector<1x128xf32> to vector<1024x128xf32>
    %add3A_25 = arith.addf %add3A_20, %add3A_24 : vector<1024x128xf32>
    %max3A = arith.constant 0.000000e+00 : f32
    %max3A_26 = vector.broadcast %max3A : f32 to vector<1024x128xf32>
    %max3A_27 = arith.maximumf %add3A_25, %max3A_26 : vector<1024x128xf32>
    %get3A_28 = arith.constant 0 : index
    %get3A_29 = arith.constant 0 : index
    %get3A_30 = vector.load %arg4[%get3A_28, %get3A_29] : memref<128x1920xf32, #tpu.memory_space<vmem>>, vector<128x128xf32>
    %dot_general3A = arith.constant dense<0.000000e+00> : vector<1024x128xf32>
    %dot_general3A_31 = tpu.matmul %max3A_27, %get3A_30, %dot_general3A {dimension_numbers = #tpu.dot_dimension_numbers<[1], [0], [0], [1], [0, 0, 1, 1], [], []>, transpose_lhs_hint = false} : vector<1024x128xf32>, vector<128x128xf32>, vector<1024x128xf32> -> vector<1024x128xf32>
    %swap3A = arith.constant 0 : index
    %swap3A_32 = arith.constant 0 : index
    %swap3A_33 = arith.constant 0 : index
    %swap3A_34 = vector.load %arg5[%swap3A, %swap3A_32, %swap3A_33] : memref<15x1024x128xf32, #tpu.memory_space<vmem>>, vector<1x1024x128xf32>
    %swap3A_35 = vector.shape_cast %swap3A_34 : vector<1x1024x128xf32> to vector<1024x128xf32>
    %swap3A_36 = vector.shape_cast %dot_general3A_31 : vector<1024x128xf32> to vector<1x1024x128xf32>
    tpu.vector_store %arg5[%swap3A, %swap3A_32, %swap3A_33], %swap3A_36 {strides = array<i32>} : memref<15x1024x128xf32, #tpu.memory_space<vmem>>, vector<1x1024x128xf32>,
    %get3A_37 = arith.constant 0 : index
    %get3A_38 = arith.constant 128 : index
    %get3A_39 = vector.load %arg4[%get3A_37, %get3A_38] : memref<128x1920xf32, #tpu.memory_space<vmem>>, vector<128x128xf32>
    %dot_general3A_40 = arith.constant dense<0.000000e+00> : vector<1024x128xf32>
    %dot_general3A_41 = tpu.matmul %max3A_27, %get3A_39, %dot_general3A_40 {dimension_numbers = #tpu.dot_dimension_numbers<[1], [0], [0], [1], [0, 0, 1, 1], [], []>, transpose_lhs_hint = false} : vector<1024x128xf32>, vector<128x128xf32>, vector<1024x128xf32> -> vector<1024x128xf32>
    %swap3A_42 = arith.constant 1 : index
    %swap3A_43 = arith.constant 0 : index
    %swap3A_44 = arith.constant 0 : index
    %swap3A_45 = vector.load %arg5[%swap3A_42, %swap3A_43, %swap3A_44] : memref<15x1024x128xf32, #tpu.memory_space<vmem>>, vector<1x1024x128xf32>
    %swap3A_46 = vector.shape_cast %swap3A_45 : vector<1x1024x128xf32> to vector<1024x128xf32>
    %swap3A_47 = vector.shape_cast %dot_general3A_41 : vector<1024x128xf32> to vector<1x1024x128xf32>
    tpu.vector_store %arg5[%swap3A_42, %swap3A_43, %swap3A_44], %swap3A_47 {strides = array<i32>} : memref<15x1024x128xf32, #tpu.memory_space<vmem>>, vector<1x1024x128xf32>,
    %get3A_48 = arith.constant 0 : index
    %get3A_49 = arith.constant 256 : index
    %get3A_50 = vector.load %arg4[%get3A_48, %get3A_49] : memref<128x1920xf32, #tpu.memory_space<vmem>>, vector<128x128xf32>
    %dot_general3A_51 = arith.constant dense<0.000000e+00> : vector<1024x128xf32>
    %dot_general3A_52 = tpu.matmul %max3A_27, %get3A_50, %dot_general3A_51 {dimension_numbers = #tpu.dot_dimension_numbers<[1], [0], [0], [1], [0, 0, 1, 1], [], []>, transpose_lhs_hint = false} : vector<1024x128xf32>, vector<128x128xf32>, vector<1024x128xf32> -> vector<1024x128xf32>
    %swap3A_53 = arith.constant 2 : index
    %swap3A_54 = arith.constant 0 : index
    %swap3A_55 = arith.constant 0 : index
    %swap3A_56 = vector.load %arg5[%swap3A_53, %swap3A_54, %swap3A_55] : memref<15x1024x128xf32, #tpu.memory_space<vmem>>, vector<1x1024x128xf32>
    %swap3A_57 = vector.shape_cast %swap3A_56 : vector<1x1024x128xf32> to vector<1024x128xf32>
    %swap3A_58 = vector.shape_cast %dot_general3A_52 : vector<1024x128xf32> to vector<1x1024x128xf32>
    tpu.vector_store %arg5[%swap3A_53, %swap3A_54, %swap3A_55], %swap3A_58 {strides = array<i32>} : memref<15x1024x128xf32, #tpu.memory_space<vmem>>, vector<1x1024x128xf32>,
    %get3A_59 = arith.constant 0 : index
    %get3A_60 = arith.constant 384 : index
    %get3A_61 = vector.load %arg4[%get3A_59, %get3A_60] : memref<128x1920xf32, #tpu.memory_space<vmem>>, vector<128x128xf32>
    %dot_general3A_62 = arith.constant dense<0.000000e+00> : vector<1024x128xf32>
    %dot_general3A_63 = tpu.matmul %max3A_27, %get3A_61, %dot_general3A_62 {dimension_numbers = #tpu.dot_dimension_numbers<[1], [0], [0], [1], [0, 0, 1, 1], [], []>, transpose_lhs_hint = false} : vector<1024x128xf32>, vector<128x128xf32>, vector<1024x128xf32> -> vector<1024x128xf32>
    %swap3A_64 = arith.constant 3 : index
    %swap3A_65 = arith.constant 0 : index
    %swap3A_66 = arith.constant 0 : index
    %swap3A_67 = vector.load %arg5[%swap3A_64, %swap3A_65, %swap3A_66] : memref<15x1024x128xf32, #tpu.memory_space<vmem>>, vector<1x1024x128xf32>
    %swap3A_68 = vector.shape_cast %swap3A_67 : vector<1x1024x128xf32> to vector<1024x128xf32>
    %swap3A_69 = vector.shape_cast %dot_general3A_63 : vector<1024x128xf32> to vector<1x1024x128xf32>
    tpu.vector_store %arg5[%swap3A_64, %swap3A_65, %swap3A_66], %swap3A_69 {strides = array<i32>} : memref<15x1024x128xf32, #tpu.memory_space<vmem>>, vector<1x1024x128xf32>,
    %get3A_70 = arith.constant 0 : index
    %get3A_71 = arith.constant 512 : index
    %get3A_72 = vector.load %arg4[%get3A_70, %get3A_71] : memref<128x1920xf32, #tpu.memory_space<vmem>>, vector<128x128xf32>
    %dot_general3A_73 = arith.constant dense<0.000000e+00> : vector<1024x128xf32>
    %dot_general3A_74 = tpu.matmul %max3A_27, %get3A_72, %dot_general3A_73 {dimension_numbers = #tpu.dot_dimension_numbers<[1], [0], [0], [1], [0, 0, 1, 1], [], []>, transpose_lhs_hint = false} : vector<1024x128xf32>, vector<128x128xf32>, vector<1024x128xf32> -> vector<1024x128xf32>
    %swap3A_75 = arith.constant 4 : index
    %swap3A_76 = arith.constant 0 : index
    %swap3A_77 = arith.constant 0 : index
    %swap3A_78 = vector.load %arg5[%swap3A_75, %swap3A_76, %swap3A_77] : memref<15x1024x128xf32, #tpu.memory_space<vmem>>, vector<1x1024x128xf32>
    %swap3A_79 = vector.shape_cast %swap3A_78 : vector<1x1024x128xf32> to vector<1024x128xf32>
    %swap3A_80 = vector.shape_cast %dot_general3A_74 : vector<1024x128xf32> to vector<1x1024x128xf32>
    tpu.vector_store %arg5[%swap3A_75, %swap3A_76, %swap3A_77], %swap3A_80 {strides = array<i32>} : memref<15x1024x128xf32, #tpu.memory_space<vmem>>, vector<1x1024x128xf32>,
    %get3A_81 = arith.constant 0 : index
    %get3A_82 = arith.constant 640 : index
    %get3A_83 = vector.load %arg4[%get3A_81, %get3A_82] : memref<128x1920xf32, #tpu.memory_space<vmem>>, vector<128x128xf32>
    %dot_general3A_84 = arith.constant dense<0.000000e+00> : vector<1024x128xf32>
    %dot_general3A_85 = tpu.matmul %max3A_27, %get3A_83, %dot_general3A_84 {dimension_numbers = #tpu.dot_dimension_numbers<[1], [0], [0], [1], [0, 0, 1, 1], [], []>, transpose_lhs_hint = false} : vector<1024x128xf32>, vector<128x128xf32>, vector<1024x128xf32> -> vector<1024x128xf32>
    %swap3A_86 = arith.constant 5 : index
    %swap3A_87 = arith.constant 0 : index
    %swap3A_88 = arith.constant 0 : index
    %swap3A_89 = vector.load %arg5[%swap3A_86, %swap3A_87, %swap3A_88] : memref<15x1024x128xf32, #tpu.memory_space<vmem>>, vector<1x1024x128xf32>
    %swap3A_90 = vector.shape_cast %swap3A_89 : vector<1x1024x128xf32> to vector<1024x128xf32>
    %swap3A_91 = vector.shape_cast %dot_general3A_85 : vector<1024x128xf32> to vector<1x1024x128xf32>
    tpu.vector_store %arg5[%swap3A_86, %swap3A_87, %swap3A_88], %swap3A_91 {strides = array<i32>} : memref<15x1024x128xf32, #tpu.memory_space<vmem>>, vector<1x1024x128xf32>,
    %get3A_92 = arith.constant 0 : index
    %get3A_93 = arith.constant 768 : index
    %get3A_94 = vector.load %arg4[%get3A_92, %get3A_93] : memref<128x1920xf32, #tpu.memory_space<vmem>>, vector<128x128xf32>
    %dot_general3A_95 = arith.constant dense<0.000000e+00> : vector<1024x128xf32>
    %dot_general3A_96 = tpu.matmul %max3A_27, %get3A_94, %dot_general3A_95 {dimension_numbers = #tpu.dot_dimension_numbers<[1], [0], [0], [1], [0, 0, 1, 1], [], []>, transpose_lhs_hint = false} : vector<1024x128xf32>, vector<128x128xf32>, vector<1024x128xf32> -> vector<1024x128xf32>
    %swap3A_97 = arith.constant 6 : index
    %swap3A_98 = arith.constant 0 : index
    %swap3A_99 = arith.constant 0 : index
    %swap3A_100 = vector.load %arg5[%swap3A_97, %swap3A_98, %swap3A_99] : memref<15x1024x128xf32, #tpu.memory_space<vmem>>, vector<1x1024x128xf32>
    %swap3A_101 = vector.shape_cast %swap3A_100 : vector<1x1024x128xf32> to vector<1024x128xf32>
    %swap3A_102 = vector.shape_cast %dot_general3A_96 : vector<1024x128xf32> to vector<1x1024x128xf32>
    tpu.vector_store %arg5[%swap3A_97, %swap3A_98, %swap3A_99], %swap3A_102 {strides = array<i32>} : memref<15x1024x128xf32, #tpu.memory_space<vmem>>, vector<1x1024x128xf32>,
    %get3A_103 = arith.constant 0 : index
    %get3A_104 = arith.constant 896 : index
    %get3A_105 = vector.load %arg4[%get3A_103, %get3A_104] : memref<128x1920xf32, #tpu.memory_space<vmem>>, vector<128x128xf32>
    %dot_general3A_106 = arith.constant dense<0.000000e+00> : vector<1024x128xf32>
    %dot_general3A_107 = tpu.matmul %max3A_27, %get3A_105, %dot_general3A_106 {dimension_numbers = #tpu.dot_dimension_numbers<[1], [0], [0], [1], [0, 0, 1, 1], [], []>, transpose_lhs_hint = false} : vector<1024x128xf32>, vector<128x128xf32>, vector<1024x128xf32> -> vector<1024x128xf32>
    %swap3A_108 = arith.constant 7 : index
    %swap3A_109 = arith.constant 0 : index
    %swap3A_110 = arith.constant 0 : index
    %swap3A_111 = vector.load %arg5[%swap3A_108, %swap3A_109, %swap3A_110] : memref<15x1024x128xf32, #tpu.memory_space<vmem>>, vector<1x1024x128xf32>
    %swap3A_112 = vector.shape_cast %swap3A_111 : vector<1x1024x128xf32> to vector<1024x128xf32>
    %swap3A_113 = vector.shape_cast %dot_general3A_107 : vector<1024x128xf32> to vector<1x1024x128xf32>
    tpu.vector_store %arg5[%swap3A_108, %swap3A_109, %swap3A_110], %swap3A_113 {strides = array<i32>} : memref<15x1024x128xf32, #tpu.memory_space<vmem>>, vector<1x1024x128xf32>,
    %get3A_114 = arith.constant 0 : index
    %get3A_115 = arith.constant 1024 : index
    %get3A_116 = vector.load %arg4[%get3A_114, %get3A_115] : memref<128x1920xf32, #tpu.memory_space<vmem>>, vector<128x128xf32>
    %dot_general3A_117 = arith.constant dense<0.000000e+00> : vector<1024x128xf32>
    %dot_general3A_118 = tpu.matmul %max3A_27, %get3A_116, %dot_general3A_117 {dimension_numbers = #tpu.dot_dimension_numbers<[1], [0], [0], [1], [0, 0, 1, 1], [], []>, transpose_lhs_hint = false} : vector<1024x128xf32>, vector<128x128xf32>, vector<1024x128xf32> -> vector<1024x128xf32>
    %swap3A_119 = arith.constant 8 : index
    %swap3A_120 = arith.constant 0 : index
    %swap3A_121 = arith.constant 0 : index
    %swap3A_122 = vector.load %arg5[%swap3A_119, %swap3A_120, %swap3A_121] : memref<15x1024x128xf32, #tpu.memory_space<vmem>>, vector<1x1024x128xf32>
    %swap3A_123 = vector.shape_cast %swap3A_122 : vector<1x1024x128xf32> to vector<1024x128xf32>
    %swap3A_124 = vector.shape_cast %dot_general3A_118 : vector<1024x128xf32> to vector<1x1024x128xf32>
    tpu.vector_store %arg5[%swap3A_119, %swap3A_120, %swap3A_121], %swap3A_124 {strides = array<i32>} : memref<15x1024x128xf32, #tpu.memory_space<vmem>>, vector<1x1024x128xf32>,
    %get3A_125 = arith.constant 0 : index
    %get3A_126 = arith.constant 1152 : index
    %get3A_127 = vector.load %arg4[%get3A_125, %get3A_126] : memref<128x1920xf32, #tpu.memory_space<vmem>>, vector<128x128xf32>
    %dot_general3A_128 = arith.constant dense<0.000000e+00> : vector<1024x128xf32>
    %dot_general3A_129 = tpu.matmul %max3A_27, %get3A_127, %dot_general3A_128 {dimension_numbers = #tpu.dot_dimension_numbers<[1], [0], [0], [1], [0, 0, 1, 1], [], []>, transpose_lhs_hint = false} : vector<1024x128xf32>, vector<128x128xf32>, vector<1024x128xf32> -> vector<1024x128xf32>
    %swap3A_130 = arith.constant 9 : index
    %swap3A_131 = arith.constant 0 : index
    %swap3A_132 = arith.constant 0 : index
    %swap3A_133 = vector.load %arg5[%swap3A_130, %swap3A_131, %swap3A_132] : memref<15x1024x128xf32, #tpu.memory_space<vmem>>, vector<1x1024x128xf32>
    %swap3A_134 = vector.shape_cast %swap3A_133 : vector<1x1024x128xf32> to vector<1024x128xf32>
    %swap3A_135 = vector.shape_cast %dot_general3A_129 : vector<1024x128xf32> to vector<1x1024x128xf32>
    tpu.vector_store %arg5[%swap3A_130, %swap3A_131, %swap3A_132], %swap3A_135 {strides = array<i32>} : memref<15x1024x128xf32, #tpu.memory_space<vmem>>, vector<1x1024x128xf32>,
    %get3A_136 = arith.constant 0 : index
    %get3A_137 = arith.constant 1280 : index
    %get3A_138 = vector.load %arg4[%get3A_136, %get3A_137] : memref<128x1920xf32, #tpu.memory_space<vmem>>, vector<128x128xf32>
    %dot_general3A_139 = arith.constant dense<0.000000e+00> : vector<1024x128xf32>
    %dot_general3A_140 = tpu.matmul %max3A_27, %get3A_138, %dot_general3A_139 {dimension_numbers = #tpu.dot_dimension_numbers<[1], [0], [0], [1], [0, 0, 1, 1], [], []>, transpose_lhs_hint = false} : vector<1024x128xf32>, vector<128x128xf32>, vector<1024x128xf32> -> vector<1024x128xf32>
    %swap3A_141 = arith.constant 10 : index
    %swap3A_142 = arith.constant 0 : index
    %swap3A_143 = arith.constant 0 : index
    %swap3A_144 = vector.load %arg5[%swap3A_141, %swap3A_142, %swap3A_143] : memref<15x1024x128xf32, #tpu.memory_space<vmem>>, vector<1x1024x128xf32>
    %swap3A_145 = vector.shape_cast %swap3A_144 : vector<1x1024x128xf32> to vector<1024x128xf32>
    %swap3A_146 = vector.shape_cast %dot_general3A_140 : vector<1024x128xf32> to vector<1x1024x128xf32>
    tpu.vector_store %arg5[%swap3A_141, %swap3A_142, %swap3A_143], %swap3A_146 {strides = array<i32>} : memref<15x1024x128xf32, #tpu.memory_space<vmem>>, vector<1x1024x128xf32>,
    %get3A_147 = arith.constant 0 : index
    %get3A_148 = arith.constant 1408 : index
    %get3A_149 = vector.load %arg4[%get3A_147, %get3A_148] : memref<128x1920xf32, #tpu.memory_space<vmem>>, vector<128x128xf32>
    %dot_general3A_150 = arith.constant dense<0.000000e+00> : vector<1024x128xf32>
    %dot_general3A_151 = tpu.matmul %max3A_27, %get3A_149, %dot_general3A_150 {dimension_numbers = #tpu.dot_dimension_numbers<[1], [0], [0], [1], [0, 0, 1, 1], [], []>, transpose_lhs_hint = false} : vector<1024x128xf32>, vector<128x128xf32>, vector<1024x128xf32> -> vector<1024x128xf32>
    %swap3A_152 = arith.constant 11 : index
    %swap3A_153 = arith.constant 0 : index
    %swap3A_154 = arith.constant 0 : index
    %swap3A_155 = vector.load %arg5[%swap3A_152, %swap3A_153, %swap3A_154] : memref<15x1024x128xf32, #tpu.memory_space<vmem>>, vector<1x1024x128xf32>
    %swap3A_156 = vector.shape_cast %swap3A_155 : vector<1x1024x128xf32> to vector<1024x128xf32>
    %swap3A_157 = vector.shape_cast %dot_general3A_151 : vector<1024x128xf32> to vector<1x1024x128xf32>
    tpu.vector_store %arg5[%swap3A_152, %swap3A_153, %swap3A_154], %swap3A_157 {strides = array<i32>} : memref<15x1024x128xf32, #tpu.memory_space<vmem>>, vector<1x1024x128xf32>,
    %get3A_158 = arith.constant 0 : index
    %get3A_159 = arith.constant 1536 : index
    %get3A_160 = vector.load %arg4[%get3A_158, %get3A_159] : memref<128x1920xf32, #tpu.memory_space<vmem>>, vector<128x128xf32>
    %dot_general3A_161 = arith.constant dense<0.000000e+00> : vector<1024x128xf32>
    %dot_general3A_162 = tpu.matmul %max3A_27, %get3A_160, %dot_general3A_161 {dimension_numbers = #tpu.dot_dimension_numbers<[1], [0], [0], [1], [0, 0, 1, 1], [], []>, transpose_lhs_hint = false} : vector<1024x128xf32>, vector<128x128xf32>, vector<1024x128xf32> -> vector<1024x128xf32>
    %swap3A_163 = arith.constant 12 : index
    %swap3A_164 = arith.constant 0 : index
    %swap3A_165 = arith.constant 0 : index
    %swap3A_166 = vector.load %arg5[%swap3A_163, %swap3A_164, %swap3A_165] : memref<15x1024x128xf32, #tpu.memory_space<vmem>>, vector<1x1024x128xf32>
    %swap3A_167 = vector.shape_cast %swap3A_166 : vector<1x1024x128xf32> to vector<1024x128xf32>
    %swap3A_168 = vector.shape_cast %dot_general3A_162 : vector<1024x128xf32> to vector<1x1024x128xf32>
    tpu.vector_store %arg5[%swap3A_163, %swap3A_164, %swap3A_165], %swap3A_168 {strides = array<i32>} : memref<15x1024x128xf32, #tpu.memory_space<vmem>>, vector<1x1024x128xf32>,
    %get3A_169 = arith.constant 0 : index
    %get3A_170 = arith.constant 1664 : index
    %get3A_171 = vector.load %arg4[%get3A_169, %get3A_170] : memref<128x1920xf32, #tpu.memory_space<vmem>>, vector<128x128xf32>
    %dot_general3A_172 = arith.constant dense<0.000000e+00> : vector<1024x128xf32>
    %dot_general3A_173 = tpu.matmul %max3A_27, %get3A_171, %dot_general3A_172 {dimension_numbers = #tpu.dot_dimension_numbers<[1], [0], [0], [1], [0, 0, 1, 1], [], []>, transpose_lhs_hint = false} : vector<1024x128xf32>, vector<128x128xf32>, vector<1024x128xf32> -> vector<1024x128xf32>
    %swap3A_174 = arith.constant 13 : index
    %swap3A_175 = arith.constant 0 : index
    %swap3A_176 = arith.constant 0 : index
    %swap3A_177 = vector.load %arg5[%swap3A_174, %swap3A_175, %swap3A_176] : memref<15x1024x128xf32, #tpu.memory_space<vmem>>, vector<1x1024x128xf32>
    %swap3A_178 = vector.shape_cast %swap3A_177 : vector<1x1024x128xf32> to vector<1024x128xf32>
    %swap3A_179 = vector.shape_cast %dot_general3A_173 : vector<1024x128xf32> to vector<1x1024x128xf32>
    tpu.vector_store %arg5[%swap3A_174, %swap3A_175, %swap3A_176], %swap3A_179 {strides = array<i32>} : memref<15x1024x128xf32, #tpu.memory_space<vmem>>, vector<1x1024x128xf32>,
    %get3A_180 = arith.constant 0 : index
    %get3A_181 = arith.constant 1792 : index
    %get3A_182 = vector.load %arg4[%get3A_180, %get3A_181] : memref<128x1920xf32, #tpu.memory_space<vmem>>, vector<128x128xf32>
    %dot_general3A_183 = arith.constant dense<0.000000e+00> : vector<1024x128xf32>
    %dot_general3A_184 = tpu.matmul %max3A_27, %get3A_182, %dot_general3A_183 {dimension_numbers = #tpu.dot_dimension_numbers<[1], [0], [0], [1], [0, 0, 1, 1], [], []>, transpose_lhs_hint = false} : vector<1024x128xf32>, vector<128x128xf32>, vector<1024x128xf32> -> vector<1024x128xf32>
    %swap3A_185 = arith.constant 14 : index
    %swap3A_186 = arith.constant 0 : index
    %swap3A_187 = arith.constant 0 : index
    %swap3A_188 = vector.load %arg5[%swap3A_185, %swap3A_186, %swap3A_187] : memref<15x1024x128xf32, #tpu.memory_space<vmem>>, vector<1x1024x128xf32>
    %swap3A_189 = vector.shape_cast %swap3A_188 : vector<1x1024x128xf32> to vector<1024x128xf32>
    %swap3A_190 = vector.shape_cast %dot_general3A_184 : vector<1024x128xf32> to vector<1x1024x128xf32>
    tpu.vector_store %arg5[%swap3A_185, %swap3A_186, %swap3A_187], %swap3A_190 {strides = array<i32>} : memref<15x1024x128xf32, #tpu.memory_space<vmem>>, vector<1x1024x128xf32>,
    return
  }
  func.func @transform_0(%arg0: i32) -> (i32, i32, i32) {
    %c0_i32 = arith.constant 0 : i32
    %c0_i32_0 = arith.constant 0 : i32
    %c0_i32_1 = arith.constant 0 : i32
    return %c0_i32, %arg0, %c0_i32_0 : i32, i32, i32
  }
  func.func @transform_1(%arg0: i32) -> (i32, i32, i32) {
    %c0_i32 = arith.constant 0 : i32
    %c0_i32_0 = arith.constant 0 : i32
    %c0_i32_1 = arith.constant 0 : i32
    return %c0_i32, %arg0, %c0_i32_0 : i32, i32, i32
  }
  func.func @transform_2(%arg0: i32) -> (i32, i32) {
    %c0_i32 = arith.constant 0 : i32
    %c0_i32_0 = arith.constant 0 : i32
    %c0_i32_1 = arith.constant 0 : i32
    return %c0_i32, %c0_i32_0 : i32, i32
  }
  func.func @transform_3(%arg0: i32) -> (i32, i32) {
    %c0_i32 = arith.constant 0 : i32
    %c0_i32_0 = arith.constant 0 : i32
    %c0_i32_1 = arith.constant 0 : i32
    return %c0_i32, %c0_i32_0 : i32, i32
  }
  func.func @transform_4(%arg0: i32) -> (i32, i32, i32) {
    %c0_i32 = arith.constant 0 : i32
    %c0_i32_0 = arith.constant 0 : i32
    %c0_i32_1 = arith.constant 0 : i32
    return %c0_i32, %arg0, %c0_i32_0 : i32, i32, i32
  }
}

module attributes {stable_mosaic.version = 14 : i64} {
  func.func @_final_body(%arg0: i32, %arg1: memref<2x1000x128xf32, #tpu.memory_space<vmem>>, %arg2: memref<2x1000x128xf32, #tpu.memory_space<vmem>>, %arg3: memref<1x128xf32, #tpu.memory_space<vmem>>, %arg4: memref<1000x128xf32, #tpu.memory_space<vmem>>, %arg5: memref<1000x128xf32, #tpu.memory_space<vmem>>) attributes {dimension_semantics = [#tpu.dimension_semantics<arbitrary>], iteration_bounds = array<i64: 10>, scalar_prefetch = 0 : i64, scratch_operands = 0 : i64, tpu.core_type = #tpu.core_type<tc>, window_params = [{transform_indices = @transform_0, window_bounds = array<i64: 2, 1000, 128>}, {transform_indices = @transform_1, window_bounds = array<i64: 2, 1000, 128>}, {pipeline_mode = #tpu.pipeline_mode<synchronous>, transform_indices = @transform_2, window_bounds = array<i64: 1, 128>}, {transform_indices = @transform_3, window_bounds = array<i64: 1000, 128>}, {transform_indices = @transform_4, window_bounds = array<i64: 1000, 128>}]} {
    %get3A = arith.constant 0 : index
    %get3A_0 = arith.constant 0 : index
    %get3A_1 = arith.constant 0 : index
    %get3A_2 = vector.load %arg1[%get3A, %get3A_0, %get3A_1] : memref<2x1000x128xf32, #tpu.memory_space<vmem>>, vector<1x1000x128xf32>
    %get3A_3 = vector.shape_cast %get3A_2 : vector<1x1000x128xf32> to vector<1000x128xf32>
    %get3A_4 = arith.constant 1 : index
    %get3A_5 = arith.constant 0 : index
    %get3A_6 = arith.constant 0 : index
    %get3A_7 = vector.load %arg1[%get3A_4, %get3A_5, %get3A_6] : memref<2x1000x128xf32, #tpu.memory_space<vmem>>, vector<1x1000x128xf32>
    %get3A_8 = vector.shape_cast %get3A_7 : vector<1x1000x128xf32> to vector<1000x128xf32>
    %add3A = arith.addf %get3A_3, %get3A_8 : vector<1000x128xf32>
    %get3A_9 = arith.constant 0 : index
    %get3A_10 = arith.constant 0 : index
    %get3A_11 = arith.constant 0 : index
    %get3A_12 = vector.load %arg2[%get3A_9, %get3A_10, %get3A_11] : memref<2x1000x128xf32, #tpu.memory_space<vmem>>, vector<1x1000x128xf32>
    %get3A_13 = vector.shape_cast %get3A_12 : vector<1x1000x128xf32> to vector<1000x128xf32>
    %add3A_14 = arith.addf %add3A, %get3A_13 : vector<1000x128xf32>
    %get3A_15 = arith.constant 1 : index
    %get3A_16 = arith.constant 0 : index
    %get3A_17 = arith.constant 0 : index
    %get3A_18 = vector.load %arg2[%get3A_15, %get3A_16, %get3A_17] : memref<2x1000x128xf32, #tpu.memory_space<vmem>>, vector<1x1000x128xf32>
    %get3A_19 = vector.shape_cast %get3A_18 : vector<1x1000x128xf32> to vector<1000x128xf32>
    %add3A_20 = arith.addf %add3A_14, %get3A_19 : vector<1000x128xf32>
    %get3A_21 = arith.constant 0 : index
    %get3A_22 = arith.constant 0 : index
    %get3A_23 = vector.load %arg3[%get3A_21, %get3A_22] : memref<1x128xf32, #tpu.memory_space<vmem>>, vector<1x128xf32>
    %add3A_24 = vector.broadcast %get3A_23 : vector<1x128xf32> to vector<1000x128xf32>
    %add3A_25 = arith.addf %add3A_20, %add3A_24 : vector<1000x128xf32>
    %get3A_26 = arith.constant 0 : index
    %get3A_27 = arith.constant 0 : index
    %get3A_28 = vector.load %arg4[%get3A_26, %get3A_27] : memref<1000x128xf32, #tpu.memory_space<vmem>>, vector<1000x128xf32>
    %add3A_29 = arith.addf %add3A_25, %get3A_28 : vector<1000x128xf32>
    %max3A = arith.constant 0.000000e+00 : f32
    %max3A_30 = vector.broadcast %max3A : f32 to vector<1000x128xf32>
    %max3A_31 = arith.maximumf %add3A_29, %max3A_30 : vector<1000x128xf32>
    %swap3A = arith.constant 0 : index
    %swap3A_32 = arith.constant 0 : index
    %swap3A_33 = vector.load %arg5[%swap3A, %swap3A_32] : memref<1000x128xf32, #tpu.memory_space<vmem>>, vector<1000x128xf32>
    tpu.vector_store %arg5[%swap3A, %swap3A_32], %max3A_31 {strides = array<i32>} : memref<1000x128xf32, #tpu.memory_space<vmem>>, vector<1000x128xf32>,
    return
  }
  func.func @transform_0(%arg0: i32) -> (i32, i32, i32) {
    %c0_i32 = arith.constant 0 : i32
    %c0_i32_0 = arith.constant 0 : i32
    %c0_i32_1 = arith.constant 0 : i32
    return %c0_i32, %arg0, %c0_i32_0 : i32, i32, i32
  }
  func.func @transform_1(%arg0: i32) -> (i32, i32, i32) {
    %c0_i32 = arith.constant 0 : i32
    %c0_i32_0 = arith.constant 0 : i32
    %c0_i32_1 = arith.constant 0 : i32
    return %c0_i32, %arg0, %c0_i32_0 : i32, i32, i32
  }
  func.func @transform_2(%arg0: i32) -> (i32, i32) {
    %c0_i32 = arith.constant 0 : i32
    %c0_i32_0 = arith.constant 0 : i32
    %c0_i32_1 = arith.constant 0 : i32
    return %c0_i32, %c0_i32_0 : i32, i32
  }
  func.func @transform_3(%arg0: i32) -> (i32, i32) {
    %c0_i32 = arith.constant 0 : i32
    %c0_i32_0 = arith.constant 0 : i32
    return %arg0, %c0_i32 : i32, i32
  }
  func.func @transform_4(%arg0: i32) -> (i32, i32) {
    %c0_i32 = arith.constant 0 : i32
    %c0_i32_0 = arith.constant 0 : i32
    return %arg0, %c0_i32 : i32, i32
  }
}

</mosaic_0001>

<sc_bundles>
// kernel: kernel.11.cloned.1.call-start
scs
__scs_entry_jumppad:
0x0: {  	(pc) =	sbr.rel $0x88, $3  }
0x1: {  	(tag) =	ssettag $0x0;
	lr =	simm.s32 $0x1  }
0x2: {  	[smem:$0x3F94] =	sst lr;
	_ =	strace $0xD0000000  }
0x3: {  	_ = 	snop  }
0x4: {  	_ = 	snop  }
0x5: {  	_ = 	snop  }
0x6: {  	_ = 	snop  }
0x7: {  	_ = 	snop  }
__scs_overlays_trampoline_lowered:
0x8: {  	[smem:$0x3FA3] =	sst s0  }
0x9: {  	[smem:$0x3FA4] =	sst s1  }
0xa: {  	[smem:$0x3FA5] =	sst s2  }
0xb: {  	[smem:$0x3FA6] =	sst s3  }
0xc: {  	[smem:$0x3FA7] =	sst s4  }
0xd: {  	[smem:$0x3FA8] =	sst s5  }
0xe: {  	[smem:$0x3FA9] =	sst s6  }
0xf: {  	[smem:$0x3FAA] =	sst s7  }
0x10: {  	[smem:$0x3FAB] =	sst s8  }
0x11: {  	[smem:$0x3FAC] =	sst s9;
	s0 =	simm.s32 @!p0 $0x0  }
0x12: {  	s1 =	sld [smem:$0x3F92];
	s0 =	simm.s32 @p0 $0x1  }
0x13: {  	[smem:$0x3FAD] =	sst s0;
	s0 =	simm.s32 @!p1 $0x0  }
0x14: {  	s2 =	sld [smem:$0x3F91];
	s0 =	simm.s32 @p1 $0x1  }
0x15: {  	[smem:$0x3FAE] =	sst s0;
	s0 =	simm.s32 @!p2 $0x0  }
0x16: {  	s3 =	sld [smem:$0x3FDB];
	s0 =	simm.s32 @p2 $0x1  }
0x17: {  	s4 =	simm.s32 $0x1BF5;
	[smem:$0x3FB0] =	sst s0  }
0x18: {  	s0 =	sld [smem:$0x3F93];
	_ =	swait.ge [sflag:s4], $0x0  }
0x19: {  	s7 =	sld [smem:$0x3F94]  }
0x1a: {  	s8 =	sadd.s32 $0xFFFFE003, lr  }
0x1b: {  	s9 =	sadd.s32 $0xFFFFFEF7, lr;
	s5 =	simm.s32 $0xFFFFFFFF;
	p2 =	slt.u32 s8, $0xFFFFF086  }
0x1c: {  	p1 =	slt.u32 s9, $0xF7A;
	s5 =	simm.s32 @!p2 $0x0  }
0x1d: {  	s5 =	simm.s32 @p1 $0x1;
	p0 =	seq.s32 s7, s2  }
0x1e: {  	s7 =	smul.u32 @!p0 $0xF7A, s2;
	p2 =	seq.s32 @!p0 s5, $0x0  }
0x1f: {  	s9 =	smul.u32 $0xF7A, s1;
	s8 =	simm.s32 @!p0 $0x1BF5;
	p2 =	por !p2, p0  }
0x20: {  	[sflag:s8] =	ssyncset.s32 @!p0 $0xFFFFF086;
	s6 =	sadd.s32 @!p0 s3, s7;
	s7 =	simm.s32 @!p0 $0x108  }
0x21: {  	s3 =	sadd.s32 s3, s9;
	s6 =	sadd.s32 @!p0 $0x88, s6;
	s7 =	simm.s32 @p2 $0x1082  }
0x22: {  	[simem:s7], [sflag:s8] =	dma.local @!p0 [hbm:s6], $0xF7A  }
0x23: {  	s9 =	sor.u32 $0xD0000000, s2;
	s6 =	simm.s32 $0x108;
	_ =	swait.ge @!p0 [sflag:s8], $0x0  }
0x24: {  	s3 =	sadd.s32 $0x88, s3;
	s6 =	simm.s32 @!p1 $0x1082;
	[sflag:s4] =	ssyncset.s32 $0xFFFFF086  }
0x25: {  	[simem:s6], [sflag:s4] =	dma.local [hbm:s3], $0xF7A  }
0x26: {  	[smem:$0x3F94] =	sst s1;
	(tag) =	ssettag s2;
	_ =	strace s9  }
0x27: {  	s1 =	sld [smem:$0x3FA4]  }
0x28: {  	s2 =	sld [smem:$0x3FA5]  }
0x29: {  	s4 =	sld [smem:$0x3FA7]  }
0x2a: {  	p0 =	seq.s32 s5, $0x0;
	s5 =	sld [smem:$0x3FA8]  }
0x2b: {  	s6 =	sld [smem:$0x3FA9]  }
0x2c: {  	s7 =	sld [smem:$0x3FAA]  }
0x2d: {  	s3 =	simm.s32 $0x108;
	s8 =	sld [smem:$0x3FAB]  }
0x2e: {  	s3 =	simm.s32 @!p0 $0x1082;
	s9 =	sld [smem:$0x3FAC]  }
0x2f: {  	lr =	sadd.s32 s0, s3;
	s0 =	sld [smem:$0x3FA3]  }
0x30: {  	s3 =	sld [smem:$0x3FA6]  }
0x31: {  	[smem:$0x3FAF] =	sst s10  }
0x32: {  	s10 =	sld [smem:$0x3FAD];
	_ =	sdelay $0x3  }
0x33: {  	p0 =	seq.s32 s10, $0x1;
	s10 =	sld [smem:$0x3FAF];
	_ =	sdelay $0x3  }
0x34: {  	[smem:$0x3FAF] =	sst s10  }
0x35: {  	s10 =	sld [smem:$0x3FAE];
	_ =	sdelay $0x3  }
0x36: {  	p1 =	seq.s32 s10, $0x1;
	s10 =	sld [smem:$0x3FAF];
	_ =	sdelay $0x3  }
0x37: {  	[smem:$0x3FAF] =	sst s10  }
0x38: {  	s10 =	sld [smem:$0x3FB0]  }
0x39: {  	_ = 	snop;
	(pc) =	sbr.ind lr, $3  }
0x3a: {  	_ = 	snop  }
0x3b: {  	_ = 	snop  }
0x3c: {  	p2 =	seq.s32 s10, $0x1;
	s10 =	sld [smem:$0x3FAF]  }
0x3d: {  	_ =	shalt  }
0x3e: {  	_ =	shalt  }
0x3f: {  	_ =	shalt  }
0x40: {  	_ =	shalt  }
0x41: {  	_ =	shalt  }
0x42: {  	_ =	shalt  }
0x43: {  	_ =	shalt  }
0x44: {  	_ =	shalt  }
0x45: {  	_ =	shalt  }
0x46: {  	_ =	shalt  }
0x47: {  	_ =	shalt  }
0x48: {  	_ =	shalt  }
0x49: {  	_ =	shalt  }
0x4a: {  	_ =	shalt  }
0x4b: {  	_ =	shalt  }
0x4c: {  	_ =	shalt  }
0x4d: {  	_ =	shalt  }
0x4e: {  	_ =	shalt  }
0x4f: {  	_ =	shalt  }
0x50: {  	_ =	shalt  }
0x51: {  	_ =	shalt  }
0x52: {  	_ =	shalt  }
0x53: {  	_ =	shalt  }
0x54: {  	_ =	shalt  }
0x55: {  	_ =	shalt  }
0x56: {  	_ =	shalt  }
0x57: {  	_ =	shalt  }
0x58: {  	_ =	shalt  }
0x59: {  	_ =	shalt  }
0x5a: {  	_ =	shalt  }
0x5b: {  	_ =	shalt  }
0x5c: {  	_ =	shalt  }
0x5d: {  	_ =	shalt  }
0x5e: {  	_ =	shalt  }
0x5f: {  	_ =	shalt  }
0x60: {  	_ =	shalt  }
0x61: {  	_ =	shalt  }
0x62: {  	_ =	shalt  }
0x63: {  	_ =	shalt  }
0x64: {  	_ =	shalt  }
0x65: {  	_ =	shalt  }
0x66: {  	_ =	shalt  }
0x67: {  	_ =	shalt  }
0x68: {  	_ =	shalt  }
0x69: {  	_ =	shalt  }
0x6a: {  	_ =	shalt  }
0x6b: {  	_ =	shalt  }
0x6c: {  	_ =	shalt  }
0x6d: {  	_ =	shalt  }
0x6e: {  	_ =	shalt  }
0x6f: {  	_ =	shalt  }
0x70: {  	_ =	shalt  }
0x71: {  	_ =	shalt  }
0x72: {  	_ =	shalt  }
0x73: {  	_ =	shalt  }
0x74: {  	_ =	shalt  }
0x75: {  	_ =	shalt  }
0x76: {  	_ =	shalt  }
0x77: {  	_ =	shalt  }
0x78: {  	_ =	shalt  }
0x79: {  	_ =	shalt  }
0x7a: {  	_ =	shalt  }
0x7b: {  	_ =	shalt  }
0x7c: {  	_ =	shalt  }
0x7d: {  	_ =	shalt  }
0x7e: {  	_ =	shalt  }
0x7f: {  	_ =	shalt  }
0x80: {  	_ =	shalt  }
0x81: {  	_ =	shalt  }
0x82: {  	_ =	shalt  }
0x83: {  	_ =	shalt  }
0x84: {  	_ =	shalt  }
0x85: {  	_ =	shalt  }
0x86: {  	_ =	shalt  }
0x87: {  	_ =	shalt  }
.Lfunc_end0:
.L_simem_size_0:
called_computation_lowered:
.L_overlay_start_0:
0x88: {  	s2 =	sld [smem:$0x3FD9]  }
0x89: {  	s3 =	sld [smem:$0x3FFE];
	_ =	sdelay $0x1  }
0x8a: {  	s1 =	srdreg.scid  }
0x8b: {  	s0 =	sand.u32 $0x1, s1  }
0x8c: {  	s16 =	sshll.u32 s0, $0xA;
	s2 =	sadd.s32 s3, s2  }
0x8d: {  	s2 =	sadd.s32 s2, s16  }
0x8e: {  	[smem:$0x3FBB] =	sst s2  }
0x8f: {  	_ = 	snop  }
0x90: {  	(tm) =	ssettm $0x1  }
0x91: {  	s17 =	sld [smem:$0x3FFB];
	_ =	sdelay $0x3  }
0x92: {  	_ =	strace s17  }
0x93: {  	s2 =	sld [smem:$0x3FFC];
	_ =	sdelay $0x3  }
0x94: {  	_ =	strace s2  }
0x95: {  	s2 =	sld [smem:$0x3FFD];
	_ =	sdelay $0x3  }
0x96: {  	_ =	strace s2  }
0x97: {  	_ =	strace $0x8FFFFFFF  }
0x98: {  	s18 =	sld [smem:$0x3FDB];
	_ =	sdelay $0x1  }
0x99: {  	s19 =	simm.s32 $_scs_section_size  }
0x9a: {  	s4 =	simm.s32 $_size__tile_overlayer_lowered;
	s5 =	simm.s32 $_tile_overlayer_lowered  }
0x9b: {  	s22 =	simm.s32 $0x1BFF;
	s21 =	sshll.u32 s5, $0x1;
	s2 =	sadd.s32 s19, s18  }
0x9c: {  	s6 =	simm.s32 $0x0;
	s20 =	sshll.u32 s4, $0x1;
	s4 =	sadd.s32 s21, s2  }
0x9d: {  	[timem:s6], [sflag:s22] =	dma.local [hbm:s4], s20  }
0x9e: {  	_ =	swait.ge [sflag:s22], s20  }
0x9f: {  	s3 =	ssub.s32 $0x0, s20;
	[sflag:s22] =	ssyncset.done $0x0  }
0xa0: {  	[sflag:s22] =	ssyncadd.s32 s3;
	_ =	sdelay $0x1  }
0xa1: {  	s23 =	simm.s32 $0x1B8B  }
0xa2: {  	_ =	swait.ge [sflag:s23], $0x1  }
0xa3: {  	[sflag:s23] =	ssyncset.done $0x0  }
0xa4: {  	s25 =	simm.s32 $0x1B8E;
	s24 =	sld [smem:$0x3FFE];
	[sflag:s23] =	ssyncadd.s32 $0xFFFFFFFF  }
0xa5: {  	s26 =	simm.s32 $execute0_lowered;
	[smem:$0x3FD2] =	sst s25  }
0xa6: {  	s4 =	sshll.u32 s26, $0x1;
	_ =	strace $0x80000046;
	[dreg:$0x1] =	wrdreg $0xFFFFFFFF  }
0xa7: {  	s28 =	simm.s32 $_size_execute0_lowered;
	s2 =	sadd.s32 s2, s4;
	[dreg:$0x0] =	wrdreg $0x0  }
0xa8: {  	s4 =	sshll.u32 s28, $0x1;
	[dreg:$0x2] =	wrdreg s2  }
0xa9: {  	[dreg:$0x3] =	wrdreg s4  }
0xaa: {  	[dreg:$0x4] =	wrdreg $0xC0  }
0xab: {  	_ =	task [dreg:s6], $0x5FFFF  }
0xac: {  	[dreg:$0x1] =	wrdreg $0xFFFFFFFF  }
0xad: {  	[dreg:$0x0] =	wrdreg $0x60  }
0xae: {  	[dreg:$0x2] =	wrdreg s24  }
0xaf: {  	[dreg:$0x3] =	wrdreg $0x83000  }
0xb0: {  	[dreg:$0x4] =	wrdreg $0x9  }
0xb1: {  	_ =	task.clear_ibuf [dreg:s6], $0x5FFFF;
	_ =	strace $0x90000046  }
0xb2: {  	s29 =	simm.s32 $0x9;
	_ =	strace $0x80000048  }
0xb3: {  	_ =	swait.ge [sflag:s29], $0x1  }
0xb4: {  	[sflag:s29] =	ssyncadd.s32 $0xFFFFFFFF  }
0xb5: {  	_ =	strace $0x90000048  }
0xb6: {  	_ =	sfence  }
0xb7: {  	s30 =	sld [smem:$0x0];
	_ =	sdelay $0x2  }
0xb8: {  	s31 =	sshll.u32 s1, $0xD;
	s1 =	sshrl.u32 s1, $0x2  }
0xb9: {  	s3 =	sand.u32 $0x4000, s31;
	s1 =	sadd.s32 s1, s30  }
0xba: {  	s0 =	sor.u32 s3, s0;
	s1 =	sshll.u32 s1, $0x11  }
0xbb: {  	s0 =	sor.u32 s1, s0  }
0xbc: {  	s0 =	sadd.s32 $0x8F2B, s0  }
0xbd: {  	[sflag:s0] =	ssyncadd.remote.s32 $0x1  }
0xbe: {  	_ =	sfence.sel $0xFFFF  }
0xbf: {  	[dreg:$0x0] =	wrdreg $0xFFFFFFFF;
	(pc) =	sbr.abs _section_cstart, $3  }
0xc0: {  	[dreg:$0x1] =	wrdreg $0xFFFFFFFF  }
0xc1: {  	_ =	task.clear_ibuf [dreg:s6], $0x2FFFF;
	_ =	strace $0x9FFFFFFF  }
0xc2: {  	(tm) =	ssettm $0x7FFFFFFF  }
0xc3: {  	_ =	shalt  }
tec
execute0_lowered:
.L_overlay_start_1:
0x0: {  	(tag) =	ssettag $0x1  }
0x1: {  	s0 =	rddreg [dreg:$0x0]  }
0x2: {  	s1 =	rddreg [dreg:$0x1];
	s3 =	simm.s32 $0x0  }
0x3: {  	s12 =	stileid.u32;
	s2 =	srdreg.scid;
	s13 =	simm.s32 $0x6  }
0x4: {  	s14 =	simm.s32 $0x80;
	s15 =	simm.s32 $0x300;
	s28 =	simm.s32 $0x0  }
0x5: {  	[smem:$0x7FF] =	sst s3;
	s5 =	smul.u32 $0x14000, s12;
	s2 =	sand.u32 $0x1, s2  }
0x6: {  	s6 =	sshll.u32 s12, $0x1;
	s4 =	sadd.s32 $0x36000, s0;
	s19 =	smul.u32 $0x50000, s12  }
0x7: {  	s8 =	sadd.s32 $0x4E00, s0;
	s11 =	smul.u32 $0x48, s12;
	s31 =	sshll.u32 s12, $0x6  }
0x8: {  	_ =	strace $0x80000047;
	s7 =	smul.u32 $0x140000, s2;
	s6 =	sor.u32 s2, s6  }
0x9: {  	s10 =	ssub.s32 $0x2, s2;
	s2 =	smul.u32 $0x24, s2;
	s17 =	sor.u32 $0x1C06, s31  }
0xa: {  	s9 =	sshrl.u32 s5, $0x3;
	s6 =	smul.u32 $0x480, s6;
	s20 =	sshrl.u32 s10, $0x1  }
0xb: {  	s22 =	sshrl.u32 s19, $0x2;
	s19 =	simm.s32 $0x1;
	s9 =	sadd.s32 s9, s0  }
0xc: {  	s5 =	sadd.s32 s5, s7;
	s24 =	sadd.s32 s22, s1;
	s2 =	sadd.s32 s2, s11  }
0xd: {  	s22 =	simm.s32 $0x2;
	s5 =	sshrl.u32 s5, $0x3;
	s25 =	sadd.s32 $0x216000, s9  }
0xe: {  	s21 =	sadd.s32 s8, s6;
	s2 =	sshll.u32 s2, $0x5;
	[dreg:$0x5] =	wrdreg s25  }
0xf: {  	s18 =	sshrl.u32 s24, $0x3;
	s23 =	sadd.s32 $0x20, s21;
	[dreg:$0x3] =	wrdreg s21  }
0x10: {  	s0 =	sadd.s32 s5, s0;
	s26 =	sadd.s32 $0x40, s21;
	[dreg:$0x4] =	wrdreg s23  }
0x11: {  	s5 =	ssub.s32 s10, s20;
	[dreg:$0x6] =	wrdreg s26;
	s0 =	sadd.s32 $0x23E000, s0  }
0x12: {  	s30 =	sadd.s32 s2, s8;
	s29 =	smax.u32 s5, $0x1;
	[dreg:$0x7] =	wrdreg s0  }
0x13: {  	s24 =	simm.s32 $0x3;
	s2 =	sadd.s32 $0x60, s30;
	[dreg:$0x8] =	wrdreg s29  }
0x14: {  	s20 =	simm.s32 $0x4300;
	[dreg:$0x9] =	wrdreg s2;
	s0 =	sadd.s32 $0x80, s30  }
0x15: {  	s25 =	simm.s32 $0x5;
	s23 =	simm.s32 $0x4;
	[dreg:$0xa] =	wrdreg s0  }
.LBB2_1:
0x16: {  	s0 =	rddreg [dreg:$0x3]  }
0x17: {  	[tilespmem:s3], [sflag:$0x6] =	stream.linear.gather [hbm4b:s0+s3], $0x100, $0x38;
	[tilespmem:$0x1C300] =	vst v63  }
0x18: {  	_ =	swait.ge [sflag:s13], $0x100  }
0x19: {  	[sflag:s13] =	ssyncset.done $0x0  }
0x1a: {  	s21 =	rddreg [dreg:$0x4];
	[sflag:s13] =	ssyncadd.s32 $0xFFFFFF00  }
0x1b: {  	[tilespmem:s15], [sflag:$0x2] =	stream.indirect.gather [hbm4b:s4+s14], $0x80, s3, s14, $0xb8;
	[tilespmem:$0x1C300] =	vst v63  }
0x1c: {  	s2 =	simm.s32 $0x100;
	s26 =	rddreg [dreg:$0x5]  }
0x1d: {  	[tilespmem:s2], [sflag:$0x1] =	stream.linear.gather [hbm4b:s21+s3], $0x100, $0x38;
	[tilespmem:$0x1C300] =	vst v63  }
0x1e: {  	[spmem:s18], [sflag:s17] =	dma.local [hbm:s26], $0x2800  }
0x1f: {  	_ =	swait.ge [sflag:s13], $0x2800  }
0x20: {  	[sflag:s13] =	ssyncset.done $0x0  }
0x21: {  	s5 =	simm.s32 $0x200;
	[sflag:s13] =	ssyncadd.s32 $0xFFFFD800  }
0x22: {  	s6 =	smul.u32 $0xAB, s23;
	s7 =	simm.s32 $0x1;
	[bflag:$0x0] =	sbarrier.arrive $0xFFFF  }
0x23: {  	s29 =	simm.s32 $0x6;
	s7 =	smul.u32 $0x56, s7;
	_ =	swait.ge [sflag:s19], $0x100  }
0x24: {  	s9 =	sadd.s32 $0xFFFFFEAA, s6;
	s0 =	sshrl.u32 s6, $0x9;
	[sflag:s19] =	ssyncset.done $0x0  }
0x25: {  	s8 =	sshrl.u32 s7, $0x1F;
	s7 =	sshrl.u32 s7, $0x8;
	[sflag:s19] =	ssyncadd.s32 $0xFFFFFF00  }
0x26: {  	[tilespmem:s20], [sflag:$0x3] =	stream.indirect.gather [hbm4b:s4+s14], $0x80, s2, s14, $0xb8;
	[tilespmem:$0x1C300] =	vst v63  }
0x27: {  	s0 =	sand.u32 $0x7F, s0;
	s7 =	sadd.s32 s8, s7;
	s2 =	rddreg [dreg:$0x6]  }
0x28: {  	[tilespmem:s5], [sflag:$0x1] =	stream.linear.gather [hbm4b:s2+s3], $0x100, $0x38;
	[tilespmem:$0x1C300] =	vst v63  }
0x29: {  	s7 =	smul.u32 $0x3, s7;
	s5 =	sadd.s32 $0xFFFFFF55, s6;
	s2 =	sshrl.u32 s9, $0x9  }
0x2a: {  	_ =	swait.ge [sflag:s22], $0x4000;
	s2 =	sand.u32 $0x7F, s2;
	s5 =	sshrl.u32 s5, $0x9  }
0x2b: {  	[sflag:s22] =	ssyncset.done $0x0;
	s2 =	smul.u32 $0x3, s2;
	s5 =	sand.u32 $0x7F, s5  }
0x2c: {  	s7 =	ssub.s32 $0x1, s7;
	[sflag:s22] =	ssyncadd.s32 $0xFFFFC000;
	s5 =	smul.u32 $0x3, s5  }
0x2d: {  	[spmem:s1] =	stream.indirect.scatter.add.f32 [tilespmem:s15], [sflag:$0x4], $0x80, s14, s14, $0xb8;
	[tilespmem:$0x1C300] =	vst v63  }
0x2e: {  	s21 =	sshll.u32 s7, $0x18;
	s7 =	simm.s32 $0x8;
	s2 =	ssub.s32 $0x4, s2  }
0x2f: {  	s5 =	sxor.u32 $0xFFFFFFFF, s5;
	s2 =	sadd.s32 $0xFFFFFFFE, s2;
	_ =	swait.ge [sflag:s23], $0x4000  }
0x30: {  	s5 =	sadd.s32 $0x4, s5;
	s2 =	sand.u32 $0xFF, s2;
	[sflag:s23] =	ssyncset.done $0x0  }
0x31: {  	s10 =	sand.u32 $0xFF, s5;
	[sflag:s23] =	ssyncadd.s32 $0xFFFFC000;
	s5 =	sshra.s32 s21, $0x18  }
0x32: {  	s21 =	sshll.u32 s2, $0x8;
	s2 =	smul.u32 $0xAB, s29;
	_ =	swait.ge [sflag:s19], $0x100  }
0x33: {  	s26 =	sshll.u32 s5, $0xA;
	s9 =	sshll.u32 s10, $0x8;
	s10 =	simm.s32 $0x4  }
0x34: {  	[sflag:s19] =	ssyncset.done $0x0;
	s16 =	sshra.s32 s26, $0x2;
	s12 =	rddreg [dreg:$0xa]  }
0x35: {  	s11 =	rddreg [dreg:$0x9];
	s26 =	sadd.s32 $0xFFFFFEAA, s2;
	s5 =	sadd.s32 $0xFFFFFF55, s2  }
0x36: {  	[sflag:s19] =	ssyncadd.s32 $0xFFFFFF00;
	s30 =	sadd.s32 $0x40, s12;
	s31 =	sadd.s32 $0x40, s11  }
0x37: {  	[tilespmem:s15], [sflag:$0x2] =	stream.indirect.gather [hbm4b:s4+s14], $0x80, s21, s14, $0xb8;
	[tilespmem:$0x1C300] =	vst v63  }
.LBB2_2:
0x38: {  	[tilespmem:s9], [sflag:$0x1] =	stream.linear.gather [hbm4b:s11+s3], $0x100, $0x38;
	[tilespmem:$0x1C300] =	vst v63  }
0x39: {  	s8 =	smov.u32 s7;
	s11 =	smov.u32 s31  }
0x3a: {  	s26 =	sshrl.u32 s26, $0x9;
	s0 =	smul.u32 $0x3, s0;
	_ =	swait.ge [sflag:s24], $0x4000  }
0x3b: {  	s5 =	sshrl.u32 s5, $0x9;
	s26 =	sand.u32 $0x7F, s26;
	[sflag:s24] =	ssyncset.done $0x0  }
0x3c: {  	s16 =	sor.u32 $0x80, s16;
	s0 =	ssub.s32 s10, s0;
	[sflag:s24] =	ssyncadd.s32 $0xFFFFC000  }
0x3d: {  	[spmem:s1] =	stream.indirect.scatter.add.f32 [tilespmem:s20], [sflag:$0x5], $0x80, s16, s14, $0xb8;
	[tilespmem:$0x1C300] =	vst v63  }
0x3e: {  	s10 =	smul.u32 $0x3, s26;
	s16 =	sand.u32 $0xFF, s0;
	_ =	swait.ge [sflag:s25], $0x4000  }
0x3f: {  	s0 =	sand.u32 $0x7F, s5;
	s5 =	sor.u32 $0x80, s21;
	[sflag:s25] =	ssyncset.done $0x0  }
0x40: {  	s21 =	smul.u32 $0x3, s0;
	s0 =	sshrl.u32 s2, $0x9;
	[sflag:s25] =	ssyncadd.s32 $0xFFFFC000  }
0x41: {  	s2 =	ssub.s32 s29, s10;
	s0 =	sand.u32 $0x7F, s0;
	_ =	swait.ge [sflag:s19], $0x100  }
0x42: {  	s26 =	sadd.s32 $0xFFFFFFFD, s29;
	s2 =	sadd.s32 $0xFFFFFFFE, s2;
	[sflag:s19] =	ssyncset.done $0x0  }
0x43: {  	s10 =	sxor.u32 $0xFFFFFFFF, s21;
	s21 =	sshll.u32 s26, $0x18;
	[sflag:s19] =	ssyncadd.s32 $0xFFFFFF00  }
0x44: {  	[tilespmem:s20], [sflag:$0x3] =	stream.indirect.gather [hbm4b:s4+s14], $0x80, s9, s14, $0xb8;
	[tilespmem:$0x1C300] =	vst v63  }
0x45: {  	s16 =	sshll.u32 s16, $0x8;
	s9 =	sadd.s32 s29, s10;
	s10 =	sshra.s32 s21, $0x18  }
0x46: {  	s2 =	sand.u32 $0xFF, s2;
	s9 =	sand.u32 $0xFF, s9;
	s10 =	smul.u32 $0x56, s10  }
0x47: {  	[tilespmem:s16], [sflag:$0x1] =	stream.linear.gather [hbm4b:s12+s3], $0x100, $0x38;
	[tilespmem:$0x1C300] =	vst v63  }
0x48: {  	s12 =	sshrl.u32 s10, $0x1F;
	s10 =	sshrl.u32 s10, $0x8;
	_ =	swait.ge [sflag:s22], $0x4000  }
0x49: {  	s6 =	sadd.s32 $0x2, s7;
	s10 =	sadd.s32 s12, s10;
	[sflag:s22] =	ssyncset.done $0x0  }
0x4a: {  	p0 =	sne.s32 s7, $0x24;
	s21 =	sshll.u32 s2, $0x8;
	[sflag:s22] =	ssyncadd.s32 $0xFFFFC000  }
0x4b: {  	s2 =	smul.u32 $0x3, s10;
	s10 =	smov.u32 s29;
	s29 =	smov.u32 s8  }
0x4c: {  	[spmem:s1] =	stream.indirect.scatter.add.f32 [tilespmem:s15], [sflag:$0x4], $0x80, s5, s14, $0xb8;
	[tilespmem:$0x1C300] =	vst v63  }
0x4d: {  	s12 =	smov.u32 s30;
	s2 =	ssub.s32 s26, s2;
	_ =	swait.ge [sflag:s23], $0x4000  }
0x4e: {  	s2 =	sshll.u32 s2, $0x18;
	[sflag:s23] =	ssyncset.done $0x0  }
0x4f: {  	s31 =	sadd.s32 $0x40, s31;
	s2 =	sshra.s32 s2, $0x18;
	[sflag:s23] =	ssyncadd.s32 $0xFFFFC000  }
.Ltmp0:
0x50: {  	s2 =	sshll.u32 s2, $0xA;
	_ =	swait.ge [sflag:s19], $0x100;
	(pc) =	sbr.rel @p0 .LBB2_2-.Ltmp0, $4  }
0x51: {  	s30 =	sadd.s32 $0x40, s30;
	s16 =	sshra.s32 s2, $0x2;
	[sflag:s19] =	ssyncset.done $0x0  }
0x52: {  	s7 =	smov.u32 s6;
	s2 =	smul.u32 $0xAB, s29;
	[sflag:s19] =	ssyncadd.s32 $0xFFFFFF00  }
0x53: {  	[tilespmem:s15], [sflag:$0x2] =	stream.indirect.gather [hbm4b:s4+s14], $0x80, s21, s14, $0xb8;
	[tilespmem:$0x1C300] =	vst v63  }
0x54: {  	s9 =	sshll.u32 s9, $0x8;
	s26 =	sadd.s32 $0xFFFFFEAA, s2;
	s5 =	sadd.s32 $0xFFFFFF55, s2  }
0x55: {  	[tilespmem:s9], [sflag:$0x1] =	stream.linear.gather [hbm4b:s11+s3], $0x100, $0x38;
	[tilespmem:$0x1C300] =	vst v63  }
0x56: {  	_ =	swait.ge [sflag:s24], $0x4000  }
0x57: {  	[sflag:s24] =	ssyncset.done $0x0  }
0x58: {  	s6 =	sor.u32 $0x80, s16;
	[sflag:s24] =	ssyncadd.s32 $0xFFFFC000  }
0x59: {  	[spmem:s1] =	stream.indirect.scatter.add.f32 [tilespmem:s20], [sflag:$0x5], $0x80, s6, s14, $0xb8;
	[tilespmem:$0x1C300] =	vst v63  }
0x5a: {  	_ =	swait.ge [sflag:s25], $0x4000  }
0x5b: {  	[sflag:s25] =	ssyncset.done $0x0  }
0x5c: {  	[sflag:s25] =	ssyncadd.s32 $0xFFFFC000  }
0x5d: {  	s0 =	smul.u32 $0x3, s0;
	_ =	swait.ge [sflag:s19], $0x100  }
0x5e: {  	[sflag:s19] =	ssyncset.done $0x0  }
0x5f: {  	s0 =	ssub.s32 s10, s0;
	[sflag:s19] =	ssyncadd.s32 $0xFFFFFF00  }
0x60: {  	[tilespmem:s20], [sflag:$0x3] =	stream.indirect.gather [hbm4b:s4+s14], $0x80, s9, s14, $0xb8;
	[tilespmem:$0x1C300] =	vst v63  }
0x61: {  	s0 =	sand.u32 $0xFF, s0;
	s9 =	sshrl.u32 s26, $0x9  }
0x62: {  	s8 =	sor.u32 $0x80, s21;
	s0 =	sshll.u32 s0, $0x8;
	s6 =	sand.u32 $0x7F, s9  }
0x63: {  	[tilespmem:s0], [sflag:$0x1] =	stream.linear.gather [hbm4b:s12+s3], $0x100, $0x38;
	[tilespmem:$0x1C300] =	vst v63  }
0x64: {  	s10 =	sshrl.u32 s5, $0x9;
	s11 =	smul.u32 $0x3, s6;
	s12 =	sadd.s32 $0xFFFFFFFD, s29  }
0x65: {  	s0 =	sand.u32 $0x7F, s10;
	s7 =	sshll.u32 s12, $0x18;
	_ =	swait.ge [sflag:s22], $0x4000  }
0x66: {  	s0 =	smul.u32 $0x3, s0;
	s7 =	sshra.s32 s7, $0x18;
	[sflag:s22] =	ssyncset.done $0x0  }
0x67: {  	s5 =	ssub.s32 s29, s11;
	s7 =	smul.u32 $0x56, s7;
	[sflag:s22] =	ssyncadd.s32 $0xFFFFC000  }
0x68: {  	[spmem:s1] =	stream.indirect.scatter.add.f32 [tilespmem:s15], [sflag:$0x4], $0x80, s8, s14, $0xb8;
	[tilespmem:$0x1C300] =	vst v63  }
0x69: {  	s16 =	sshrl.u32 s7, $0x1F;
	s7 =	sshrl.u32 s7, $0x8;
	_ =	swait.ge [sflag:s23], $0x4000  }
0x6a: {  	s0 =	sxor.u32 $0xFFFFFFFF, s0;
	s7 =	sadd.s32 s16, s7;
	[sflag:s23] =	ssyncset.done $0x0  }
0x6b: {  	s5 =	sadd.s32 $0xFFFFFFFE, s5;
	[sflag:s23] =	ssyncadd.s32 $0xFFFFC000;
	s7 =	smul.u32 $0x3, s7  }
0x6c: {  	s0 =	sadd.s32 s29, s0;
	s5 =	sand.u32 $0xFF, s5;
	_ =	swait.ge [sflag:s19], $0x100  }
0x6d: {  	s0 =	sand.u32 $0xFF, s0;
	[sflag:s19] =	ssyncset.done $0x0;
	s6 =	ssub.s32 s12, s7  }
0x6e: {  	s5 =	sshll.u32 s5, $0x8;
	[sflag:s19] =	ssyncadd.s32 $0xFFFFFF00;
	s6 =	sshll.u32 s6, $0x18  }
0x6f: {  	[tilespmem:s15], [sflag:$0x2] =	stream.indirect.gather [hbm4b:s4+s14], $0x80, s5, s14, $0xb8;
	[tilespmem:$0x1C300] =	vst v63  }
0x70: {  	s0 =	sshll.u32 s0, $0x8;
	s6 =	sshra.s32 s6, $0x18  }
0x71: {  	[tilespmem:s0], [sflag:$0x1] =	stream.linear.gather [hbm4b:s31+s3], $0x100, $0x38;
	[tilespmem:$0x1C300] =	vst v63  }
0x72: {  	s6 =	sshll.u32 s6, $0xA;
	_ =	swait.ge [sflag:s24], $0x4000  }
0x73: {  	s6 =	sshra.s32 s6, $0x2;
	[sflag:s24] =	ssyncset.done $0x0  }
0x74: {  	s6 =	sor.u32 $0x80, s6;
	[sflag:s24] =	ssyncadd.s32 $0xFFFFC000  }
0x75: {  	[spmem:s1] =	stream.indirect.scatter.add.f32 [tilespmem:s20], [sflag:$0x5], $0x80, s6, s14, $0xb8;
	[tilespmem:$0x1C300] =	vst v63  }
0x76: {  	s2 =	sshrl.u32 s2, $0x9;
	_ =	swait.ge [sflag:s25], $0x4000  }
0x77: {  	s2 =	sand.u32 $0x7F, s2;
	[sflag:s25] =	ssyncset.done $0x0  }
0x78: {  	s2 =	smul.u32 $0x3, s2;
	[sflag:s25] =	ssyncadd.s32 $0xFFFFC000  }
0x79: {  	_ =	swait.ge [sflag:s19], $0x100  }
0x7a: {  	s2 =	ssub.s32 s29, s2;
	[sflag:s19] =	ssyncset.done $0x0  }
0x7b: {  	s21 =	sand.u32 $0xFF, s2;
	[sflag:s19] =	ssyncadd.s32 $0xFFFFFF00  }
0x7c: {  	[tilespmem:s20], [sflag:$0x3] =	stream.indirect.gather [hbm4b:s4+s14], $0x80, s0, s14, $0xb8;
	[tilespmem:$0x1C300] =	vst v63  }
0x7d: {  	s0 =	sshll.u32 s21, $0x8  }
0x7e: {  	[tilespmem:s0], [sflag:$0x1] =	stream.linear.gather [hbm4b:s30+s3], $0x100, $0x38;
	[tilespmem:$0x1C300] =	vst v63  }
0x7f: {  	_ =	swait.ge [sflag:s22], $0x4000  }
0x80: {  	[sflag:s22] =	ssyncset.done $0x0  }
0x81: {  	s26 =	sor.u32 $0x80, s5;
	[sflag:s22] =	ssyncadd.s32 $0xFFFFC000  }
0x82: {  	[spmem:s1] =	stream.indirect.scatter.add.f32 [tilespmem:s15], [sflag:$0x4], $0x80, s26, s14, $0xb8;
	[tilespmem:$0x1C300] =	vst v63  }
0x83: {  	_ =	swait.ge [sflag:s24], $0x4000  }
0x84: {  	[sflag:s24] =	ssyncset.done $0x0  }
0x85: {  	s29 =	simm.s32 $0x280;
	[sflag:s24] =	ssyncadd.s32 $0xFFFFC000  }
0x86: {  	[spmem:s1] =	stream.indirect.scatter.add.f32 [tilespmem:s20], [sflag:$0x5], $0x80, s29, s14, $0xb8;
	[tilespmem:$0x1C300] =	vst v63  }
0x87: {  	_ =	swait.ge [sflag:s23], $0x4000  }
0x88: {  	[sflag:s23] =	ssyncset.done $0x0  }
0x89: {  	[sflag:s23] =	ssyncadd.s32 $0xFFFFC000  }
0x8a: {  	_ =	swait.ge [sflag:s25], $0x4000  }
0x8b: {  	[sflag:s25] =	ssyncset.done $0x0  }
0x8c: {  	[sflag:s25] =	ssyncadd.s32 $0xFFFFC000  }
0x8d: {  	_ =	swait.ge [sflag:s19], $0x100  }
0x8e: {  	[sflag:s19] =	ssyncset.done $0x0  }
0x8f: {  	[sflag:s19] =	ssyncadd.s32 $0xFFFFFF00  }
0x90: {  	[bflag:$0x0] =	sbarrier.arrive $0xFFFF  }
0x91: {  	s30 =	rddreg [dreg:$0x7]  }
0x92: {  	[hbm:s30], [sflag:s17] =	dma.local [spmem:s18], $0x2800  }
0x93: {  	_ =	swait.ge [sflag:s13], $0x2800  }
0x94: {  	s28 =	sadd.s32 $0x1, s28;
	s31 =	rddreg [dreg:$0x8]  }
0x95: {  	p0 =	sne.s32 s28, s31  }
.Ltmp1:
0x96: {  	_ = 	snop;
	(pc) =	sbr.rel @p0 .LBB2_1-.Ltmp1, $3  }
0x97: {  	_ =	sdelay $0x1  }
0x98: {  	[sflag:s13] =	ssyncset.done $0x0  }
0x99: {  	[sflag:s13] =	ssyncadd.s32 $0xFFFFD800  }
0x9a: {  	_ =	sfence.sel $0x180000  }
0x9b: {  	[bflag:$0x0] =	sbarrier.arrive $0xFFFF  }
0x9c: {  	_ =	strace $0x90000047  }
0x9d: {  	s0 =	stileid.u32;
	[bflag:$0x2] =	sbarrier.arrive $0xFFFF  }
0x9e: {  	p0 =	sne.s32 s0, $0x0;
	s0 =	rddreg [dreg:$0x2]  }
0x9f: {  	s0 =	sadd.s32 @!p0 $0x100000, s0  }
0xa0: {  	[sflag:s0] =	ssyncadd.tile.s32 @!p0 $0x1;
	_ =	shalt  }
.Lfunc_end2:
_tile_overlayer_lowered:
.L_overlay_start_2:
0xa1: {  	(tag) =	ssettag $0x2  }
0xa2: {  	s0 =	rddreg [dreg:$0x0];
	s2 =	stileid.u32  }
0xa3: {  	s1 =	rddreg [dreg:$0x1];
	p0 =	sne.s32 s2, $0x0  }
0xa4: {  	s3 =	rddreg [dreg:$0x2];
	[bflag:$0x3] =	sbarrier.arrive $0xFFFF;
	s2 =	simm.s32 @!p0 $0x1C06  }
0xa5: {  	[timem:s3], [sflag:s2] =	dma.local @!p0 [hbm:s0], s1  }
0xa6: {  	s0 =	simm.s32 @!p0 $0x6  }
0xa7: {  	_ =	swait.ge @!p0 [sflag:s0], s1  }
0xa8: {  	s1 =	ssub.s32 @!p0 $0x0, s1;
	[sflag:s0] =	ssyncset.done @!p0 $0x0  }
0xa9: {  	[sflag:s0] =	ssyncadd.s32 @!p0 s1  }
0xaa: {  	[bflag:$0x3] =	sbarrier.arrive $0xFFFF  }
0xab: {  	_ =	shalt  }

// kernel: kernel.14.cloned.1.call-start
scs
__scs_entry_jumppad:
0x0: {  	(pc) =	sbr.rel $0x88, $3  }
0x1: {  	(tag) =	ssettag $0x0;
	lr =	simm.s32 $0x1  }
0x2: {  	[smem:$0x3F94] =	sst lr;
	_ =	strace $0xD0000000  }
0x3: {  	_ = 	snop  }
0x4: {  	_ = 	snop  }
0x5: {  	_ = 	snop  }
0x6: {  	_ = 	snop  }
0x7: {  	_ = 	snop  }
__scs_overlays_trampoline_lowered:
0x8: {  	[smem:$0x3FA3] =	sst s0  }
0x9: {  	[smem:$0x3FA4] =	sst s1  }
0xa: {  	[smem:$0x3FA5] =	sst s2  }
0xb: {  	[smem:$0x3FA6] =	sst s3  }
0xc: {  	[smem:$0x3FA7] =	sst s4  }
0xd: {  	[smem:$0x3FA8] =	sst s5  }
0xe: {  	[smem:$0x3FA9] =	sst s6  }
0xf: {  	[smem:$0x3FAA] =	sst s7  }
0x10: {  	[smem:$0x3FAB] =	sst s8  }
0x11: {  	[smem:$0x3FAC] =	sst s9;
	s0 =	simm.s32 @!p0 $0x0  }
0x12: {  	s1 =	sld [smem:$0x3F92];
	s0 =	simm.s32 @p0 $0x1  }
0x13: {  	[smem:$0x3FAD] =	sst s0;
	s0 =	simm.s32 @!p1 $0x0  }
0x14: {  	s2 =	sld [smem:$0x3F91];
	s0 =	simm.s32 @p1 $0x1  }
0x15: {  	[smem:$0x3FAE] =	sst s0;
	s0 =	simm.s32 @!p2 $0x0  }
0x16: {  	s3 =	sld [smem:$0x3FDB];
	s0 =	simm.s32 @p2 $0x1  }
0x17: {  	s4 =	simm.s32 $0x1BF5;
	[smem:$0x3FB0] =	sst s0  }
0x18: {  	s0 =	sld [smem:$0x3F93];
	_ =	swait.ge [sflag:s4], $0x0  }
0x19: {  	s7 =	sld [smem:$0x3F94]  }
0x1a: {  	s8 =	sadd.s32 $0xFFFFE003, lr  }
0x1b: {  	s9 =	sadd.s32 $0xFFFFFEF7, lr;
	s5 =	simm.s32 $0xFFFFFFFF;
	p2 =	slt.u32 s8, $0xFFFFF086  }
0x1c: {  	p1 =	slt.u32 s9, $0xF7A;
	s5 =	simm.s32 @!p2 $0x0  }
0x1d: {  	s5 =	simm.s32 @p1 $0x1;
	p0 =	seq.s32 s7, s2  }
0x1e: {  	s7 =	smul.u32 @!p0 $0xF7A, s2;
	p2 =	seq.s32 @!p0 s5, $0x0  }
0x1f: {  	s9 =	smul.u32 $0xF7A, s1;
	s8 =	simm.s32 @!p0 $0x1BF5;
	p2 =	por !p2, p0  }
0x20: {  	[sflag:s8] =	ssyncset.s32 @!p0 $0xFFFFF086;
	s6 =	sadd.s32 @!p0 s3, s7;
	s7 =	simm.s32 @!p0 $0x108  }
0x21: {  	s3 =	sadd.s32 s3, s9;
	s6 =	sadd.s32 @!p0 $0x88, s6;
	s7 =	simm.s32 @p2 $0x1082  }
0x22: {  	[simem:s7], [sflag:s8] =	dma.local @!p0 [hbm:s6], $0xF7A  }
0x23: {  	s9 =	sor.u32 $0xD0000000, s2;
	s6 =	simm.s32 $0x108;
	_ =	swait.ge @!p0 [sflag:s8], $0x0  }
0x24: {  	s3 =	sadd.s32 $0x88, s3;
	s6 =	simm.s32 @!p1 $0x1082;
	[sflag:s4] =	ssyncset.s32 $0xFFFFF086  }
0x25: {  	[simem:s6], [sflag:s4] =	dma.local [hbm:s3], $0xF7A  }
0x26: {  	[smem:$0x3F94] =	sst s1;
	(tag) =	ssettag s2;
	_ =	strace s9  }
0x27: {  	s1 =	sld [smem:$0x3FA4]  }
0x28: {  	s2 =	sld [smem:$0x3FA5]  }
0x29: {  	s4 =	sld [smem:$0x3FA7]  }
0x2a: {  	p0 =	seq.s32 s5, $0x0;
	s5 =	sld [smem:$0x3FA8]  }
0x2b: {  	s6 =	sld [smem:$0x3FA9]  }
0x2c: {  	s7 =	sld [smem:$0x3FAA]  }
0x2d: {  	s3 =	simm.s32 $0x108;
	s8 =	sld [smem:$0x3FAB]  }
0x2e: {  	s3 =	simm.s32 @!p0 $0x1082;
	s9 =	sld [smem:$0x3FAC]  }
0x2f: {  	lr =	sadd.s32 s0, s3;
	s0 =	sld [smem:$0x3FA3]  }
0x30: {  	s3 =	sld [smem:$0x3FA6]  }
0x31: {  	[smem:$0x3FAF] =	sst s10  }
0x32: {  	s10 =	sld [smem:$0x3FAD];
	_ =	sdelay $0x3  }
0x33: {  	p0 =	seq.s32 s10, $0x1;
	s10 =	sld [smem:$0x3FAF];
	_ =	sdelay $0x3  }
0x34: {  	[smem:$0x3FAF] =	sst s10  }
0x35: {  	s10 =	sld [smem:$0x3FAE];
	_ =	sdelay $0x3  }
0x36: {  	p1 =	seq.s32 s10, $0x1;
	s10 =	sld [smem:$0x3FAF];
	_ =	sdelay $0x3  }
0x37: {  	[smem:$0x3FAF] =	sst s10  }
0x38: {  	s10 =	sld [smem:$0x3FB0]  }
0x39: {  	_ = 	snop;
	(pc) =	sbr.ind lr, $3  }
0x3a: {  	_ = 	snop  }
0x3b: {  	_ = 	snop  }
0x3c: {  	p2 =	seq.s32 s10, $0x1;
	s10 =	sld [smem:$0x3FAF]  }
0x3d: {  	_ =	shalt  }
0x3e: {  	_ =	shalt  }
0x3f: {  	_ =	shalt  }
0x40: {  	_ =	shalt  }
0x41: {  	_ =	shalt  }
0x42: {  	_ =	shalt  }
0x43: {  	_ =	shalt  }
0x44: {  	_ =	shalt  }
0x45: {  	_ =	shalt  }
0x46: {  	_ =	shalt  }
0x47: {  	_ =	shalt  }
0x48: {  	_ =	shalt  }
0x49: {  	_ =	shalt  }
0x4a: {  	_ =	shalt  }
0x4b: {  	_ =	shalt  }
0x4c: {  	_ =	shalt  }
0x4d: {  	_ =	shalt  }
0x4e: {  	_ =	shalt  }
0x4f: {  	_ =	shalt  }
0x50: {  	_ =	shalt  }
0x51: {  	_ =	shalt  }
0x52: {  	_ =	shalt  }
0x53: {  	_ =	shalt  }
0x54: {  	_ =	shalt  }
0x55: {  	_ =	shalt  }
0x56: {  	_ =	shalt  }
0x57: {  	_ =	shalt  }
0x58: {  	_ =	shalt  }
0x59: {  	_ =	shalt  }
0x5a: {  	_ =	shalt  }
0x5b: {  	_ =	shalt  }
0x5c: {  	_ =	shalt  }
0x5d: {  	_ =	shalt  }
0x5e: {  	_ =	shalt  }
0x5f: {  	_ =	shalt  }
0x60: {  	_ =	shalt  }
0x61: {  	_ =	shalt  }
0x62: {  	_ =	shalt  }
0x63: {  	_ =	shalt  }
0x64: {  	_ =	shalt  }
0x65: {  	_ =	shalt  }
0x66: {  	_ =	shalt  }
0x67: {  	_ =	shalt  }
0x68: {  	_ =	shalt  }
0x69: {  	_ =	shalt  }
0x6a: {  	_ =	shalt  }
0x6b: {  	_ =	shalt  }
0x6c: {  	_ =	shalt  }
0x6d: {  	_ =	shalt  }
0x6e: {  	_ =	shalt  }
0x6f: {  	_ =	shalt  }
0x70: {  	_ =	shalt  }
0x71: {  	_ =	shalt  }
0x72: {  	_ =	shalt  }
0x73: {  	_ =	shalt  }
0x74: {  	_ =	shalt  }
0x75: {  	_ =	shalt  }
0x76: {  	_ =	shalt  }
0x77: {  	_ =	shalt  }
0x78: {  	_ =	shalt  }
0x79: {  	_ =	shalt  }
0x7a: {  	_ =	shalt  }
0x7b: {  	_ =	shalt  }
0x7c: {  	_ =	shalt  }
0x7d: {  	_ =	shalt  }
0x7e: {  	_ =	shalt  }
0x7f: {  	_ =	shalt  }
0x80: {  	_ =	shalt  }
0x81: {  	_ =	shalt  }
0x82: {  	_ =	shalt  }
0x83: {  	_ =	shalt  }
0x84: {  	_ =	shalt  }
0x85: {  	_ =	shalt  }
0x86: {  	_ =	shalt  }
0x87: {  	_ =	shalt  }
.Lfunc_end0:
.L_simem_size_0:
called_computation.1_lowered:
.L_overlay_start_0:
0x88: {  	s2 =	sld [smem:$0x3FD9]  }
0x89: {  	s3 =	sld [smem:$0x3FFE];
	_ =	sdelay $0x1  }
0x8a: {  	s1 =	srdreg.scid  }
0x8b: {  	s0 =	sand.u32 $0x1, s1  }
0x8c: {  	s17 =	sshll.u32 s0, $0xA;
	s2 =	sadd.s32 s3, s2  }
0x8d: {  	s2 =	sadd.s32 s2, s17  }
0x8e: {  	[smem:$0x3FBB] =	sst s2  }
0x8f: {  	_ = 	snop  }
0x90: {  	s18 =	sld [smem:$0x3FD0];
	(tm) =	ssettm $0x1  }
0x91: {  	s19 =	sld [smem:$0x3FFB];
	_ =	sdelay $0x3  }
0x92: {  	_ =	strace s19  }
0x93: {  	s2 =	sld [smem:$0x3FFC];
	_ =	sdelay $0x3  }
0x94: {  	_ =	strace s2  }
0x95: {  	s2 =	sld [smem:$0x3FFD];
	_ =	sdelay $0x3  }
0x96: {  	_ =	strace s2  }
0x97: {  	_ =	strace $0x8FFFFFFF  }
0x98: {  	s20 =	sld [smem:$0x3FDB];
	_ =	sdelay $0x1  }
0x99: {  	s4 =	simm.s32 $_scs_section_size  }
0x9a: {  	s5 =	simm.s32 $_size__tile_overlayer_lowered;
	s6 =	simm.s32 $_tile_overlayer_lowered  }
0x9b: {  	s7 =	simm.s32 $0x1BFF;
	s21 =	sshll.u32 s6, $0x1;
	s4 =	sadd.s32 s4, s20  }
0x9c: {  	s22 =	simm.s32 $0x0;
	s5 =	sshll.u32 s5, $0x1;
	s6 =	sadd.s32 s21, s4  }
0x9d: {  	[timem:s22], [sflag:s7] =	dma.local [hbm:s6], s5  }
0x9e: {  	_ =	swait.ge [sflag:s7], s5  }
0x9f: {  	s5 =	ssub.s32 $0x0, s5;
	[sflag:s7] =	ssyncset.done $0x0  }
0xa0: {  	[sflag:s7] =	ssyncadd.s32 s5;
	_ =	sdelay $0x1  }
0xa1: {  	s23 =	simm.s32 $0x1B8B  }
0xa2: {  	_ =	swait.ge [sflag:s23], $0x1  }
0xa3: {  	[sflag:s23] =	ssyncset.done $0x0  }
0xa4: {  	[sflag:s23] =	ssyncadd.s32 $0xFFFFFFFF  }
0xa5: {  	s5 =	sld [smem:$0x0]  }
0xa6: {  	s6 =	sand.u32 $0xFFFFFFFE, s1  }
0xa7: {  	p0 =	sne.s32 s1, s6  }
0xa8: {  	s6 =	sshll.u32 @p0 s6, $0xE  }
0xa9: {  	s6 =	sadd.s32 @p0 $0x11B8D, s6;
	s7 =	sshll.u32 @p0 s5, $0x11  }
0xaa: {  	s6 =	sor.u32 @p0 s7, s6  }
0xab: {  	[sflag:s6] =	ssyncadd.remote.s32 @p0 $0x1;
	_ =	sdelay $0x1  }
0xac: {  	s6 =	simm.s32 @p0 $0x1B8D  }
0xad: {  	_ =	swait.eq @p0 [sflag:s6], $0x1  }
0xae: {  	[sflag:s6] =	ssyncadd.s32 @p0 $0xFFFFFFFF  }
0xaf: {  	s7 =	sshll.u32 @!p0 s1, $0xE  }
0xb0: {  	s7 =	sor.u32 @!p0 $0x4000, s7;
	s6 =	simm.s32 @!p0 $0x1B8D  }
0xb1: {  	s5 =	sshll.u32 @!p0 s5, $0x11;
	s7 =	sadd.s32 @!p0 $0x11B8D, s7;
	_ =	swait.eq @!p0 [sflag:s6], $0x1  }
0xb2: {  	s5 =	sor.u32 @!p0 s5, s7;
	[sflag:s6] =	ssyncadd.s32 @!p0 $0xFFFFFFFF  }
0xb3: {  	s25 =	simm.s32 $0x1B8E;
	s24 =	sld [smem:$0x3FFE];
	[sflag:s5] =	ssyncadd.remote.s32 @!p0 $0x1  }
0xb4: {  	s26 =	simm.s32 $execute0_lowered;
	[smem:$0x3FD2] =	sst s25  }
0xb5: {  	s6 =	sshll.u32 s26, $0x1;
	_ =	strace $0x80000049;
	[dreg:$0x1] =	wrdreg $0xFFFFFFFF  }
0xb6: {  	s28 =	simm.s32 $_size_execute0_lowered;
	s4 =	sadd.s32 s4, s6;
	[dreg:$0x0] =	wrdreg $0x0  }
0xb7: {  	s6 =	sshll.u32 s28, $0x1;
	[dreg:$0x2] =	wrdreg s4  }
0xb8: {  	[dreg:$0x3] =	wrdreg s6  }
0xb9: {  	[dreg:$0x4] =	wrdreg $0xC0  }
0xba: {  	_ =	task [dreg:s22], $0x5FFFF  }
0xbb: {  	[dreg:$0x1] =	wrdreg $0xFFFFFFFF  }
0xbc: {  	[dreg:$0x0] =	wrdreg $0x60  }
0xbd: {  	[dreg:$0x2] =	wrdreg s24  }
0xbe: {  	[dreg:$0x3] =	wrdreg s18  }
0xbf: {  	[dreg:$0x4] =	wrdreg $0x83000  }
0xc0: {  	[dreg:$0x5] =	wrdreg $0xA  }
0xc1: {  	_ =	task.clear_ibuf [dreg:s22], $0x6FFFF;
	_ =	strace $0x90000049  }
0xc2: {  	s29 =	simm.s32 $0xA;
	_ =	strace $0x8000004B  }
0xc3: {  	_ =	swait.ge [sflag:s29], $0x1  }
0xc4: {  	[sflag:s29] =	ssyncadd.s32 $0xFFFFFFFF  }
0xc5: {  	_ =	strace $0x9000004B  }
0xc6: {  	_ =	sfence  }
0xc7: {  	s30 =	sld [smem:$0x0];
	_ =	sdelay $0x2  }
0xc8: {  	s31 =	sshll.u32 s1, $0xD;
	s1 =	sshrl.u32 s1, $0x2  }
0xc9: {  	s4 =	sand.u32 $0x4000, s31;
	s1 =	sadd.s32 s1, s30  }
0xca: {  	s0 =	sor.u32 s4, s0;
	s1 =	sshll.u32 s1, $0x11  }
0xcb: {  	s0 =	sor.u32 s1, s0  }
0xcc: {  	s0 =	sadd.s32 $0x8F2B, s0  }
0xcd: {  	[sflag:s0] =	ssyncadd.remote.s32 $0x1  }
0xce: {  	_ =	sfence.sel $0xFFFF  }
0xcf: {  	[dreg:$0x0] =	wrdreg $0xFFFFFFFF;
	(pc) =	sbr.abs _section_cstart, $3  }
0xd0: {  	[dreg:$0x1] =	wrdreg $0xFFFFFFFF  }
0xd1: {  	_ =	task.clear_ibuf [dreg:s22], $0x2FFFF;
	_ =	strace $0x9FFFFFFF  }
0xd2: {  	(tm) =	ssettm $0x7FFFFFFF  }
0xd3: {  	_ =	shalt  }
tec
execute0_lowered:
.L_overlay_start_1:
0x0: {  	(tag) =	ssettag $0x1  }
0x1: {  	s0 =	rddreg [dreg:$0x0]  }
0x2: {  	s1 =	rddreg [dreg:$0x1]  }
0x3: {  	s2 =	rddreg [dreg:$0x2]  }
0x4: {  	s3 =	simm.s32 $0x0;
	s12 =	stileid.u32;
	s4 =	srdreg.scid  }
0x5: {  	s13 =	simm.s32 $0x6;
	s14 =	simm.s32 $0x80;
	s15 =	simm.s32 $0x300  }
0x6: {  	s19 =	simm.s32 $0x1;
	s20 =	simm.s32 $0x4300;
	s22 =	simm.s32 $0x2  }
0x7: {  	s28 =	simm.s32 $0x0;
	[smem:$0x7FF] =	sst s3;
	s5 =	smul.u32 $0x14000, s12  }
0x8: {  	s6 =	sand.u32 $0x1, s4;
	s23 =	sshll.u32 s12, $0x1;
	s24 =	smul.u32 $0x50000, s12  }
0x9: {  	s4 =	sadd.s32 $0x28E000, s0;
	s11 =	smul.u32 $0x58, s12;
	s31 =	sshll.u32 s12, $0x6  }
0xa: {  	_ =	strace $0x8000004A;
	s7 =	smul.u32 $0x140000, s6;
	s8 =	sor.u32 s6, s23  }
0xb: {  	s10 =	ssub.s32 $0x2, s6;
	s6 =	smul.u32 $0x2C, s6;
	s17 =	sor.u32 $0x1C06, s31  }
0xc: {  	s23 =	simm.s32 $0x4;
	s9 =	sshrl.u32 s5, $0x3;
	s8 =	smul.u32 $0x580, s8  }
0xd: {  	s25 =	sshrl.u32 s10, $0x1;
	s9 =	sadd.s32 s9, s0;
	s5 =	sadd.s32 s5, s7  }
0xe: {  	s7 =	sshrl.u32 s24, $0x2;
	s6 =	sadd.s32 s6, s11;
	s9 =	sadd.s32 $0x216000, s9  }
0xf: {  	s5 =	sshrl.u32 s5, $0x3;
	s8 =	sadd.s32 s1, s8;
	[dreg:$0x6] =	wrdreg s9  }
0x10: {  	s6 =	sshll.u32 s6, $0x5;
	s26 =	sadd.s32 $0x20, s8;
	[dreg:$0x4] =	wrdreg s8  }
0x11: {  	s0 =	sadd.s32 s5, s0;
	s8 =	sadd.s32 $0x40, s8;
	[dreg:$0x5] =	wrdreg s26  }
0x12: {  	s5 =	ssub.s32 s10, s25;
	[dreg:$0x7] =	wrdreg s8;
	s0 =	sadd.s32 $0x4E6000, s0  }
0x13: {  	s30 =	sadd.s32 s6, s1;
	s29 =	smax.u32 s5, $0x1;
	[dreg:$0x8] =	wrdreg s0  }
0x14: {  	s24 =	simm.s32 $0x3;
	s1 =	sadd.s32 $0x60, s30;
	[dreg:$0x9] =	wrdreg s29  }
0x15: {  	s7 =	sadd.s32 s7, s2;
	[dreg:$0xa] =	wrdreg s1;
	s0 =	sadd.s32 $0x80, s30  }
0x16: {  	s18 =	sshrl.u32 s7, $0x3;
	s25 =	simm.s32 $0x5;
	[dreg:$0xb] =	wrdreg s0  }
.LBB2_1:
0x17: {  	s0 =	rddreg [dreg:$0x4]  }
0x18: {  	[tilespmem:s3], [sflag:$0x6] =	stream.linear.gather [hbm4b:s0+s3], $0x100, $0x38;
	[tilespmem:$0x1C300] =	vst v63  }
0x19: {  	_ =	swait.ge [sflag:s13], $0x100  }
0x1a: {  	[sflag:s13] =	ssyncset.done $0x0  }
0x1b: {  	s21 =	rddreg [dreg:$0x5];
	[sflag:s13] =	ssyncadd.s32 $0xFFFFFF00  }
0x1c: {  	[tilespmem:s15], [sflag:$0x2] =	stream.indirect.gather [hbm4b:s4+s14], $0x80, s3, s14, $0xb8;
	[tilespmem:$0x1C300] =	vst v63  }
0x1d: {  	s1 =	simm.s32 $0x100;
	s26 =	rddreg [dreg:$0x6]  }
0x1e: {  	[tilespmem:s1], [sflag:$0x1] =	stream.linear.gather [hbm4b:s21+s3], $0x100, $0x38;
	[tilespmem:$0x1C300] =	vst v63  }
0x1f: {  	[spmem:s18], [sflag:s17] =	dma.local [hbm:s26], $0x2800  }
0x20: {  	_ =	swait.ge [sflag:s13], $0x2800  }
0x21: {  	[sflag:s13] =	ssyncset.done $0x0  }
0x22: {  	s5 =	simm.s32 $0x200;
	[sflag:s13] =	ssyncadd.s32 $0xFFFFD800  }
0x23: {  	s6 =	smul.u32 $0xAB, s23;
	s7 =	simm.s32 $0x1;
	[bflag:$0x0] =	sbarrier.arrive $0xFFFF  }
0x24: {  	s29 =	simm.s32 $0x6;
	s7 =	smul.u32 $0x56, s7;
	_ =	swait.ge [sflag:s19], $0x100  }
0x25: {  	s9 =	sadd.s32 $0xFFFFFEAA, s6;
	s0 =	sshrl.u32 s6, $0x9;
	[sflag:s19] =	ssyncset.done $0x0  }
0x26: {  	s8 =	sshrl.u32 s7, $0x1F;
	s7 =	sshrl.u32 s7, $0x8;
	[sflag:s19] =	ssyncadd.s32 $0xFFFFFF00  }
0x27: {  	[tilespmem:s20], [sflag:$0x3] =	stream.indirect.gather [hbm4b:s4+s14], $0x80, s1, s14, $0xb8;
	[tilespmem:$0x1C300] =	vst v63  }
0x28: {  	s0 =	sand.u32 $0x7F, s0;
	s7 =	sadd.s32 s8, s7;
	s1 =	rddreg [dreg:$0x7]  }
0x29: {  	[tilespmem:s5], [sflag:$0x1] =	stream.linear.gather [hbm4b:s1+s3], $0x100, $0x38;
	[tilespmem:$0x1C300] =	vst v63  }
0x2a: {  	s7 =	smul.u32 $0x3, s7;
	s5 =	sadd.s32 $0xFFFFFF55, s6;
	s1 =	sshrl.u32 s9, $0x9  }
0x2b: {  	_ =	swait.ge [sflag:s22], $0x4000;
	s1 =	sand.u32 $0x7F, s1;
	s5 =	sshrl.u32 s5, $0x9  }
0x2c: {  	[sflag:s22] =	ssyncset.done $0x0;
	s1 =	smul.u32 $0x3, s1;
	s5 =	sand.u32 $0x7F, s5  }
0x2d: {  	s7 =	ssub.s32 $0x1, s7;
	[sflag:s22] =	ssyncadd.s32 $0xFFFFC000;
	s5 =	smul.u32 $0x3, s5  }
0x2e: {  	[spmem:s2] =	stream.indirect.scatter.add.f32 [tilespmem:s15], [sflag:$0x4], $0x80, s14, s14, $0xb8;
	[tilespmem:$0x1C300] =	vst v63  }
0x2f: {  	s21 =	sshll.u32 s7, $0x18;
	s7 =	simm.s32 $0x8;
	s1 =	ssub.s32 $0x4, s1  }
0x30: {  	s5 =	sxor.u32 $0xFFFFFFFF, s5;
	s1 =	sadd.s32 $0xFFFFFFFE, s1;
	_ =	swait.ge [sflag:s23], $0x4000  }
0x31: {  	s5 =	sadd.s32 $0x4, s5;
	s1 =	sand.u32 $0xFF, s1;
	[sflag:s23] =	ssyncset.done $0x0  }
0x32: {  	s10 =	sand.u32 $0xFF, s5;
	[sflag:s23] =	ssyncadd.s32 $0xFFFFC000;
	s5 =	sshra.s32 s21, $0x18  }
0x33: {  	s21 =	sshll.u32 s1, $0x8;
	s1 =	smul.u32 $0xAB, s29;
	_ =	swait.ge [sflag:s19], $0x100  }
0x34: {  	s26 =	sshll.u32 s5, $0xA;
	s9 =	sshll.u32 s10, $0x8;
	s10 =	simm.s32 $0x4  }
0x35: {  	[sflag:s19] =	ssyncset.done $0x0;
	s16 =	sshra.s32 s26, $0x2;
	s12 =	rddreg [dreg:$0xb]  }
0x36: {  	s11 =	rddreg [dreg:$0xa];
	s26 =	sadd.s32 $0xFFFFFEAA, s1;
	s5 =	sadd.s32 $0xFFFFFF55, s1  }
0x37: {  	[sflag:s19] =	ssyncadd.s32 $0xFFFFFF00;
	s30 =	sadd.s32 $0x40, s12;
	s31 =	sadd.s32 $0x40, s11  }
0x38: {  	[tilespmem:s15], [sflag:$0x2] =	stream.indirect.gather [hbm4b:s4+s14], $0x80, s21, s14, $0xb8;
	[tilespmem:$0x1C300] =	vst v63  }
.LBB2_2:
0x39: {  	[tilespmem:s9], [sflag:$0x1] =	stream.linear.gather [hbm4b:s11+s3], $0x100, $0x38;
	[tilespmem:$0x1C300] =	vst v63  }
0x3a: {  	s8 =	smov.u32 s7;
	s11 =	smov.u32 s31  }
0x3b: {  	s26 =	sshrl.u32 s26, $0x9;
	s0 =	smul.u32 $0x3, s0;
	_ =	swait.ge [sflag:s24], $0x4000  }
0x3c: {  	s5 =	sshrl.u32 s5, $0x9;
	s26 =	sand.u32 $0x7F, s26;
	[sflag:s24] =	ssyncset.done $0x0  }
0x3d: {  	s16 =	sor.u32 $0x80, s16;
	s0 =	ssub.s32 s10, s0;
	[sflag:s24] =	ssyncadd.s32 $0xFFFFC000  }
0x3e: {  	[spmem:s2] =	stream.indirect.scatter.add.f32 [tilespmem:s20], [sflag:$0x5], $0x80, s16, s14, $0xb8;
	[tilespmem:$0x1C300] =	vst v63  }
0x3f: {  	s10 =	smul.u32 $0x3, s26;
	s16 =	sand.u32 $0xFF, s0;
	_ =	swait.ge [sflag:s25], $0x4000  }
0x40: {  	s0 =	sand.u32 $0x7F, s5;
	s5 =	sor.u32 $0x80, s21;
	[sflag:s25] =	ssyncset.done $0x0  }
0x41: {  	s21 =	smul.u32 $0x3, s0;
	s0 =	sshrl.u32 s1, $0x9;
	[sflag:s25] =	ssyncadd.s32 $0xFFFFC000  }
0x42: {  	s1 =	ssub.s32 s29, s10;
	s0 =	sand.u32 $0x7F, s0;
	_ =	swait.ge [sflag:s19], $0x100  }
0x43: {  	s26 =	sadd.s32 $0xFFFFFFFD, s29;
	s1 =	sadd.s32 $0xFFFFFFFE, s1;
	[sflag:s19] =	ssyncset.done $0x0  }
0x44: {  	s10 =	sxor.u32 $0xFFFFFFFF, s21;
	s21 =	sshll.u32 s26, $0x18;
	[sflag:s19] =	ssyncadd.s32 $0xFFFFFF00  }
0x45: {  	[tilespmem:s20], [sflag:$0x3] =	stream.indirect.gather [hbm4b:s4+s14], $0x80, s9, s14, $0xb8;
	[tilespmem:$0x1C300] =	vst v63  }
0x46: {  	s16 =	sshll.u32 s16, $0x8;
	s9 =	sadd.s32 s29, s10;
	s10 =	sshra.s32 s21, $0x18  }
0x47: {  	s1 =	sand.u32 $0xFF, s1;
	s9 =	sand.u32 $0xFF, s9;
	s10 =	smul.u32 $0x56, s10  }
0x48: {  	[tilespmem:s16], [sflag:$0x1] =	stream.linear.gather [hbm4b:s12+s3], $0x100, $0x38;
	[tilespmem:$0x1C300] =	vst v63  }
0x49: {  	s12 =	sshrl.u32 s10, $0x1F;
	s10 =	sshrl.u32 s10, $0x8;
	_ =	swait.ge [sflag:s22], $0x4000  }
0x4a: {  	s6 =	sadd.s32 $0x2, s7;
	s10 =	sadd.s32 s12, s10;
	[sflag:s22] =	ssyncset.done $0x0  }
0x4b: {  	p0 =	sne.s32 s7, $0x2C;
	s21 =	sshll.u32 s1, $0x8;
	[sflag:s22] =	ssyncadd.s32 $0xFFFFC000  }
0x4c: {  	s1 =	smul.u32 $0x3, s10;
	s10 =	smov.u32 s29;
	s29 =	smov.u32 s8  }
0x4d: {  	[spmem:s2] =	stream.indirect.scatter.add.f32 [tilespmem:s15], [sflag:$0x4], $0x80, s5, s14, $0xb8;
	[tilespmem:$0x1C300] =	vst v63  }
0x4e: {  	s12 =	smov.u32 s30;
	s1 =	ssub.s32 s26, s1;
	_ =	swait.ge [sflag:s23], $0x4000  }
0x4f: {  	s1 =	sshll.u32 s1, $0x18;
	[sflag:s23] =	ssyncset.done $0x0  }
0x50: {  	s31 =	sadd.s32 $0x40, s31;
	s1 =	sshra.s32 s1, $0x18;
	[sflag:s23] =	ssyncadd.s32 $0xFFFFC000  }
.Ltmp0:
0x51: {  	s1 =	sshll.u32 s1, $0xA;
	_ =	swait.ge [sflag:s19], $0x100;
	(pc) =	sbr.rel @p0 .LBB2_2-.Ltmp0, $4  }
0x52: {  	s30 =	sadd.s32 $0x40, s30;
	s16 =	sshra.s32 s1, $0x2;
	[sflag:s19] =	ssyncset.done $0x0  }
0x53: {  	s7 =	smov.u32 s6;
	s1 =	smul.u32 $0xAB, s29;
	[sflag:s19] =	ssyncadd.s32 $0xFFFFFF00  }
0x54: {  	[tilespmem:s15], [sflag:$0x2] =	stream.indirect.gather [hbm4b:s4+s14], $0x80, s21, s14, $0xb8;
	[tilespmem:$0x1C300] =	vst v63  }
0x55: {  	s9 =	sshll.u32 s9, $0x8;
	s26 =	sadd.s32 $0xFFFFFEAA, s1;
	s5 =	sadd.s32 $0xFFFFFF55, s1  }
0x56: {  	[tilespmem:s9], [sflag:$0x1] =	stream.linear.gather [hbm4b:s11+s3], $0x100, $0x38;
	[tilespmem:$0x1C300] =	vst v63  }
0x57: {  	_ =	swait.ge [sflag:s24], $0x4000  }
0x58: {  	[sflag:s24] =	ssyncset.done $0x0  }
0x59: {  	s6 =	sor.u32 $0x80, s16;
	[sflag:s24] =	ssyncadd.s32 $0xFFFFC000  }
0x5a: {  	[spmem:s2] =	stream.indirect.scatter.add.f32 [tilespmem:s20], [sflag:$0x5], $0x80, s6, s14, $0xb8;
	[tilespmem:$0x1C300] =	vst v63  }
0x5b: {  	_ =	swait.ge [sflag:s25], $0x4000  }
0x5c: {  	[sflag:s25] =	ssyncset.done $0x0  }
0x5d: {  	[sflag:s25] =	ssyncadd.s32 $0xFFFFC000  }
0x5e: {  	s0 =	smul.u32 $0x3, s0;
	_ =	swait.ge [sflag:s19], $0x100  }
0x5f: {  	[sflag:s19] =	ssyncset.done $0x0  }
0x60: {  	s0 =	ssub.s32 s10, s0;
	[sflag:s19] =	ssyncadd.s32 $0xFFFFFF00  }
0x61: {  	[tilespmem:s20], [sflag:$0x3] =	stream.indirect.gather [hbm4b:s4+s14], $0x80, s9, s14, $0xb8;
	[tilespmem:$0x1C300] =	vst v63  }
0x62: {  	s0 =	sand.u32 $0xFF, s0;
	s9 =	sshrl.u32 s26, $0x9  }
0x63: {  	s8 =	sor.u32 $0x80, s21;
	s0 =	sshll.u32 s0, $0x8;
	s6 =	sand.u32 $0x7F, s9  }
0x64: {  	[tilespmem:s0], [sflag:$0x1] =	stream.linear.gather [hbm4b:s12+s3], $0x100, $0x38;
	[tilespmem:$0x1C300] =	vst v63  }
0x65: {  	s10 =	sshrl.u32 s5, $0x9;
	s11 =	smul.u32 $0x3, s6;
	s12 =	sadd.s32 $0xFFFFFFFD, s29  }
0x66: {  	s0 =	sand.u32 $0x7F, s10;
	s7 =	sshll.u32 s12, $0x18;
	_ =	swait.ge [sflag:s22], $0x4000  }
0x67: {  	s0 =	smul.u32 $0x3, s0;
	s7 =	sshra.s32 s7, $0x18;
	[sflag:s22] =	ssyncset.done $0x0  }
0x68: {  	s5 =	ssub.s32 s29, s11;
	s7 =	smul.u32 $0x56, s7;
	[sflag:s22] =	ssyncadd.s32 $0xFFFFC000  }
0x69: {  	[spmem:s2] =	stream.indirect.scatter.add.f32 [tilespmem:s15], [sflag:$0x4], $0x80, s8, s14, $0xb8;
	[tilespmem:$0x1C300] =	vst v63  }
0x6a: {  	s16 =	sshrl.u32 s7, $0x1F;
	s7 =	sshrl.u32 s7, $0x8;
	_ =	swait.ge [sflag:s23], $0x4000  }
0x6b: {  	s0 =	sxor.u32 $0xFFFFFFFF, s0;
	s7 =	sadd.s32 s16, s7;
	[sflag:s23] =	ssyncset.done $0x0  }
0x6c: {  	s5 =	sadd.s32 $0xFFFFFFFE, s5;
	[sflag:s23] =	ssyncadd.s32 $0xFFFFC000;
	s7 =	smul.u32 $0x3, s7  }
0x6d: {  	s0 =	sadd.s32 s29, s0;
	s5 =	sand.u32 $0xFF, s5;
	_ =	swait.ge [sflag:s19], $0x100  }
0x6e: {  	s0 =	sand.u32 $0xFF, s0;
	[sflag:s19] =	ssyncset.done $0x0;
	s6 =	ssub.s32 s12, s7  }
0x6f: {  	s5 =	sshll.u32 s5, $0x8;
	[sflag:s19] =	ssyncadd.s32 $0xFFFFFF00;
	s6 =	sshll.u32 s6, $0x18  }
0x70: {  	[tilespmem:s15], [sflag:$0x2] =	stream.indirect.gather [hbm4b:s4+s14], $0x80, s5, s14, $0xb8;
	[tilespmem:$0x1C300] =	vst v63  }
0x71: {  	s0 =	sshll.u32 s0, $0x8;
	s6 =	sshra.s32 s6, $0x18  }
0x72: {  	[tilespmem:s0], [sflag:$0x1] =	stream.linear.gather [hbm4b:s31+s3], $0x100, $0x38;
	[tilespmem:$0x1C300] =	vst v63  }
0x73: {  	s6 =	sshll.u32 s6, $0xA;
	_ =	swait.ge [sflag:s24], $0x4000  }
0x74: {  	s6 =	sshra.s32 s6, $0x2;
	[sflag:s24] =	ssyncset.done $0x0  }
0x75: {  	s6 =	sor.u32 $0x80, s6;
	[sflag:s24] =	ssyncadd.s32 $0xFFFFC000  }
0x76: {  	[spmem:s2] =	stream.indirect.scatter.add.f32 [tilespmem:s20], [sflag:$0x5], $0x80, s6, s14, $0xb8;
	[tilespmem:$0x1C300] =	vst v63  }
0x77: {  	s1 =	sshrl.u32 s1, $0x9;
	_ =	swait.ge [sflag:s25], $0x4000  }
0x78: {  	s1 =	sand.u32 $0x7F, s1;
	[sflag:s25] =	ssyncset.done $0x0  }
0x79: {  	s1 =	smul.u32 $0x3, s1;
	[sflag:s25] =	ssyncadd.s32 $0xFFFFC000  }
0x7a: {  	_ =	swait.ge [sflag:s19], $0x100  }
0x7b: {  	s1 =	ssub.s32 s29, s1;
	[sflag:s19] =	ssyncset.done $0x0  }
0x7c: {  	s21 =	sand.u32 $0xFF, s1;
	[sflag:s19] =	ssyncadd.s32 $0xFFFFFF00  }
0x7d: {  	[tilespmem:s20], [sflag:$0x3] =	stream.indirect.gather [hbm4b:s4+s14], $0x80, s0, s14, $0xb8;
	[tilespmem:$0x1C300] =	vst v63  }
0x7e: {  	s0 =	sshll.u32 s21, $0x8  }
0x7f: {  	[tilespmem:s0], [sflag:$0x1] =	stream.linear.gather [hbm4b:s30+s3], $0x100, $0x38;
	[tilespmem:$0x1C300] =	vst v63  }
0x80: {  	_ =	swait.ge [sflag:s22], $0x4000  }
0x81: {  	[sflag:s22] =	ssyncset.done $0x0  }
0x82: {  	s26 =	sor.u32 $0x80, s5;
	[sflag:s22] =	ssyncadd.s32 $0xFFFFC000  }
0x83: {  	[spmem:s2] =	stream.indirect.scatter.add.f32 [tilespmem:s15], [sflag:$0x4], $0x80, s26, s14, $0xb8;
	[tilespmem:$0x1C300] =	vst v63  }
0x84: {  	_ =	swait.ge [sflag:s24], $0x4000  }
0x85: {  	[sflag:s24] =	ssyncset.done $0x0  }
0x86: {  	s29 =	simm.s32 $0x180;
	[sflag:s24] =	ssyncadd.s32 $0xFFFFC000  }
0x87: {  	[spmem:s2] =	stream.indirect.scatter.add.f32 [tilespmem:s20], [sflag:$0x5], $0x80, s29, s14, $0xb8;
	[tilespmem:$0x1C300] =	vst v63  }
0x88: {  	_ =	swait.ge [sflag:s23], $0x4000  }
0x89: {  	[sflag:s23] =	ssyncset.done $0x0  }
0x8a: {  	[sflag:s23] =	ssyncadd.s32 $0xFFFFC000  }
0x8b: {  	_ =	swait.ge [sflag:s25], $0x4000  }
0x8c: {  	[sflag:s25] =	ssyncset.done $0x0  }
0x8d: {  	[sflag:s25] =	ssyncadd.s32 $0xFFFFC000  }
0x8e: {  	_ =	swait.ge [sflag:s19], $0x100  }
0x8f: {  	[sflag:s19] =	ssyncset.done $0x0  }
0x90: {  	[sflag:s19] =	ssyncadd.s32 $0xFFFFFF00  }
0x91: {  	[bflag:$0x0] =	sbarrier.arrive $0xFFFF  }
0x92: {  	s30 =	rddreg [dreg:$0x8]  }
0x93: {  	[hbm:s30], [sflag:s17] =	dma.local [spmem:s18], $0x2800  }
0x94: {  	_ =	swait.ge [sflag:s13], $0x2800  }
0x95: {  	s28 =	sadd.s32 $0x1, s28;
	s31 =	rddreg [dreg:$0x9]  }
0x96: {  	p0 =	sne.s32 s28, s31  }
.Ltmp1:
0x97: {  	_ = 	snop;
	(pc) =	sbr.rel @p0 .LBB2_1-.Ltmp1, $3  }
0x98: {  	_ =	sdelay $0x1  }
0x99: {  	[sflag:s13] =	ssyncset.done $0x0  }
0x9a: {  	[sflag:s13] =	ssyncadd.s32 $0xFFFFD800  }
0x9b: {  	_ =	sfence.sel $0x180000  }
0x9c: {  	[bflag:$0x0] =	sbarrier.arrive $0xFFFF  }
0x9d: {  	_ =	strace $0x9000004A  }
0x9e: {  	s0 =	stileid.u32;
	[bflag:$0x2] =	sbarrier.arrive $0xFFFF  }
0x9f: {  	p0 =	sne.s32 s0, $0x0;
	s0 =	rddreg [dreg:$0x3]  }
0xa0: {  	s0 =	sadd.s32 @!p0 $0x100000, s0  }
0xa1: {  	[sflag:s0] =	ssyncadd.tile.s32 @!p0 $0x1;
	_ =	shalt  }
.Lfunc_end2:
_tile_overlayer_lowered:
.L_overlay_start_2:
0xa2: {  	(tag) =	ssettag $0x2  }
0xa3: {  	s0 =	rddreg [dreg:$0x0];
	s2 =	stileid.u32  }
0xa4: {  	s1 =	rddreg [dreg:$0x1];
	p0 =	sne.s32 s2, $0x0  }
0xa5: {  	s3 =	rddreg [dreg:$0x2];
	[bflag:$0x3] =	sbarrier.arrive $0xFFFF;
	s2 =	simm.s32 @!p0 $0x1C06  }
0xa6: {  	[timem:s3], [sflag:s2] =	dma.local @!p0 [hbm:s0], s1  }
0xa7: {  	s0 =	simm.s32 @!p0 $0x6  }
0xa8: {  	_ =	swait.ge @!p0 [sflag:s0], s1  }
0xa9: {  	s1 =	ssub.s32 @!p0 $0x0, s1;
	[sflag:s0] =	ssyncset.done @!p0 $0x0  }
0xaa: {  	[sflag:s0] =	ssyncadd.s32 @!p0 s1  }
0xab: {  	[bflag:$0x3] =	sbarrier.arrive $0xFFFF  }
0xac: {  	_ =	shalt  }

// kernel: kernel.17.cloned.1.call-start
scs
__scs_entry_jumppad:
0x0: {  	(pc) =	sbr.rel $0x88, $3  }
0x1: {  	(tag) =	ssettag $0x0;
	lr =	simm.s32 $0x1  }
0x2: {  	[smem:$0x3F94] =	sst lr;
	_ =	strace $0xD0000000  }
0x3: {  	_ = 	snop  }
0x4: {  	_ = 	snop  }
0x5: {  	_ = 	snop  }
0x6: {  	_ = 	snop  }
0x7: {  	_ = 	snop  }
__scs_overlays_trampoline_lowered:
0x8: {  	[smem:$0x3FA3] =	sst s0  }
0x9: {  	[smem:$0x3FA4] =	sst s1  }
0xa: {  	[smem:$0x3FA5] =	sst s2  }
0xb: {  	[smem:$0x3FA6] =	sst s3  }
0xc: {  	[smem:$0x3FA7] =	sst s4  }
0xd: {  	[smem:$0x3FA8] =	sst s5  }
0xe: {  	[smem:$0x3FA9] =	sst s6  }
0xf: {  	[smem:$0x3FAA] =	sst s7  }
0x10: {  	[smem:$0x3FAB] =	sst s8  }
0x11: {  	[smem:$0x3FAC] =	sst s9;
	s0 =	simm.s32 @!p0 $0x0  }
0x12: {  	s1 =	sld [smem:$0x3F92];
	s0 =	simm.s32 @p0 $0x1  }
0x13: {  	[smem:$0x3FAD] =	sst s0;
	s0 =	simm.s32 @!p1 $0x0  }
0x14: {  	s2 =	sld [smem:$0x3F91];
	s0 =	simm.s32 @p1 $0x1  }
0x15: {  	[smem:$0x3FAE] =	sst s0;
	s0 =	simm.s32 @!p2 $0x0  }
0x16: {  	s3 =	sld [smem:$0x3FDB];
	s0 =	simm.s32 @p2 $0x1  }
0x17: {  	s4 =	simm.s32 $0x1BF5;
	[smem:$0x3FB0] =	sst s0  }
0x18: {  	s0 =	sld [smem:$0x3F93];
	_ =	swait.ge [sflag:s4], $0x0  }
0x19: {  	s7 =	sld [smem:$0x3F94]  }
0x1a: {  	s8 =	sadd.s32 $0xFFFFE003, lr  }
0x1b: {  	s9 =	sadd.s32 $0xFFFFFEF7, lr;
	s5 =	simm.s32 $0xFFFFFFFF;
	p2 =	slt.u32 s8, $0xFFFFF086  }
0x1c: {  	p1 =	slt.u32 s9, $0xF7A;
	s5 =	simm.s32 @!p2 $0x0  }
0x1d: {  	s5 =	simm.s32 @p1 $0x1;
	p0 =	seq.s32 s7, s2  }
0x1e: {  	s7 =	smul.u32 @!p0 $0xF7A, s2;
	p2 =	seq.s32 @!p0 s5, $0x0  }
0x1f: {  	s9 =	smul.u32 $0xF7A, s1;
	s8 =	simm.s32 @!p0 $0x1BF5;
	p2 =	por !p2, p0  }
0x20: {  	[sflag:s8] =	ssyncset.s32 @!p0 $0xFFFFF086;
	s6 =	sadd.s32 @!p0 s3, s7;
	s7 =	simm.s32 @!p0 $0x108  }
0x21: {  	s3 =	sadd.s32 s3, s9;
	s6 =	sadd.s32 @!p0 $0x88, s6;
	s7 =	simm.s32 @p2 $0x1082  }
0x22: {  	[simem:s7], [sflag:s8] =	dma.local @!p0 [hbm:s6], $0xF7A  }
0x23: {  	s9 =	sor.u32 $0xD0000000, s2;
	s6 =	simm.s32 $0x108;
	_ =	swait.ge @!p0 [sflag:s8], $0x0  }
0x24: {  	s3 =	sadd.s32 $0x88, s3;
	s6 =	simm.s32 @!p1 $0x1082;
	[sflag:s4] =	ssyncset.s32 $0xFFFFF086  }
0x25: {  	[simem:s6], [sflag:s4] =	dma.local [hbm:s3], $0xF7A  }
0x26: {  	[smem:$0x3F94] =	sst s1;
	(tag) =	ssettag s2;
	_ =	strace s9  }
0x27: {  	s1 =	sld [smem:$0x3FA4]  }
0x28: {  	s2 =	sld [smem:$0x3FA5]  }
0x29: {  	s4 =	sld [smem:$0x3FA7]  }
0x2a: {  	p0 =	seq.s32 s5, $0x0;
	s5 =	sld [smem:$0x3FA8]  }
0x2b: {  	s6 =	sld [smem:$0x3FA9]  }
0x2c: {  	s7 =	sld [smem:$0x3FAA]  }
0x2d: {  	s3 =	simm.s32 $0x108;
	s8 =	sld [smem:$0x3FAB]  }
0x2e: {  	s3 =	simm.s32 @!p0 $0x1082;
	s9 =	sld [smem:$0x3FAC]  }
0x2f: {  	lr =	sadd.s32 s0, s3;
	s0 =	sld [smem:$0x3FA3]  }
0x30: {  	s3 =	sld [smem:$0x3FA6]  }
0x31: {  	[smem:$0x3FAF] =	sst s10  }
0x32: {  	s10 =	sld [smem:$0x3FAD];
	_ =	sdelay $0x3  }
0x33: {  	p0 =	seq.s32 s10, $0x1;
	s10 =	sld [smem:$0x3FAF];
	_ =	sdelay $0x3  }
0x34: {  	[smem:$0x3FAF] =	sst s10  }
0x35: {  	s10 =	sld [smem:$0x3FAE];
	_ =	sdelay $0x3  }
0x36: {  	p1 =	seq.s32 s10, $0x1;
	s10 =	sld [smem:$0x3FAF];
	_ =	sdelay $0x3  }
0x37: {  	[smem:$0x3FAF] =	sst s10  }
0x38: {  	s10 =	sld [smem:$0x3FB0]  }
0x39: {  	_ = 	snop;
	(pc) =	sbr.ind lr, $3  }
0x3a: {  	_ = 	snop  }
0x3b: {  	_ = 	snop  }
0x3c: {  	p2 =	seq.s32 s10, $0x1;
	s10 =	sld [smem:$0x3FAF]  }
0x3d: {  	_ =	shalt  }
0x3e: {  	_ =	shalt  }
0x3f: {  	_ =	shalt  }
0x40: {  	_ =	shalt  }
0x41: {  	_ =	shalt  }
0x42: {  	_ =	shalt  }
0x43: {  	_ =	shalt  }
0x44: {  	_ =	shalt  }
0x45: {  	_ =	shalt  }
0x46: {  	_ =	shalt  }
0x47: {  	_ =	shalt  }
0x48: {  	_ =	shalt  }
0x49: {  	_ =	shalt  }
0x4a: {  	_ =	shalt  }
0x4b: {  	_ =	shalt  }
0x4c: {  	_ =	shalt  }
0x4d: {  	_ =	shalt  }
0x4e: {  	_ =	shalt  }
0x4f: {  	_ =	shalt  }
0x50: {  	_ =	shalt  }
0x51: {  	_ =	shalt  }
0x52: {  	_ =	shalt  }
0x53: {  	_ =	shalt  }
0x54: {  	_ =	shalt  }
0x55: {  	_ =	shalt  }
0x56: {  	_ =	shalt  }
0x57: {  	_ =	shalt  }
0x58: {  	_ =	shalt  }
0x59: {  	_ =	shalt  }
0x5a: {  	_ =	shalt  }
0x5b: {  	_ =	shalt  }
0x5c: {  	_ =	shalt  }
0x5d: {  	_ =	shalt  }
0x5e: {  	_ =	shalt  }
0x5f: {  	_ =	shalt  }
0x60: {  	_ =	shalt  }
0x61: {  	_ =	shalt  }
0x62: {  	_ =	shalt  }
0x63: {  	_ =	shalt  }
0x64: {  	_ =	shalt  }
0x65: {  	_ =	shalt  }
0x66: {  	_ =	shalt  }
0x67: {  	_ =	shalt  }
0x68: {  	_ =	shalt  }
0x69: {  	_ =	shalt  }
0x6a: {  	_ =	shalt  }
0x6b: {  	_ =	shalt  }
0x6c: {  	_ =	shalt  }
0x6d: {  	_ =	shalt  }
0x6e: {  	_ =	shalt  }
0x6f: {  	_ =	shalt  }
0x70: {  	_ =	shalt  }
0x71: {  	_ =	shalt  }
0x72: {  	_ =	shalt  }
0x73: {  	_ =	shalt  }
0x74: {  	_ =	shalt  }
0x75: {  	_ =	shalt  }
0x76: {  	_ =	shalt  }
0x77: {  	_ =	shalt  }
0x78: {  	_ =	shalt  }
0x79: {  	_ =	shalt  }
0x7a: {  	_ =	shalt  }
0x7b: {  	_ =	shalt  }
0x7c: {  	_ =	shalt  }
0x7d: {  	_ =	shalt  }
0x7e: {  	_ =	shalt  }
0x7f: {  	_ =	shalt  }
0x80: {  	_ =	shalt  }
0x81: {  	_ =	shalt  }
0x82: {  	_ =	shalt  }
0x83: {  	_ =	shalt  }
0x84: {  	_ =	shalt  }
0x85: {  	_ =	shalt  }
0x86: {  	_ =	shalt  }
0x87: {  	_ =	shalt  }
.Lfunc_end0:
.L_simem_size_0:
called_computation.2_lowered:
.L_overlay_start_0:
0x88: {  	s2 =	sld [smem:$0x3FD9]  }
0x89: {  	s3 =	sld [smem:$0x3FFE];
	_ =	sdelay $0x1  }
0x8a: {  	s1 =	srdreg.scid  }
0x8b: {  	s0 =	sand.u32 $0x1, s1  }
0x8c: {  	s16 =	sshll.u32 s0, $0xA;
	s2 =	sadd.s32 s3, s2  }
0x8d: {  	s2 =	sadd.s32 s2, s16  }
0x8e: {  	[smem:$0x3FBB] =	sst s2  }
0x8f: {  	_ = 	snop  }
0x90: {  	(tm) =	ssettm $0x1  }
0x91: {  	s17 =	sld [smem:$0x3FFB];
	_ =	sdelay $0x3  }
0x92: {  	_ =	strace s17  }
0x93: {  	s2 =	sld [smem:$0x3FFC];
	_ =	sdelay $0x3  }
0x94: {  	_ =	strace s2  }
0x95: {  	s2 =	sld [smem:$0x3FFD];
	_ =	sdelay $0x3  }
0x96: {  	_ =	strace s2  }
0x97: {  	_ =	strace $0x8FFFFFFF  }
0x98: {  	s18 =	sld [smem:$0x3FDB];
	_ =	sdelay $0x1  }
0x99: {  	s19 =	simm.s32 $_scs_section_size  }
0x9a: {  	s4 =	simm.s32 $_size__tile_overlayer_lowered;
	s5 =	simm.s32 $_tile_overlayer_lowered  }
0x9b: {  	s22 =	simm.s32 $0x1BFF;
	s21 =	sshll.u32 s5, $0x1;
	s2 =	sadd.s32 s19, s18  }
0x9c: {  	s6 =	simm.s32 $0x0;
	s20 =	sshll.u32 s4, $0x1;
	s4 =	sadd.s32 s21, s2  }
0x9d: {  	[timem:s6], [sflag:s22] =	dma.local [hbm:s4], s20  }
0x9e: {  	_ =	swait.ge [sflag:s22], s20  }
0x9f: {  	s3 =	ssub.s32 $0x0, s20;
	[sflag:s22] =	ssyncset.done $0x0  }
0xa0: {  	[sflag:s22] =	ssyncadd.s32 s3;
	_ =	sdelay $0x1  }
0xa1: {  	s23 =	simm.s32 $0x1B8B  }
0xa2: {  	_ =	swait.ge [sflag:s23], $0x1  }
0xa3: {  	[sflag:s23] =	ssyncset.done $0x0  }
0xa4: {  	s25 =	simm.s32 $0x1B8E;
	s24 =	sld [smem:$0x3FFE];
	[sflag:s23] =	ssyncadd.s32 $0xFFFFFFFF  }
0xa5: {  	s26 =	simm.s32 $execute0_lowered;
	[smem:$0x3FD2] =	sst s25  }
0xa6: {  	s4 =	sshll.u32 s26, $0x1;
	_ =	strace $0x8000004C;
	[dreg:$0x1] =	wrdreg $0xFFFFFFFF  }
0xa7: {  	s28 =	simm.s32 $_size_execute0_lowered;
	s2 =	sadd.s32 s2, s4;
	[dreg:$0x0] =	wrdreg $0x0  }
0xa8: {  	s4 =	sshll.u32 s28, $0x1;
	[dreg:$0x2] =	wrdreg s2  }
0xa9: {  	[dreg:$0x3] =	wrdreg s4  }
0xaa: {  	[dreg:$0x4] =	wrdreg $0xC0  }
0xab: {  	_ =	task [dreg:s6], $0x5FFFF  }
0xac: {  	[dreg:$0x1] =	wrdreg $0xFFFFFFFF  }
0xad: {  	[dreg:$0x0] =	wrdreg $0x60  }
0xae: {  	[dreg:$0x2] =	wrdreg s24  }
0xaf: {  	[dreg:$0x3] =	wrdreg $0x83000  }
0xb0: {  	[dreg:$0x4] =	wrdreg $0x9  }
0xb1: {  	_ =	task.clear_ibuf [dreg:s6], $0x5FFFF;
	_ =	strace $0x9000004C  }
0xb2: {  	s29 =	simm.s32 $0x9;
	_ =	strace $0x8000004E  }
0xb3: {  	_ =	swait.ge [sflag:s29], $0x1  }
0xb4: {  	[sflag:s29] =	ssyncadd.s32 $0xFFFFFFFF  }
0xb5: {  	_ =	strace $0x9000004E  }
0xb6: {  	_ =	sfence  }
0xb7: {  	s30 =	sld [smem:$0x0];
	_ =	sdelay $0x2  }
0xb8: {  	s31 =	sshll.u32 s1, $0xD;
	s1 =	sshrl.u32 s1, $0x2  }
0xb9: {  	s3 =	sand.u32 $0x4000, s31;
	s1 =	sadd.s32 s1, s30  }
0xba: {  	s0 =	sor.u32 s3, s0;
	s1 =	sshll.u32 s1, $0x11  }
0xbb: {  	s0 =	sor.u32 s1, s0  }
0xbc: {  	s0 =	sadd.s32 $0x8F2B, s0  }
0xbd: {  	[sflag:s0] =	ssyncadd.remote.s32 $0x1  }
0xbe: {  	_ =	sfence.sel $0xFFFF  }
0xbf: {  	[dreg:$0x0] =	wrdreg $0xFFFFFFFF;
	(pc) =	sbr.abs _section_cstart, $3  }
0xc0: {  	[dreg:$0x1] =	wrdreg $0xFFFFFFFF  }
0xc1: {  	_ =	task.clear_ibuf [dreg:s6], $0x2FFFF;
	_ =	strace $0x9FFFFFFF  }
0xc2: {  	(tm) =	ssettm $0x7FFFFFFF  }
0xc3: {  	_ =	shalt  }
tec
execute0_lowered:
.L_overlay_start_1:
0x0: {  	(tag) =	ssettag $0x1  }
0x1: {  	s0 =	rddreg [dreg:$0x0]  }
0x2: {  	s1 =	rddreg [dreg:$0x1];
	s3 =	simm.s32 $0x0  }
0x3: {  	s12 =	stileid.u32;
	s2 =	srdreg.scid;
	s13 =	simm.s32 $0x6  }
0x4: {  	s14 =	simm.s32 $0x80;
	s15 =	simm.s32 $0x300;
	s28 =	simm.s32 $0x0  }
0x5: {  	[smem:$0x7FF] =	sst s3;
	s5 =	smul.u32 $0x14000, s12;
	s2 =	sand.u32 $0x1, s2  }
0x6: {  	s6 =	sshll.u32 s12, $0x1;
	s4 =	sadd.s32 $0x36000, s0;
	s19 =	smul.u32 $0x50000, s12  }
0x7: {  	s8 =	sadd.s32 $0x4E00, s0;
	s11 =	smul.u32 $0x48, s12;
	s31 =	sshll.u32 s12, $0x6  }
0x8: {  	_ =	strace $0x8000004D;
	s7 =	smul.u32 $0x140000, s2;
	s6 =	sor.u32 s2, s6  }
0x9: {  	s10 =	ssub.s32 $0x2, s2;
	s2 =	smul.u32 $0x24, s2;
	s17 =	sor.u32 $0x1C06, s31  }
0xa: {  	s9 =	sshrl.u32 s5, $0x3;
	s6 =	smul.u32 $0x480, s6;
	s20 =	sshrl.u32 s10, $0x1  }
0xb: {  	s22 =	sshrl.u32 s19, $0x2;
	s19 =	simm.s32 $0x1;
	s9 =	sadd.s32 s9, s0  }
0xc: {  	s5 =	sadd.s32 s5, s7;
	s24 =	sadd.s32 s22, s1;
	s2 =	sadd.s32 s2, s11  }
0xd: {  	s22 =	simm.s32 $0x2;
	s5 =	sshrl.u32 s5, $0x3;
	s25 =	sadd.s32 $0x216000, s9  }
0xe: {  	s21 =	sadd.s32 s8, s6;
	s2 =	sshll.u32 s2, $0x5;
	[dreg:$0x5] =	wrdreg s25  }
0xf: {  	s18 =	sshrl.u32 s24, $0x3;
	s23 =	sadd.s32 $0x20, s21;
	[dreg:$0x3] =	wrdreg s21  }
0x10: {  	s0 =	sadd.s32 s5, s0;
	s26 =	sadd.s32 $0x40, s21;
	[dreg:$0x4] =	wrdreg s23  }
0x11: {  	s5 =	ssub.s32 s10, s20;
	[dreg:$0x6] =	wrdreg s26;
	s0 =	sadd.s32 $0x23E000, s0  }
0x12: {  	s30 =	sadd.s32 s2, s8;
	s29 =	smax.u32 s5, $0x1;
	[dreg:$0x7] =	wrdreg s0  }
0x13: {  	s24 =	simm.s32 $0x3;
	s2 =	sadd.s32 $0x60, s30;
	[dreg:$0x8] =	wrdreg s29  }
0x14: {  	s20 =	simm.s32 $0x4300;
	[dreg:$0x9] =	wrdreg s2;
	s0 =	sadd.s32 $0x80, s30  }
0x15: {  	s25 =	simm.s32 $0x5;
	s23 =	simm.s32 $0x4;
	[dreg:$0xa] =	wrdreg s0  }
.LBB2_1:
0x16: {  	s0 =	rddreg [dreg:$0x3]  }
0x17: {  	[tilespmem:s3], [sflag:$0x6] =	stream.linear.gather [hbm4b:s0+s3], $0x100, $0x38;
	[tilespmem:$0x1C300] =	vst v63  }
0x18: {  	_ =	swait.ge [sflag:s13], $0x100  }
0x19: {  	[sflag:s13] =	ssyncset.done $0x0  }
0x1a: {  	s21 =	rddreg [dreg:$0x4];
	[sflag:s13] =	ssyncadd.s32 $0xFFFFFF00  }
0x1b: {  	[tilespmem:s15], [sflag:$0x2] =	stream.indirect.gather [hbm4b:s4+s14], $0x80, s3, s14, $0xb8;
	[tilespmem:$0x1C300] =	vst v63  }
0x1c: {  	s2 =	simm.s32 $0x100;
	s26 =	rddreg [dreg:$0x5]  }
0x1d: {  	[tilespmem:s2], [sflag:$0x1] =	stream.linear.gather [hbm4b:s21+s3], $0x100, $0x38;
	[tilespmem:$0x1C300] =	vst v63  }
0x1e: {  	[spmem:s18], [sflag:s17] =	dma.local [hbm:s26], $0x2800  }
0x1f: {  	_ =	swait.ge [sflag:s13], $0x2800  }
0x20: {  	[sflag:s13] =	ssyncset.done $0x0  }
0x21: {  	s5 =	simm.s32 $0x200;
	[sflag:s13] =	ssyncadd.s32 $0xFFFFD800  }
0x22: {  	s6 =	smul.u32 $0xAB, s23;
	s7 =	simm.s32 $0x1;
	[bflag:$0x0] =	sbarrier.arrive $0xFFFF  }
0x23: {  	s29 =	simm.s32 $0x6;
	s7 =	smul.u32 $0x56, s7;
	_ =	swait.ge [sflag:s19], $0x100  }
0x24: {  	s9 =	sadd.s32 $0xFFFFFEAA, s6;
	s0 =	sshrl.u32 s6, $0x9;
	[sflag:s19] =	ssyncset.done $0x0  }
0x25: {  	s8 =	sshrl.u32 s7, $0x1F;
	s7 =	sshrl.u32 s7, $0x8;
	[sflag:s19] =	ssyncadd.s32 $0xFFFFFF00  }
0x26: {  	[tilespmem:s20], [sflag:$0x3] =	stream.indirect.gather [hbm4b:s4+s14], $0x80, s2, s14, $0xb8;
	[tilespmem:$0x1C300] =	vst v63  }
0x27: {  	s0 =	sand.u32 $0x7F, s0;
	s7 =	sadd.s32 s8, s7;
	s2 =	rddreg [dreg:$0x6]  }
0x28: {  	[tilespmem:s5], [sflag:$0x1] =	stream.linear.gather [hbm4b:s2+s3], $0x100, $0x38;
	[tilespmem:$0x1C300] =	vst v63  }
0x29: {  	s7 =	smul.u32 $0x3, s7;
	s5 =	sadd.s32 $0xFFFFFF55, s6;
	s2 =	sshrl.u32 s9, $0x9  }
0x2a: {  	_ =	swait.ge [sflag:s22], $0x4000;
	s2 =	sand.u32 $0x7F, s2;
	s5 =	sshrl.u32 s5, $0x9  }
0x2b: {  	[sflag:s22] =	ssyncset.done $0x0;
	s2 =	smul.u32 $0x3, s2;
	s5 =	sand.u32 $0x7F, s5  }
0x2c: {  	s7 =	ssub.s32 $0x1, s7;
	[sflag:s22] =	ssyncadd.s32 $0xFFFFC000;
	s5 =	smul.u32 $0x3, s5  }
0x2d: {  	[spmem:s1] =	stream.indirect.scatter.add.f32 [tilespmem:s15], [sflag:$0x4], $0x80, s14, s14, $0xb8;
	[tilespmem:$0x1C300] =	vst v63  }
0x2e: {  	s21 =	sshll.u32 s7, $0x18;
	s7 =	simm.s32 $0x8;
	s2 =	ssub.s32 $0x4, s2  }
0x2f: {  	s5 =	sxor.u32 $0xFFFFFFFF, s5;
	s2 =	sadd.s32 $0xFFFFFFFE, s2;
	_ =	swait.ge [sflag:s23], $0x4000  }
0x30: {  	s5 =	sadd.s32 $0x4, s5;
	s2 =	sand.u32 $0xFF, s2;
	[sflag:s23] =	ssyncset.done $0x0  }
0x31: {  	s10 =	sand.u32 $0xFF, s5;
	[sflag:s23] =	ssyncadd.s32 $0xFFFFC000;
	s5 =	sshra.s32 s21, $0x18  }
0x32: {  	s21 =	sshll.u32 s2, $0x8;
	s2 =	smul.u32 $0xAB, s29;
	_ =	swait.ge [sflag:s19], $0x100  }
0x33: {  	s26 =	sshll.u32 s5, $0xA;
	s9 =	sshll.u32 s10, $0x8;
	s10 =	simm.s32 $0x4  }
0x34: {  	[sflag:s19] =	ssyncset.done $0x0;
	s16 =	sshra.s32 s26, $0x2;
	s12 =	rddreg [dreg:$0xa]  }
0x35: {  	s11 =	rddreg [dreg:$0x9];
	s26 =	sadd.s32 $0xFFFFFEAA, s2;
	s5 =	sadd.s32 $0xFFFFFF55, s2  }
0x36: {  	[sflag:s19] =	ssyncadd.s32 $0xFFFFFF00;
	s30 =	sadd.s32 $0x40, s12;
	s31 =	sadd.s32 $0x40, s11  }
0x37: {  	[tilespmem:s15], [sflag:$0x2] =	stream.indirect.gather [hbm4b:s4+s14], $0x80, s21, s14, $0xb8;
	[tilespmem:$0x1C300] =	vst v63  }
.LBB2_2:
0x38: {  	[tilespmem:s9], [sflag:$0x1] =	stream.linear.gather [hbm4b:s11+s3], $0x100, $0x38;
	[tilespmem:$0x1C300] =	vst v63  }
0x39: {  	s8 =	smov.u32 s7;
	s11 =	smov.u32 s31  }
0x3a: {  	s26 =	sshrl.u32 s26, $0x9;
	s0 =	smul.u32 $0x3, s0;
	_ =	swait.ge [sflag:s24], $0x4000  }
0x3b: {  	s5 =	sshrl.u32 s5, $0x9;
	s26 =	sand.u32 $0x7F, s26;
	[sflag:s24] =	ssyncset.done $0x0  }
0x3c: {  	s16 =	sor.u32 $0x80, s16;
	s0 =	ssub.s32 s10, s0;
	[sflag:s24] =	ssyncadd.s32 $0xFFFFC000  }
0x3d: {  	[spmem:s1] =	stream.indirect.scatter.add.f32 [tilespmem:s20], [sflag:$0x5], $0x80, s16, s14, $0xb8;
	[tilespmem:$0x1C300] =	vst v63  }
0x3e: {  	s10 =	smul.u32 $0x3, s26;
	s16 =	sand.u32 $0xFF, s0;
	_ =	swait.ge [sflag:s25], $0x4000  }
0x3f: {  	s0 =	sand.u32 $0x7F, s5;
	s5 =	sor.u32 $0x80, s21;
	[sflag:s25] =	ssyncset.done $0x0  }
0x40: {  	s21 =	smul.u32 $0x3, s0;
	s0 =	sshrl.u32 s2, $0x9;
	[sflag:s25] =	ssyncadd.s32 $0xFFFFC000  }
0x41: {  	s2 =	ssub.s32 s29, s10;
	s0 =	sand.u32 $0x7F, s0;
	_ =	swait.ge [sflag:s19], $0x100  }
0x42: {  	s26 =	sadd.s32 $0xFFFFFFFD, s29;
	s2 =	sadd.s32 $0xFFFFFFFE, s2;
	[sflag:s19] =	ssyncset.done $0x0  }
0x43: {  	s10 =	sxor.u32 $0xFFFFFFFF, s21;
	s21 =	sshll.u32 s26, $0x18;
	[sflag:s19] =	ssyncadd.s32 $0xFFFFFF00  }
0x44: {  	[tilespmem:s20], [sflag:$0x3] =	stream.indirect.gather [hbm4b:s4+s14], $0x80, s9, s14, $0xb8;
	[tilespmem:$0x1C300] =	vst v63  }
0x45: {  	s16 =	sshll.u32 s16, $0x8;
	s9 =	sadd.s32 s29, s10;
	s10 =	sshra.s32 s21, $0x18  }
0x46: {  	s2 =	sand.u32 $0xFF, s2;
	s9 =	sand.u32 $0xFF, s9;
	s10 =	smul.u32 $0x56, s10  }
0x47: {  	[tilespmem:s16], [sflag:$0x1] =	stream.linear.gather [hbm4b:s12+s3], $0x100, $0x38;
	[tilespmem:$0x1C300] =	vst v63  }
0x48: {  	s12 =	sshrl.u32 s10, $0x1F;
	s10 =	sshrl.u32 s10, $0x8;
	_ =	swait.ge [sflag:s22], $0x4000  }
0x49: {  	s6 =	sadd.s32 $0x2, s7;
	s10 =	sadd.s32 s12, s10;
	[sflag:s22] =	ssyncset.done $0x0  }
0x4a: {  	p0 =	sne.s32 s7, $0x24;
	s21 =	sshll.u32 s2, $0x8;
	[sflag:s22] =	ssyncadd.s32 $0xFFFFC000  }
0x4b: {  	s2 =	smul.u32 $0x3, s10;
	s10 =	smov.u32 s29;
	s29 =	smov.u32 s8  }
0x4c: {  	[spmem:s1] =	stream.indirect.scatter.add.f32 [tilespmem:s15], [sflag:$0x4], $0x80, s5, s14, $0xb8;
	[tilespmem:$0x1C300] =	vst v63  }
0x4d: {  	s12 =	smov.u32 s30;
	s2 =	ssub.s32 s26, s2;
	_ =	swait.ge [sflag:s23], $0x4000  }
0x4e: {  	s2 =	sshll.u32 s2, $0x18;
	[sflag:s23] =	ssyncset.done $0x0  }
0x4f: {  	s31 =	sadd.s32 $0x40, s31;
	s2 =	sshra.s32 s2, $0x18;
	[sflag:s23] =	ssyncadd.s32 $0xFFFFC000  }
.Ltmp0:
0x50: {  	s2 =	sshll.u32 s2, $0xA;
	_ =	swait.ge [sflag:s19], $0x100;
	(pc) =	sbr.rel @p0 .LBB2_2-.Ltmp0, $4  }
0x51: {  	s30 =	sadd.s32 $0x40, s30;
	s16 =	sshra.s32 s2, $0x2;
	[sflag:s19] =	ssyncset.done $0x0  }
0x52: {  	s7 =	smov.u32 s6;
	s2 =	smul.u32 $0xAB, s29;
	[sflag:s19] =	ssyncadd.s32 $0xFFFFFF00  }
0x53: {  	[tilespmem:s15], [sflag:$0x2] =	stream.indirect.gather [hbm4b:s4+s14], $0x80, s21, s14, $0xb8;
	[tilespmem:$0x1C300] =	vst v63  }
0x54: {  	s9 =	sshll.u32 s9, $0x8;
	s26 =	sadd.s32 $0xFFFFFEAA, s2;
	s5 =	sadd.s32 $0xFFFFFF55, s2  }
0x55: {  	[tilespmem:s9], [sflag:$0x1] =	stream.linear.gather [hbm4b:s11+s3], $0x100, $0x38;
	[tilespmem:$0x1C300] =	vst v63  }
0x56: {  	_ =	swait.ge [sflag:s24], $0x4000  }
0x57: {  	[sflag:s24] =	ssyncset.done $0x0  }
0x58: {  	s6 =	sor.u32 $0x80, s16;
	[sflag:s24] =	ssyncadd.s32 $0xFFFFC000  }
0x59: {  	[spmem:s1] =	stream.indirect.scatter.add.f32 [tilespmem:s20], [sflag:$0x5], $0x80, s6, s14, $0xb8;
	[tilespmem:$0x1C300] =	vst v63  }
0x5a: {  	_ =	swait.ge [sflag:s25], $0x4000  }
0x5b: {  	[sflag:s25] =	ssyncset.done $0x0  }
0x5c: {  	[sflag:s25] =	ssyncadd.s32 $0xFFFFC000  }
0x5d: {  	s0 =	smul.u32 $0x3, s0;
	_ =	swait.ge [sflag:s19], $0x100  }
0x5e: {  	[sflag:s19] =	ssyncset.done $0x0  }
0x5f: {  	s0 =	ssub.s32 s10, s0;
	[sflag:s19] =	ssyncadd.s32 $0xFFFFFF00  }
0x60: {  	[tilespmem:s20], [sflag:$0x3] =	stream.indirect.gather [hbm4b:s4+s14], $0x80, s9, s14, $0xb8;
	[tilespmem:$0x1C300] =	vst v63  }
0x61: {  	s0 =	sand.u32 $0xFF, s0;
	s9 =	sshrl.u32 s26, $0x9  }
0x62: {  	s8 =	sor.u32 $0x80, s21;
	s0 =	sshll.u32 s0, $0x8;
	s6 =	sand.u32 $0x7F, s9  }
0x63: {  	[tilespmem:s0], [sflag:$0x1] =	stream.linear.gather [hbm4b:s12+s3], $0x100, $0x38;
	[tilespmem:$0x1C300] =	vst v63  }
0x64: {  	s10 =	sshrl.u32 s5, $0x9;
	s11 =	smul.u32 $0x3, s6;
	s12 =	sadd.s32 $0xFFFFFFFD, s29  }
0x65: {  	s0 =	sand.u32 $0x7F, s10;
	s7 =	sshll.u32 s12, $0x18;
	_ =	swait.ge [sflag:s22], $0x4000  }
0x66: {  	s0 =	smul.u32 $0x3, s0;
	s7 =	sshra.s32 s7, $0x18;
	[sflag:s22] =	ssyncset.done $0x0  }
0x67: {  	s5 =	ssub.s32 s29, s11;
	s7 =	smul.u32 $0x56, s7;
	[sflag:s22] =	ssyncadd.s32 $0xFFFFC000  }
0x68: {  	[spmem:s1] =	stream.indirect.scatter.add.f32 [tilespmem:s15], [sflag:$0x4], $0x80, s8, s14, $0xb8;
	[tilespmem:$0x1C300] =	vst v63  }
0x69: {  	s16 =	sshrl.u32 s7, $0x1F;
	s7 =	sshrl.u32 s7, $0x8;
	_ =	swait.ge [sflag:s23], $0x4000  }
0x6a: {  	s0 =	sxor.u32 $0xFFFFFFFF, s0;
	s7 =	sadd.s32 s16, s7;
	[sflag:s23] =	ssyncset.done $0x0  }
0x6b: {  	s5 =	sadd.s32 $0xFFFFFFFE, s5;
	[sflag:s23] =	ssyncadd.s32 $0xFFFFC000;
	s7 =	smul.u32 $0x3, s7  }
0x6c: {  	s0 =	sadd.s32 s29, s0;
	s5 =	sand.u32 $0xFF, s5;
	_ =	swait.ge [sflag:s19], $0x100  }
0x6d: {  	s0 =	sand.u32 $0xFF, s0;
	[sflag:s19] =	ssyncset.done $0x0;
	s6 =	ssub.s32 s12, s7  }
0x6e: {  	s5 =	sshll.u32 s5, $0x8;
	[sflag:s19] =	ssyncadd.s32 $0xFFFFFF00;
	s6 =	sshll.u32 s6, $0x18  }
0x6f: {  	[tilespmem:s15], [sflag:$0x2] =	stream.indirect.gather [hbm4b:s4+s14], $0x80, s5, s14, $0xb8;
	[tilespmem:$0x1C300] =	vst v63  }
0x70: {  	s0 =	sshll.u32 s0, $0x8;
	s6 =	sshra.s32 s6, $0x18  }
0x71: {  	[tilespmem:s0], [sflag:$0x1] =	stream.linear.gather [hbm4b:s31+s3], $0x100, $0x38;
	[tilespmem:$0x1C300] =	vst v63  }
0x72: {  	s6 =	sshll.u32 s6, $0xA;
	_ =	swait.ge [sflag:s24], $0x4000  }
0x73: {  	s6 =	sshra.s32 s6, $0x2;
	[sflag:s24] =	ssyncset.done $0x0  }
0x74: {  	s6 =	sor.u32 $0x80, s6;
	[sflag:s24] =	ssyncadd.s32 $0xFFFFC000  }
0x75: {  	[spmem:s1] =	stream.indirect.scatter.add.f32 [tilespmem:s20], [sflag:$0x5], $0x80, s6, s14, $0xb8;
	[tilespmem:$0x1C300] =	vst v63  }
0x76: {  	s2 =	sshrl.u32 s2, $0x9;
	_ =	swait.ge [sflag:s25], $0x4000  }
0x77: {  	s2 =	sand.u32 $0x7F, s2;
	[sflag:s25] =	ssyncset.done $0x0  }
0x78: {  	s2 =	smul.u32 $0x3, s2;
	[sflag:s25] =	ssyncadd.s32 $0xFFFFC000  }
0x79: {  	_ =	swait.ge [sflag:s19], $0x100  }
0x7a: {  	s2 =	ssub.s32 s29, s2;
	[sflag:s19] =	ssyncset.done $0x0  }
0x7b: {  	s21 =	sand.u32 $0xFF, s2;
	[sflag:s19] =	ssyncadd.s32 $0xFFFFFF00  }
0x7c: {  	[tilespmem:s20], [sflag:$0x3] =	stream.indirect.gather [hbm4b:s4+s14], $0x80, s0, s14, $0xb8;
	[tilespmem:$0x1C300] =	vst v63  }
0x7d: {  	s0 =	sshll.u32 s21, $0x8  }
0x7e: {  	[tilespmem:s0], [sflag:$0x1] =	stream.linear.gather [hbm4b:s30+s3], $0x100, $0x38;
	[tilespmem:$0x1C300] =	vst v63  }
0x7f: {  	_ =	swait.ge [sflag:s22], $0x4000  }
0x80: {  	[sflag:s22] =	ssyncset.done $0x0  }
0x81: {  	s26 =	sor.u32 $0x80, s5;
	[sflag:s22] =	ssyncadd.s32 $0xFFFFC000  }
0x82: {  	[spmem:s1] =	stream.indirect.scatter.add.f32 [tilespmem:s15], [sflag:$0x4], $0x80, s26, s14, $0xb8;
	[tilespmem:$0x1C300] =	vst v63  }
0x83: {  	_ =	swait.ge [sflag:s24], $0x4000  }
0x84: {  	[sflag:s24] =	ssyncset.done $0x0  }
0x85: {  	s29 =	simm.s32 $0x280;
	[sflag:s24] =	ssyncadd.s32 $0xFFFFC000  }
0x86: {  	[spmem:s1] =	stream.indirect.scatter.add.f32 [tilespmem:s20], [sflag:$0x5], $0x80, s29, s14, $0xb8;
	[tilespmem:$0x1C300] =	vst v63  }
0x87: {  	_ =	swait.ge [sflag:s23], $0x4000  }
0x88: {  	[sflag:s23] =	ssyncset.done $0x0  }
0x89: {  	[sflag:s23] =	ssyncadd.s32 $0xFFFFC000  }
0x8a: {  	_ =	swait.ge [sflag:s25], $0x4000  }
0x8b: {  	[sflag:s25] =	ssyncset.done $0x0  }
0x8c: {  	[sflag:s25] =	ssyncadd.s32 $0xFFFFC000  }
0x8d: {  	_ =	swait.ge [sflag:s19], $0x100  }
0x8e: {  	[sflag:s19] =	ssyncset.done $0x0  }
0x8f: {  	[sflag:s19] =	ssyncadd.s32 $0xFFFFFF00  }
0x90: {  	[bflag:$0x0] =	sbarrier.arrive $0xFFFF  }
0x91: {  	s30 =	rddreg [dreg:$0x7]  }
0x92: {  	[hbm:s30], [sflag:s17] =	dma.local [spmem:s18], $0x2800  }
0x93: {  	_ =	swait.ge [sflag:s13], $0x2800  }
0x94: {  	s28 =	sadd.s32 $0x1, s28;
	s31 =	rddreg [dreg:$0x8]  }
0x95: {  	p0 =	sne.s32 s28, s31  }
.Ltmp1:
0x96: {  	_ = 	snop;
	(pc) =	sbr.rel @p0 .LBB2_1-.Ltmp1, $3  }
0x97: {  	_ =	sdelay $0x1  }
0x98: {  	[sflag:s13] =	ssyncset.done $0x0  }
0x99: {  	[sflag:s13] =	ssyncadd.s32 $0xFFFFD800  }
0x9a: {  	_ =	sfence.sel $0x180000  }
0x9b: {  	[bflag:$0x0] =	sbarrier.arrive $0xFFFF  }
0x9c: {  	_ =	strace $0x9000004D  }
0x9d: {  	s0 =	stileid.u32;
	[bflag:$0x2] =	sbarrier.arrive $0xFFFF  }
0x9e: {  	p0 =	sne.s32 s0, $0x0;
	s0 =	rddreg [dreg:$0x2]  }
0x9f: {  	s0 =	sadd.s32 @!p0 $0x100000, s0  }
0xa0: {  	[sflag:s0] =	ssyncadd.tile.s32 @!p0 $0x1;
	_ =	shalt  }
.Lfunc_end2:
_tile_overlayer_lowered:
.L_overlay_start_2:
0xa1: {  	(tag) =	ssettag $0x2  }
0xa2: {  	s0 =	rddreg [dreg:$0x0];
	s2 =	stileid.u32  }
0xa3: {  	s1 =	rddreg [dreg:$0x1];
	p0 =	sne.s32 s2, $0x0  }
0xa4: {  	s3 =	rddreg [dreg:$0x2];
	[bflag:$0x3] =	sbarrier.arrive $0xFFFF;
	s2 =	simm.s32 @!p0 $0x1C06  }
0xa5: {  	[timem:s3], [sflag:s2] =	dma.local @!p0 [hbm:s0], s1  }
0xa6: {  	s0 =	simm.s32 @!p0 $0x6  }
0xa7: {  	_ =	swait.ge @!p0 [sflag:s0], s1  }
0xa8: {  	s1 =	ssub.s32 @!p0 $0x0, s1;
	[sflag:s0] =	ssyncset.done @!p0 $0x0  }
0xa9: {  	[sflag:s0] =	ssyncadd.s32 @!p0 s1  }
0xaa: {  	[bflag:$0x3] =	sbarrier.arrive $0xFFFF  }
0xab: {  	_ =	shalt  }

// kernel: kernel.20.cloned.1.call-start
scs
__scs_entry_jumppad:
0x0: {  	(pc) =	sbr.rel $0x88, $3  }
0x1: {  	(tag) =	ssettag $0x0;
	lr =	simm.s32 $0x1  }
0x2: {  	[smem:$0x3F94] =	sst lr;
	_ =	strace $0xD0000000  }
0x3: {  	_ = 	snop  }
0x4: {  	_ = 	snop  }
0x5: {  	_ = 	snop  }
0x6: {  	_ = 	snop  }
0x7: {  	_ = 	snop  }
__scs_overlays_trampoline_lowered:
0x8: {  	[smem:$0x3FA3] =	sst s0  }
0x9: {  	[smem:$0x3FA4] =	sst s1  }
0xa: {  	[smem:$0x3FA5] =	sst s2  }
0xb: {  	[smem:$0x3FA6] =	sst s3  }
0xc: {  	[smem:$0x3FA7] =	sst s4  }
0xd: {  	[smem:$0x3FA8] =	sst s5  }
0xe: {  	[smem:$0x3FA9] =	sst s6  }
0xf: {  	[smem:$0x3FAA] =	sst s7  }
0x10: {  	[smem:$0x3FAB] =	sst s8  }
0x11: {  	[smem:$0x3FAC] =	sst s9;
	s0 =	simm.s32 @!p0 $0x0  }
0x12: {  	s1 =	sld [smem:$0x3F92];
	s0 =	simm.s32 @p0 $0x1  }
0x13: {  	[smem:$0x3FAD] =	sst s0;
	s0 =	simm.s32 @!p1 $0x0  }
0x14: {  	s2 =	sld [smem:$0x3F91];
	s0 =	simm.s32 @p1 $0x1  }
0x15: {  	[smem:$0x3FAE] =	sst s0;
	s0 =	simm.s32 @!p2 $0x0  }
0x16: {  	s3 =	sld [smem:$0x3FDB];
	s0 =	simm.s32 @p2 $0x1  }
0x17: {  	s4 =	simm.s32 $0x1BF5;
	[smem:$0x3FB0] =	sst s0  }
0x18: {  	s0 =	sld [smem:$0x3F93];
	_ =	swait.ge [sflag:s4], $0x0  }
0x19: {  	s7 =	sld [smem:$0x3F94]  }
0x1a: {  	s8 =	sadd.s32 $0xFFFFE003, lr  }
0x1b: {  	s9 =	sadd.s32 $0xFFFFFEF7, lr;
	s5 =	simm.s32 $0xFFFFFFFF;
	p2 =	slt.u32 s8, $0xFFFFF086  }
0x1c: {  	p1 =	slt.u32 s9, $0xF7A;
	s5 =	simm.s32 @!p2 $0x0  }
0x1d: {  	s5 =	simm.s32 @p1 $0x1;
	p0 =	seq.s32 s7, s2  }
0x1e: {  	s7 =	smul.u32 @!p0 $0xF7A, s2;
	p2 =	seq.s32 @!p0 s5, $0x0  }
0x1f: {  	s9 =	smul.u32 $0xF7A, s1;
	s8 =	simm.s32 @!p0 $0x1BF5;
	p2 =	por !p2, p0  }
0x20: {  	[sflag:s8] =	ssyncset.s32 @!p0 $0xFFFFF086;
	s6 =	sadd.s32 @!p0 s3, s7;
	s7 =	simm.s32 @!p0 $0x108  }
0x21: {  	s3 =	sadd.s32 s3, s9;
	s6 =	sadd.s32 @!p0 $0x88, s6;
	s7 =	simm.s32 @p2 $0x1082  }
0x22: {  	[simem:s7], [sflag:s8] =	dma.local @!p0 [hbm:s6], $0xF7A  }
0x23: {  	s9 =	sor.u32 $0xD0000000, s2;
	s6 =	simm.s32 $0x108;
	_ =	swait.ge @!p0 [sflag:s8], $0x0  }
0x24: {  	s3 =	sadd.s32 $0x88, s3;
	s6 =	simm.s32 @!p1 $0x1082;
	[sflag:s4] =	ssyncset.s32 $0xFFFFF086  }
0x25: {  	[simem:s6], [sflag:s4] =	dma.local [hbm:s3], $0xF7A  }
0x26: {  	[smem:$0x3F94] =	sst s1;
	(tag) =	ssettag s2;
	_ =	strace s9  }
0x27: {  	s1 =	sld [smem:$0x3FA4]  }
0x28: {  	s2 =	sld [smem:$0x3FA5]  }
0x29: {  	s4 =	sld [smem:$0x3FA7]  }
0x2a: {  	p0 =	seq.s32 s5, $0x0;
	s5 =	sld [smem:$0x3FA8]  }
0x2b: {  	s6 =	sld [smem:$0x3FA9]  }
0x2c: {  	s7 =	sld [smem:$0x3FAA]  }
0x2d: {  	s3 =	simm.s32 $0x108;
	s8 =	sld [smem:$0x3FAB]  }
0x2e: {  	s3 =	simm.s32 @!p0 $0x1082;
	s9 =	sld [smem:$0x3FAC]  }
0x2f: {  	lr =	sadd.s32 s0, s3;
	s0 =	sld [smem:$0x3FA3]  }
0x30: {  	s3 =	sld [smem:$0x3FA6]  }
0x31: {  	[smem:$0x3FAF] =	sst s10  }
0x32: {  	s10 =	sld [smem:$0x3FAD];
	_ =	sdelay $0x3  }
0x33: {  	p0 =	seq.s32 s10, $0x1;
	s10 =	sld [smem:$0x3FAF];
	_ =	sdelay $0x3  }
0x34: {  	[smem:$0x3FAF] =	sst s10  }
0x35: {  	s10 =	sld [smem:$0x3FAE];
	_ =	sdelay $0x3  }
0x36: {  	p1 =	seq.s32 s10, $0x1;
	s10 =	sld [smem:$0x3FAF];
	_ =	sdelay $0x3  }
0x37: {  	[smem:$0x3FAF] =	sst s10  }
0x38: {  	s10 =	sld [smem:$0x3FB0]  }
0x39: {  	_ = 	snop;
	(pc) =	sbr.ind lr, $3  }
0x3a: {  	_ = 	snop  }
0x3b: {  	_ = 	snop  }
0x3c: {  	p2 =	seq.s32 s10, $0x1;
	s10 =	sld [smem:$0x3FAF]  }
0x3d: {  	_ =	shalt  }
0x3e: {  	_ =	shalt  }
0x3f: {  	_ =	shalt  }
0x40: {  	_ =	shalt  }
0x41: {  	_ =	shalt  }
0x42: {  	_ =	shalt  }
0x43: {  	_ =	shalt  }
0x44: {  	_ =	shalt  }
0x45: {  	_ =	shalt  }
0x46: {  	_ =	shalt  }
0x47: {  	_ =	shalt  }
0x48: {  	_ =	shalt  }
0x49: {  	_ =	shalt  }
0x4a: {  	_ =	shalt  }
0x4b: {  	_ =	shalt  }
0x4c: {  	_ =	shalt  }
0x4d: {  	_ =	shalt  }
0x4e: {  	_ =	shalt  }
0x4f: {  	_ =	shalt  }
0x50: {  	_ =	shalt  }
0x51: {  	_ =	shalt  }
0x52: {  	_ =	shalt  }
0x53: {  	_ =	shalt  }
0x54: {  	_ =	shalt  }
0x55: {  	_ =	shalt  }
0x56: {  	_ =	shalt  }
0x57: {  	_ =	shalt  }
0x58: {  	_ =	shalt  }
0x59: {  	_ =	shalt  }
0x5a: {  	_ =	shalt  }
0x5b: {  	_ =	shalt  }
0x5c: {  	_ =	shalt  }
0x5d: {  	_ =	shalt  }
0x5e: {  	_ =	shalt  }
0x5f: {  	_ =	shalt  }
0x60: {  	_ =	shalt  }
0x61: {  	_ =	shalt  }
0x62: {  	_ =	shalt  }
0x63: {  	_ =	shalt  }
0x64: {  	_ =	shalt  }
0x65: {  	_ =	shalt  }
0x66: {  	_ =	shalt  }
0x67: {  	_ =	shalt  }
0x68: {  	_ =	shalt  }
0x69: {  	_ =	shalt  }
0x6a: {  	_ =	shalt  }
0x6b: {  	_ =	shalt  }
0x6c: {  	_ =	shalt  }
0x6d: {  	_ =	shalt  }
0x6e: {  	_ =	shalt  }
0x6f: {  	_ =	shalt  }
0x70: {  	_ =	shalt  }
0x71: {  	_ =	shalt  }
0x72: {  	_ =	shalt  }
0x73: {  	_ =	shalt  }
0x74: {  	_ =	shalt  }
0x75: {  	_ =	shalt  }
0x76: {  	_ =	shalt  }
0x77: {  	_ =	shalt  }
0x78: {  	_ =	shalt  }
0x79: {  	_ =	shalt  }
0x7a: {  	_ =	shalt  }
0x7b: {  	_ =	shalt  }
0x7c: {  	_ =	shalt  }
0x7d: {  	_ =	shalt  }
0x7e: {  	_ =	shalt  }
0x7f: {  	_ =	shalt  }
0x80: {  	_ =	shalt  }
0x81: {  	_ =	shalt  }
0x82: {  	_ =	shalt  }
0x83: {  	_ =	shalt  }
0x84: {  	_ =	shalt  }
0x85: {  	_ =	shalt  }
0x86: {  	_ =	shalt  }
0x87: {  	_ =	shalt  }
.Lfunc_end0:
.L_simem_size_0:
called_computation.3_lowered:
.L_overlay_start_0:
0x88: {  	s2 =	sld [smem:$0x3FD9]  }
0x89: {  	s3 =	sld [smem:$0x3FFE];
	_ =	sdelay $0x1  }
0x8a: {  	s1 =	srdreg.scid  }
0x8b: {  	s0 =	sand.u32 $0x1, s1  }
0x8c: {  	s17 =	sshll.u32 s0, $0xA;
	s2 =	sadd.s32 s3, s2  }
0x8d: {  	s2 =	sadd.s32 s2, s17  }
0x8e: {  	[smem:$0x3FBB] =	sst s2  }
0x8f: {  	_ = 	snop  }
0x90: {  	s18 =	sld [smem:$0x3FD0];
	(tm) =	ssettm $0x1  }
0x91: {  	s19 =	sld [smem:$0x3FFB];
	_ =	sdelay $0x3  }
0x92: {  	_ =	strace s19  }
0x93: {  	s2 =	sld [smem:$0x3FFC];
	_ =	sdelay $0x3  }
0x94: {  	_ =	strace s2  }
0x95: {  	s2 =	sld [smem:$0x3FFD];
	_ =	sdelay $0x3  }
0x96: {  	_ =	strace s2  }
0x97: {  	_ =	strace $0x8FFFFFFF  }
0x98: {  	s20 =	sld [smem:$0x3FDB];
	_ =	sdelay $0x1  }
0x99: {  	s4 =	simm.s32 $_scs_section_size  }
0x9a: {  	s5 =	simm.s32 $_size__tile_overlayer_lowered;
	s6 =	simm.s32 $_tile_overlayer_lowered  }
0x9b: {  	s7 =	simm.s32 $0x1BFF;
	s21 =	sshll.u32 s6, $0x1;
	s4 =	sadd.s32 s4, s20  }
0x9c: {  	s22 =	simm.s32 $0x0;
	s5 =	sshll.u32 s5, $0x1;
	s6 =	sadd.s32 s21, s4  }
0x9d: {  	[timem:s22], [sflag:s7] =	dma.local [hbm:s6], s5  }
0x9e: {  	_ =	swait.ge [sflag:s7], s5  }
0x9f: {  	s5 =	ssub.s32 $0x0, s5;
	[sflag:s7] =	ssyncset.done $0x0  }
0xa0: {  	[sflag:s7] =	ssyncadd.s32 s5;
	_ =	sdelay $0x1  }
0xa1: {  	s23 =	simm.s32 $0x1B8B  }
0xa2: {  	_ =	swait.ge [sflag:s23], $0x1  }
0xa3: {  	[sflag:s23] =	ssyncset.done $0x0  }
0xa4: {  	[sflag:s23] =	ssyncadd.s32 $0xFFFFFFFF  }
0xa5: {  	s5 =	sld [smem:$0x0]  }
0xa6: {  	s6 =	sand.u32 $0xFFFFFFFE, s1  }
0xa7: {  	p0 =	sne.s32 s1, s6  }
0xa8: {  	s6 =	sshll.u32 @p0 s6, $0xE  }
0xa9: {  	s6 =	sadd.s32 @p0 $0x11B8D, s6;
	s7 =	sshll.u32 @p0 s5, $0x11  }
0xaa: {  	s6 =	sor.u32 @p0 s7, s6  }
0xab: {  	[sflag:s6] =	ssyncadd.remote.s32 @p0 $0x1;
	_ =	sdelay $0x1  }
0xac: {  	s6 =	simm.s32 @p0 $0x1B8D  }
0xad: {  	_ =	swait.eq @p0 [sflag:s6], $0x1  }
0xae: {  	[sflag:s6] =	ssyncadd.s32 @p0 $0xFFFFFFFF  }
0xaf: {  	s7 =	sshll.u32 @!p0 s1, $0xE  }
0xb0: {  	s7 =	sor.u32 @!p0 $0x4000, s7;
	s6 =	simm.s32 @!p0 $0x1B8D  }
0xb1: {  	s5 =	sshll.u32 @!p0 s5, $0x11;
	s7 =	sadd.s32 @!p0 $0x11B8D, s7;
	_ =	swait.eq @!p0 [sflag:s6], $0x1  }
0xb2: {  	s5 =	sor.u32 @!p0 s5, s7;
	[sflag:s6] =	ssyncadd.s32 @!p0 $0xFFFFFFFF  }
0xb3: {  	s25 =	simm.s32 $0x1B8E;
	s24 =	sld [smem:$0x3FFE];
	[sflag:s5] =	ssyncadd.remote.s32 @!p0 $0x1  }
0xb4: {  	s26 =	simm.s32 $execute0_lowered;
	[smem:$0x3FD2] =	sst s25  }
0xb5: {  	s6 =	sshll.u32 s26, $0x1;
	_ =	strace $0x8000004F;
	[dreg:$0x1] =	wrdreg $0xFFFFFFFF  }
0xb6: {  	s28 =	simm.s32 $_size_execute0_lowered;
	s4 =	sadd.s32 s4, s6;
	[dreg:$0x0] =	wrdreg $0x0  }
0xb7: {  	s6 =	sshll.u32 s28, $0x1;
	[dreg:$0x2] =	wrdreg s4  }
0xb8: {  	[dreg:$0x3] =	wrdreg s6  }
0xb9: {  	[dreg:$0x4] =	wrdreg $0xC0  }
0xba: {  	_ =	task [dreg:s22], $0x5FFFF  }
0xbb: {  	[dreg:$0x1] =	wrdreg $0xFFFFFFFF  }
0xbc: {  	[dreg:$0x0] =	wrdreg $0x60  }
0xbd: {  	[dreg:$0x2] =	wrdreg s24  }
0xbe: {  	[dreg:$0x3] =	wrdreg s18  }
0xbf: {  	[dreg:$0x4] =	wrdreg $0x83000  }
0xc0: {  	[dreg:$0x5] =	wrdreg $0xA  }
0xc1: {  	_ =	task.clear_ibuf [dreg:s22], $0x6FFFF;
	_ =	strace $0x9000004F  }
0xc2: {  	s29 =	simm.s32 $0xA;
	_ =	strace $0x80000051  }
0xc3: {  	_ =	swait.ge [sflag:s29], $0x1  }
0xc4: {  	[sflag:s29] =	ssyncadd.s32 $0xFFFFFFFF  }
0xc5: {  	_ =	strace $0x90000051  }
0xc6: {  	_ =	sfence  }
0xc7: {  	s30 =	sld [smem:$0x0];
	_ =	sdelay $0x2  }
0xc8: {  	s31 =	sshll.u32 s1, $0xD;
	s1 =	sshrl.u32 s1, $0x2  }
0xc9: {  	s4 =	sand.u32 $0x4000, s31;
	s1 =	sadd.s32 s1, s30  }
0xca: {  	s0 =	sor.u32 s4, s0;
	s1 =	sshll.u32 s1, $0x11  }
0xcb: {  	s0 =	sor.u32 s1, s0  }
0xcc: {  	s0 =	sadd.s32 $0x8F2B, s0  }
0xcd: {  	[sflag:s0] =	ssyncadd.remote.s32 $0x1  }
0xce: {  	_ =	sfence.sel $0xFFFF  }
0xcf: {  	[dreg:$0x0] =	wrdreg $0xFFFFFFFF;
	(pc) =	sbr.abs _section_cstart, $3  }
0xd0: {  	[dreg:$0x1] =	wrdreg $0xFFFFFFFF  }
0xd1: {  	_ =	task.clear_ibuf [dreg:s22], $0x2FFFF;
	_ =	strace $0x9FFFFFFF  }
0xd2: {  	(tm) =	ssettm $0x7FFFFFFF  }
0xd3: {  	_ =	shalt  }
tec
execute0_lowered:
.L_overlay_start_1:
0x0: {  	(tag) =	ssettag $0x1  }
0x1: {  	s0 =	rddreg [dreg:$0x0]  }
0x2: {  	s1 =	rddreg [dreg:$0x1]  }
0x3: {  	s2 =	rddreg [dreg:$0x2]  }
0x4: {  	s3 =	simm.s32 $0x0;
	s12 =	stileid.u32;
	s4 =	srdreg.scid  }
0x5: {  	s13 =	simm.s32 $0x6;
	s14 =	simm.s32 $0x80;
	s15 =	simm.s32 $0x300  }
0x6: {  	s19 =	simm.s32 $0x1;
	s20 =	simm.s32 $0x4300;
	s22 =	simm.s32 $0x2  }
0x7: {  	s28 =	simm.s32 $0x0;
	[smem:$0x7FF] =	sst s3;
	s5 =	smul.u32 $0x14000, s12  }
0x8: {  	s6 =	sand.u32 $0x1, s4;
	s23 =	sshll.u32 s12, $0x1;
	s24 =	smul.u32 $0x50000, s12  }
0x9: {  	s4 =	sadd.s32 $0x28E000, s0;
	s11 =	smul.u32 $0x58, s12;
	s31 =	sshll.u32 s12, $0x6  }
0xa: {  	_ =	strace $0x80000050;
	s7 =	smul.u32 $0x140000, s6;
	s8 =	sor.u32 s6, s23  }
0xb: {  	s10 =	ssub.s32 $0x2, s6;
	s6 =	smul.u32 $0x2C, s6;
	s17 =	sor.u32 $0x1C06, s31  }
0xc: {  	s23 =	simm.s32 $0x4;
	s9 =	sshrl.u32 s5, $0x3;
	s8 =	smul.u32 $0x580, s8  }
0xd: {  	s25 =	sshrl.u32 s10, $0x1;
	s9 =	sadd.s32 s9, s0;
	s5 =	sadd.s32 s5, s7  }
0xe: {  	s7 =	sshrl.u32 s24, $0x2;
	s6 =	sadd.s32 s6, s11;
	s9 =	sadd.s32 $0x216000, s9  }
0xf: {  	s5 =	sshrl.u32 s5, $0x3;
	s8 =	sadd.s32 s1, s8;
	[dreg:$0x6] =	wrdreg s9  }
0x10: {  	s6 =	sshll.u32 s6, $0x5;
	s26 =	sadd.s32 $0x20, s8;
	[dreg:$0x4] =	wrdreg s8  }
0x11: {  	s0 =	sadd.s32 s5, s0;
	s8 =	sadd.s32 $0x40, s8;
	[dreg:$0x5] =	wrdreg s26  }
0x12: {  	s5 =	ssub.s32 s10, s25;
	[dreg:$0x7] =	wrdreg s8;
	s0 =	sadd.s32 $0x4E6000, s0  }
0x13: {  	s30 =	sadd.s32 s6, s1;
	s29 =	smax.u32 s5, $0x1;
	[dreg:$0x8] =	wrdreg s0  }
0x14: {  	s24 =	simm.s32 $0x3;
	s1 =	sadd.s32 $0x60, s30;
	[dreg:$0x9] =	wrdreg s29  }
0x15: {  	s7 =	sadd.s32 s7, s2;
	[dreg:$0xa] =	wrdreg s1;
	s0 =	sadd.s32 $0x80, s30  }
0x16: {  	s18 =	sshrl.u32 s7, $0x3;
	s25 =	simm.s32 $0x5;
	[dreg:$0xb] =	wrdreg s0  }
.LBB2_1:
0x17: {  	s0 =	rddreg [dreg:$0x4]  }
0x18: {  	[tilespmem:s3], [sflag:$0x6] =	stream.linear.gather [hbm4b:s0+s3], $0x100, $0x38;
	[tilespmem:$0x1C300] =	vst v63  }
0x19: {  	_ =	swait.ge [sflag:s13], $0x100  }
0x1a: {  	[sflag:s13] =	ssyncset.done $0x0  }
0x1b: {  	s21 =	rddreg [dreg:$0x5];
	[sflag:s13] =	ssyncadd.s32 $0xFFFFFF00  }
0x1c: {  	[tilespmem:s15], [sflag:$0x2] =	stream.indirect.gather [hbm4b:s4+s14], $0x80, s3, s14, $0xb8;
	[tilespmem:$0x1C300] =	vst v63  }
0x1d: {  	s1 =	simm.s32 $0x100;
	s26 =	rddreg [dreg:$0x6]  }
0x1e: {  	[tilespmem:s1], [sflag:$0x1] =	stream.linear.gather [hbm4b:s21+s3], $0x100, $0x38;
	[tilespmem:$0x1C300] =	vst v63  }
0x1f: {  	[spmem:s18], [sflag:s17] =	dma.local [hbm:s26], $0x2800  }
0x20: {  	_ =	swait.ge [sflag:s13], $0x2800  }
0x21: {  	[sflag:s13] =	ssyncset.done $0x0  }
0x22: {  	s5 =	simm.s32 $0x200;
	[sflag:s13] =	ssyncadd.s32 $0xFFFFD800  }
0x23: {  	s6 =	smul.u32 $0xAB, s23;
	s7 =	simm.s32 $0x1;
	[bflag:$0x0] =	sbarrier.arrive $0xFFFF  }
0x24: {  	s29 =	simm.s32 $0x6;
	s7 =	smul.u32 $0x56, s7;
	_ =	swait.ge [sflag:s19], $0x100  }
0x25: {  	s9 =	sadd.s32 $0xFFFFFEAA, s6;
	s0 =	sshrl.u32 s6, $0x9;
	[sflag:s19] =	ssyncset.done $0x0  }
0x26: {  	s8 =	sshrl.u32 s7, $0x1F;
	s7 =	sshrl.u32 s7, $0x8;
	[sflag:s19] =	ssyncadd.s32 $0xFFFFFF00  }
0x27: {  	[tilespmem:s20], [sflag:$0x3] =	stream.indirect.gather [hbm4b:s4+s14], $0x80, s1, s14, $0xb8;
	[tilespmem:$0x1C300] =	vst v63  }
0x28: {  	s0 =	sand.u32 $0x7F, s0;
	s7 =	sadd.s32 s8, s7;
	s1 =	rddreg [dreg:$0x7]  }
0x29: {  	[tilespmem:s5], [sflag:$0x1] =	stream.linear.gather [hbm4b:s1+s3], $0x100, $0x38;
	[tilespmem:$0x1C300] =	vst v63  }
0x2a: {  	s7 =	smul.u32 $0x3, s7;
	s5 =	sadd.s32 $0xFFFFFF55, s6;
	s1 =	sshrl.u32 s9, $0x9  }
0x2b: {  	_ =	swait.ge [sflag:s22], $0x4000;
	s1 =	sand.u32 $0x7F, s1;
	s5 =	sshrl.u32 s5, $0x9  }
0x2c: {  	[sflag:s22] =	ssyncset.done $0x0;
	s1 =	smul.u32 $0x3, s1;
	s5 =	sand.u32 $0x7F, s5  }
0x2d: {  	s7 =	ssub.s32 $0x1, s7;
	[sflag:s22] =	ssyncadd.s32 $0xFFFFC000;
	s5 =	smul.u32 $0x3, s5  }
0x2e: {  	[spmem:s2] =	stream.indirect.scatter.add.f32 [tilespmem:s15], [sflag:$0x4], $0x80, s14, s14, $0xb8;
	[tilespmem:$0x1C300] =	vst v63  }
0x2f: {  	s21 =	sshll.u32 s7, $0x18;
	s7 =	simm.s32 $0x8;
	s1 =	ssub.s32 $0x4, s1  }
0x30: {  	s5 =	sxor.u32 $0xFFFFFFFF, s5;
	s1 =	sadd.s32 $0xFFFFFFFE, s1;
	_ =	swait.ge [sflag:s23], $0x4000  }
0x31: {  	s5 =	sadd.s32 $0x4, s5;
	s1 =	sand.u32 $0xFF, s1;
	[sflag:s23] =	ssyncset.done $0x0  }
0x32: {  	s10 =	sand.u32 $0xFF, s5;
	[sflag:s23] =	ssyncadd.s32 $0xFFFFC000;
	s5 =	sshra.s32 s21, $0x18  }
0x33: {  	s21 =	sshll.u32 s1, $0x8;
	s1 =	smul.u32 $0xAB, s29;
	_ =	swait.ge [sflag:s19], $0x100  }
0x34: {  	s26 =	sshll.u32 s5, $0xA;
	s9 =	sshll.u32 s10, $0x8;
	s10 =	simm.s32 $0x4  }
0x35: {  	[sflag:s19] =	ssyncset.done $0x0;
	s16 =	sshra.s32 s26, $0x2;
	s12 =	rddreg [dreg:$0xb]  }
0x36: {  	s11 =	rddreg [dreg:$0xa];
	s26 =	sadd.s32 $0xFFFFFEAA, s1;
	s5 =	sadd.s32 $0xFFFFFF55, s1  }
0x37: {  	[sflag:s19] =	ssyncadd.s32 $0xFFFFFF00;
	s30 =	sadd.s32 $0x40, s12;
	s31 =	sadd.s32 $0x40, s11  }
0x38: {  	[tilespmem:s15], [sflag:$0x2] =	stream.indirect.gather [hbm4b:s4+s14], $0x80, s21, s14, $0xb8;
	[tilespmem:$0x1C300] =	vst v63  }
.LBB2_2:
0x39: {  	[tilespmem:s9], [sflag:$0x1] =	stream.linear.gather [hbm4b:s11+s3], $0x100, $0x38;
	[tilespmem:$0x1C300] =	vst v63  }
0x3a: {  	s8 =	smov.u32 s7;
	s11 =	smov.u32 s31  }
0x3b: {  	s26 =	sshrl.u32 s26, $0x9;
	s0 =	smul.u32 $0x3, s0;
	_ =	swait.ge [sflag:s24], $0x4000  }
0x3c: {  	s5 =	sshrl.u32 s5, $0x9;
	s26 =	sand.u32 $0x7F, s26;
	[sflag:s24] =	ssyncset.done $0x0  }
0x3d: {  	s16 =	sor.u32 $0x80, s16;
	s0 =	ssub.s32 s10, s0;
	[sflag:s24] =	ssyncadd.s32 $0xFFFFC000  }
0x3e: {  	[spmem:s2] =	stream.indirect.scatter.add.f32 [tilespmem:s20], [sflag:$0x5], $0x80, s16, s14, $0xb8;
	[tilespmem:$0x1C300] =	vst v63  }
0x3f: {  	s10 =	smul.u32 $0x3, s26;
	s16 =	sand.u32 $0xFF, s0;
	_ =	swait.ge [sflag:s25], $0x4000  }
0x40: {  	s0 =	sand.u32 $0x7F, s5;
	s5 =	sor.u32 $0x80, s21;
	[sflag:s25] =	ssyncset.done $0x0  }
0x41: {  	s21 =	smul.u32 $0x3, s0;
	s0 =	sshrl.u32 s1, $0x9;
	[sflag:s25] =	ssyncadd.s32 $0xFFFFC000  }
0x42: {  	s1 =	ssub.s32 s29, s10;
	s0 =	sand.u32 $0x7F, s0;
	_ =	swait.ge [sflag:s19], $0x100  }
0x43: {  	s26 =	sadd.s32 $0xFFFFFFFD, s29;
	s1 =	sadd.s32 $0xFFFFFFFE, s1;
	[sflag:s19] =	ssyncset.done $0x0  }
0x44: {  	s10 =	sxor.u32 $0xFFFFFFFF, s21;
	s21 =	sshll.u32 s26, $0x18;
	[sflag:s19] =	ssyncadd.s32 $0xFFFFFF00  }
0x45: {  	[tilespmem:s20], [sflag:$0x3] =	stream.indirect.gather [hbm4b:s4+s14], $0x80, s9, s14, $0xb8;
	[tilespmem:$0x1C300] =	vst v63  }
0x46: {  	s16 =	sshll.u32 s16, $0x8;
	s9 =	sadd.s32 s29, s10;
	s10 =	sshra.s32 s21, $0x18  }
0x47: {  	s1 =	sand.u32 $0xFF, s1;
	s9 =	sand.u32 $0xFF, s9;
	s10 =	smul.u32 $0x56, s10  }
0x48: {  	[tilespmem:s16], [sflag:$0x1] =	stream.linear.gather [hbm4b:s12+s3], $0x100, $0x38;
	[tilespmem:$0x1C300] =	vst v63  }
0x49: {  	s12 =	sshrl.u32 s10, $0x1F;
	s10 =	sshrl.u32 s10, $0x8;
	_ =	swait.ge [sflag:s22], $0x4000  }
0x4a: {  	s6 =	sadd.s32 $0x2, s7;
	s10 =	sadd.s32 s12, s10;
	[sflag:s22] =	ssyncset.done $0x0  }
0x4b: {  	p0 =	sne.s32 s7, $0x2C;
	s21 =	sshll.u32 s1, $0x8;
	[sflag:s22] =	ssyncadd.s32 $0xFFFFC000  }
0x4c: {  	s1 =	smul.u32 $0x3, s10;
	s10 =	smov.u32 s29;
	s29 =	smov.u32 s8  }
0x4d: {  	[spmem:s2] =	stream.indirect.scatter.add.f32 [tilespmem:s15], [sflag:$0x4], $0x80, s5, s14, $0xb8;
	[tilespmem:$0x1C300] =	vst v63  }
0x4e: {  	s12 =	smov.u32 s30;
	s1 =	ssub.s32 s26, s1;
	_ =	swait.ge [sflag:s23], $0x4000  }
0x4f: {  	s1 =	sshll.u32 s1, $0x18;
	[sflag:s23] =	ssyncset.done $0x0  }
0x50: {  	s31 =	sadd.s32 $0x40, s31;
	s1 =	sshra.s32 s1, $0x18;
	[sflag:s23] =	ssyncadd.s32 $0xFFFFC000  }
.Ltmp0:
0x51: {  	s1 =	sshll.u32 s1, $0xA;
	_ =	swait.ge [sflag:s19], $0x100;
	(pc) =	sbr.rel @p0 .LBB2_2-.Ltmp0, $4  }
0x52: {  	s30 =	sadd.s32 $0x40, s30;
	s16 =	sshra.s32 s1, $0x2;
	[sflag:s19] =	ssyncset.done $0x0  }
0x53: {  	s7 =	smov.u32 s6;
	s1 =	smul.u32 $0xAB, s29;
	[sflag:s19] =	ssyncadd.s32 $0xFFFFFF00  }
0x54: {  	[tilespmem:s15], [sflag:$0x2] =	stream.indirect.gather [hbm4b:s4+s14], $0x80, s21, s14, $0xb8;
	[tilespmem:$0x1C300] =	vst v63  }
0x55: {  	s9 =	sshll.u32 s9, $0x8;
	s26 =	sadd.s32 $0xFFFFFEAA, s1;
	s5 =	sadd.s32 $0xFFFFFF55, s1  }
0x56: {  	[tilespmem:s9], [sflag:$0x1] =	stream.linear.gather [hbm4b:s11+s3], $0x100, $0x38;
	[tilespmem:$0x1C300] =	vst v63  }
0x57: {  	_ =	swait.ge [sflag:s24], $0x4000  }
0x58: {  	[sflag:s24] =	ssyncset.done $0x0  }
0x59: {  	s6 =	sor.u32 $0x80, s16;
	[sflag:s24] =	ssyncadd.s32 $0xFFFFC000  }
0x5a: {  	[spmem:s2] =	stream.indirect.scatter.add.f32 [tilespmem:s20], [sflag:$0x5], $0x80, s6, s14, $0xb8;
	[tilespmem:$0x1C300] =	vst v63  }
0x5b: {  	_ =	swait.ge [sflag:s25], $0x4000  }
0x5c: {  	[sflag:s25] =	ssyncset.done $0x0  }
0x5d: {  	[sflag:s25] =	ssyncadd.s32 $0xFFFFC000  }
0x5e: {  	s0 =	smul.u32 $0x3, s0;
	_ =	swait.ge [sflag:s19], $0x100  }
0x5f: {  	[sflag:s19] =	ssyncset.done $0x0  }
0x60: {  	s0 =	ssub.s32 s10, s0;
	[sflag:s19] =	ssyncadd.s32 $0xFFFFFF00  }
0x61: {  	[tilespmem:s20], [sflag:$0x3] =	stream.indirect.gather [hbm4b:s4+s14], $0x80, s9, s14, $0xb8;
	[tilespmem:$0x1C300] =	vst v63  }
0x62: {  	s0 =	sand.u32 $0xFF, s0;
	s9 =	sshrl.u32 s26, $0x9  }
0x63: {  	s8 =	sor.u32 $0x80, s21;
	s0 =	sshll.u32 s0, $0x8;
	s6 =	sand.u32 $0x7F, s9  }
0x64: {  	[tilespmem:s0], [sflag:$0x1] =	stream.linear.gather [hbm4b:s12+s3], $0x100, $0x38;
	[tilespmem:$0x1C300] =	vst v63  }
0x65: {  	s10 =	sshrl.u32 s5, $0x9;
	s11 =	smul.u32 $0x3, s6;
	s12 =	sadd.s32 $0xFFFFFFFD, s29  }
0x66: {  	s0 =	sand.u32 $0x7F, s10;
	s7 =	sshll.u32 s12, $0x18;
	_ =	swait.ge [sflag:s22], $0x4000  }
0x67: {  	s0 =	smul.u32 $0x3, s0;
	s7 =	sshra.s32 s7, $0x18;
	[sflag:s22] =	ssyncset.done $0x0  }
0x68: {  	s5 =	ssub.s32 s29, s11;
	s7 =	smul.u32 $0x56, s7;
	[sflag:s22] =	ssyncadd.s32 $0xFFFFC000  }
0x69: {  	[spmem:s2] =	stream.indirect.scatter.add.f32 [tilespmem:s15], [sflag:$0x4], $0x80, s8, s14, $0xb8;
	[tilespmem:$0x1C300] =	vst v63  }
0x6a: {  	s16 =	sshrl.u32 s7, $0x1F;
	s7 =	sshrl.u32 s7, $0x8;
	_ =	swait.ge [sflag:s23], $0x4000  }
0x6b: {  	s0 =	sxor.u32 $0xFFFFFFFF, s0;
	s7 =	sadd.s32 s16, s7;
	[sflag:s23] =	ssyncset.done $0x0  }
0x6c: {  	s5 =	sadd.s32 $0xFFFFFFFE, s5;
	[sflag:s23] =	ssyncadd.s32 $0xFFFFC000;
	s7 =	smul.u32 $0x3, s7  }
0x6d: {  	s0 =	sadd.s32 s29, s0;
	s5 =	sand.u32 $0xFF, s5;
	_ =	swait.ge [sflag:s19], $0x100  }
0x6e: {  	s0 =	sand.u32 $0xFF, s0;
	[sflag:s19] =	ssyncset.done $0x0;
	s6 =	ssub.s32 s12, s7  }
0x6f: {  	s5 =	sshll.u32 s5, $0x8;
	[sflag:s19] =	ssyncadd.s32 $0xFFFFFF00;
	s6 =	sshll.u32 s6, $0x18  }
0x70: {  	[tilespmem:s15], [sflag:$0x2] =	stream.indirect.gather [hbm4b:s4+s14], $0x80, s5, s14, $0xb8;
	[tilespmem:$0x1C300] =	vst v63  }
0x71: {  	s0 =	sshll.u32 s0, $0x8;
	s6 =	sshra.s32 s6, $0x18  }
0x72: {  	[tilespmem:s0], [sflag:$0x1] =	stream.linear.gather [hbm4b:s31+s3], $0x100, $0x38;
	[tilespmem:$0x1C300] =	vst v63  }
0x73: {  	s6 =	sshll.u32 s6, $0xA;
	_ =	swait.ge [sflag:s24], $0x4000  }
0x74: {  	s6 =	sshra.s32 s6, $0x2;
	[sflag:s24] =	ssyncset.done $0x0  }
0x75: {  	s6 =	sor.u32 $0x80, s6;
	[sflag:s24] =	ssyncadd.s32 $0xFFFFC000  }
0x76: {  	[spmem:s2] =	stream.indirect.scatter.add.f32 [tilespmem:s20], [sflag:$0x5], $0x80, s6, s14, $0xb8;
	[tilespmem:$0x1C300] =	vst v63  }
0x77: {  	s1 =	sshrl.u32 s1, $0x9;
	_ =	swait.ge [sflag:s25], $0x4000  }
0x78: {  	s1 =	sand.u32 $0x7F, s1;
	[sflag:s25] =	ssyncset.done $0x0  }
0x79: {  	s1 =	smul.u32 $0x3, s1;
	[sflag:s25] =	ssyncadd.s32 $0xFFFFC000  }
0x7a: {  	_ =	swait.ge [sflag:s19], $0x100  }
0x7b: {  	s1 =	ssub.s32 s29, s1;
	[sflag:s19] =	ssyncset.done $0x0  }
0x7c: {  	s21 =	sand.u32 $0xFF, s1;
	[sflag:s19] =	ssyncadd.s32 $0xFFFFFF00  }
0x7d: {  	[tilespmem:s20], [sflag:$0x3] =	stream.indirect.gather [hbm4b:s4+s14], $0x80, s0, s14, $0xb8;
	[tilespmem:$0x1C300] =	vst v63  }
0x7e: {  	s0 =	sshll.u32 s21, $0x8  }
0x7f: {  	[tilespmem:s0], [sflag:$0x1] =	stream.linear.gather [hbm4b:s30+s3], $0x100, $0x38;
	[tilespmem:$0x1C300] =	vst v63  }
0x80: {  	_ =	swait.ge [sflag:s22], $0x4000  }
0x81: {  	[sflag:s22] =	ssyncset.done $0x0  }
0x82: {  	s26 =	sor.u32 $0x80, s5;
	[sflag:s22] =	ssyncadd.s32 $0xFFFFC000  }
0x83: {  	[spmem:s2] =	stream.indirect.scatter.add.f32 [tilespmem:s15], [sflag:$0x4], $0x80, s26, s14, $0xb8;
	[tilespmem:$0x1C300] =	vst v63  }
0x84: {  	_ =	swait.ge [sflag:s24], $0x4000  }
0x85: {  	[sflag:s24] =	ssyncset.done $0x0  }
0x86: {  	s29 =	simm.s32 $0x180;
	[sflag:s24] =	ssyncadd.s32 $0xFFFFC000  }
0x87: {  	[spmem:s2] =	stream.indirect.scatter.add.f32 [tilespmem:s20], [sflag:$0x5], $0x80, s29, s14, $0xb8;
	[tilespmem:$0x1C300] =	vst v63  }
0x88: {  	_ =	swait.ge [sflag:s23], $0x4000  }
0x89: {  	[sflag:s23] =	ssyncset.done $0x0  }
0x8a: {  	[sflag:s23] =	ssyncadd.s32 $0xFFFFC000  }
0x8b: {  	_ =	swait.ge [sflag:s25], $0x4000  }
0x8c: {  	[sflag:s25] =	ssyncset.done $0x0  }
0x8d: {  	[sflag:s25] =	ssyncadd.s32 $0xFFFFC000  }
0x8e: {  	_ =	swait.ge [sflag:s19], $0x100  }
0x8f: {  	[sflag:s19] =	ssyncset.done $0x0  }
0x90: {  	[sflag:s19] =	ssyncadd.s32 $0xFFFFFF00  }
0x91: {  	[bflag:$0x0] =	sbarrier.arrive $0xFFFF  }
0x92: {  	s30 =	rddreg [dreg:$0x8]  }
0x93: {  	[hbm:s30], [sflag:s17] =	dma.local [spmem:s18], $0x2800  }
0x94: {  	_ =	swait.ge [sflag:s13], $0x2800  }
0x95: {  	s28 =	sadd.s32 $0x1, s28;
	s31 =	rddreg [dreg:$0x9]  }
0x96: {  	p0 =	sne.s32 s28, s31  }
.Ltmp1:
0x97: {  	_ = 	snop;
	(pc) =	sbr.rel @p0 .LBB2_1-.Ltmp1, $3  }
0x98: {  	_ =	sdelay $0x1  }
0x99: {  	[sflag:s13] =	ssyncset.done $0x0  }
0x9a: {  	[sflag:s13] =	ssyncadd.s32 $0xFFFFD800  }
0x9b: {  	_ =	sfence.sel $0x180000  }
0x9c: {  	[bflag:$0x0] =	sbarrier.arrive $0xFFFF  }
0x9d: {  	_ =	strace $0x90000050  }
0x9e: {  	s0 =	stileid.u32;
	[bflag:$0x2] =	sbarrier.arrive $0xFFFF  }
0x9f: {  	p0 =	sne.s32 s0, $0x0;
	s0 =	rddreg [dreg:$0x3]  }
0xa0: {  	s0 =	sadd.s32 @!p0 $0x100000, s0  }
0xa1: {  	[sflag:s0] =	ssyncadd.tile.s32 @!p0 $0x1;
	_ =	shalt  }
.Lfunc_end2:
_tile_overlayer_lowered:
.L_overlay_start_2:
0xa2: {  	(tag) =	ssettag $0x2  }
0xa3: {  	s0 =	rddreg [dreg:$0x0];
	s2 =	stileid.u32  }
0xa4: {  	s1 =	rddreg [dreg:$0x1];
	p0 =	sne.s32 s2, $0x0  }
0xa5: {  	s3 =	rddreg [dreg:$0x2];
	[bflag:$0x3] =	sbarrier.arrive $0xFFFF;
	s2 =	simm.s32 @!p0 $0x1C06  }
0xa6: {  	[timem:s3], [sflag:s2] =	dma.local @!p0 [hbm:s0], s1  }
0xa7: {  	s0 =	simm.s32 @!p0 $0x6  }
0xa8: {  	_ =	swait.ge @!p0 [sflag:s0], s1  }
0xa9: {  	s1 =	ssub.s32 @!p0 $0x0, s1;
	[sflag:s0] =	ssyncset.done @!p0 $0x0  }
0xaa: {  	[sflag:s0] =	ssyncadd.s32 @!p0 s1  }
0xab: {  	[bflag:$0x3] =	sbarrier.arrive $0xFFFF  }
0xac: {  	_ =	shalt  }

</sc_bundles>
